<compile_context>
chip_gen: v7x
topology: tpu7x:2x2x1
jax: 0.10.2.dev20260603
libtpu: 0.0.44.dev20260713+nightly
codegen_flags: <defaults>
</compile_context>

<pallas_src>
import functools

import jax
import jax.numpy as jnp
from jax import lax
from jax.experimental import pallas as pl
from jax.experimental.pallas import tpu as pltpu
from jax.experimental.pallas import tpu_sc as plsc

N = 10000
D = 128
H = 64
G = 64

NC = 2
NS = 16
NW = NC * NS
C = 128
NCH = 80
EPT = NCH * C
E_PAD = EPT * NW
NB = 8

CH0 = 80
CH1 = 80
CHMAX = max(CH0, CH1, 1)

N_ACC = 10240
RPT = N_ACC // NS


def _sc_mesh():
    return plsc.VectorSubcoreMesh(core_axis_name="c", subcore_axis_name="s")


def _deg_sc(dstp):

    @functools.partial(
        pl.kernel,
        mesh=_sc_mesh(),
        out_type=jax.ShapeDtypeStruct((NC * N_ACC, 16), jnp.float32),
        scratch_types=[
            pltpu.VMEM((NCH, C), jnp.int32),
            pltpu.VMEM((C, 16), jnp.float32),
            pltpu.VMEM_SHARED((N_ACC, 16), jnp.float32),
        ],
        compiler_params=pltpu.CompilerParams(use_tc_tiling_on_sc=False),
    )
    def k(dst_hbm, out_hbm, dst_v, ones_v, acc):
        c = lax.axis_index("c")
        s = lax.axis_index("s")
        w = c * NS + s

        pltpu.sync_copy(dst_hbm.at[pl.ds(w * NCH, NCH)], dst_v)

        def fill(i, val):
            ones_v[i, :] = jnp.full((16,), val, jnp.float32)
            return val

        lax.fori_loop(0, C, fill, 0.0)

        def zc(q, carry):
            pltpu.sync_copy(ones_v, acc.at[pl.ds(s * RPT + q * C, C)])
            return carry

        lax.fori_loop(0, RPT // C, zc, 0)
        lax.fori_loop(0, C, fill, 1.0)
        plsc.subcore_barrier()

        def body(j, carry):
            pltpu.sync_copy(ones_v, acc.at[dst_v.at[j]], add=True)
            return carry

        lax.fori_loop(0, NCH, body, 0)
        plsc.subcore_barrier()
        pltpu.sync_copy(
            acc.at[pl.ds(s * RPT, RPT)],
            out_hbm.at[pl.ds(c * N_ACC + s * RPT, RPT)],
        )

    return k(dstp)


def _msg_sc(y, srcp, dstp):

    @functools.partial(
        pl.kernel,
        mesh=_sc_mesh(),
        out_type=jax.ShapeDtypeStruct((NC * N_ACC, H), jnp.float32),
        scratch_types=[
            pltpu.VMEM((CHMAX, C), jnp.int32),
            pltpu.VMEM((CHMAX, C), jnp.int32),
            [pltpu.VMEM((C, H), jnp.float32)] * NB,
            [pltpu.SemaphoreType.DMA] * NB,
            pltpu.VMEM_SHARED((N_ACC, H), jnp.float32),
        ],
        compiler_params=pltpu.CompilerParams(use_tc_tiling_on_sc=False),
    )
    def k(y_hbm, src_hbm, dst_hbm, out_hbm, src_v, dst_v, rows, sems, acc):
        c = lax.axis_index("c")
        s = lax.axis_index("s")

        def zb(t, carry):
            rows[0][t // 4, pl.ds((t % 4) * 16, 16)] = jnp.zeros(
                (16,), jnp.float32
            )
            return carry

        lax.fori_loop(0, C * (H // 16), zb, 0)

        def zc(q, carry):
            pltpu.sync_copy(rows[0], acc.at[pl.ds(s * RPT + q * C, C)])
            return carry

        lax.fori_loop(0, RPT // C, zc, 0)
        plsc.subcore_barrier()

        def run(cnt, base):
            if cnt == 0:
                return
            pltpu.sync_copy(
                src_hbm.at[pl.ds(base, cnt)], src_v.at[pl.ds(0, cnt)]
            )
            pltpu.sync_copy(
                dst_hbm.at[pl.ds(base, cnt)], dst_v.at[pl.ds(0, cnt)]
            )
            for b in range(NB):
                pltpu.async_copy(y_hbm.at[src_v.at[b]], rows[b], sems[b])

            def body(i, carry):
                for b in range(NB):
                    j = i * NB + b
                    pltpu.make_async_copy(
                        y_hbm.at[src_v.at[j]], rows[b], sems[b]
                    ).wait()
                    pltpu.sync_copy(rows[b], acc.at[dst_v.at[j]], add=True)

                    @pl.when(i < cnt // NB - 1)
                    def _():
                        pltpu.async_copy(
                            y_hbm.at[src_v.at[j + NB]], rows[b], sems[b]
                        )

                return carry

            lax.fori_loop(0, cnt // NB, body, 0)

        @pl.when(c == 0)
        def _():
            run(CH0, s * CH0)

        @pl.when(c == 1)
        def _():
            run(CH1, NS * CH0 + s * CH1)

        plsc.subcore_barrier()
        pltpu.sync_copy(
            acc.at[pl.ds(s * RPT, RPT)],
            out_hbm.at[pl.ds(c * N_ACC + s * RPT, RPT)],
        )

    return k(y, srcp, dstp)


def _stage_a(dp0, dp1, x, w1):
    nb = 10
    rb = N // nb

    def body(d0, d1, xr, wr, dis_o, y_o):
        deg = d0[...] + d1[...] + 1.0
        dis = lax.rsqrt(deg)
        dis_o[...] = dis
        y_o[...] = (
            jnp.dot(xr[...], wr[...], preferred_element_type=jnp.float32)
            * dis[:, 0:1]
        )

    return pl.pallas_call(
        body,
        grid=(nb,),
        in_specs=[
            pl.BlockSpec((rb, 16), lambda j: (j, 0)),
            pl.BlockSpec((rb, 16), lambda j: (j, 0)),
            pl.BlockSpec((rb, D), lambda j: (j, 0)),
            pl.BlockSpec((D, H), lambda j: (0, 0)),
        ],
        out_specs=[
            pl.BlockSpec((rb, 16), lambda j: (j, 0)),
            pl.BlockSpec((rb, H), lambda j: (j, 0)),
        ],
        out_shape=[
            jax.ShapeDtypeStruct((N, 16), jnp.float32),
            jax.ShapeDtypeStruct((N, H), jnp.float32),
        ],
    )(dp0, dp1, x, w1)


def _stage_b(a0, a1, y1, dis, b1, w2):
    nb = 10
    rb = N // nb

    def body(a0r, a1r, yr, dr, br, wr, y2_o):
        dis = dr[...][:, 0:1]
        h = (a0r[...] + a1r[...] + yr[...]) * dis + br[...]
        h = jnp.maximum(h, 0.0)
        y2_o[...] = (
            jnp.dot(h, wr[...], preferred_element_type=jnp.float32) * dis
        )

    return pl.pallas_call(
        body,
        grid=(nb,),
        in_specs=[
            pl.BlockSpec((rb, H), lambda j: (j, 0)),
            pl.BlockSpec((rb, H), lambda j: (j, 0)),
            pl.BlockSpec((rb, H), lambda j: (j, 0)),
            pl.BlockSpec((rb, 16), lambda j: (j, 0)),
            pl.BlockSpec((1, H), lambda j: (0, 0)),
            pl.BlockSpec((H, H), lambda j: (0, 0)),
        ],
        out_specs=pl.BlockSpec((rb, H), lambda j: (j, 0)),
        out_shape=jax.ShapeDtypeStruct((N, H), jnp.float32),
    )(a0, a1, y1, dis, b1, w2)


def _stage_c(a0, a1, y2, dis, b2, batch3):
    nb = 10
    rb = N // nb

    def body(a0r, a1r, yr, dr, br, btr, out_o):
        j = pl.program_id(0)
        dis = dr[...][:, 0:1]
        h = (a0r[...] + a1r[...] + yr[...]) * dis + br[...]
        h = jnp.maximum(h, 0.0)
        bt = btr[0]
        ids = lax.broadcasted_iota(jnp.int32, (G, rb), 0)
        cmp = (ids == bt).astype(jnp.float32)
        hc = jnp.concatenate([h, jnp.ones((rb, H), jnp.float32)], axis=1)
        part = jnp.dot(cmp, hc, preferred_element_type=jnp.float32)

        @pl.when(j == 0)
        def _():
            out_o[...] = part

        @pl.when(j > 0)
        def _():
            out_o[...] = out_o[...] + part

        @pl.when(j == nb - 1)
        def _():
            res = out_o[...]
            sums = res[:, :H]
            cnt = jnp.maximum(res[:, H : H + 1], 1.0)
            out_o[...] = jnp.concatenate([sums / cnt, res[:, H:]], axis=1)

    return pl.pallas_call(
        body,
        grid=(nb,),
        in_specs=[
            pl.BlockSpec((rb, H), lambda j: (j, 0)),
            pl.BlockSpec((rb, H), lambda j: (j, 0)),
            pl.BlockSpec((rb, H), lambda j: (j, 0)),
            pl.BlockSpec((rb, 16), lambda j: (j, 0)),
            pl.BlockSpec((1, H), lambda j: (0, 0)),
            pl.BlockSpec((1, 1, rb), lambda j: (j, 0, 0)),
        ],
        out_specs=pl.BlockSpec((G, 2 * H), lambda j: (0, 0)),
        out_shape=jax.ShapeDtypeStruct((G, 2 * H), jnp.float32),
    )(a0, a1, y2, dis, b2, batch3)


def kernel(x, edge_index, batch, W1, b1, W2, b2):
    src = edge_index[0]
    dst = edge_index[1]
    e = src.shape[0]
    pad = E_PAD - e
    srcp = jnp.concatenate([src, jnp.zeros((pad,), jnp.int32)])
    pad_dst = N + jnp.arange(pad, dtype=jnp.int32) % (N_ACC - N)
    dstp = jnp.concatenate([dst, pad_dst])
    srcp = srcp.reshape(NW * NCH, C)
    dstp = dstp.reshape(NW * NCH, C)

    deg_parts = _deg_sc(dstp)
    dp0 = deg_parts[:N, :]
    dp1 = deg_parts[N_ACC : N_ACC + N, :]

    dis, y1 = _stage_a(dp0, dp1, x, W1)

    agg1 = _msg_sc(y1, srcp, dstp)
    y2 = _stage_b(
        agg1[:N, :], agg1[N_ACC : N_ACC + N, :], y1, dis,
        b1.reshape(1, H), W2,
    )

    agg2 = _msg_sc(y2, srcp, dstp)
    batch3 = batch.reshape(10, 1, N // 10)
    out = _stage_c(
        agg2[:N, :], agg2[N_ACC : N_ACC + N, :], y2, dis,
        b2.reshape(1, H), batch3,
    )
    return out[:, :H]

# --- scband reference (transcript-rebuilt; emitter-appended) ---
"""Pipeline reference for scband-gcn-34153579938095 (READ-ONLY COPY).

The authoritative reference and input builder live on the scoring server;
editing this copy changes nothing except your own understanding.
"""

import jax, jax.numpy as jnp
import numpy as np

N = 10000
E = 320000
D = 128
H = 64
G = 64


def gcn_conv(x, src, dst, W, b):
    # PyG GCNConv: linear, add self-loops, symmetric normalization, scatter-add, bias
    xw = x @ W
    loops = jnp.arange(N, dtype=src.dtype)
    s = jnp.concatenate([src, loops])
    d = jnp.concatenate([dst, loops])
    deg = jnp.zeros((N,), dtype=xw.dtype).at[d].add(1.0)
    dis = jnp.where(deg > 0, 1.0 / jnp.sqrt(deg), 0.0)
    norm = dis[s] * dis[d]
    msgs = xw[s] * norm[:, None]
    out = jnp.zeros((N, xw.shape[1]), dtype=xw.dtype).at[d].add(msgs)
    return out + b


def setup_inputs(seed: int = 0):
    key = jax.random.key(seed)
    k1, k2, k3, k4, k5, k6, k7 = jax.random.split(key, 7)
    x = jax.random.normal(k1, (N, D), dtype=jnp.float32)
    edge_index = jax.random.randint(k2, (2, E), 0, N, dtype=jnp.int32)
    batch = jnp.sort(jax.random.randint(k3, (N,), 0, G, dtype=jnp.int32))
    W1 = jax.random.normal(k4, (D, H), dtype=jnp.float32) * (1.0 / np.sqrt(D))
    b1 = jnp.zeros((H,), dtype=jnp.float32)
    W2 = jax.random.normal(k5, (H, H), dtype=jnp.float32) * (1.0 / np.sqrt(H))
    b2 = jnp.zeros((H,), dtype=jnp.float32)
    return {"x": x, "edge_index": edge_index, "batch": batch, "W1": W1, "b1": b1, "W2": W2, "b2": b2}


def reference(x, edge_index, batch, W1, b1, W2, b2):
    src, dst = edge_index[0], edge_index[1]
    h = jax.nn.relu(gcn_conv(x, src, dst, W1, b1))
    h = jax.nn.relu(gcn_conv(h, src, dst, W2, b2))
    # dropout treated as identity for deterministic reference
    sums = jax.ops.segment_sum(h, batch, num_segments=G)
    counts = jax.ops.segment_sum(jnp.ones((N,), dtype=h.dtype), batch, num_segments=G)
    out = sums / jnp.maximum(counts, 1.0)[:, None]
    return out

if __name__ == "__main__":
    import jax
    _d = setup_inputs()
    print(jax.jit(kernel)(*tuple(_d.values())))

</pallas_src>

<mosaic_0001>
#map = affine_map<(d0, d1) -> (0, 0)>
module attributes {stable_mosaic.version = 14 : i64} {
  func.func @k(%arg0: i32, %arg1: i32, %arg2: memref<2560x128xi32, #tpu.memory_space<hbm>>, %arg3: memref<20480x16xf32, #tpu.memory_space<hbm>>, %arg4: memref<80x128xi32, #tpu.memory_space<vmem>>, %arg5: memref<128x16xf32, #tpu.memory_space<vmem>>, %arg6: memref<10240x16xf32, #tpu.memory_space<vmem_shared>>) attributes {dimension_semantics = [#tpu.dimension_semantics<core_parallel>, #tpu.dimension_semantics<subcore_parallel>], iteration_bounds = array<i64: 2, 16>, scalar_prefetch = 0 : i64, scratch_operands = 3 : i64, tpu.core_type = #tpu.core_type<sc_vector_subcore>, window_params = [{transform_indices = #map}, {transform_indices = #map}]} {
    %mul3A = arith.constant 16 : i32
    %mul3A_0 = arith.muli %arg0, %mul3A : i32
    %add3A = arith.addi %mul3A_0, %arg1 : i32
    %mul3A_1 = arith.constant 80 : i32
    %mul3A_2 = arith.muli %add3A, %mul3A_1 : i32
    "tpu.region"() ({
      %run_scoped3A = tpu.sem_alloc : memref<!tpu.dma_semaphore, #tpu.memory_space<semaphore_mem>>
      %dma_start3A = arith.constant 0 : i32
      %dma_start3A_34 = tpu.memref_slice %arg2[%mul3A_2, %dma_start3A] : memref<2560x128xi32, #tpu.memory_space<hbm>> -> memref<80x128xi32, #tpu.memory_space<hbm>>
      %dma_start3A_35 = arith.constant 0 : i32
      %dma_start3A_36 = tpu.memref_slice %arg2[%mul3A_2, %dma_start3A_35] : memref<2560x128xi32, #tpu.memory_space<hbm>> -> memref<80x128xi32, #tpu.memory_space<hbm>>
      tpu.enqueue_dma source(%dma_start3A_36 : memref<80x128xi32, #tpu.memory_space<hbm>>) target(%arg4 : memref<80x128xi32, #tpu.memory_space<vmem>>) target_semaphore(%run_scoped3A : memref<!tpu.dma_semaphore, #tpu.memory_space<semaphore_mem>>)
      %dma_wait3A = arith.constant 0 : i32
      %dma_wait3A_37 = tpu.memref_slice %arg2[%mul3A_2, %dma_wait3A] : memref<2560x128xi32, #tpu.memory_space<hbm>> -> memref<80x128xi32, #tpu.memory_space<hbm>>
      %dma_wait3A_38 = arith.constant 0 : i32
      %dma_wait3A_39 = tpu.memref_slice %arg2[%mul3A_2, %dma_wait3A_38] : memref<2560x128xi32, #tpu.memory_space<hbm>> -> memref<80x128xi32, #tpu.memory_space<hbm>>
      tpu.wait_dma2 semaphore(%run_scoped3A : memref<!tpu.dma_semaphore, #tpu.memory_space<semaphore_mem>>) src(%dma_wait3A_39 : memref<80x128xi32, #tpu.memory_space<hbm>>) dst(%arg4 : memref<80x128xi32, #tpu.memory_space<vmem>>)
      tpu.yield
    }) : () -> ()
    %scan3A = arith.constant 0.000000e+00 : f32
    %scan3A_3 = arith.constant 0 : i32
    %scan3A_4 = arith.constant 128 : i32
    %scan3A_5 = arith.addi %scan3A_3, %scan3A_4 : i32
    %scan3A_6 = arith.constant 1 : i32
    scf.for %scan3A_34 = %scan3A_3 to %scan3A_5 step %scan3A_6  : i32 {
      %broadcast_in_dim3A = vector.broadcast %scan3A : f32 to vector<16xf32>
      %swap3A = arith.index_cast %scan3A_34 : i32 to index
      %swap3A_35 = arith.constant 0 : index
      %swap3A_36 = tpu.vector_load %arg5[%swap3A, %swap3A_35] {strides = array<i32>} : memref<128x16xf32, #tpu.memory_space<vmem>>, vector<1x16xf32>,
      %swap3A_37 = vector.shape_cast %swap3A_36 : vector<1x16xf32> to vector<16xf32>
      %swap3A_38 = vector.shape_cast %broadcast_in_dim3A : vector<16xf32> to vector<1x16xf32>
      tpu.vector_store %arg5[%swap3A, %swap3A_35], %swap3A_38 {strides = array<i32>} : memref<128x16xf32, #tpu.memory_space<vmem>>, vector<1x16xf32>,
    }
    %scan3A_7 = arith.constant 128 : i32
    %scan3A_8 = arith.constant 0 : i32
    %scan3A_9 = arith.constant 0 : i32
    %scan3A_10 = arith.constant 5 : i32
    %scan3A_11 = arith.addi %scan3A_9, %scan3A_10 : i32
    %scan3A_12 = arith.constant 1 : i32
    scf.for %scan3A_34 = %scan3A_9 to %scan3A_11 step %scan3A_12  : i32 {
      %mul3A_35 = arith.constant 640 : i32
      %mul3A_36 = arith.muli %arg1, %mul3A_35 : i32
      %mul3A_37 = arith.constant 128 : i32
      %mul3A_38 = arith.muli %scan3A_34, %mul3A_37 : i32
      %add3A_39 = arith.addi %mul3A_36, %mul3A_38 : i32
      "tpu.region"() ({
        %run_scoped3A = tpu.sem_alloc : memref<!tpu.dma_semaphore, #tpu.memory_space<semaphore_mem>>
        %dma_start3A = arith.constant 0 : i32
        %dma_start3A_40 = tpu.memref_slice %arg6[%add3A_39, %dma_start3A] : memref<10240x16xf32, #tpu.memory_space<vmem_shared>> -> memref<128x16xf32, #tpu.memory_space<vmem_shared>>
        %dma_start3A_41 = arith.constant 0 : i32
        %dma_start3A_42 = tpu.memref_slice %arg6[%add3A_39, %dma_start3A_41] : memref<10240x16xf32, #tpu.memory_space<vmem_shared>> -> memref<128x16xf32, #tpu.memory_space<vmem_shared>>
        tpu.enqueue_dma source(%arg5 : memref<128x16xf32, #tpu.memory_space<vmem>>) target(%dma_start3A_42 : memref<128x16xf32, #tpu.memory_space<vmem_shared>>) target_semaphore(%run_scoped3A : memref<!tpu.dma_semaphore, #tpu.memory_space<semaphore_mem>>)
        %dma_wait3A = arith.constant 0 : i32
        %dma_wait3A_43 = tpu.memref_slice %arg6[%add3A_39, %dma_wait3A] : memref<10240x16xf32, #tpu.memory_space<vmem_shared>> -> memref<128x16xf32, #tpu.memory_space<vmem_shared>>
        %dma_wait3A_44 = arith.constant 0 : i32
        %dma_wait3A_45 = tpu.memref_slice %arg6[%add3A_39, %dma_wait3A_44] : memref<10240x16xf32, #tpu.memory_space<vmem_shared>> -> memref<128x16xf32, #tpu.memory_space<vmem_shared>>
        tpu.wait_dma2 semaphore(%run_scoped3A : memref<!tpu.dma_semaphore, #tpu.memory_space<semaphore_mem>>) src(%arg5 : memref<128x16xf32, #tpu.memory_space<vmem>>) dst(%dma_wait3A_45 : memref<128x16xf32, #tpu.memory_space<vmem_shared>>)
        tpu.yield
      }) : () -> ()
    }
    %scan3A_13 = arith.constant 5 : i32
    %scan3A_14 = arith.constant 1.000000e+00 : f32
    %scan3A_15 = arith.constant 0 : i32
    %scan3A_16 = arith.constant 128 : i32
    %scan3A_17 = arith.addi %scan3A_15, %scan3A_16 : i32
    %scan3A_18 = arith.constant 1 : i32
    scf.for %scan3A_34 = %scan3A_15 to %scan3A_17 step %scan3A_18  : i32 {
      %broadcast_in_dim3A = vector.broadcast %scan3A_14 : f32 to vector<16xf32>
      %swap3A = arith.index_cast %scan3A_34 : i32 to index
      %swap3A_35 = arith.constant 0 : index
      %swap3A_36 = tpu.vector_load %arg5[%swap3A, %swap3A_35] {strides = array<i32>} : memref<128x16xf32, #tpu.memory_space<vmem>>, vector<1x16xf32>,
      %swap3A_37 = vector.shape_cast %swap3A_36 : vector<1x16xf32> to vector<16xf32>
      %swap3A_38 = vector.shape_cast %broadcast_in_dim3A : vector<16xf32> to vector<1x16xf32>
      tpu.vector_store %arg5[%swap3A, %swap3A_35], %swap3A_38 {strides = array<i32>} : memref<128x16xf32, #tpu.memory_space<vmem>>, vector<1x16xf32>,
    }
    %scan3A_19 = arith.constant 128 : i32
    %barrier3A = arith.constant 0 : index
    tpu.barrier barrier_id(%barrier3A)
    %scan3A_20 = arith.constant 0 : i32
    %scan3A_21 = arith.constant 0 : i32
    %scan3A_22 = arith.constant 80 : i32
    %scan3A_23 = arith.addi %scan3A_21, %scan3A_22 : i32
    %scan3A_24 = arith.constant 1 : i32
    scf.for %scan3A_34 = %scan3A_21 to %scan3A_23 step %scan3A_24  : i32 {
      "tpu.region"() ({
        %run_scoped3A = tpu.sem_alloc : memref<!tpu.dma_semaphore, #tpu.memory_space<semaphore_mem>>
        %dma_start3A = arith.constant 0 : i32
        %dma_start3A_35 = tpu.memref_slice %arg4[%scan3A_34, %dma_start3A] : memref<80x128xi32, #tpu.memory_space<vmem>> -> memref<1x128xi32, #tpu.memory_space<vmem>>
        %dma_start3A_36 = tpu.memref_squeeze %dma_start3A_35 : memref<1x128xi32, #tpu.memory_space<vmem>> -> memref<128xi32, #tpu.memory_space<vmem>>
        %dma_start3A_37 = arith.constant 0 : i32
        %dma_start3A_38 = arith.constant 0 : i32
        %dma_start3A_39 = tpu.memref_slice %arg6[%dma_start3A_37, %dma_start3A_38] : memref<10240x16xf32, #tpu.memory_space<vmem_shared>> -> memref<10240x16xf32, #tpu.memory_space<vmem_shared>>
        tpu.enqueue_indirect_dma source(%arg5 : memref<128x16xf32, #tpu.memory_space<vmem>>) target(%dma_start3A_39 : memref<10240x16xf32, #tpu.memory_space<vmem_shared>>) offsets(%dma_start3A_36 : memref<128xi32, #tpu.memory_space<vmem>>) semaphore(%run_scoped3A : memref<!tpu.dma_semaphore, #tpu.memory_space<semaphore_mem>>) {add = true}
        %dma_wait3A = arith.constant 0 : i32
        %dma_wait3A_40 = tpu.memref_slice %arg4[%scan3A_34, %dma_wait3A] : memref<80x128xi32, #tpu.memory_space<vmem>> -> memref<1x128xi32, #tpu.memory_space<vmem>>
        %dma_wait3A_41 = tpu.memref_squeeze %dma_wait3A_40 : memref<1x128xi32, #tpu.memory_space<vmem>> -> memref<128xi32, #tpu.memory_space<vmem>>
        %dma_wait3A_42 = arith.constant 0 : i32
        %dma_wait3A_43 = arith.constant 0 : i32
        %dma_wait3A_44 = tpu.memref_slice %arg6[%dma_wait3A_42, %dma_wait3A_43] : memref<10240x16xf32, #tpu.memory_space<vmem_shared>> -> memref<10240x16xf32, #tpu.memory_space<vmem_shared>>
        tpu.wait_indirect_dma semaphore(%run_scoped3A : memref<!tpu.dma_semaphore, #tpu.memory_space<semaphore_mem>>) src(%arg5 : memref<128x16xf32, #tpu.memory_space<vmem>>) dst(%dma_wait3A_44 : memref<10240x16xf32, #tpu.memory_space<vmem_shared>>)
        tpu.yield
      }) : () -> ()
    }
    %scan3A_25 = arith.constant 80 : i32
    %barrier3A_26 = arith.constant 0 : index
    tpu.barrier barrier_id(%barrier3A_26)
    %mul3A_27 = arith.constant 640 : i32
    %mul3A_28 = arith.muli %arg1, %mul3A_27 : i32
    %mul3A_29 = arith.constant 10240 : i32
    %mul3A_30 = arith.muli %arg0, %mul3A_29 : i32
    %mul3A_31 = arith.constant 640 : i32
    %mul3A_32 = arith.muli %arg1, %mul3A_31 : i32
    %add3A_33 = arith.addi %mul3A_30, %mul3A_32 : i32
    "tpu.region"() ({
      %run_scoped3A = tpu.sem_alloc : memref<!tpu.dma_semaphore, #tpu.memory_space<semaphore_mem>>
      %dma_start3A = arith.constant 0 : i32
      %dma_start3A_34 = tpu.memref_slice %arg3[%add3A_33, %dma_start3A] : memref<20480x16xf32, #tpu.memory_space<hbm>> -> memref<640x16xf32, #tpu.memory_space<hbm>>
      %dma_start3A_35 = arith.constant 0 : i32
      %dma_start3A_36 = tpu.memref_slice %arg6[%mul3A_28, %dma_start3A_35] : memref<10240x16xf32, #tpu.memory_space<vmem_shared>> -> memref<640x16xf32, #tpu.memory_space<vmem_shared>>
      tpu.enqueue_dma source(%dma_start3A_36 : memref<640x16xf32, #tpu.memory_space<vmem_shared>>) target(%dma_start3A_34 : memref<640x16xf32, #tpu.memory_space<hbm>>) target_semaphore(%run_scoped3A : memref<!tpu.dma_semaphore, #tpu.memory_space<semaphore_mem>>)
      %dma_wait3A = arith.constant 0 : i32
      %dma_wait3A_37 = tpu.memref_slice %arg3[%add3A_33, %dma_wait3A] : memref<20480x16xf32, #tpu.memory_space<hbm>> -> memref<640x16xf32, #tpu.memory_space<hbm>>
      %dma_wait3A_38 = arith.constant 0 : i32
      %dma_wait3A_39 = tpu.memref_slice %arg6[%mul3A_28, %dma_wait3A_38] : memref<10240x16xf32, #tpu.memory_space<vmem_shared>> -> memref<640x16xf32, #tpu.memory_space<vmem_shared>>
      tpu.wait_dma2 semaphore(%run_scoped3A : memref<!tpu.dma_semaphore, #tpu.memory_space<semaphore_mem>>) src(%dma_wait3A_39 : memref<640x16xf32, #tpu.memory_space<vmem_shared>>) dst(%dma_wait3A_37 : memref<640x16xf32, #tpu.memory_space<hbm>>)
      tpu.yield
    }) : () -> ()
    return
  }
}

#map = affine_map<(d0, d1) -> (0, 0)>
module attributes {stable_mosaic.version = 14 : i64} {
  func.func @k(%arg0: i32, %arg1: i32, %arg2: memref<10000x64xf32, #tpu.memory_space<hbm>>, %arg3: memref<2560x128xi32, #tpu.memory_space<hbm>>, %arg4: memref<2560x128xi32, #tpu.memory_space<hbm>>, %arg5: memref<20480x64xf32, #tpu.memory_space<hbm>>, %arg6: memref<80x128xi32, #tpu.memory_space<vmem>>, %arg7: memref<80x128xi32, #tpu.memory_space<vmem>>, %arg8: memref<128x64xf32, #tpu.memory_space<vmem>>, %arg9: memref<128x64xf32, #tpu.memory_space<vmem>>, %arg10: memref<128x64xf32, #tpu.memory_space<vmem>>, %arg11: memref<128x64xf32, #tpu.memory_space<vmem>>, %arg12: memref<128x64xf32, #tpu.memory_space<vmem>>, %arg13: memref<128x64xf32, #tpu.memory_space<vmem>>, %arg14: memref<128x64xf32, #tpu.memory_space<vmem>>, %arg15: memref<128x64xf32, #tpu.memory_space<vmem>>, %arg16: memref<!tpu.dma_semaphore, #tpu.memory_space<semaphore_mem>>, %arg17: memref<!tpu.dma_semaphore, #tpu.memory_space<semaphore_mem>>, %arg18: memref<!tpu.dma_semaphore, #tpu.memory_space<semaphore_mem>>, %arg19: memref<!tpu.dma_semaphore, #tpu.memory_space<semaphore_mem>>, %arg20: memref<!tpu.dma_semaphore, #tpu.memory_space<semaphore_mem>>, %arg21: memref<!tpu.dma_semaphore, #tpu.memory_space<semaphore_mem>>, %arg22: memref<!tpu.dma_semaphore, #tpu.memory_space<semaphore_mem>>, %arg23: memref<!tpu.dma_semaphore, #tpu.memory_space<semaphore_mem>>, %arg24: memref<10240x64xf32, #tpu.memory_space<vmem_shared>>) attributes {dimension_semantics = [#tpu.dimension_semantics<core_parallel>, #tpu.dimension_semantics<subcore_parallel>], iteration_bounds = array<i64: 2, 16>, scalar_prefetch = 0 : i64, scratch_operands = 19 : i64, tpu.core_type = #tpu.core_type<sc_vector_subcore>, window_params = [{transform_indices = #map}, {transform_indices = #map}, {transform_indices = #map}, {transform_indices = #map}]} {
    %scan3A = arith.constant 0 : i32
    %scan3A_0 = arith.constant 0 : i32
    %scan3A_1 = arith.constant 512 : i32
    %scan3A_2 = arith.addi %scan3A_0, %scan3A_1 : i32
    %scan3A_3 = arith.constant 1 : i32
    scf.for %scan3A_24 = %scan3A_0 to %scan3A_2 step %scan3A_3  : i32 {
      %broadcast_in_dim3A = arith.constant 0.000000e+00 : f32
      %broadcast_in_dim3A_25 = vector.broadcast %broadcast_in_dim3A : f32 to vector<16xf32>
      %jit3A = arith.constant 4 : i32
      %div3A = arith.divsi %scan3A_24, %jit3A : i32
      %sign3A = arith.constant 0 : i32
      %sign3A_26 = arith.cmpi sgt, %scan3A_24, %sign3A : i32
      %sign3A_27 = arith.extui %sign3A_26 : i1 to i32
      %sign3A_28 = arith.constant 0 : i32
      %sign3A_29 = arith.cmpi slt, %scan3A_24, %sign3A_28 : i32
      %sign3A_30 = arith.extui %sign3A_29 : i1 to i32
      %sign3A_31 = arith.subi %sign3A_27, %sign3A_30 : i32
      %sign3A_32 = arith.constant 0 : i32
      %sign3A_33 = arith.cmpi sgt, %jit3A, %sign3A_32 : i32
      %sign3A_34 = arith.extui %sign3A_33 : i1 to i32
      %sign3A_35 = arith.constant 0 : i32
      %sign3A_36 = arith.cmpi slt, %jit3A, %sign3A_35 : i32
      %sign3A_37 = arith.extui %sign3A_36 : i1 to i32
      %sign3A_38 = arith.subi %sign3A_34, %sign3A_37 : i32
      %ne3A = arith.cmpi ne, %sign3A_31, %sign3A_38 : i32
      %rem3A = arith.remsi %scan3A_24, %jit3A : i32
      %ne3A_39 = arith.constant 0 : i32
      %ne3A_40 = arith.cmpi ne, %rem3A, %ne3A_39 : i32
      %and3A = arith.andi %ne3A, %ne3A_40 : i1
      %sub3A = arith.constant 1 : i32
      %sub3A_41 = arith.subi %div3A, %sub3A : i32
      %select_n3A = arith.select %and3A, %sub3A_41, %div3A : i32
      %jit3A_42 = arith.constant 4 : i32
      %eq3A_43 = arith.constant 0 : i32
      %eq3A_44 = arith.cmpi eq, %jit3A_42, %eq3A_43 : i32
      %jit3A_45 = arith.constant 1 : i32
      %select_n3A_46 = arith.select %eq3A_44, %jit3A_45, %jit3A_42 : i32
      %rem3A_47 = arith.remsi %scan3A_24, %select_n3A_46 : i32
      %ne3A_48 = arith.constant 0 : i32
      %ne3A_49 = arith.cmpi ne, %rem3A_47, %ne3A_48 : i32
      %lt3A = arith.constant 0 : i32
      %lt3A_50 = arith.cmpi slt, %rem3A_47, %lt3A : i32
      %lt3A_51 = arith.constant 0 : i32
      %lt3A_52 = arith.cmpi slt, %select_n3A_46, %lt3A_51 : i32
      %ne3A_53 = arith.xori %lt3A_50, %lt3A_52 : i1
      %and3A_54 = arith.andi %ne3A_53, %ne3A_49 : i1
      %add3A_55 = arith.addi %rem3A_47, %select_n3A_46 : i32
      %select_n3A_56 = arith.select %and3A_54, %add3A_55, %rem3A_47 : i32
      %mul3A_57 = arith.constant 16 : i32
      %mul3A_58 = arith.muli %select_n3A_56, %mul3A_57 : i32
      %swap3A = arith.index_cast %select_n3A : i32 to index
      %swap3A_59 = arith.index_cast %mul3A_58 : i32 to index
      %swap3A_60 = tpu.vector_load %arg8[%swap3A, %swap3A_59] {strides = array<i32>} : memref<128x64xf32, #tpu.memory_space<vmem>>, vector<1x16xf32>,
      %swap3A_61 = vector.shape_cast %swap3A_60 : vector<1x16xf32> to vector<16xf32>
      %swap3A_62 = vector.shape_cast %broadcast_in_dim3A_25 : vector<16xf32> to vector<1x16xf32>
      tpu.vector_store %arg8[%swap3A, %swap3A_59], %swap3A_62 {strides = array<i32>} : memref<128x64xf32, #tpu.memory_space<vmem>>, vector<1x16xf32>,
    }
    %scan3A_4 = arith.constant 512 : i32
    %scan3A_5 = arith.constant 0 : i32
    %scan3A_6 = arith.constant 0 : i32
    %scan3A_7 = arith.constant 5 : i32
    %scan3A_8 = arith.addi %scan3A_6, %scan3A_7 : i32
    %scan3A_9 = arith.constant 1 : i32
    scf.for %scan3A_24 = %scan3A_6 to %scan3A_8 step %scan3A_9  : i32 {
      %mul3A_25 = arith.constant 640 : i32
      %mul3A_26 = arith.muli %arg1, %mul3A_25 : i32
      %mul3A_27 = arith.constant 128 : i32
      %mul3A_28 = arith.muli %scan3A_24, %mul3A_27 : i32
      %add3A_29 = arith.addi %mul3A_26, %mul3A_28 : i32
      "tpu.region"() ({
        %run_scoped3A = tpu.sem_alloc : memref<!tpu.dma_semaphore, #tpu.memory_space<semaphore_mem>>
        %dma_start3A = arith.constant 0 : i32
        %dma_start3A_30 = tpu.memref_slice %arg24[%add3A_29, %dma_start3A] : memref<10240x64xf32, #tpu.memory_space<vmem_shared>> -> memref<128x64xf32, #tpu.memory_space<vmem_shared>>
        %dma_start3A_31 = arith.constant 0 : i32
        %dma_start3A_32 = tpu.memref_slice %arg24[%add3A_29, %dma_start3A_31] : memref<10240x64xf32, #tpu.memory_space<vmem_shared>> -> memref<128x64xf32, #tpu.memory_space<vmem_shared>>
        tpu.enqueue_dma source(%arg8 : memref<128x64xf32, #tpu.memory_space<vmem>>) target(%dma_start3A_32 : memref<128x64xf32, #tpu.memory_space<vmem_shared>>) target_semaphore(%run_scoped3A : memref<!tpu.dma_semaphore, #tpu.memory_space<semaphore_mem>>)
        %dma_wait3A = arith.constant 0 : i32
        %dma_wait3A_33 = tpu.memref_slice %arg24[%add3A_29, %dma_wait3A] : memref<10240x64xf32, #tpu.memory_space<vmem_shared>> -> memref<128x64xf32, #tpu.memory_space<vmem_shared>>
        %dma_wait3A_34 = arith.constant 0 : i32
        %dma_wait3A_35 = tpu.memref_slice %arg24[%add3A_29, %dma_wait3A_34] : memref<10240x64xf32, #tpu.memory_space<vmem_shared>> -> memref<128x64xf32, #tpu.memory_space<vmem_shared>>
        tpu.wait_dma2 semaphore(%run_scoped3A : memref<!tpu.dma_semaphore, #tpu.memory_space<semaphore_mem>>) src(%arg8 : memref<128x64xf32, #tpu.memory_space<vmem>>) dst(%dma_wait3A_35 : memref<128x64xf32, #tpu.memory_space<vmem_shared>>)
        tpu.yield
      }) : () -> ()
    }
    %scan3A_10 = arith.constant 5 : i32
    %barrier3A = arith.constant 0 : index
    tpu.barrier barrier_id(%barrier3A)
    %eq3A = arith.constant 0 : i32
    %eq3A_11 = arith.cmpi eq, %arg0, %eq3A : i32
    %convert_element_type3A = arith.extui %eq3A_11 : i1 to i32
    %cond3A = arith.constant 0 : i32
    %cond3A_12 = arith.cmpi ne, %convert_element_type3A, %cond3A : i32
    scf.if %cond3A_12 {
      %mul3A_24 = arith.constant 80 : i32
      %mul3A_25 = arith.muli %arg1, %mul3A_24 : i32
      "tpu.region"() ({
        %run_scoped3A = tpu.sem_alloc : memref<!tpu.dma_semaphore, #tpu.memory_space<semaphore_mem>>
        %dma_start3A_87 = arith.constant 0 : i32
        %dma_start3A_88 = arith.constant 0 : i32
        %dma_start3A_89 = tpu.memref_slice %arg6[%dma_start3A_87, %dma_start3A_88] : memref<80x128xi32, #tpu.memory_space<vmem>> -> memref<80x128xi32, #tpu.memory_space<vmem>>
        %dma_start3A_90 = arith.constant 0 : i32
        %dma_start3A_91 = tpu.memref_slice %arg3[%mul3A_25, %dma_start3A_90] : memref<2560x128xi32, #tpu.memory_space<hbm>> -> memref<80x128xi32, #tpu.memory_space<hbm>>
        %dma_start3A_92 = arith.constant 0 : i32
        %dma_start3A_93 = arith.constant 0 : i32
        %dma_start3A_94 = tpu.memref_slice %arg6[%dma_start3A_92, %dma_start3A_93] : memref<80x128xi32, #tpu.memory_space<vmem>> -> memref<80x128xi32, #tpu.memory_space<vmem>>
        %dma_start3A_95 = arith.constant 0 : i32
        %dma_start3A_96 = tpu.memref_slice %arg3[%mul3A_25, %dma_start3A_95] : memref<2560x128xi32, #tpu.memory_space<hbm>> -> memref<80x128xi32, #tpu.memory_space<hbm>>
        tpu.enqueue_dma source(%dma_start3A_96 : memref<80x128xi32, #tpu.memory_space<hbm>>) target(%dma_start3A_94 : memref<80x128xi32, #tpu.memory_space<vmem>>) target_semaphore(%run_scoped3A : memref<!tpu.dma_semaphore, #tpu.memory_space<semaphore_mem>>)
        %dma_wait3A = arith.constant 0 : i32
        %dma_wait3A_97 = arith.constant 0 : i32
        %dma_wait3A_98 = tpu.memref_slice %arg6[%dma_wait3A, %dma_wait3A_97] : memref<80x128xi32, #tpu.memory_space<vmem>> -> memref<80x128xi32, #tpu.memory_space<vmem>>
        %dma_wait3A_99 = arith.constant 0 : i32
        %dma_wait3A_100 = tpu.memref_slice %arg3[%mul3A_25, %dma_wait3A_99] : memref<2560x128xi32, #tpu.memory_space<hbm>> -> memref<80x128xi32, #tpu.memory_space<hbm>>
        %dma_wait3A_101 = arith.constant 0 : i32
        %dma_wait3A_102 = arith.constant 0 : i32
        %dma_wait3A_103 = tpu.memref_slice %arg6[%dma_wait3A_101, %dma_wait3A_102] : memref<80x128xi32, #tpu.memory_space<vmem>> -> memref<80x128xi32, #tpu.memory_space<vmem>>
        %dma_wait3A_104 = arith.constant 0 : i32
        %dma_wait3A_105 = tpu.memref_slice %arg3[%mul3A_25, %dma_wait3A_104] : memref<2560x128xi32, #tpu.memory_space<hbm>> -> memref<80x128xi32, #tpu.memory_space<hbm>>
        tpu.wait_dma2 semaphore(%run_scoped3A : memref<!tpu.dma_semaphore, #tpu.memory_space<semaphore_mem>>) src(%dma_wait3A_105 : memref<80x128xi32, #tpu.memory_space<hbm>>) dst(%dma_wait3A_103 : memref<80x128xi32, #tpu.memory_space<vmem>>)
        tpu.yield
      }) : () -> ()
      "tpu.region"() ({
        %run_scoped3A = tpu.sem_alloc : memref<!tpu.dma_semaphore, #tpu.memory_space<semaphore_mem>>
        %dma_start3A_87 = arith.constant 0 : i32
        %dma_start3A_88 = arith.constant 0 : i32
        %dma_start3A_89 = tpu.memref_slice %arg7[%dma_start3A_87, %dma_start3A_88] : memref<80x128xi32, #tpu.memory_space<vmem>> -> memref<80x128xi32, #tpu.memory_space<vmem>>
        %dma_start3A_90 = arith.constant 0 : i32
        %dma_start3A_91 = tpu.memref_slice %arg4[%mul3A_25, %dma_start3A_90] : memref<2560x128xi32, #tpu.memory_space<hbm>> -> memref<80x128xi32, #tpu.memory_space<hbm>>
        %dma_start3A_92 = arith.constant 0 : i32
        %dma_start3A_93 = arith.constant 0 : i32
        %dma_start3A_94 = tpu.memref_slice %arg7[%dma_start3A_92, %dma_start3A_93] : memref<80x128xi32, #tpu.memory_space<vmem>> -> memref<80x128xi32, #tpu.memory_space<vmem>>
        %dma_start3A_95 = arith.constant 0 : i32
        %dma_start3A_96 = tpu.memref_slice %arg4[%mul3A_25, %dma_start3A_95] : memref<2560x128xi32, #tpu.memory_space<hbm>> -> memref<80x128xi32, #tpu.memory_space<hbm>>
        tpu.enqueue_dma source(%dma_start3A_96 : memref<80x128xi32, #tpu.memory_space<hbm>>) target(%dma_start3A_94 : memref<80x128xi32, #tpu.memory_space<vmem>>) target_semaphore(%run_scoped3A : memref<!tpu.dma_semaphore, #tpu.memory_space<semaphore_mem>>)
        %dma_wait3A = arith.constant 0 : i32
        %dma_wait3A_97 = arith.constant 0 : i32
        %dma_wait3A_98 = tpu.memref_slice %arg7[%dma_wait3A, %dma_wait3A_97] : memref<80x128xi32, #tpu.memory_space<vmem>> -> memref<80x128xi32, #tpu.memory_space<vmem>>
        %dma_wait3A_99 = arith.constant 0 : i32
        %dma_wait3A_100 = tpu.memref_slice %arg4[%mul3A_25, %dma_wait3A_99] : memref<2560x128xi32, #tpu.memory_space<hbm>> -> memref<80x128xi32, #tpu.memory_space<hbm>>
        %dma_wait3A_101 = arith.constant 0 : i32
        %dma_wait3A_102 = arith.constant 0 : i32
        %dma_wait3A_103 = tpu.memref_slice %arg7[%dma_wait3A_101, %dma_wait3A_102] : memref<80x128xi32, #tpu.memory_space<vmem>> -> memref<80x128xi32, #tpu.memory_space<vmem>>
        %dma_wait3A_104 = arith.constant 0 : i32
        %dma_wait3A_105 = tpu.memref_slice %arg4[%mul3A_25, %dma_wait3A_104] : memref<2560x128xi32, #tpu.memory_space<hbm>> -> memref<80x128xi32, #tpu.memory_space<hbm>>
        tpu.wait_dma2 semaphore(%run_scoped3A : memref<!tpu.dma_semaphore, #tpu.memory_space<semaphore_mem>>) src(%dma_wait3A_105 : memref<80x128xi32, #tpu.memory_space<hbm>>) dst(%dma_wait3A_103 : memref<80x128xi32, #tpu.memory_space<vmem>>)
        tpu.yield
      }) : () -> ()
      %dma_start3A = arith.constant 0 : i32
      %dma_start3A_26 = arith.constant 0 : i32
      %dma_start3A_27 = tpu.memref_slice %arg6[%dma_start3A, %dma_start3A_26] : memref<80x128xi32, #tpu.memory_space<vmem>> -> memref<1x128xi32, #tpu.memory_space<vmem>>
      %dma_start3A_28 = tpu.memref_squeeze %dma_start3A_27 : memref<1x128xi32, #tpu.memory_space<vmem>> -> memref<128xi32, #tpu.memory_space<vmem>>
      %dma_start3A_29 = arith.constant 0 : i32
      %dma_start3A_30 = arith.constant 0 : i32
      %dma_start3A_31 = tpu.memref_slice %arg2[%dma_start3A_29, %dma_start3A_30] : memref<10000x64xf32, #tpu.memory_space<hbm>> -> memref<10000x64xf32, #tpu.memory_space<hbm>>
      tpu.enqueue_indirect_dma source(%dma_start3A_31 : memref<10000x64xf32, #tpu.memory_space<hbm>>) target(%arg8 : memref<128x64xf32, #tpu.memory_space<vmem>>) offsets(%dma_start3A_28 : memref<128xi32, #tpu.memory_space<vmem>>) semaphore(%arg16 : memref<!tpu.dma_semaphore, #tpu.memory_space<semaphore_mem>>)
      %dma_start3A_32 = arith.constant 1 : i32
      %dma_start3A_33 = arith.constant 0 : i32
      %dma_start3A_34 = tpu.memref_slice %arg6[%dma_start3A_32, %dma_start3A_33] : memref<80x128xi32, #tpu.memory_space<vmem>> -> memref<1x128xi32, #tpu.memory_space<vmem>>
      %dma_start3A_35 = tpu.memref_squeeze %dma_start3A_34 : memref<1x128xi32, #tpu.memory_space<vmem>> -> memref<128xi32, #tpu.memory_space<vmem>>
      %dma_start3A_36 = arith.constant 0 : i32
      %dma_start3A_37 = arith.constant 0 : i32
      %dma_start3A_38 = tpu.memref_slice %arg2[%dma_start3A_36, %dma_start3A_37] : memref<10000x64xf32, #tpu.memory_space<hbm>> -> memref<10000x64xf32, #tpu.memory_space<hbm>>
      tpu.enqueue_indirect_dma source(%dma_start3A_38 : memref<10000x64xf32, #tpu.memory_space<hbm>>) target(%arg9 : memref<128x64xf32, #tpu.memory_space<vmem>>) offsets(%dma_start3A_35 : memref<128xi32, #tpu.memory_space<vmem>>) semaphore(%arg17 : memref<!tpu.dma_semaphore, #tpu.memory_space<semaphore_mem>>)
      %dma_start3A_39 = arith.constant 2 : i32
      %dma_start3A_40 = arith.constant 0 : i32
      %dma_start3A_41 = tpu.memref_slice %arg6[%dma_start3A_39, %dma_start3A_40] : memref<80x128xi32, #tpu.memory_space<vmem>> -> memref<1x128xi32, #tpu.memory_space<vmem>>
      %dma_start3A_42 = tpu.memref_squeeze %dma_start3A_41 : memref<1x128xi32, #tpu.memory_space<vmem>> -> memref<128xi32, #tpu.memory_space<vmem>>
      %dma_start3A_43 = arith.constant 0 : i32
      %dma_start3A_44 = arith.constant 0 : i32
      %dma_start3A_45 = tpu.memref_slice %arg2[%dma_start3A_43, %dma_start3A_44] : memref<10000x64xf32, #tpu.memory_space<hbm>> -> memref<10000x64xf32, #tpu.memory_space<hbm>>
      tpu.enqueue_indirect_dma source(%dma_start3A_45 : memref<10000x64xf32, #tpu.memory_space<hbm>>) target(%arg10 : memref<128x64xf32, #tpu.memory_space<vmem>>) offsets(%dma_start3A_42 : memref<128xi32, #tpu.memory_space<vmem>>) semaphore(%arg18 : memref<!tpu.dma_semaphore, #tpu.memory_space<semaphore_mem>>)
      %dma_start3A_46 = arith.constant 3 : i32
      %dma_start3A_47 = arith.constant 0 : i32
      %dma_start3A_48 = tpu.memref_slice %arg6[%dma_start3A_46, %dma_start3A_47] : memref<80x128xi32, #tpu.memory_space<vmem>> -> memref<1x128xi32, #tpu.memory_space<vmem>>
      %dma_start3A_49 = tpu.memref_squeeze %dma_start3A_48 : memref<1x128xi32, #tpu.memory_space<vmem>> -> memref<128xi32, #tpu.memory_space<vmem>>
      %dma_start3A_50 = arith.constant 0 : i32
      %dma_start3A_51 = arith.constant 0 : i32
      %dma_start3A_52 = tpu.memref_slice %arg2[%dma_start3A_50, %dma_start3A_51] : memref<10000x64xf32, #tpu.memory_space<hbm>> -> memref<10000x64xf32, #tpu.memory_space<hbm>>
      tpu.enqueue_indirect_dma source(%dma_start3A_52 : memref<10000x64xf32, #tpu.memory_space<hbm>>) target(%arg11 : memref<128x64xf32, #tpu.memory_space<vmem>>) offsets(%dma_start3A_49 : memref<128xi32, #tpu.memory_space<vmem>>) semaphore(%arg19 : memref<!tpu.dma_semaphore, #tpu.memory_space<semaphore_mem>>)
      %dma_start3A_53 = arith.constant 4 : i32
      %dma_start3A_54 = arith.constant 0 : i32
      %dma_start3A_55 = tpu.memref_slice %arg6[%dma_start3A_53, %dma_start3A_54] : memref<80x128xi32, #tpu.memory_space<vmem>> -> memref<1x128xi32, #tpu.memory_space<vmem>>
      %dma_start3A_56 = tpu.memref_squeeze %dma_start3A_55 : memref<1x128xi32, #tpu.memory_space<vmem>> -> memref<128xi32, #tpu.memory_space<vmem>>
      %dma_start3A_57 = arith.constant 0 : i32
      %dma_start3A_58 = arith.constant 0 : i32
      %dma_start3A_59 = tpu.memref_slice %arg2[%dma_start3A_57, %dma_start3A_58] : memref<10000x64xf32, #tpu.memory_space<hbm>> -> memref<10000x64xf32, #tpu.memory_space<hbm>>
      tpu.enqueue_indirect_dma source(%dma_start3A_59 : memref<10000x64xf32, #tpu.memory_space<hbm>>) target(%arg12 : memref<128x64xf32, #tpu.memory_space<vmem>>) offsets(%dma_start3A_56 : memref<128xi32, #tpu.memory_space<vmem>>) semaphore(%arg20 : memref<!tpu.dma_semaphore, #tpu.memory_space<semaphore_mem>>)
      %dma_start3A_60 = arith.constant 5 : i32
      %dma_start3A_61 = arith.constant 0 : i32
      %dma_start3A_62 = tpu.memref_slice %arg6[%dma_start3A_60, %dma_start3A_61] : memref<80x128xi32, #tpu.memory_space<vmem>> -> memref<1x128xi32, #tpu.memory_space<vmem>>
      %dma_start3A_63 = tpu.memref_squeeze %dma_start3A_62 : memref<1x128xi32, #tpu.memory_space<vmem>> -> memref<128xi32, #tpu.memory_space<vmem>>
      %dma_start3A_64 = arith.constant 0 : i32
      %dma_start3A_65 = arith.constant 0 : i32
      %dma_start3A_66 = tpu.memref_slice %arg2[%dma_start3A_64, %dma_start3A_65] : memref<10000x64xf32, #tpu.memory_space<hbm>> -> memref<10000x64xf32, #tpu.memory_space<hbm>>
      tpu.enqueue_indirect_dma source(%dma_start3A_66 : memref<10000x64xf32, #tpu.memory_space<hbm>>) target(%arg13 : memref<128x64xf32, #tpu.memory_space<vmem>>) offsets(%dma_start3A_63 : memref<128xi32, #tpu.memory_space<vmem>>) semaphore(%arg21 : memref<!tpu.dma_semaphore, #tpu.memory_space<semaphore_mem>>)
      %dma_start3A_67 = arith.constant 6 : i32
      %dma_start3A_68 = arith.constant 0 : i32
      %dma_start3A_69 = tpu.memref_slice %arg6[%dma_start3A_67, %dma_start3A_68] : memref<80x128xi32, #tpu.memory_space<vmem>> -> memref<1x128xi32, #tpu.memory_space<vmem>>
      %dma_start3A_70 = tpu.memref_squeeze %dma_start3A_69 : memref<1x128xi32, #tpu.memory_space<vmem>> -> memref<128xi32, #tpu.memory_space<vmem>>
      %dma_start3A_71 = arith.constant 0 : i32
      %dma_start3A_72 = arith.constant 0 : i32
      %dma_start3A_73 = tpu.memref_slice %arg2[%dma_start3A_71, %dma_start3A_72] : memref<10000x64xf32, #tpu.memory_space<hbm>> -> memref<10000x64xf32, #tpu.memory_space<hbm>>
      tpu.enqueue_indirect_dma source(%dma_start3A_73 : memref<10000x64xf32, #tpu.memory_space<hbm>>) target(%arg14 : memref<128x64xf32, #tpu.memory_space<vmem>>) offsets(%dma_start3A_70 : memref<128xi32, #tpu.memory_space<vmem>>) semaphore(%arg22 : memref<!tpu.dma_semaphore, #tpu.memory_space<semaphore_mem>>)
      %dma_start3A_74 = arith.constant 7 : i32
      %dma_start3A_75 = arith.constant 0 : i32
      %dma_start3A_76 = tpu.memref_slice %arg6[%dma_start3A_74, %dma_start3A_75] : memref<80x128xi32, #tpu.memory_space<vmem>> -> memref<1x128xi32, #tpu.memory_space<vmem>>
      %dma_start3A_77 = tpu.memref_squeeze %dma_start3A_76 : memref<1x128xi32, #tpu.memory_space<vmem>> -> memref<128xi32, #tpu.memory_space<vmem>>
      %dma_start3A_78 = arith.constant 0 : i32
      %dma_start3A_79 = arith.constant 0 : i32
      %dma_start3A_80 = tpu.memref_slice %arg2[%dma_start3A_78, %dma_start3A_79] : memref<10000x64xf32, #tpu.memory_space<hbm>> -> memref<10000x64xf32, #tpu.memory_space<hbm>>
      tpu.enqueue_indirect_dma source(%dma_start3A_80 : memref<10000x64xf32, #tpu.memory_space<hbm>>) target(%arg15 : memref<128x64xf32, #tpu.memory_space<vmem>>) offsets(%dma_start3A_77 : memref<128xi32, #tpu.memory_space<vmem>>) semaphore(%arg23 : memref<!tpu.dma_semaphore, #tpu.memory_space<semaphore_mem>>)
      %scan3A_81 = arith.constant 0 : i32
      %scan3A_82 = arith.constant 0 : i32
      %scan3A_83 = arith.constant 10 : i32
      %scan3A_84 = arith.addi %scan3A_82, %scan3A_83 : i32
      %scan3A_85 = arith.constant 1 : i32
      scf.for %scan3A_87 = %scan3A_82 to %scan3A_84 step %scan3A_85  : i32 {
        %mul3A_88 = arith.constant 8 : i32
        %mul3A_89 = arith.muli %scan3A_87, %mul3A_88 : i32
        %add3A_90 = arith.constant 0 : i32
        %add3A_91 = arith.addi %mul3A_89, %add3A_90 : i32
        %dma_wait3A = arith.constant 0 : i32
        %dma_wait3A_92 = tpu.memref_slice %arg6[%add3A_91, %dma_wait3A] : memref<80x128xi32, #tpu.memory_space<vmem>> -> memref<1x128xi32, #tpu.memory_space<vmem>>
        %dma_wait3A_93 = tpu.memref_squeeze %dma_wait3A_92 : memref<1x128xi32, #tpu.memory_space<vmem>> -> memref<128xi32, #tpu.memory_space<vmem>>
        %dma_wait3A_94 = arith.constant 0 : i32
        %dma_wait3A_95 = arith.constant 0 : i32
        %dma_wait3A_96 = tpu.memref_slice %arg2[%dma_wait3A_94, %dma_wait3A_95] : memref<10000x64xf32, #tpu.memory_space<hbm>> -> memref<10000x64xf32, #tpu.memory_space<hbm>>
        tpu.wait_indirect_dma semaphore(%arg16 : memref<!tpu.dma_semaphore, #tpu.memory_space<semaphore_mem>>) src(%dma_wait3A_96 : memref<10000x64xf32, #tpu.memory_space<hbm>>) dst(%arg8 : memref<128x64xf32, #tpu.memory_space<vmem>>)
        "tpu.region"() ({
          %run_scoped3A = tpu.sem_alloc : memref<!tpu.dma_semaphore, #tpu.memory_space<semaphore_mem>>
          %dma_start3A_206 = arith.constant 0 : i32
          %dma_start3A_207 = tpu.memref_slice %arg7[%add3A_91, %dma_start3A_206] : memref<80x128xi32, #tpu.memory_space<vmem>> -> memref<1x128xi32, #tpu.memory_space<vmem>>
          %dma_start3A_208 = tpu.memref_squeeze %dma_start3A_207 : memref<1x128xi32, #tpu.memory_space<vmem>> -> memref<128xi32, #tpu.memory_space<vmem>>
          %dma_start3A_209 = arith.constant 0 : i32
          %dma_start3A_210 = arith.constant 0 : i32
          %dma_start3A_211 = tpu.memref_slice %arg24[%dma_start3A_209, %dma_start3A_210] : memref<10240x64xf32, #tpu.memory_space<vmem_shared>> -> memref<10240x64xf32, #tpu.memory_space<vmem_shared>>
          tpu.enqueue_indirect_dma source(%arg8 : memref<128x64xf32, #tpu.memory_space<vmem>>) target(%dma_start3A_211 : memref<10240x64xf32, #tpu.memory_space<vmem_shared>>) offsets(%dma_start3A_208 : memref<128xi32, #tpu.memory_space<vmem>>) semaphore(%run_scoped3A : memref<!tpu.dma_semaphore, #tpu.memory_space<semaphore_mem>>) {add = true}
          %dma_wait3A_212 = arith.constant 0 : i32
          %dma_wait3A_213 = tpu.memref_slice %arg7[%add3A_91, %dma_wait3A_212] : memref<80x128xi32, #tpu.memory_space<vmem>> -> memref<1x128xi32, #tpu.memory_space<vmem>>
          %dma_wait3A_214 = tpu.memref_squeeze %dma_wait3A_213 : memref<1x128xi32, #tpu.memory_space<vmem>> -> memref<128xi32, #tpu.memory_space<vmem>>
          %dma_wait3A_215 = arith.constant 0 : i32
          %dma_wait3A_216 = arith.constant 0 : i32
          %dma_wait3A_217 = tpu.memref_slice %arg24[%dma_wait3A_215, %dma_wait3A_216] : memref<10240x64xf32, #tpu.memory_space<vmem_shared>> -> memref<10240x64xf32, #tpu.memory_space<vmem_shared>>
          tpu.wait_indirect_dma semaphore(%run_scoped3A : memref<!tpu.dma_semaphore, #tpu.memory_space<semaphore_mem>>) src(%arg8 : memref<128x64xf32, #tpu.memory_space<vmem>>) dst(%dma_wait3A_217 : memref<10240x64xf32, #tpu.memory_space<vmem_shared>>)
          tpu.yield
        }) : () -> ()
        %lt3A = arith.constant 9 : i32
        %lt3A_97 = arith.cmpi slt, %scan3A_87, %lt3A : i32
        %convert_element_type3A_98 = arith.extui %lt3A_97 : i1 to i32
        %cond3A_99 = arith.constant 0 : i32
        %cond3A_100 = arith.cmpi ne, %convert_element_type3A_98, %cond3A_99 : i32
        scf.if %cond3A_100 {
          %add3A_206 = arith.constant 8 : i32
          %add3A_207 = arith.addi %add3A_91, %add3A_206 : i32
          %dma_start3A_208 = arith.constant 0 : i32
          %dma_start3A_209 = tpu.memref_slice %arg6[%add3A_207, %dma_start3A_208] : memref<80x128xi32, #tpu.memory_space<vmem>> -> memref<1x128xi32, #tpu.memory_space<vmem>>
          %dma_start3A_210 = tpu.memref_squeeze %dma_start3A_209 : memref<1x128xi32, #tpu.memory_space<vmem>> -> memref<128xi32, #tpu.memory_space<vmem>>
          %dma_start3A_211 = arith.constant 0 : i32
          %dma_start3A_212 = arith.constant 0 : i32
          %dma_start3A_213 = tpu.memref_slice %arg2[%dma_start3A_211, %dma_start3A_212] : memref<10000x64xf32, #tpu.memory_space<hbm>> -> memref<10000x64xf32, #tpu.memory_space<hbm>>
          tpu.enqueue_indirect_dma source(%dma_start3A_213 : memref<10000x64xf32, #tpu.memory_space<hbm>>) target(%arg8 : memref<128x64xf32, #tpu.memory_space<vmem>>) offsets(%dma_start3A_210 : memref<128xi32, #tpu.memory_space<vmem>>) semaphore(%arg16 : memref<!tpu.dma_semaphore, #tpu.memory_space<semaphore_mem>>)
        } else {
        }
        %mul3A_101 = arith.constant 8 : i32
        %mul3A_102 = arith.muli %scan3A_87, %mul3A_101 : i32
        %add3A_103 = arith.constant 1 : i32
        %add3A_104 = arith.addi %mul3A_102, %add3A_103 : i32
        %dma_wait3A_105 = arith.constant 0 : i32
        %dma_wait3A_106 = tpu.memref_slice %arg6[%add3A_104, %dma_wait3A_105] : memref<80x128xi32, #tpu.memory_space<vmem>> -> memref<1x128xi32, #tpu.memory_space<vmem>>
        %dma_wait3A_107 = tpu.memref_squeeze %dma_wait3A_106 : memref<1x128xi32, #tpu.memory_space<vmem>> -> memref<128xi32, #tpu.memory_space<vmem>>
        %dma_wait3A_108 = arith.constant 0 : i32
        %dma_wait3A_109 = arith.constant 0 : i32
        %dma_wait3A_110 = tpu.memref_slice %arg2[%dma_wait3A_108, %dma_wait3A_109] : memref<10000x64xf32, #tpu.memory_space<hbm>> -> memref<10000x64xf32, #tpu.memory_space<hbm>>
        tpu.wait_indirect_dma semaphore(%arg17 : memref<!tpu.dma_semaphore, #tpu.memory_space<semaphore_mem>>) src(%dma_wait3A_110 : memref<10000x64xf32, #tpu.memory_space<hbm>>) dst(%arg9 : memref<128x64xf32, #tpu.memory_space<vmem>>)
        "tpu.region"() ({
          %run_scoped3A = tpu.sem_alloc : memref<!tpu.dma_semaphore, #tpu.memory_space<semaphore_mem>>
          %dma_start3A_206 = arith.constant 0 : i32
          %dma_start3A_207 = tpu.memref_slice %arg7[%add3A_104, %dma_start3A_206] : memref<80x128xi32, #tpu.memory_space<vmem>> -> memref<1x128xi32, #tpu.memory_space<vmem>>
          %dma_start3A_208 = tpu.memref_squeeze %dma_start3A_207 : memref<1x128xi32, #tpu.memory_space<vmem>> -> memref<128xi32, #tpu.memory_space<vmem>>
          %dma_start3A_209 = arith.constant 0 : i32
          %dma_start3A_210 = arith.constant 0 : i32
          %dma_start3A_211 = tpu.memref_slice %arg24[%dma_start3A_209, %dma_start3A_210] : memref<10240x64xf32, #tpu.memory_space<vmem_shared>> -> memref<10240x64xf32, #tpu.memory_space<vmem_shared>>
          tpu.enqueue_indirect_dma source(%arg9 : memref<128x64xf32, #tpu.memory_space<vmem>>) target(%dma_start3A_211 : memref<10240x64xf32, #tpu.memory_space<vmem_shared>>) offsets(%dma_start3A_208 : memref<128xi32, #tpu.memory_space<vmem>>) semaphore(%run_scoped3A : memref<!tpu.dma_semaphore, #tpu.memory_space<semaphore_mem>>) {add = true}
          %dma_wait3A_212 = arith.constant 0 : i32
          %dma_wait3A_213 = tpu.memref_slice %arg7[%add3A_104, %dma_wait3A_212] : memref<80x128xi32, #tpu.memory_space<vmem>> -> memref<1x128xi32, #tpu.memory_space<vmem>>
          %dma_wait3A_214 = tpu.memref_squeeze %dma_wait3A_213 : memref<1x128xi32, #tpu.memory_space<vmem>> -> memref<128xi32, #tpu.memory_space<vmem>>
          %dma_wait3A_215 = arith.constant 0 : i32
          %dma_wait3A_216 = arith.constant 0 : i32
          %dma_wait3A_217 = tpu.memref_slice %arg24[%dma_wait3A_215, %dma_wait3A_216] : memref<10240x64xf32, #tpu.memory_space<vmem_shared>> -> memref<10240x64xf32, #tpu.memory_space<vmem_shared>>
          tpu.wait_indirect_dma semaphore(%run_scoped3A : memref<!tpu.dma_semaphore, #tpu.memory_space<semaphore_mem>>) src(%arg9 : memref<128x64xf32, #tpu.memory_space<vmem>>) dst(%dma_wait3A_217 : memref<10240x64xf32, #tpu.memory_space<vmem_shared>>)
          tpu.yield
        }) : () -> ()
        %lt3A_111 = arith.constant 9 : i32
        %lt3A_112 = arith.cmpi slt, %scan3A_87, %lt3A_111 : i32
        %convert_element_type3A_113 = arith.extui %lt3A_112 : i1 to i32
        %cond3A_114 = arith.constant 0 : i32
        %cond3A_115 = arith.cmpi ne, %convert_element_type3A_113, %cond3A_114 : i32
        scf.if %cond3A_115 {
          %add3A_206 = arith.constant 8 : i32
          %add3A_207 = arith.addi %add3A_104, %add3A_206 : i32
          %dma_start3A_208 = arith.constant 0 : i32
          %dma_start3A_209 = tpu.memref_slice %arg6[%add3A_207, %dma_start3A_208] : memref<80x128xi32, #tpu.memory_space<vmem>> -> memref<1x128xi32, #tpu.memory_space<vmem>>
          %dma_start3A_210 = tpu.memref_squeeze %dma_start3A_209 : memref<1x128xi32, #tpu.memory_space<vmem>> -> memref<128xi32, #tpu.memory_space<vmem>>
          %dma_start3A_211 = arith.constant 0 : i32
          %dma_start3A_212 = arith.constant 0 : i32
          %dma_start3A_213 = tpu.memref_slice %arg2[%dma_start3A_211, %dma_start3A_212] : memref<10000x64xf32, #tpu.memory_space<hbm>> -> memref<10000x64xf32, #tpu.memory_space<hbm>>
          tpu.enqueue_indirect_dma source(%dma_start3A_213 : memref<10000x64xf32, #tpu.memory_space<hbm>>) target(%arg9 : memref<128x64xf32, #tpu.memory_space<vmem>>) offsets(%dma_start3A_210 : memref<128xi32, #tpu.memory_space<vmem>>) semaphore(%arg17 : memref<!tpu.dma_semaphore, #tpu.memory_space<semaphore_mem>>)
        } else {
        }
        %mul3A_116 = arith.constant 8 : i32
        %mul3A_117 = arith.muli %scan3A_87, %mul3A_116 : i32
        %add3A_118 = arith.constant 2 : i32
        %add3A_119 = arith.addi %mul3A_117, %add3A_118 : i32
        %dma_wait3A_120 = arith.constant 0 : i32
        %dma_wait3A_121 = tpu.memref_slice %arg6[%add3A_119, %dma_wait3A_120] : memref<80x128xi32, #tpu.memory_space<vmem>> -> memref<1x128xi32, #tpu.memory_space<vmem>>
        %dma_wait3A_122 = tpu.memref_squeeze %dma_wait3A_121 : memref<1x128xi32, #tpu.memory_space<vmem>> -> memref<128xi32, #tpu.memory_space<vmem>>
        %dma_wait3A_123 = arith.constant 0 : i32
        %dma_wait3A_124 = arith.constant 0 : i32
        %dma_wait3A_125 = tpu.memref_slice %arg2[%dma_wait3A_123, %dma_wait3A_124] : memref<10000x64xf32, #tpu.memory_space<hbm>> -> memref<10000x64xf32, #tpu.memory_space<hbm>>
        tpu.wait_indirect_dma semaphore(%arg18 : memref<!tpu.dma_semaphore, #tpu.memory_space<semaphore_mem>>) src(%dma_wait3A_125 : memref<10000x64xf32, #tpu.memory_space<hbm>>) dst(%arg10 : memref<128x64xf32, #tpu.memory_space<vmem>>)
        "tpu.region"() ({
          %run_scoped3A = tpu.sem_alloc : memref<!tpu.dma_semaphore, #tpu.memory_space<semaphore_mem>>
          %dma_start3A_206 = arith.constant 0 : i32
          %dma_start3A_207 = tpu.memref_slice %arg7[%add3A_119, %dma_start3A_206] : memref<80x128xi32, #tpu.memory_space<vmem>> -> memref<1x128xi32, #tpu.memory_space<vmem>>
          %dma_start3A_208 = tpu.memref_squeeze %dma_start3A_207 : memref<1x128xi32, #tpu.memory_space<vmem>> -> memref<128xi32, #tpu.memory_space<vmem>>
          %dma_start3A_209 = arith.constant 0 : i32
          %dma_start3A_210 = arith.constant 0 : i32
          %dma_start3A_211 = tpu.memref_slice %arg24[%dma_start3A_209, %dma_start3A_210] : memref<10240x64xf32, #tpu.memory_space<vmem_shared>> -> memref<10240x64xf32, #tpu.memory_space<vmem_shared>>
          tpu.enqueue_indirect_dma source(%arg10 : memref<128x64xf32, #tpu.memory_space<vmem>>) target(%dma_start3A_211 : memref<10240x64xf32, #tpu.memory_space<vmem_shared>>) offsets(%dma_start3A_208 : memref<128xi32, #tpu.memory_space<vmem>>) semaphore(%run_scoped3A : memref<!tpu.dma_semaphore, #tpu.memory_space<semaphore_mem>>) {add = true}
          %dma_wait3A_212 = arith.constant 0 : i32
          %dma_wait3A_213 = tpu.memref_slice %arg7[%add3A_119, %dma_wait3A_212] : memref<80x128xi32, #tpu.memory_space<vmem>> -> memref<1x128xi32, #tpu.memory_space<vmem>>
          %dma_wait3A_214 = tpu.memref_squeeze %dma_wait3A_213 : memref<1x128xi32, #tpu.memory_space<vmem>> -> memref<128xi32, #tpu.memory_space<vmem>>
          %dma_wait3A_215 = arith.constant 0 : i32
          %dma_wait3A_216 = arith.constant 0 : i32
          %dma_wait3A_217 = tpu.memref_slice %arg24[%dma_wait3A_215, %dma_wait3A_216] : memref<10240x64xf32, #tpu.memory_space<vmem_shared>> -> memref<10240x64xf32, #tpu.memory_space<vmem_shared>>
          tpu.wait_indirect_dma semaphore(%run_scoped3A : memref<!tpu.dma_semaphore, #tpu.memory_space<semaphore_mem>>) src(%arg10 : memref<128x64xf32, #tpu.memory_space<vmem>>) dst(%dma_wait3A_217 : memref<10240x64xf32, #tpu.memory_space<vmem_shared>>)
          tpu.yield
        }) : () -> ()
        %lt3A_126 = arith.constant 9 : i32
        %lt3A_127 = arith.cmpi slt, %scan3A_87, %lt3A_126 : i32
        %convert_element_type3A_128 = arith.extui %lt3A_127 : i1 to i32
        %cond3A_129 = arith.constant 0 : i32
        %cond3A_130 = arith.cmpi ne, %convert_element_type3A_128, %cond3A_129 : i32
        scf.if %cond3A_130 {
          %add3A_206 = arith.constant 8 : i32
          %add3A_207 = arith.addi %add3A_119, %add3A_206 : i32
          %dma_start3A_208 = arith.constant 0 : i32
          %dma_start3A_209 = tpu.memref_slice %arg6[%add3A_207, %dma_start3A_208] : memref<80x128xi32, #tpu.memory_space<vmem>> -> memref<1x128xi32, #tpu.memory_space<vmem>>
          %dma_start3A_210 = tpu.memref_squeeze %dma_start3A_209 : memref<1x128xi32, #tpu.memory_space<vmem>> -> memref<128xi32, #tpu.memory_space<vmem>>
          %dma_start3A_211 = arith.constant 0 : i32
          %dma_start3A_212 = arith.constant 0 : i32
          %dma_start3A_213 = tpu.memref_slice %arg2[%dma_start3A_211, %dma_start3A_212] : memref<10000x64xf32, #tpu.memory_space<hbm>> -> memref<10000x64xf32, #tpu.memory_space<hbm>>
          tpu.enqueue_indirect_dma source(%dma_start3A_213 : memref<10000x64xf32, #tpu.memory_space<hbm>>) target(%arg10 : memref<128x64xf32, #tpu.memory_space<vmem>>) offsets(%dma_start3A_210 : memref<128xi32, #tpu.memory_space<vmem>>) semaphore(%arg18 : memref<!tpu.dma_semaphore, #tpu.memory_space<semaphore_mem>>)
        } else {
        }
        %mul3A_131 = arith.constant 8 : i32
        %mul3A_132 = arith.muli %scan3A_87, %mul3A_131 : i32
        %add3A_133 = arith.constant 3 : i32
        %add3A_134 = arith.addi %mul3A_132, %add3A_133 : i32
        %dma_wait3A_135 = arith.constant 0 : i32
        %dma_wait3A_136 = tpu.memref_slice %arg6[%add3A_134, %dma_wait3A_135] : memref<80x128xi32, #tpu.memory_space<vmem>> -> memref<1x128xi32, #tpu.memory_space<vmem>>
        %dma_wait3A_137 = tpu.memref_squeeze %dma_wait3A_136 : memref<1x128xi32, #tpu.memory_space<vmem>> -> memref<128xi32, #tpu.memory_space<vmem>>
        %dma_wait3A_138 = arith.constant 0 : i32
        %dma_wait3A_139 = arith.constant 0 : i32
        %dma_wait3A_140 = tpu.memref_slice %arg2[%dma_wait3A_138, %dma_wait3A_139] : memref<10000x64xf32, #tpu.memory_space<hbm>> -> memref<10000x64xf32, #tpu.memory_space<hbm>>
        tpu.wait_indirect_dma semaphore(%arg19 : memref<!tpu.dma_semaphore, #tpu.memory_space<semaphore_mem>>) src(%dma_wait3A_140 : memref<10000x64xf32, #tpu.memory_space<hbm>>) dst(%arg11 : memref<128x64xf32, #tpu.memory_space<vmem>>)
        "tpu.region"() ({
          %run_scoped3A = tpu.sem_alloc : memref<!tpu.dma_semaphore, #tpu.memory_space<semaphore_mem>>
          %dma_start3A_206 = arith.constant 0 : i32
          %dma_start3A_207 = tpu.memref_slice %arg7[%add3A_134, %dma_start3A_206] : memref<80x128xi32, #tpu.memory_space<vmem>> -> memref<1x128xi32, #tpu.memory_space<vmem>>
          %dma_start3A_208 = tpu.memref_squeeze %dma_start3A_207 : memref<1x128xi32, #tpu.memory_space<vmem>> -> memref<128xi32, #tpu.memory_space<vmem>>
          %dma_start3A_209 = arith.constant 0 : i32
          %dma_start3A_210 = arith.constant 0 : i32
          %dma_start3A_211 = tpu.memref_slice %arg24[%dma_start3A_209, %dma_start3A_210] : memref<10240x64xf32, #tpu.memory_space<vmem_shared>> -> memref<10240x64xf32, #tpu.memory_space<vmem_shared>>
          tpu.enqueue_indirect_dma source(%arg11 : memref<128x64xf32, #tpu.memory_space<vmem>>) target(%dma_start3A_211 : memref<10240x64xf32, #tpu.memory_space<vmem_shared>>) offsets(%dma_start3A_208 : memref<128xi32, #tpu.memory_space<vmem>>) semaphore(%run_scoped3A : memref<!tpu.dma_semaphore, #tpu.memory_space<semaphore_mem>>) {add = true}
          %dma_wait3A_212 = arith.constant 0 : i32
          %dma_wait3A_213 = tpu.memref_slice %arg7[%add3A_134, %dma_wait3A_212] : memref<80x128xi32, #tpu.memory_space<vmem>> -> memref<1x128xi32, #tpu.memory_space<vmem>>
          %dma_wait3A_214 = tpu.memref_squeeze %dma_wait3A_213 : memref<1x128xi32, #tpu.memory_space<vmem>> -> memref<128xi32, #tpu.memory_space<vmem>>
          %dma_wait3A_215 = arith.constant 0 : i32
          %dma_wait3A_216 = arith.constant 0 : i32
          %dma_wait3A_217 = tpu.memref_slice %arg24[%dma_wait3A_215, %dma_wait3A_216] : memref<10240x64xf32, #tpu.memory_space<vmem_shared>> -> memref<10240x64xf32, #tpu.memory_space<vmem_shared>>
          tpu.wait_indirect_dma semaphore(%run_scoped3A : memref<!tpu.dma_semaphore, #tpu.memory_space<semaphore_mem>>) src(%arg11 : memref<128x64xf32, #tpu.memory_space<vmem>>) dst(%dma_wait3A_217 : memref<10240x64xf32, #tpu.memory_space<vmem_shared>>)
          tpu.yield
        }) : () -> ()
        %lt3A_141 = arith.constant 9 : i32
        %lt3A_142 = arith.cmpi slt, %scan3A_87, %lt3A_141 : i32
        %convert_element_type3A_143 = arith.extui %lt3A_142 : i1 to i32
        %cond3A_144 = arith.constant 0 : i32
        %cond3A_145 = arith.cmpi ne, %convert_element_type3A_143, %cond3A_144 : i32
        scf.if %cond3A_145 {
          %add3A_206 = arith.constant 8 : i32
          %add3A_207 = arith.addi %add3A_134, %add3A_206 : i32
          %dma_start3A_208 = arith.constant 0 : i32
          %dma_start3A_209 = tpu.memref_slice %arg6[%add3A_207, %dma_start3A_208] : memref<80x128xi32, #tpu.memory_space<vmem>> -> memref<1x128xi32, #tpu.memory_space<vmem>>
          %dma_start3A_210 = tpu.memref_squeeze %dma_start3A_209 : memref<1x128xi32, #tpu.memory_space<vmem>> -> memref<128xi32, #tpu.memory_space<vmem>>
          %dma_start3A_211 = arith.constant 0 : i32
          %dma_start3A_212 = arith.constant 0 : i32
          %dma_start3A_213 = tpu.memref_slice %arg2[%dma_start3A_211, %dma_start3A_212] : memref<10000x64xf32, #tpu.memory_space<hbm>> -> memref<10000x64xf32, #tpu.memory_space<hbm>>
          tpu.enqueue_indirect_dma source(%dma_start3A_213 : memref<10000x64xf32, #tpu.memory_space<hbm>>) target(%arg11 : memref<128x64xf32, #tpu.memory_space<vmem>>) offsets(%dma_start3A_210 : memref<128xi32, #tpu.memory_space<vmem>>) semaphore(%arg19 : memref<!tpu.dma_semaphore, #tpu.memory_space<semaphore_mem>>)
        } else {
        }
        %mul3A_146 = arith.constant 8 : i32
        %mul3A_147 = arith.muli %scan3A_87, %mul3A_146 : i32
        %add3A_148 = arith.constant 4 : i32
        %add3A_149 = arith.addi %mul3A_147, %add3A_148 : i32
        %dma_wait3A_150 = arith.constant 0 : i32
        %dma_wait3A_151 = tpu.memref_slice %arg6[%add3A_149, %dma_wait3A_150] : memref<80x128xi32, #tpu.memory_space<vmem>> -> memref<1x128xi32, #tpu.memory_space<vmem>>
        %dma_wait3A_152 = tpu.memref_squeeze %dma_wait3A_151 : memref<1x128xi32, #tpu.memory_space<vmem>> -> memref<128xi32, #tpu.memory_space<vmem>>
        %dma_wait3A_153 = arith.constant 0 : i32
        %dma_wait3A_154 = arith.constant 0 : i32
        %dma_wait3A_155 = tpu.memref_slice %arg2[%dma_wait3A_153, %dma_wait3A_154] : memref<10000x64xf32, #tpu.memory_space<hbm>> -> memref<10000x64xf32, #tpu.memory_space<hbm>>
        tpu.wait_indirect_dma semaphore(%arg20 : memref<!tpu.dma_semaphore, #tpu.memory_space<semaphore_mem>>) src(%dma_wait3A_155 : memref<10000x64xf32, #tpu.memory_space<hbm>>) dst(%arg12 : memref<128x64xf32, #tpu.memory_space<vmem>>)
        "tpu.region"() ({
          %run_scoped3A = tpu.sem_alloc : memref<!tpu.dma_semaphore, #tpu.memory_space<semaphore_mem>>
          %dma_start3A_206 = arith.constant 0 : i32
          %dma_start3A_207 = tpu.memref_slice %arg7[%add3A_149, %dma_start3A_206] : memref<80x128xi32, #tpu.memory_space<vmem>> -> memref<1x128xi32, #tpu.memory_space<vmem>>
          %dma_start3A_208 = tpu.memref_squeeze %dma_start3A_207 : memref<1x128xi32, #tpu.memory_space<vmem>> -> memref<128xi32, #tpu.memory_space<vmem>>
          %dma_start3A_209 = arith.constant 0 : i32
          %dma_start3A_210 = arith.constant 0 : i32
          %dma_start3A_211 = tpu.memref_slice %arg24[%dma_start3A_209, %dma_start3A_210] : memref<10240x64xf32, #tpu.memory_space<vmem_shared>> -> memref<10240x64xf32, #tpu.memory_space<vmem_shared>>
          tpu.enqueue_indirect_dma source(%arg12 : memref<128x64xf32, #tpu.memory_space<vmem>>) target(%dma_start3A_211 : memref<10240x64xf32, #tpu.memory_space<vmem_shared>>) offsets(%dma_start3A_208 : memref<128xi32, #tpu.memory_space<vmem>>) semaphore(%run_scoped3A : memref<!tpu.dma_semaphore, #tpu.memory_space<semaphore_mem>>) {add = true}
          %dma_wait3A_212 = arith.constant 0 : i32
          %dma_wait3A_213 = tpu.memref_slice %arg7[%add3A_149, %dma_wait3A_212] : memref<80x128xi32, #tpu.memory_space<vmem>> -> memref<1x128xi32, #tpu.memory_space<vmem>>
          %dma_wait3A_214 = tpu.memref_squeeze %dma_wait3A_213 : memref<1x128xi32, #tpu.memory_space<vmem>> -> memref<128xi32, #tpu.memory_space<vmem>>
          %dma_wait3A_215 = arith.constant 0 : i32
          %dma_wait3A_216 = arith.constant 0 : i32
          %dma_wait3A_217 = tpu.memref_slice %arg24[%dma_wait3A_215, %dma_wait3A_216] : memref<10240x64xf32, #tpu.memory_space<vmem_shared>> -> memref<10240x64xf32, #tpu.memory_space<vmem_shared>>
          tpu.wait_indirect_dma semaphore(%run_scoped3A : memref<!tpu.dma_semaphore, #tpu.memory_space<semaphore_mem>>) src(%arg12 : memref<128x64xf32, #tpu.memory_space<vmem>>) dst(%dma_wait3A_217 : memref<10240x64xf32, #tpu.memory_space<vmem_shared>>)
          tpu.yield
        }) : () -> ()
        %lt3A_156 = arith.constant 9 : i32
        %lt3A_157 = arith.cmpi slt, %scan3A_87, %lt3A_156 : i32
        %convert_element_type3A_158 = arith.extui %lt3A_157 : i1 to i32
        %cond3A_159 = arith.constant 0 : i32
        %cond3A_160 = arith.cmpi ne, %convert_element_type3A_158, %cond3A_159 : i32
        scf.if %cond3A_160 {
          %add3A_206 = arith.constant 8 : i32
          %add3A_207 = arith.addi %add3A_149, %add3A_206 : i32
          %dma_start3A_208 = arith.constant 0 : i32
          %dma_start3A_209 = tpu.memref_slice %arg6[%add3A_207, %dma_start3A_208] : memref<80x128xi32, #tpu.memory_space<vmem>> -> memref<1x128xi32, #tpu.memory_space<vmem>>
          %dma_start3A_210 = tpu.memref_squeeze %dma_start3A_209 : memref<1x128xi32, #tpu.memory_space<vmem>> -> memref<128xi32, #tpu.memory_space<vmem>>
          %dma_start3A_211 = arith.constant 0 : i32
          %dma_start3A_212 = arith.constant 0 : i32
          %dma_start3A_213 = tpu.memref_slice %arg2[%dma_start3A_211, %dma_start3A_212] : memref<10000x64xf32, #tpu.memory_space<hbm>> -> memref<10000x64xf32, #tpu.memory_space<hbm>>
          tpu.enqueue_indirect_dma source(%dma_start3A_213 : memref<10000x64xf32, #tpu.memory_space<hbm>>) target(%arg12 : memref<128x64xf32, #tpu.memory_space<vmem>>) offsets(%dma_start3A_210 : memref<128xi32, #tpu.memory_space<vmem>>) semaphore(%arg20 : memref<!tpu.dma_semaphore, #tpu.memory_space<semaphore_mem>>)
        } else {
        }
        %mul3A_161 = arith.constant 8 : i32
        %mul3A_162 = arith.muli %scan3A_87, %mul3A_161 : i32
        %add3A_163 = arith.constant 5 : i32
        %add3A_164 = arith.addi %mul3A_162, %add3A_163 : i32
        %dma_wait3A_165 = arith.constant 0 : i32
        %dma_wait3A_166 = tpu.memref_slice %arg6[%add3A_164, %dma_wait3A_165] : memref<80x128xi32, #tpu.memory_space<vmem>> -> memref<1x128xi32, #tpu.memory_space<vmem>>
        %dma_wait3A_167 = tpu.memref_squeeze %dma_wait3A_166 : memref<1x128xi32, #tpu.memory_space<vmem>> -> memref<128xi32, #tpu.memory_space<vmem>>
        %dma_wait3A_168 = arith.constant 0 : i32
        %dma_wait3A_169 = arith.constant 0 : i32
        %dma_wait3A_170 = tpu.memref_slice %arg2[%dma_wait3A_168, %dma_wait3A_169] : memref<10000x64xf32, #tpu.memory_space<hbm>> -> memref<10000x64xf32, #tpu.memory_space<hbm>>
        tpu.wait_indirect_dma semaphore(%arg21 : memref<!tpu.dma_semaphore, #tpu.memory_space<semaphore_mem>>) src(%dma_wait3A_170 : memref<10000x64xf32, #tpu.memory_space<hbm>>) dst(%arg13 : memref<128x64xf32, #tpu.memory_space<vmem>>)
        "tpu.region"() ({
          %run_scoped3A = tpu.sem_alloc : memref<!tpu.dma_semaphore, #tpu.memory_space<semaphore_mem>>
          %dma_start3A_206 = arith.constant 0 : i32
          %dma_start3A_207 = tpu.memref_slice %arg7[%add3A_164, %dma_start3A_206] : memref<80x128xi32, #tpu.memory_space<vmem>> -> memref<1x128xi32, #tpu.memory_space<vmem>>
          %dma_start3A_208 = tpu.memref_squeeze %dma_start3A_207 : memref<1x128xi32, #tpu.memory_space<vmem>> -> memref<128xi32, #tpu.memory_space<vmem>>
          %dma_start3A_209 = arith.constant 0 : i32
          %dma_start3A_210 = arith.constant 0 : i32
          %dma_start3A_211 = tpu.memref_slice %arg24[%dma_start3A_209, %dma_start3A_210] : memref<10240x64xf32, #tpu.memory_space<vmem_shared>> -> memref<10240x64xf32, #tpu.memory_space<vmem_shared>>
          tpu.enqueue_indirect_dma source(%arg13 : memref<128x64xf32, #tpu.memory_space<vmem>>) target(%dma_start3A_211 : memref<10240x64xf32, #tpu.memory_space<vmem_shared>>) offsets(%dma_start3A_208 : memref<128xi32, #tpu.memory_space<vmem>>) semaphore(%run_scoped3A : memref<!tpu.dma_semaphore, #tpu.memory_space<semaphore_mem>>) {add = true}
          %dma_wait3A_212 = arith.constant 0 : i32
          %dma_wait3A_213 = tpu.memref_slice %arg7[%add3A_164, %dma_wait3A_212] : memref<80x128xi32, #tpu.memory_space<vmem>> -> memref<1x128xi32, #tpu.memory_space<vmem>>
          %dma_wait3A_214 = tpu.memref_squeeze %dma_wait3A_213 : memref<1x128xi32, #tpu.memory_space<vmem>> -> memref<128xi32, #tpu.memory_space<vmem>>
          %dma_wait3A_215 = arith.constant 0 : i32
          %dma_wait3A_216 = arith.constant 0 : i32
          %dma_wait3A_217 = tpu.memref_slice %arg24[%dma_wait3A_215, %dma_wait3A_216] : memref<10240x64xf32, #tpu.memory_space<vmem_shared>> -> memref<10240x64xf32, #tpu.memory_space<vmem_shared>>
          tpu.wait_indirect_dma semaphore(%run_scoped3A : memref<!tpu.dma_semaphore, #tpu.memory_space<semaphore_mem>>) src(%arg13 : memref<128x64xf32, #tpu.memory_space<vmem>>) dst(%dma_wait3A_217 : memref<10240x64xf32, #tpu.memory_space<vmem_shared>>)
          tpu.yield
        }) : () -> ()
        %lt3A_171 = arith.constant 9 : i32
        %lt3A_172 = arith.cmpi slt, %scan3A_87, %lt3A_171 : i32
        %convert_element_type3A_173 = arith.extui %lt3A_172 : i1 to i32
        %cond3A_174 = arith.constant 0 : i32
        %cond3A_175 = arith.cmpi ne, %convert_element_type3A_173, %cond3A_174 : i32
        scf.if %cond3A_175 {
          %add3A_206 = arith.constant 8 : i32
          %add3A_207 = arith.addi %add3A_164, %add3A_206 : i32
          %dma_start3A_208 = arith.constant 0 : i32
          %dma_start3A_209 = tpu.memref_slice %arg6[%add3A_207, %dma_start3A_208] : memref<80x128xi32, #tpu.memory_space<vmem>> -> memref<1x128xi32, #tpu.memory_space<vmem>>
          %dma_start3A_210 = tpu.memref_squeeze %dma_start3A_209 : memref<1x128xi32, #tpu.memory_space<vmem>> -> memref<128xi32, #tpu.memory_space<vmem>>
          %dma_start3A_211 = arith.constant 0 : i32
          %dma_start3A_212 = arith.constant 0 : i32
          %dma_start3A_213 = tpu.memref_slice %arg2[%dma_start3A_211, %dma_start3A_212] : memref<10000x64xf32, #tpu.memory_space<hbm>> -> memref<10000x64xf32, #tpu.memory_space<hbm>>
          tpu.enqueue_indirect_dma source(%dma_start3A_213 : memref<10000x64xf32, #tpu.memory_space<hbm>>) target(%arg13 : memref<128x64xf32, #tpu.memory_space<vmem>>) offsets(%dma_start3A_210 : memref<128xi32, #tpu.memory_space<vmem>>) semaphore(%arg21 : memref<!tpu.dma_semaphore, #tpu.memory_space<semaphore_mem>>)
        } else {
        }
        %mul3A_176 = arith.constant 8 : i32
        %mul3A_177 = arith.muli %scan3A_87, %mul3A_176 : i32
        %add3A_178 = arith.constant 6 : i32
        %add3A_179 = arith.addi %mul3A_177, %add3A_178 : i32
        %dma_wait3A_180 = arith.constant 0 : i32
        %dma_wait3A_181 = tpu.memref_slice %arg6[%add3A_179, %dma_wait3A_180] : memref<80x128xi32, #tpu.memory_space<vmem>> -> memref<1x128xi32, #tpu.memory_space<vmem>>
        %dma_wait3A_182 = tpu.memref_squeeze %dma_wait3A_181 : memref<1x128xi32, #tpu.memory_space<vmem>> -> memref<128xi32, #tpu.memory_space<vmem>>
        %dma_wait3A_183 = arith.constant 0 : i32
        %dma_wait3A_184 = arith.constant 0 : i32
        %dma_wait3A_185 = tpu.memref_slice %arg2[%dma_wait3A_183, %dma_wait3A_184] : memref<10000x64xf32, #tpu.memory_space<hbm>> -> memref<10000x64xf32, #tpu.memory_space<hbm>>
        tpu.wait_indirect_dma semaphore(%arg22 : memref<!tpu.dma_semaphore, #tpu.memory_space<semaphore_mem>>) src(%dma_wait3A_185 : memref<10000x64xf32, #tpu.memory_space<hbm>>) dst(%arg14 : memref<128x64xf32, #tpu.memory_space<vmem>>)
        "tpu.region"() ({
          %run_scoped3A = tpu.sem_alloc : memref<!tpu.dma_semaphore, #tpu.memory_space<semaphore_mem>>
          %dma_start3A_206 = arith.constant 0 : i32
          %dma_start3A_207 = tpu.memref_slice %arg7[%add3A_179, %dma_start3A_206] : memref<80x128xi32, #tpu.memory_space<vmem>> -> memref<1x128xi32, #tpu.memory_space<vmem>>
          %dma_start3A_208 = tpu.memref_squeeze %dma_start3A_207 : memref<1x128xi32, #tpu.memory_space<vmem>> -> memref<128xi32, #tpu.memory_space<vmem>>
          %dma_start3A_209 = arith.constant 0 : i32
          %dma_start3A_210 = arith.constant 0 : i32
          %dma_start3A_211 = tpu.memref_slice %arg24[%dma_start3A_209, %dma_start3A_210] : memref<10240x64xf32, #tpu.memory_space<vmem_shared>> -> memref<10240x64xf32, #tpu.memory_space<vmem_shared>>
          tpu.enqueue_indirect_dma source(%arg14 : memref<128x64xf32, #tpu.memory_space<vmem>>) target(%dma_start3A_211 : memref<10240x64xf32, #tpu.memory_space<vmem_shared>>) offsets(%dma_start3A_208 : memref<128xi32, #tpu.memory_space<vmem>>) semaphore(%run_scoped3A : memref<!tpu.dma_semaphore, #tpu.memory_space<semaphore_mem>>) {add = true}
          %dma_wait3A_212 = arith.constant 0 : i32
          %dma_wait3A_213 = tpu.memref_slice %arg7[%add3A_179, %dma_wait3A_212] : memref<80x128xi32, #tpu.memory_space<vmem>> -> memref<1x128xi32, #tpu.memory_space<vmem>>
          %dma_wait3A_214 = tpu.memref_squeeze %dma_wait3A_213 : memref<1x128xi32, #tpu.memory_space<vmem>> -> memref<128xi32, #tpu.memory_space<vmem>>
          %dma_wait3A_215 = arith.constant 0 : i32
          %dma_wait3A_216 = arith.constant 0 : i32
          %dma_wait3A_217 = tpu.memref_slice %arg24[%dma_wait3A_215, %dma_wait3A_216] : memref<10240x64xf32, #tpu.memory_space<vmem_shared>> -> memref<10240x64xf32, #tpu.memory_space<vmem_shared>>
          tpu.wait_indirect_dma semaphore(%run_scoped3A : memref<!tpu.dma_semaphore, #tpu.memory_space<semaphore_mem>>) src(%arg14 : memref<128x64xf32, #tpu.memory_space<vmem>>) dst(%dma_wait3A_217 : memref<10240x64xf32, #tpu.memory_space<vmem_shared>>)
          tpu.yield
        }) : () -> ()
        %lt3A_186 = arith.constant 9 : i32
        %lt3A_187 = arith.cmpi slt, %scan3A_87, %lt3A_186 : i32
        %convert_element_type3A_188 = arith.extui %lt3A_187 : i1 to i32
        %cond3A_189 = arith.constant 0 : i32
        %cond3A_190 = arith.cmpi ne, %convert_element_type3A_188, %cond3A_189 : i32
        scf.if %cond3A_190 {
          %add3A_206 = arith.constant 8 : i32
          %add3A_207 = arith.addi %add3A_179, %add3A_206 : i32
          %dma_start3A_208 = arith.constant 0 : i32
          %dma_start3A_209 = tpu.memref_slice %arg6[%add3A_207, %dma_start3A_208] : memref<80x128xi32, #tpu.memory_space<vmem>> -> memref<1x128xi32, #tpu.memory_space<vmem>>
          %dma_start3A_210 = tpu.memref_squeeze %dma_start3A_209 : memref<1x128xi32, #tpu.memory_space<vmem>> -> memref<128xi32, #tpu.memory_space<vmem>>
          %dma_start3A_211 = arith.constant 0 : i32
          %dma_start3A_212 = arith.constant 0 : i32
          %dma_start3A_213 = tpu.memref_slice %arg2[%dma_start3A_211, %dma_start3A_212] : memref<10000x64xf32, #tpu.memory_space<hbm>> -> memref<10000x64xf32, #tpu.memory_space<hbm>>
          tpu.enqueue_indirect_dma source(%dma_start3A_213 : memref<10000x64xf32, #tpu.memory_space<hbm>>) target(%arg14 : memref<128x64xf32, #tpu.memory_space<vmem>>) offsets(%dma_start3A_210 : memref<128xi32, #tpu.memory_space<vmem>>) semaphore(%arg22 : memref<!tpu.dma_semaphore, #tpu.memory_space<semaphore_mem>>)
        } else {
        }
        %mul3A_191 = arith.constant 8 : i32
        %mul3A_192 = arith.muli %scan3A_87, %mul3A_191 : i32
        %add3A_193 = arith.constant 7 : i32
        %add3A_194 = arith.addi %mul3A_192, %add3A_193 : i32
        %dma_wait3A_195 = arith.constant 0 : i32
        %dma_wait3A_196 = tpu.memref_slice %arg6[%add3A_194, %dma_wait3A_195] : memref<80x128xi32, #tpu.memory_space<vmem>> -> memref<1x128xi32, #tpu.memory_space<vmem>>
        %dma_wait3A_197 = tpu.memref_squeeze %dma_wait3A_196 : memref<1x128xi32, #tpu.memory_space<vmem>> -> memref<128xi32, #tpu.memory_space<vmem>>
        %dma_wait3A_198 = arith.constant 0 : i32
        %dma_wait3A_199 = arith.constant 0 : i32
        %dma_wait3A_200 = tpu.memref_slice %arg2[%dma_wait3A_198, %dma_wait3A_199] : memref<10000x64xf32, #tpu.memory_space<hbm>> -> memref<10000x64xf32, #tpu.memory_space<hbm>>
        tpu.wait_indirect_dma semaphore(%arg23 : memref<!tpu.dma_semaphore, #tpu.memory_space<semaphore_mem>>) src(%dma_wait3A_200 : memref<10000x64xf32, #tpu.memory_space<hbm>>) dst(%arg15 : memref<128x64xf32, #tpu.memory_space<vmem>>)
        "tpu.region"() ({
          %run_scoped3A = tpu.sem_alloc : memref<!tpu.dma_semaphore, #tpu.memory_space<semaphore_mem>>
          %dma_start3A_206 = arith.constant 0 : i32
          %dma_start3A_207 = tpu.memref_slice %arg7[%add3A_194, %dma_start3A_206] : memref<80x128xi32, #tpu.memory_space<vmem>> -> memref<1x128xi32, #tpu.memory_space<vmem>>
          %dma_start3A_208 = tpu.memref_squeeze %dma_start3A_207 : memref<1x128xi32, #tpu.memory_space<vmem>> -> memref<128xi32, #tpu.memory_space<vmem>>
          %dma_start3A_209 = arith.constant 0 : i32
          %dma_start3A_210 = arith.constant 0 : i32
          %dma_start3A_211 = tpu.memref_slice %arg24[%dma_start3A_209, %dma_start3A_210] : memref<10240x64xf32, #tpu.memory_space<vmem_shared>> -> memref<10240x64xf32, #tpu.memory_space<vmem_shared>>
          tpu.enqueue_indirect_dma source(%arg15 : memref<128x64xf32, #tpu.memory_space<vmem>>) target(%dma_start3A_211 : memref<10240x64xf32, #tpu.memory_space<vmem_shared>>) offsets(%dma_start3A_208 : memref<128xi32, #tpu.memory_space<vmem>>) semaphore(%run_scoped3A : memref<!tpu.dma_semaphore, #tpu.memory_space<semaphore_mem>>) {add = true}
          %dma_wait3A_212 = arith.constant 0 : i32
          %dma_wait3A_213 = tpu.memref_slice %arg7[%add3A_194, %dma_wait3A_212] : memref<80x128xi32, #tpu.memory_space<vmem>> -> memref<1x128xi32, #tpu.memory_space<vmem>>
          %dma_wait3A_214 = tpu.memref_squeeze %dma_wait3A_213 : memref<1x128xi32, #tpu.memory_space<vmem>> -> memref<128xi32, #tpu.memory_space<vmem>>
          %dma_wait3A_215 = arith.constant 0 : i32
          %dma_wait3A_216 = arith.constant 0 : i32
          %dma_wait3A_217 = tpu.memref_slice %arg24[%dma_wait3A_215, %dma_wait3A_216] : memref<10240x64xf32, #tpu.memory_space<vmem_shared>> -> memref<10240x64xf32, #tpu.memory_space<vmem_shared>>
          tpu.wait_indirect_dma semaphore(%run_scoped3A : memref<!tpu.dma_semaphore, #tpu.memory_space<semaphore_mem>>) src(%arg15 : memref<128x64xf32, #tpu.memory_space<vmem>>) dst(%dma_wait3A_217 : memref<10240x64xf32, #tpu.memory_space<vmem_shared>>)
          tpu.yield
        }) : () -> ()
        %lt3A_201 = arith.constant 9 : i32
        %lt3A_202 = arith.cmpi slt, %scan3A_87, %lt3A_201 : i32
        %convert_element_type3A_203 = arith.extui %lt3A_202 : i1 to i32
        %cond3A_204 = arith.constant 0 : i32
        %cond3A_205 = arith.cmpi ne, %convert_element_type3A_203, %cond3A_204 : i32
        scf.if %cond3A_205 {
          %add3A_206 = arith.constant 8 : i32
          %add3A_207 = arith.addi %add3A_194, %add3A_206 : i32
          %dma_start3A_208 = arith.constant 0 : i32
          %dma_start3A_209 = tpu.memref_slice %arg6[%add3A_207, %dma_start3A_208] : memref<80x128xi32, #tpu.memory_space<vmem>> -> memref<1x128xi32, #tpu.memory_space<vmem>>
          %dma_start3A_210 = tpu.memref_squeeze %dma_start3A_209 : memref<1x128xi32, #tpu.memory_space<vmem>> -> memref<128xi32, #tpu.memory_space<vmem>>
          %dma_start3A_211 = arith.constant 0 : i32
          %dma_start3A_212 = arith.constant 0 : i32
          %dma_start3A_213 = tpu.memref_slice %arg2[%dma_start3A_211, %dma_start3A_212] : memref<10000x64xf32, #tpu.memory_space<hbm>> -> memref<10000x64xf32, #tpu.memory_space<hbm>>
          tpu.enqueue_indirect_dma source(%dma_start3A_213 : memref<10000x64xf32, #tpu.memory_space<hbm>>) target(%arg15 : memref<128x64xf32, #tpu.memory_space<vmem>>) offsets(%dma_start3A_210 : memref<128xi32, #tpu.memory_space<vmem>>) semaphore(%arg23 : memref<!tpu.dma_semaphore, #tpu.memory_space<semaphore_mem>>)
        } else {
        }
      }
      %scan3A_86 = arith.constant 10 : i32
    } else {
    }
    %eq3A_13 = arith.constant 1 : i32
    %eq3A_14 = arith.cmpi eq, %arg0, %eq3A_13 : i32
    %convert_element_type3A_15 = arith.extui %eq3A_14 : i1 to i32
    %cond3A_16 = arith.constant 0 : i32
    %cond3A_17 = arith.cmpi ne, %convert_element_type3A_15, %cond3A_16 : i32
    scf.if %cond3A_17 {
      %mul3A_24 = arith.constant 80 : i32
      %mul3A_25 = arith.muli %arg1, %mul3A_24 : i32
      %add3A_26 = arith.constant 1280 : i32
      %add3A_27 = arith.addi %add3A_26, %mul3A_25 : i32
      "tpu.region"() ({
        %run_scoped3A = tpu.sem_alloc : memref<!tpu.dma_semaphore, #tpu.memory_space<semaphore_mem>>
        %dma_start3A_89 = arith.constant 0 : i32
        %dma_start3A_90 = arith.constant 0 : i32
        %dma_start3A_91 = tpu.memref_slice %arg6[%dma_start3A_89, %dma_start3A_90] : memref<80x128xi32, #tpu.memory_space<vmem>> -> memref<80x128xi32, #tpu.memory_space<vmem>>
        %dma_start3A_92 = arith.constant 0 : i32
        %dma_start3A_93 = tpu.memref_slice %arg3[%add3A_27, %dma_start3A_92] : memref<2560x128xi32, #tpu.memory_space<hbm>> -> memref<80x128xi32, #tpu.memory_space<hbm>>
        %dma_start3A_94 = arith.constant 0 : i32
        %dma_start3A_95 = arith.constant 0 : i32
        %dma_start3A_96 = tpu.memref_slice %arg6[%dma_start3A_94, %dma_start3A_95] : memref<80x128xi32, #tpu.memory_space<vmem>> -> memref<80x128xi32, #tpu.memory_space<vmem>>
        %dma_start3A_97 = arith.constant 0 : i32
        %dma_start3A_98 = tpu.memref_slice %arg3[%add3A_27, %dma_start3A_97] : memref<2560x128xi32, #tpu.memory_space<hbm>> -> memref<80x128xi32, #tpu.memory_space<hbm>>
        tpu.enqueue_dma source(%dma_start3A_98 : memref<80x128xi32, #tpu.memory_space<hbm>>) target(%dma_start3A_96 : memref<80x128xi32, #tpu.memory_space<vmem>>) target_semaphore(%run_scoped3A : memref<!tpu.dma_semaphore, #tpu.memory_space<semaphore_mem>>)
        %dma_wait3A = arith.constant 0 : i32
        %dma_wait3A_99 = arith.constant 0 : i32
        %dma_wait3A_100 = tpu.memref_slice %arg6[%dma_wait3A, %dma_wait3A_99] : memref<80x128xi32, #tpu.memory_space<vmem>> -> memref<80x128xi32, #tpu.memory_space<vmem>>
        %dma_wait3A_101 = arith.constant 0 : i32
        %dma_wait3A_102 = tpu.memref_slice %arg3[%add3A_27, %dma_wait3A_101] : memref<2560x128xi32, #tpu.memory_space<hbm>> -> memref<80x128xi32, #tpu.memory_space<hbm>>
        %dma_wait3A_103 = arith.constant 0 : i32
        %dma_wait3A_104 = arith.constant 0 : i32
        %dma_wait3A_105 = tpu.memref_slice %arg6[%dma_wait3A_103, %dma_wait3A_104] : memref<80x128xi32, #tpu.memory_space<vmem>> -> memref<80x128xi32, #tpu.memory_space<vmem>>
        %dma_wait3A_106 = arith.constant 0 : i32
        %dma_wait3A_107 = tpu.memref_slice %arg3[%add3A_27, %dma_wait3A_106] : memref<2560x128xi32, #tpu.memory_space<hbm>> -> memref<80x128xi32, #tpu.memory_space<hbm>>
        tpu.wait_dma2 semaphore(%run_scoped3A : memref<!tpu.dma_semaphore, #tpu.memory_space<semaphore_mem>>) src(%dma_wait3A_107 : memref<80x128xi32, #tpu.memory_space<hbm>>) dst(%dma_wait3A_105 : memref<80x128xi32, #tpu.memory_space<vmem>>)
        tpu.yield
      }) : () -> ()
      "tpu.region"() ({
        %run_scoped3A = tpu.sem_alloc : memref<!tpu.dma_semaphore, #tpu.memory_space<semaphore_mem>>
        %dma_start3A_89 = arith.constant 0 : i32
        %dma_start3A_90 = arith.constant 0 : i32
        %dma_start3A_91 = tpu.memref_slice %arg7[%dma_start3A_89, %dma_start3A_90] : memref<80x128xi32, #tpu.memory_space<vmem>> -> memref<80x128xi32, #tpu.memory_space<vmem>>
        %dma_start3A_92 = arith.constant 0 : i32
        %dma_start3A_93 = tpu.memref_slice %arg4[%add3A_27, %dma_start3A_92] : memref<2560x128xi32, #tpu.memory_space<hbm>> -> memref<80x128xi32, #tpu.memory_space<hbm>>
        %dma_start3A_94 = arith.constant 0 : i32
        %dma_start3A_95 = arith.constant 0 : i32
        %dma_start3A_96 = tpu.memref_slice %arg7[%dma_start3A_94, %dma_start3A_95] : memref<80x128xi32, #tpu.memory_space<vmem>> -> memref<80x128xi32, #tpu.memory_space<vmem>>
        %dma_start3A_97 = arith.constant 0 : i32
        %dma_start3A_98 = tpu.memref_slice %arg4[%add3A_27, %dma_start3A_97] : memref<2560x128xi32, #tpu.memory_space<hbm>> -> memref<80x128xi32, #tpu.memory_space<hbm>>
        tpu.enqueue_dma source(%dma_start3A_98 : memref<80x128xi32, #tpu.memory_space<hbm>>) target(%dma_start3A_96 : memref<80x128xi32, #tpu.memory_space<vmem>>) target_semaphore(%run_scoped3A : memref<!tpu.dma_semaphore, #tpu.memory_space<semaphore_mem>>)
        %dma_wait3A = arith.constant 0 : i32
        %dma_wait3A_99 = arith.constant 0 : i32
        %dma_wait3A_100 = tpu.memref_slice %arg7[%dma_wait3A, %dma_wait3A_99] : memref<80x128xi32, #tpu.memory_space<vmem>> -> memref<80x128xi32, #tpu.memory_space<vmem>>
        %dma_wait3A_101 = arith.constant 0 : i32
        %dma_wait3A_102 = tpu.memref_slice %arg4[%add3A_27, %dma_wait3A_101] : memref<2560x128xi32, #tpu.memory_space<hbm>> -> memref<80x128xi32, #tpu.memory_space<hbm>>
        %dma_wait3A_103 = arith.constant 0 : i32
        %dma_wait3A_104 = arith.constant 0 : i32
        %dma_wait3A_105 = tpu.memref_slice %arg7[%dma_wait3A_103, %dma_wait3A_104] : memref<80x128xi32, #tpu.memory_space<vmem>> -> memref<80x128xi32, #tpu.memory_space<vmem>>
        %dma_wait3A_106 = arith.constant 0 : i32
        %dma_wait3A_107 = tpu.memref_slice %arg4[%add3A_27, %dma_wait3A_106] : memref<2560x128xi32, #tpu.memory_space<hbm>> -> memref<80x128xi32, #tpu.memory_space<hbm>>
        tpu.wait_dma2 semaphore(%run_scoped3A : memref<!tpu.dma_semaphore, #tpu.memory_space<semaphore_mem>>) src(%dma_wait3A_107 : memref<80x128xi32, #tpu.memory_space<hbm>>) dst(%dma_wait3A_105 : memref<80x128xi32, #tpu.memory_space<vmem>>)
        tpu.yield
      }) : () -> ()
      %dma_start3A = arith.constant 0 : i32
      %dma_start3A_28 = arith.constant 0 : i32
      %dma_start3A_29 = tpu.memref_slice %arg6[%dma_start3A, %dma_start3A_28] : memref<80x128xi32, #tpu.memory_space<vmem>> -> memref<1x128xi32, #tpu.memory_space<vmem>>
      %dma_start3A_30 = tpu.memref_squeeze %dma_start3A_29 : memref<1x128xi32, #tpu.memory_space<vmem>> -> memref<128xi32, #tpu.memory_space<vmem>>
      %dma_start3A_31 = arith.constant 0 : i32
      %dma_start3A_32 = arith.constant 0 : i32
      %dma_start3A_33 = tpu.memref_slice %arg2[%dma_start3A_31, %dma_start3A_32] : memref<10000x64xf32, #tpu.memory_space<hbm>> -> memref<10000x64xf32, #tpu.memory_space<hbm>>
      tpu.enqueue_indirect_dma source(%dma_start3A_33 : memref<10000x64xf32, #tpu.memory_space<hbm>>) target(%arg8 : memref<128x64xf32, #tpu.memory_space<vmem>>) offsets(%dma_start3A_30 : memref<128xi32, #tpu.memory_space<vmem>>) semaphore(%arg16 : memref<!tpu.dma_semaphore, #tpu.memory_space<semaphore_mem>>)
      %dma_start3A_34 = arith.constant 1 : i32
      %dma_start3A_35 = arith.constant 0 : i32
      %dma_start3A_36 = tpu.memref_slice %arg6[%dma_start3A_34, %dma_start3A_35] : memref<80x128xi32, #tpu.memory_space<vmem>> -> memref<1x128xi32, #tpu.memory_space<vmem>>
      %dma_start3A_37 = tpu.memref_squeeze %dma_start3A_36 : memref<1x128xi32, #tpu.memory_space<vmem>> -> memref<128xi32, #tpu.memory_space<vmem>>
      %dma_start3A_38 = arith.constant 0 : i32
      %dma_start3A_39 = arith.constant 0 : i32
      %dma_start3A_40 = tpu.memref_slice %arg2[%dma_start3A_38, %dma_start3A_39] : memref<10000x64xf32, #tpu.memory_space<hbm>> -> memref<10000x64xf32, #tpu.memory_space<hbm>>
      tpu.enqueue_indirect_dma source(%dma_start3A_40 : memref<10000x64xf32, #tpu.memory_space<hbm>>) target(%arg9 : memref<128x64xf32, #tpu.memory_space<vmem>>) offsets(%dma_start3A_37 : memref<128xi32, #tpu.memory_space<vmem>>) semaphore(%arg17 : memref<!tpu.dma_semaphore, #tpu.memory_space<semaphore_mem>>)
      %dma_start3A_41 = arith.constant 2 : i32
      %dma_start3A_42 = arith.constant 0 : i32
      %dma_start3A_43 = tpu.memref_slice %arg6[%dma_start3A_41, %dma_start3A_42] : memref<80x128xi32, #tpu.memory_space<vmem>> -> memref<1x128xi32, #tpu.memory_space<vmem>>
      %dma_start3A_44 = tpu.memref_squeeze %dma_start3A_43 : memref<1x128xi32, #tpu.memory_space<vmem>> -> memref<128xi32, #tpu.memory_space<vmem>>
      %dma_start3A_45 = arith.constant 0 : i32
      %dma_start3A_46 = arith.constant 0 : i32
      %dma_start3A_47 = tpu.memref_slice %arg2[%dma_start3A_45, %dma_start3A_46] : memref<10000x64xf32, #tpu.memory_space<hbm>> -> memref<10000x64xf32, #tpu.memory_space<hbm>>
      tpu.enqueue_indirect_dma source(%dma_start3A_47 : memref<10000x64xf32, #tpu.memory_space<hbm>>) target(%arg10 : memref<128x64xf32, #tpu.memory_space<vmem>>) offsets(%dma_start3A_44 : memref<128xi32, #tpu.memory_space<vmem>>) semaphore(%arg18 : memref<!tpu.dma_semaphore, #tpu.memory_space<semaphore_mem>>)
      %dma_start3A_48 = arith.constant 3 : i32
      %dma_start3A_49 = arith.constant 0 : i32
      %dma_start3A_50 = tpu.memref_slice %arg6[%dma_start3A_48, %dma_start3A_49] : memref<80x128xi32, #tpu.memory_space<vmem>> -> memref<1x128xi32, #tpu.memory_space<vmem>>
      %dma_start3A_51 = tpu.memref_squeeze %dma_start3A_50 : memref<1x128xi32, #tpu.memory_space<vmem>> -> memref<128xi32, #tpu.memory_space<vmem>>
      %dma_start3A_52 = arith.constant 0 : i32
      %dma_start3A_53 = arith.constant 0 : i32
      %dma_start3A_54 = tpu.memref_slice %arg2[%dma_start3A_52, %dma_start3A_53] : memref<10000x64xf32, #tpu.memory_space<hbm>> -> memref<10000x64xf32, #tpu.memory_space<hbm>>
      tpu.enqueue_indirect_dma source(%dma_start3A_54 : memref<10000x64xf32, #tpu.memory_space<hbm>>) target(%arg11 : memref<128x64xf32, #tpu.memory_space<vmem>>) offsets(%dma_start3A_51 : memref<128xi32, #tpu.memory_space<vmem>>) semaphore(%arg19 : memref<!tpu.dma_semaphore, #tpu.memory_space<semaphore_mem>>)
      %dma_start3A_55 = arith.constant 4 : i32
      %dma_start3A_56 = arith.constant 0 : i32
      %dma_start3A_57 = tpu.memref_slice %arg6[%dma_start3A_55, %dma_start3A_56] : memref<80x128xi32, #tpu.memory_space<vmem>> -> memref<1x128xi32, #tpu.memory_space<vmem>>
      %dma_start3A_58 = tpu.memref_squeeze %dma_start3A_57 : memref<1x128xi32, #tpu.memory_space<vmem>> -> memref<128xi32, #tpu.memory_space<vmem>>
      %dma_start3A_59 = arith.constant 0 : i32
      %dma_start3A_60 = arith.constant 0 : i32
      %dma_start3A_61 = tpu.memref_slice %arg2[%dma_start3A_59, %dma_start3A_60] : memref<10000x64xf32, #tpu.memory_space<hbm>> -> memref<10000x64xf32, #tpu.memory_space<hbm>>
      tpu.enqueue_indirect_dma source(%dma_start3A_61 : memref<10000x64xf32, #tpu.memory_space<hbm>>) target(%arg12 : memref<128x64xf32, #tpu.memory_space<vmem>>) offsets(%dma_start3A_58 : memref<128xi32, #tpu.memory_space<vmem>>) semaphore(%arg20 : memref<!tpu.dma_semaphore, #tpu.memory_space<semaphore_mem>>)
      %dma_start3A_62 = arith.constant 5 : i32
      %dma_start3A_63 = arith.constant 0 : i32
      %dma_start3A_64 = tpu.memref_slice %arg6[%dma_start3A_62, %dma_start3A_63] : memref<80x128xi32, #tpu.memory_space<vmem>> -> memref<1x128xi32, #tpu.memory_space<vmem>>
      %dma_start3A_65 = tpu.memref_squeeze %dma_start3A_64 : memref<1x128xi32, #tpu.memory_space<vmem>> -> memref<128xi32, #tpu.memory_space<vmem>>
      %dma_start3A_66 = arith.constant 0 : i32
      %dma_start3A_67 = arith.constant 0 : i32
      %dma_start3A_68 = tpu.memref_slice %arg2[%dma_start3A_66, %dma_start3A_67] : memref<10000x64xf32, #tpu.memory_space<hbm>> -> memref<10000x64xf32, #tpu.memory_space<hbm>>
      tpu.enqueue_indirect_dma source(%dma_start3A_68 : memref<10000x64xf32, #tpu.memory_space<hbm>>) target(%arg13 : memref<128x64xf32, #tpu.memory_space<vmem>>) offsets(%dma_start3A_65 : memref<128xi32, #tpu.memory_space<vmem>>) semaphore(%arg21 : memref<!tpu.dma_semaphore, #tpu.memory_space<semaphore_mem>>)
      %dma_start3A_69 = arith.constant 6 : i32
      %dma_start3A_70 = arith.constant 0 : i32
      %dma_start3A_71 = tpu.memref_slice %arg6[%dma_start3A_69, %dma_start3A_70] : memref<80x128xi32, #tpu.memory_space<vmem>> -> memref<1x128xi32, #tpu.memory_space<vmem>>
      %dma_start3A_72 = tpu.memref_squeeze %dma_start3A_71 : memref<1x128xi32, #tpu.memory_space<vmem>> -> memref<128xi32, #tpu.memory_space<vmem>>
      %dma_start3A_73 = arith.constant 0 : i32
      %dma_start3A_74 = arith.constant 0 : i32
      %dma_start3A_75 = tpu.memref_slice %arg2[%dma_start3A_73, %dma_start3A_74] : memref<10000x64xf32, #tpu.memory_space<hbm>> -> memref<10000x64xf32, #tpu.memory_space<hbm>>
      tpu.enqueue_indirect_dma source(%dma_start3A_75 : memref<10000x64xf32, #tpu.memory_space<hbm>>) target(%arg14 : memref<128x64xf32, #tpu.memory_space<vmem>>) offsets(%dma_start3A_72 : memref<128xi32, #tpu.memory_space<vmem>>) semaphore(%arg22 : memref<!tpu.dma_semaphore, #tpu.memory_space<semaphore_mem>>)
      %dma_start3A_76 = arith.constant 7 : i32
      %dma_start3A_77 = arith.constant 0 : i32
      %dma_start3A_78 = tpu.memref_slice %arg6[%dma_start3A_76, %dma_start3A_77] : memref<80x128xi32, #tpu.memory_space<vmem>> -> memref<1x128xi32, #tpu.memory_space<vmem>>
      %dma_start3A_79 = tpu.memref_squeeze %dma_start3A_78 : memref<1x128xi32, #tpu.memory_space<vmem>> -> memref<128xi32, #tpu.memory_space<vmem>>
      %dma_start3A_80 = arith.constant 0 : i32
      %dma_start3A_81 = arith.constant 0 : i32
      %dma_start3A_82 = tpu.memref_slice %arg2[%dma_start3A_80, %dma_start3A_81] : memref<10000x64xf32, #tpu.memory_space<hbm>> -> memref<10000x64xf32, #tpu.memory_space<hbm>>
      tpu.enqueue_indirect_dma source(%dma_start3A_82 : memref<10000x64xf32, #tpu.memory_space<hbm>>) target(%arg15 : memref<128x64xf32, #tpu.memory_space<vmem>>) offsets(%dma_start3A_79 : memref<128xi32, #tpu.memory_space<vmem>>) semaphore(%arg23 : memref<!tpu.dma_semaphore, #tpu.memory_space<semaphore_mem>>)
      %scan3A_83 = arith.constant 0 : i32
      %scan3A_84 = arith.constant 0 : i32
      %scan3A_85 = arith.constant 10 : i32
      %scan3A_86 = arith.addi %scan3A_84, %scan3A_85 : i32
      %scan3A_87 = arith.constant 1 : i32
      scf.for %scan3A_89 = %scan3A_84 to %scan3A_86 step %scan3A_87  : i32 {
        %mul3A_90 = arith.constant 8 : i32
        %mul3A_91 = arith.muli %scan3A_89, %mul3A_90 : i32
        %add3A_92 = arith.constant 0 : i32
        %add3A_93 = arith.addi %mul3A_91, %add3A_92 : i32
        %dma_wait3A = arith.constant 0 : i32
        %dma_wait3A_94 = tpu.memref_slice %arg6[%add3A_93, %dma_wait3A] : memref<80x128xi32, #tpu.memory_space<vmem>> -> memref<1x128xi32, #tpu.memory_space<vmem>>
        %dma_wait3A_95 = tpu.memref_squeeze %dma_wait3A_94 : memref<1x128xi32, #tpu.memory_space<vmem>> -> memref<128xi32, #tpu.memory_space<vmem>>
        %dma_wait3A_96 = arith.constant 0 : i32
        %dma_wait3A_97 = arith.constant 0 : i32
        %dma_wait3A_98 = tpu.memref_slice %arg2[%dma_wait3A_96, %dma_wait3A_97] : memref<10000x64xf32, #tpu.memory_space<hbm>> -> memref<10000x64xf32, #tpu.memory_space<hbm>>
        tpu.wait_indirect_dma semaphore(%arg16 : memref<!tpu.dma_semaphore, #tpu.memory_space<semaphore_mem>>) src(%dma_wait3A_98 : memref<10000x64xf32, #tpu.memory_space<hbm>>) dst(%arg8 : memref<128x64xf32, #tpu.memory_space<vmem>>)
        "tpu.region"() ({
          %run_scoped3A = tpu.sem_alloc : memref<!tpu.dma_semaphore, #tpu.memory_space<semaphore_mem>>
          %dma_start3A_208 = arith.constant 0 : i32
          %dma_start3A_209 = tpu.memref_slice %arg7[%add3A_93, %dma_start3A_208] : memref<80x128xi32, #tpu.memory_space<vmem>> -> memref<1x128xi32, #tpu.memory_space<vmem>>
          %dma_start3A_210 = tpu.memref_squeeze %dma_start3A_209 : memref<1x128xi32, #tpu.memory_space<vmem>> -> memref<128xi32, #tpu.memory_space<vmem>>
          %dma_start3A_211 = arith.constant 0 : i32
          %dma_start3A_212 = arith.constant 0 : i32
          %dma_start3A_213 = tpu.memref_slice %arg24[%dma_start3A_211, %dma_start3A_212] : memref<10240x64xf32, #tpu.memory_space<vmem_shared>> -> memref<10240x64xf32, #tpu.memory_space<vmem_shared>>
          tpu.enqueue_indirect_dma source(%arg8 : memref<128x64xf32, #tpu.memory_space<vmem>>) target(%dma_start3A_213 : memref<10240x64xf32, #tpu.memory_space<vmem_shared>>) offsets(%dma_start3A_210 : memref<128xi32, #tpu.memory_space<vmem>>) semaphore(%run_scoped3A : memref<!tpu.dma_semaphore, #tpu.memory_space<semaphore_mem>>) {add = true}
          %dma_wait3A_214 = arith.constant 0 : i32
          %dma_wait3A_215 = tpu.memref_slice %arg7[%add3A_93, %dma_wait3A_214] : memref<80x128xi32, #tpu.memory_space<vmem>> -> memref<1x128xi32, #tpu.memory_space<vmem>>
          %dma_wait3A_216 = tpu.memref_squeeze %dma_wait3A_215 : memref<1x128xi32, #tpu.memory_space<vmem>> -> memref<128xi32, #tpu.memory_space<vmem>>
          %dma_wait3A_217 = arith.constant 0 : i32
          %dma_wait3A_218 = arith.constant 0 : i32
          %dma_wait3A_219 = tpu.memref_slice %arg24[%dma_wait3A_217, %dma_wait3A_218] : memref<10240x64xf32, #tpu.memory_space<vmem_shared>> -> memref<10240x64xf32, #tpu.memory_space<vmem_shared>>
          tpu.wait_indirect_dma semaphore(%run_scoped3A : memref<!tpu.dma_semaphore, #tpu.memory_space<semaphore_mem>>) src(%arg8 : memref<128x64xf32, #tpu.memory_space<vmem>>) dst(%dma_wait3A_219 : memref<10240x64xf32, #tpu.memory_space<vmem_shared>>)
          tpu.yield
        }) : () -> ()
        %lt3A = arith.constant 9 : i32
        %lt3A_99 = arith.cmpi slt, %scan3A_89, %lt3A : i32
        %convert_element_type3A_100 = arith.extui %lt3A_99 : i1 to i32
        %cond3A_101 = arith.constant 0 : i32
        %cond3A_102 = arith.cmpi ne, %convert_element_type3A_100, %cond3A_101 : i32
        scf.if %cond3A_102 {
          %add3A_208 = arith.constant 8 : i32
          %add3A_209 = arith.addi %add3A_93, %add3A_208 : i32
          %dma_start3A_210 = arith.constant 0 : i32
          %dma_start3A_211 = tpu.memref_slice %arg6[%add3A_209, %dma_start3A_210] : memref<80x128xi32, #tpu.memory_space<vmem>> -> memref<1x128xi32, #tpu.memory_space<vmem>>
          %dma_start3A_212 = tpu.memref_squeeze %dma_start3A_211 : memref<1x128xi32, #tpu.memory_space<vmem>> -> memref<128xi32, #tpu.memory_space<vmem>>
          %dma_start3A_213 = arith.constant 0 : i32
          %dma_start3A_214 = arith.constant 0 : i32
          %dma_start3A_215 = tpu.memref_slice %arg2[%dma_start3A_213, %dma_start3A_214] : memref<10000x64xf32, #tpu.memory_space<hbm>> -> memref<10000x64xf32, #tpu.memory_space<hbm>>
          tpu.enqueue_indirect_dma source(%dma_start3A_215 : memref<10000x64xf32, #tpu.memory_space<hbm>>) target(%arg8 : memref<128x64xf32, #tpu.memory_space<vmem>>) offsets(%dma_start3A_212 : memref<128xi32, #tpu.memory_space<vmem>>) semaphore(%arg16 : memref<!tpu.dma_semaphore, #tpu.memory_space<semaphore_mem>>)
        } else {
        }
        %mul3A_103 = arith.constant 8 : i32
        %mul3A_104 = arith.muli %scan3A_89, %mul3A_103 : i32
        %add3A_105 = arith.constant 1 : i32
        %add3A_106 = arith.addi %mul3A_104, %add3A_105 : i32
        %dma_wait3A_107 = arith.constant 0 : i32
        %dma_wait3A_108 = tpu.memref_slice %arg6[%add3A_106, %dma_wait3A_107] : memref<80x128xi32, #tpu.memory_space<vmem>> -> memref<1x128xi32, #tpu.memory_space<vmem>>
        %dma_wait3A_109 = tpu.memref_squeeze %dma_wait3A_108 : memref<1x128xi32, #tpu.memory_space<vmem>> -> memref<128xi32, #tpu.memory_space<vmem>>
        %dma_wait3A_110 = arith.constant 0 : i32
        %dma_wait3A_111 = arith.constant 0 : i32
        %dma_wait3A_112 = tpu.memref_slice %arg2[%dma_wait3A_110, %dma_wait3A_111] : memref<10000x64xf32, #tpu.memory_space<hbm>> -> memref<10000x64xf32, #tpu.memory_space<hbm>>
        tpu.wait_indirect_dma semaphore(%arg17 : memref<!tpu.dma_semaphore, #tpu.memory_space<semaphore_mem>>) src(%dma_wait3A_112 : memref<10000x64xf32, #tpu.memory_space<hbm>>) dst(%arg9 : memref<128x64xf32, #tpu.memory_space<vmem>>)
        "tpu.region"() ({
          %run_scoped3A = tpu.sem_alloc : memref<!tpu.dma_semaphore, #tpu.memory_space<semaphore_mem>>
          %dma_start3A_208 = arith.constant 0 : i32
          %dma_start3A_209 = tpu.memref_slice %arg7[%add3A_106, %dma_start3A_208] : memref<80x128xi32, #tpu.memory_space<vmem>> -> memref<1x128xi32, #tpu.memory_space<vmem>>
          %dma_start3A_210 = tpu.memref_squeeze %dma_start3A_209 : memref<1x128xi32, #tpu.memory_space<vmem>> -> memref<128xi32, #tpu.memory_space<vmem>>
          %dma_start3A_211 = arith.constant 0 : i32
          %dma_start3A_212 = arith.constant 0 : i32
          %dma_start3A_213 = tpu.memref_slice %arg24[%dma_start3A_211, %dma_start3A_212] : memref<10240x64xf32, #tpu.memory_space<vmem_shared>> -> memref<10240x64xf32, #tpu.memory_space<vmem_shared>>
          tpu.enqueue_indirect_dma source(%arg9 : memref<128x64xf32, #tpu.memory_space<vmem>>) target(%dma_start3A_213 : memref<10240x64xf32, #tpu.memory_space<vmem_shared>>) offsets(%dma_start3A_210 : memref<128xi32, #tpu.memory_space<vmem>>) semaphore(%run_scoped3A : memref<!tpu.dma_semaphore, #tpu.memory_space<semaphore_mem>>) {add = true}
          %dma_wait3A_214 = arith.constant 0 : i32
          %dma_wait3A_215 = tpu.memref_slice %arg7[%add3A_106, %dma_wait3A_214] : memref<80x128xi32, #tpu.memory_space<vmem>> -> memref<1x128xi32, #tpu.memory_space<vmem>>
          %dma_wait3A_216 = tpu.memref_squeeze %dma_wait3A_215 : memref<1x128xi32, #tpu.memory_space<vmem>> -> memref<128xi32, #tpu.memory_space<vmem>>
          %dma_wait3A_217 = arith.constant 0 : i32
          %dma_wait3A_218 = arith.constant 0 : i32
          %dma_wait3A_219 = tpu.memref_slice %arg24[%dma_wait3A_217, %dma_wait3A_218] : memref<10240x64xf32, #tpu.memory_space<vmem_shared>> -> memref<10240x64xf32, #tpu.memory_space<vmem_shared>>
          tpu.wait_indirect_dma semaphore(%run_scoped3A : memref<!tpu.dma_semaphore, #tpu.memory_space<semaphore_mem>>) src(%arg9 : memref<128x64xf32, #tpu.memory_space<vmem>>) dst(%dma_wait3A_219 : memref<10240x64xf32, #tpu.memory_space<vmem_shared>>)
          tpu.yield
        }) : () -> ()
        %lt3A_113 = arith.constant 9 : i32
        %lt3A_114 = arith.cmpi slt, %scan3A_89, %lt3A_113 : i32
        %convert_element_type3A_115 = arith.extui %lt3A_114 : i1 to i32
        %cond3A_116 = arith.constant 0 : i32
        %cond3A_117 = arith.cmpi ne, %convert_element_type3A_115, %cond3A_116 : i32
        scf.if %cond3A_117 {
          %add3A_208 = arith.constant 8 : i32
          %add3A_209 = arith.addi %add3A_106, %add3A_208 : i32
          %dma_start3A_210 = arith.constant 0 : i32
          %dma_start3A_211 = tpu.memref_slice %arg6[%add3A_209, %dma_start3A_210] : memref<80x128xi32, #tpu.memory_space<vmem>> -> memref<1x128xi32, #tpu.memory_space<vmem>>
          %dma_start3A_212 = tpu.memref_squeeze %dma_start3A_211 : memref<1x128xi32, #tpu.memory_space<vmem>> -> memref<128xi32, #tpu.memory_space<vmem>>
          %dma_start3A_213 = arith.constant 0 : i32
          %dma_start3A_214 = arith.constant 0 : i32
          %dma_start3A_215 = tpu.memref_slice %arg2[%dma_start3A_213, %dma_start3A_214] : memref<10000x64xf32, #tpu.memory_space<hbm>> -> memref<10000x64xf32, #tpu.memory_space<hbm>>
          tpu.enqueue_indirect_dma source(%dma_start3A_215 : memref<10000x64xf32, #tpu.memory_space<hbm>>) target(%arg9 : memref<128x64xf32, #tpu.memory_space<vmem>>) offsets(%dma_start3A_212 : memref<128xi32, #tpu.memory_space<vmem>>) semaphore(%arg17 : memref<!tpu.dma_semaphore, #tpu.memory_space<semaphore_mem>>)
        } else {
        }
        %mul3A_118 = arith.constant 8 : i32
        %mul3A_119 = arith.muli %scan3A_89, %mul3A_118 : i32
        %add3A_120 = arith.constant 2 : i32
        %add3A_121 = arith.addi %mul3A_119, %add3A_120 : i32
        %dma_wait3A_122 = arith.constant 0 : i32
        %dma_wait3A_123 = tpu.memref_slice %arg6[%add3A_121, %dma_wait3A_122] : memref<80x128xi32, #tpu.memory_space<vmem>> -> memref<1x128xi32, #tpu.memory_space<vmem>>
        %dma_wait3A_124 = tpu.memref_squeeze %dma_wait3A_123 : memref<1x128xi32, #tpu.memory_space<vmem>> -> memref<128xi32, #tpu.memory_space<vmem>>
        %dma_wait3A_125 = arith.constant 0 : i32
        %dma_wait3A_126 = arith.constant 0 : i32
        %dma_wait3A_127 = tpu.memref_slice %arg2[%dma_wait3A_125, %dma_wait3A_126] : memref<10000x64xf32, #tpu.memory_space<hbm>> -> memref<10000x64xf32, #tpu.memory_space<hbm>>
        tpu.wait_indirect_dma semaphore(%arg18 : memref<!tpu.dma_semaphore, #tpu.memory_space<semaphore_mem>>) src(%dma_wait3A_127 : memref<10000x64xf32, #tpu.memory_space<hbm>>) dst(%arg10 : memref<128x64xf32, #tpu.memory_space<vmem>>)
        "tpu.region"() ({
          %run_scoped3A = tpu.sem_alloc : memref<!tpu.dma_semaphore, #tpu.memory_space<semaphore_mem>>
          %dma_start3A_208 = arith.constant 0 : i32
          %dma_start3A_209 = tpu.memref_slice %arg7[%add3A_121, %dma_start3A_208] : memref<80x128xi32, #tpu.memory_space<vmem>> -> memref<1x128xi32, #tpu.memory_space<vmem>>
          %dma_start3A_210 = tpu.memref_squeeze %dma_start3A_209 : memref<1x128xi32, #tpu.memory_space<vmem>> -> memref<128xi32, #tpu.memory_space<vmem>>
          %dma_start3A_211 = arith.constant 0 : i32
          %dma_start3A_212 = arith.constant 0 : i32
          %dma_start3A_213 = tpu.memref_slice %arg24[%dma_start3A_211, %dma_start3A_212] : memref<10240x64xf32, #tpu.memory_space<vmem_shared>> -> memref<10240x64xf32, #tpu.memory_space<vmem_shared>>
          tpu.enqueue_indirect_dma source(%arg10 : memref<128x64xf32, #tpu.memory_space<vmem>>) target(%dma_start3A_213 : memref<10240x64xf32, #tpu.memory_space<vmem_shared>>) offsets(%dma_start3A_210 : memref<128xi32, #tpu.memory_space<vmem>>) semaphore(%run_scoped3A : memref<!tpu.dma_semaphore, #tpu.memory_space<semaphore_mem>>) {add = true}
          %dma_wait3A_214 = arith.constant 0 : i32
          %dma_wait3A_215 = tpu.memref_slice %arg7[%add3A_121, %dma_wait3A_214] : memref<80x128xi32, #tpu.memory_space<vmem>> -> memref<1x128xi32, #tpu.memory_space<vmem>>
          %dma_wait3A_216 = tpu.memref_squeeze %dma_wait3A_215 : memref<1x128xi32, #tpu.memory_space<vmem>> -> memref<128xi32, #tpu.memory_space<vmem>>
          %dma_wait3A_217 = arith.constant 0 : i32
          %dma_wait3A_218 = arith.constant 0 : i32
          %dma_wait3A_219 = tpu.memref_slice %arg24[%dma_wait3A_217, %dma_wait3A_218] : memref<10240x64xf32, #tpu.memory_space<vmem_shared>> -> memref<10240x64xf32, #tpu.memory_space<vmem_shared>>
          tpu.wait_indirect_dma semaphore(%run_scoped3A : memref<!tpu.dma_semaphore, #tpu.memory_space<semaphore_mem>>) src(%arg10 : memref<128x64xf32, #tpu.memory_space<vmem>>) dst(%dma_wait3A_219 : memref<10240x64xf32, #tpu.memory_space<vmem_shared>>)
          tpu.yield
        }) : () -> ()
        %lt3A_128 = arith.constant 9 : i32
        %lt3A_129 = arith.cmpi slt, %scan3A_89, %lt3A_128 : i32
        %convert_element_type3A_130 = arith.extui %lt3A_129 : i1 to i32
        %cond3A_131 = arith.constant 0 : i32
        %cond3A_132 = arith.cmpi ne, %convert_element_type3A_130, %cond3A_131 : i32
        scf.if %cond3A_132 {
          %add3A_208 = arith.constant 8 : i32
          %add3A_209 = arith.addi %add3A_121, %add3A_208 : i32
          %dma_start3A_210 = arith.constant 0 : i32
          %dma_start3A_211 = tpu.memref_slice %arg6[%add3A_209, %dma_start3A_210] : memref<80x128xi32, #tpu.memory_space<vmem>> -> memref<1x128xi32, #tpu.memory_space<vmem>>
          %dma_start3A_212 = tpu.memref_squeeze %dma_start3A_211 : memref<1x128xi32, #tpu.memory_space<vmem>> -> memref<128xi32, #tpu.memory_space<vmem>>
          %dma_start3A_213 = arith.constant 0 : i32
          %dma_start3A_214 = arith.constant 0 : i32
          %dma_start3A_215 = tpu.memref_slice %arg2[%dma_start3A_213, %dma_start3A_214] : memref<10000x64xf32, #tpu.memory_space<hbm>> -> memref<10000x64xf32, #tpu.memory_space<hbm>>
          tpu.enqueue_indirect_dma source(%dma_start3A_215 : memref<10000x64xf32, #tpu.memory_space<hbm>>) target(%arg10 : memref<128x64xf32, #tpu.memory_space<vmem>>) offsets(%dma_start3A_212 : memref<128xi32, #tpu.memory_space<vmem>>) semaphore(%arg18 : memref<!tpu.dma_semaphore, #tpu.memory_space<semaphore_mem>>)
        } else {
        }
        %mul3A_133 = arith.constant 8 : i32
        %mul3A_134 = arith.muli %scan3A_89, %mul3A_133 : i32
        %add3A_135 = arith.constant 3 : i32
        %add3A_136 = arith.addi %mul3A_134, %add3A_135 : i32
        %dma_wait3A_137 = arith.constant 0 : i32
        %dma_wait3A_138 = tpu.memref_slice %arg6[%add3A_136, %dma_wait3A_137] : memref<80x128xi32, #tpu.memory_space<vmem>> -> memref<1x128xi32, #tpu.memory_space<vmem>>
        %dma_wait3A_139 = tpu.memref_squeeze %dma_wait3A_138 : memref<1x128xi32, #tpu.memory_space<vmem>> -> memref<128xi32, #tpu.memory_space<vmem>>
        %dma_wait3A_140 = arith.constant 0 : i32
        %dma_wait3A_141 = arith.constant 0 : i32
        %dma_wait3A_142 = tpu.memref_slice %arg2[%dma_wait3A_140, %dma_wait3A_141] : memref<10000x64xf32, #tpu.memory_space<hbm>> -> memref<10000x64xf32, #tpu.memory_space<hbm>>
        tpu.wait_indirect_dma semaphore(%arg19 : memref<!tpu.dma_semaphore, #tpu.memory_space<semaphore_mem>>) src(%dma_wait3A_142 : memref<10000x64xf32, #tpu.memory_space<hbm>>) dst(%arg11 : memref<128x64xf32, #tpu.memory_space<vmem>>)
        "tpu.region"() ({
          %run_scoped3A = tpu.sem_alloc : memref<!tpu.dma_semaphore, #tpu.memory_space<semaphore_mem>>
          %dma_start3A_208 = arith.constant 0 : i32
          %dma_start3A_209 = tpu.memref_slice %arg7[%add3A_136, %dma_start3A_208] : memref<80x128xi32, #tpu.memory_space<vmem>> -> memref<1x128xi32, #tpu.memory_space<vmem>>
          %dma_start3A_210 = tpu.memref_squeeze %dma_start3A_209 : memref<1x128xi32, #tpu.memory_space<vmem>> -> memref<128xi32, #tpu.memory_space<vmem>>
          %dma_start3A_211 = arith.constant 0 : i32
          %dma_start3A_212 = arith.constant 0 : i32
          %dma_start3A_213 = tpu.memref_slice %arg24[%dma_start3A_211, %dma_start3A_212] : memref<10240x64xf32, #tpu.memory_space<vmem_shared>> -> memref<10240x64xf32, #tpu.memory_space<vmem_shared>>
          tpu.enqueue_indirect_dma source(%arg11 : memref<128x64xf32, #tpu.memory_space<vmem>>) target(%dma_start3A_213 : memref<10240x64xf32, #tpu.memory_space<vmem_shared>>) offsets(%dma_start3A_210 : memref<128xi32, #tpu.memory_space<vmem>>) semaphore(%run_scoped3A : memref<!tpu.dma_semaphore, #tpu.memory_space<semaphore_mem>>) {add = true}
          %dma_wait3A_214 = arith.constant 0 : i32
          %dma_wait3A_215 = tpu.memref_slice %arg7[%add3A_136, %dma_wait3A_214] : memref<80x128xi32, #tpu.memory_space<vmem>> -> memref<1x128xi32, #tpu.memory_space<vmem>>
          %dma_wait3A_216 = tpu.memref_squeeze %dma_wait3A_215 : memref<1x128xi32, #tpu.memory_space<vmem>> -> memref<128xi32, #tpu.memory_space<vmem>>
          %dma_wait3A_217 = arith.constant 0 : i32
          %dma_wait3A_218 = arith.constant 0 : i32
          %dma_wait3A_219 = tpu.memref_slice %arg24[%dma_wait3A_217, %dma_wait3A_218] : memref<10240x64xf32, #tpu.memory_space<vmem_shared>> -> memref<10240x64xf32, #tpu.memory_space<vmem_shared>>
          tpu.wait_indirect_dma semaphore(%run_scoped3A : memref<!tpu.dma_semaphore, #tpu.memory_space<semaphore_mem>>) src(%arg11 : memref<128x64xf32, #tpu.memory_space<vmem>>) dst(%dma_wait3A_219 : memref<10240x64xf32, #tpu.memory_space<vmem_shared>>)
          tpu.yield
        }) : () -> ()
        %lt3A_143 = arith.constant 9 : i32
        %lt3A_144 = arith.cmpi slt, %scan3A_89, %lt3A_143 : i32
        %convert_element_type3A_145 = arith.extui %lt3A_144 : i1 to i32
        %cond3A_146 = arith.constant 0 : i32
        %cond3A_147 = arith.cmpi ne, %convert_element_type3A_145, %cond3A_146 : i32
        scf.if %cond3A_147 {
          %add3A_208 = arith.constant 8 : i32
          %add3A_209 = arith.addi %add3A_136, %add3A_208 : i32
          %dma_start3A_210 = arith.constant 0 : i32
          %dma_start3A_211 = tpu.memref_slice %arg6[%add3A_209, %dma_start3A_210] : memref<80x128xi32, #tpu.memory_space<vmem>> -> memref<1x128xi32, #tpu.memory_space<vmem>>
          %dma_start3A_212 = tpu.memref_squeeze %dma_start3A_211 : memref<1x128xi32, #tpu.memory_space<vmem>> -> memref<128xi32, #tpu.memory_space<vmem>>
          %dma_start3A_213 = arith.constant 0 : i32
          %dma_start3A_214 = arith.constant 0 : i32
          %dma_start3A_215 = tpu.memref_slice %arg2[%dma_start3A_213, %dma_start3A_214] : memref<10000x64xf32, #tpu.memory_space<hbm>> -> memref<10000x64xf32, #tpu.memory_space<hbm>>
          tpu.enqueue_indirect_dma source(%dma_start3A_215 : memref<10000x64xf32, #tpu.memory_space<hbm>>) target(%arg11 : memref<128x64xf32, #tpu.memory_space<vmem>>) offsets(%dma_start3A_212 : memref<128xi32, #tpu.memory_space<vmem>>) semaphore(%arg19 : memref<!tpu.dma_semaphore, #tpu.memory_space<semaphore_mem>>)
        } else {
        }
        %mul3A_148 = arith.constant 8 : i32
        %mul3A_149 = arith.muli %scan3A_89, %mul3A_148 : i32
        %add3A_150 = arith.constant 4 : i32
        %add3A_151 = arith.addi %mul3A_149, %add3A_150 : i32
        %dma_wait3A_152 = arith.constant 0 : i32
        %dma_wait3A_153 = tpu.memref_slice %arg6[%add3A_151, %dma_wait3A_152] : memref<80x128xi32, #tpu.memory_space<vmem>> -> memref<1x128xi32, #tpu.memory_space<vmem>>
        %dma_wait3A_154 = tpu.memref_squeeze %dma_wait3A_153 : memref<1x128xi32, #tpu.memory_space<vmem>> -> memref<128xi32, #tpu.memory_space<vmem>>
        %dma_wait3A_155 = arith.constant 0 : i32
        %dma_wait3A_156 = arith.constant 0 : i32
        %dma_wait3A_157 = tpu.memref_slice %arg2[%dma_wait3A_155, %dma_wait3A_156] : memref<10000x64xf32, #tpu.memory_space<hbm>> -> memref<10000x64xf32, #tpu.memory_space<hbm>>
        tpu.wait_indirect_dma semaphore(%arg20 : memref<!tpu.dma_semaphore, #tpu.memory_space<semaphore_mem>>) src(%dma_wait3A_157 : memref<10000x64xf32, #tpu.memory_space<hbm>>) dst(%arg12 : memref<128x64xf32, #tpu.memory_space<vmem>>)
        "tpu.region"() ({
          %run_scoped3A = tpu.sem_alloc : memref<!tpu.dma_semaphore, #tpu.memory_space<semaphore_mem>>
          %dma_start3A_208 = arith.constant 0 : i32
          %dma_start3A_209 = tpu.memref_slice %arg7[%add3A_151, %dma_start3A_208] : memref<80x128xi32, #tpu.memory_space<vmem>> -> memref<1x128xi32, #tpu.memory_space<vmem>>
          %dma_start3A_210 = tpu.memref_squeeze %dma_start3A_209 : memref<1x128xi32, #tpu.memory_space<vmem>> -> memref<128xi32, #tpu.memory_space<vmem>>
          %dma_start3A_211 = arith.constant 0 : i32
          %dma_start3A_212 = arith.constant 0 : i32
          %dma_start3A_213 = tpu.memref_slice %arg24[%dma_start3A_211, %dma_start3A_212] : memref<10240x64xf32, #tpu.memory_space<vmem_shared>> -> memref<10240x64xf32, #tpu.memory_space<vmem_shared>>
          tpu.enqueue_indirect_dma source(%arg12 : memref<128x64xf32, #tpu.memory_space<vmem>>) target(%dma_start3A_213 : memref<10240x64xf32, #tpu.memory_space<vmem_shared>>) offsets(%dma_start3A_210 : memref<128xi32, #tpu.memory_space<vmem>>) semaphore(%run_scoped3A : memref<!tpu.dma_semaphore, #tpu.memory_space<semaphore_mem>>) {add = true}
          %dma_wait3A_214 = arith.constant 0 : i32
          %dma_wait3A_215 = tpu.memref_slice %arg7[%add3A_151, %dma_wait3A_214] : memref<80x128xi32, #tpu.memory_space<vmem>> -> memref<1x128xi32, #tpu.memory_space<vmem>>
          %dma_wait3A_216 = tpu.memref_squeeze %dma_wait3A_215 : memref<1x128xi32, #tpu.memory_space<vmem>> -> memref<128xi32, #tpu.memory_space<vmem>>
          %dma_wait3A_217 = arith.constant 0 : i32
          %dma_wait3A_218 = arith.constant 0 : i32
          %dma_wait3A_219 = tpu.memref_slice %arg24[%dma_wait3A_217, %dma_wait3A_218] : memref<10240x64xf32, #tpu.memory_space<vmem_shared>> -> memref<10240x64xf32, #tpu.memory_space<vmem_shared>>
          tpu.wait_indirect_dma semaphore(%run_scoped3A : memref<!tpu.dma_semaphore, #tpu.memory_space<semaphore_mem>>) src(%arg12 : memref<128x64xf32, #tpu.memory_space<vmem>>) dst(%dma_wait3A_219 : memref<10240x64xf32, #tpu.memory_space<vmem_shared>>)
          tpu.yield
        }) : () -> ()
        %lt3A_158 = arith.constant 9 : i32
        %lt3A_159 = arith.cmpi slt, %scan3A_89, %lt3A_158 : i32
        %convert_element_type3A_160 = arith.extui %lt3A_159 : i1 to i32
        %cond3A_161 = arith.constant 0 : i32
        %cond3A_162 = arith.cmpi ne, %convert_element_type3A_160, %cond3A_161 : i32
        scf.if %cond3A_162 {
          %add3A_208 = arith.constant 8 : i32
          %add3A_209 = arith.addi %add3A_151, %add3A_208 : i32
          %dma_start3A_210 = arith.constant 0 : i32
          %dma_start3A_211 = tpu.memref_slice %arg6[%add3A_209, %dma_start3A_210] : memref<80x128xi32, #tpu.memory_space<vmem>> -> memref<1x128xi32, #tpu.memory_space<vmem>>
          %dma_start3A_212 = tpu.memref_squeeze %dma_start3A_211 : memref<1x128xi32, #tpu.memory_space<vmem>> -> memref<128xi32, #tpu.memory_space<vmem>>
          %dma_start3A_213 = arith.constant 0 : i32
          %dma_start3A_214 = arith.constant 0 : i32
          %dma_start3A_215 = tpu.memref_slice %arg2[%dma_start3A_213, %dma_start3A_214] : memref<10000x64xf32, #tpu.memory_space<hbm>> -> memref<10000x64xf32, #tpu.memory_space<hbm>>
          tpu.enqueue_indirect_dma source(%dma_start3A_215 : memref<10000x64xf32, #tpu.memory_space<hbm>>) target(%arg12 : memref<128x64xf32, #tpu.memory_space<vmem>>) offsets(%dma_start3A_212 : memref<128xi32, #tpu.memory_space<vmem>>) semaphore(%arg20 : memref<!tpu.dma_semaphore, #tpu.memory_space<semaphore_mem>>)
        } else {
        }
        %mul3A_163 = arith.constant 8 : i32
        %mul3A_164 = arith.muli %scan3A_89, %mul3A_163 : i32
        %add3A_165 = arith.constant 5 : i32
        %add3A_166 = arith.addi %mul3A_164, %add3A_165 : i32
        %dma_wait3A_167 = arith.constant 0 : i32
        %dma_wait3A_168 = tpu.memref_slice %arg6[%add3A_166, %dma_wait3A_167] : memref<80x128xi32, #tpu.memory_space<vmem>> -> memref<1x128xi32, #tpu.memory_space<vmem>>
        %dma_wait3A_169 = tpu.memref_squeeze %dma_wait3A_168 : memref<1x128xi32, #tpu.memory_space<vmem>> -> memref<128xi32, #tpu.memory_space<vmem>>
        %dma_wait3A_170 = arith.constant 0 : i32
        %dma_wait3A_171 = arith.constant 0 : i32
        %dma_wait3A_172 = tpu.memref_slice %arg2[%dma_wait3A_170, %dma_wait3A_171] : memref<10000x64xf32, #tpu.memory_space<hbm>> -> memref<10000x64xf32, #tpu.memory_space<hbm>>
        tpu.wait_indirect_dma semaphore(%arg21 : memref<!tpu.dma_semaphore, #tpu.memory_space<semaphore_mem>>) src(%dma_wait3A_172 : memref<10000x64xf32, #tpu.memory_space<hbm>>) dst(%arg13 : memref<128x64xf32, #tpu.memory_space<vmem>>)
        "tpu.region"() ({
          %run_scoped3A = tpu.sem_alloc : memref<!tpu.dma_semaphore, #tpu.memory_space<semaphore_mem>>
          %dma_start3A_208 = arith.constant 0 : i32
          %dma_start3A_209 = tpu.memref_slice %arg7[%add3A_166, %dma_start3A_208] : memref<80x128xi32, #tpu.memory_space<vmem>> -> memref<1x128xi32, #tpu.memory_space<vmem>>
          %dma_start3A_210 = tpu.memref_squeeze %dma_start3A_209 : memref<1x128xi32, #tpu.memory_space<vmem>> -> memref<128xi32, #tpu.memory_space<vmem>>
          %dma_start3A_211 = arith.constant 0 : i32
          %dma_start3A_212 = arith.constant 0 : i32
          %dma_start3A_213 = tpu.memref_slice %arg24[%dma_start3A_211, %dma_start3A_212] : memref<10240x64xf32, #tpu.memory_space<vmem_shared>> -> memref<10240x64xf32, #tpu.memory_space<vmem_shared>>
          tpu.enqueue_indirect_dma source(%arg13 : memref<128x64xf32, #tpu.memory_space<vmem>>) target(%dma_start3A_213 : memref<10240x64xf32, #tpu.memory_space<vmem_shared>>) offsets(%dma_start3A_210 : memref<128xi32, #tpu.memory_space<vmem>>) semaphore(%run_scoped3A : memref<!tpu.dma_semaphore, #tpu.memory_space<semaphore_mem>>) {add = true}
          %dma_wait3A_214 = arith.constant 0 : i32
          %dma_wait3A_215 = tpu.memref_slice %arg7[%add3A_166, %dma_wait3A_214] : memref<80x128xi32, #tpu.memory_space<vmem>> -> memref<1x128xi32, #tpu.memory_space<vmem>>
          %dma_wait3A_216 = tpu.memref_squeeze %dma_wait3A_215 : memref<1x128xi32, #tpu.memory_space<vmem>> -> memref<128xi32, #tpu.memory_space<vmem>>
          %dma_wait3A_217 = arith.constant 0 : i32
          %dma_wait3A_218 = arith.constant 0 : i32
          %dma_wait3A_219 = tpu.memref_slice %arg24[%dma_wait3A_217, %dma_wait3A_218] : memref<10240x64xf32, #tpu.memory_space<vmem_shared>> -> memref<10240x64xf32, #tpu.memory_space<vmem_shared>>
          tpu.wait_indirect_dma semaphore(%run_scoped3A : memref<!tpu.dma_semaphore, #tpu.memory_space<semaphore_mem>>) src(%arg13 : memref<128x64xf32, #tpu.memory_space<vmem>>) dst(%dma_wait3A_219 : memref<10240x64xf32, #tpu.memory_space<vmem_shared>>)
          tpu.yield
        }) : () -> ()
        %lt3A_173 = arith.constant 9 : i32
        %lt3A_174 = arith.cmpi slt, %scan3A_89, %lt3A_173 : i32
        %convert_element_type3A_175 = arith.extui %lt3A_174 : i1 to i32
        %cond3A_176 = arith.constant 0 : i32
        %cond3A_177 = arith.cmpi ne, %convert_element_type3A_175, %cond3A_176 : i32
        scf.if %cond3A_177 {
          %add3A_208 = arith.constant 8 : i32
          %add3A_209 = arith.addi %add3A_166, %add3A_208 : i32
          %dma_start3A_210 = arith.constant 0 : i32
          %dma_start3A_211 = tpu.memref_slice %arg6[%add3A_209, %dma_start3A_210] : memref<80x128xi32, #tpu.memory_space<vmem>> -> memref<1x128xi32, #tpu.memory_space<vmem>>
          %dma_start3A_212 = tpu.memref_squeeze %dma_start3A_211 : memref<1x128xi32, #tpu.memory_space<vmem>> -> memref<128xi32, #tpu.memory_space<vmem>>
          %dma_start3A_213 = arith.constant 0 : i32
          %dma_start3A_214 = arith.constant 0 : i32
          %dma_start3A_215 = tpu.memref_slice %arg2[%dma_start3A_213, %dma_start3A_214] : memref<10000x64xf32, #tpu.memory_space<hbm>> -> memref<10000x64xf32, #tpu.memory_space<hbm>>
          tpu.enqueue_indirect_dma source(%dma_start3A_215 : memref<10000x64xf32, #tpu.memory_space<hbm>>) target(%arg13 : memref<128x64xf32, #tpu.memory_space<vmem>>) offsets(%dma_start3A_212 : memref<128xi32, #tpu.memory_space<vmem>>) semaphore(%arg21 : memref<!tpu.dma_semaphore, #tpu.memory_space<semaphore_mem>>)
        } else {
        }
        %mul3A_178 = arith.constant 8 : i32
        %mul3A_179 = arith.muli %scan3A_89, %mul3A_178 : i32
        %add3A_180 = arith.constant 6 : i32
        %add3A_181 = arith.addi %mul3A_179, %add3A_180 : i32
        %dma_wait3A_182 = arith.constant 0 : i32
        %dma_wait3A_183 = tpu.memref_slice %arg6[%add3A_181, %dma_wait3A_182] : memref<80x128xi32, #tpu.memory_space<vmem>> -> memref<1x128xi32, #tpu.memory_space<vmem>>
        %dma_wait3A_184 = tpu.memref_squeeze %dma_wait3A_183 : memref<1x128xi32, #tpu.memory_space<vmem>> -> memref<128xi32, #tpu.memory_space<vmem>>
        %dma_wait3A_185 = arith.constant 0 : i32
        %dma_wait3A_186 = arith.constant 0 : i32
        %dma_wait3A_187 = tpu.memref_slice %arg2[%dma_wait3A_185, %dma_wait3A_186] : memref<10000x64xf32, #tpu.memory_space<hbm>> -> memref<10000x64xf32, #tpu.memory_space<hbm>>
        tpu.wait_indirect_dma semaphore(%arg22 : memref<!tpu.dma_semaphore, #tpu.memory_space<semaphore_mem>>) src(%dma_wait3A_187 : memref<10000x64xf32, #tpu.memory_space<hbm>>) dst(%arg14 : memref<128x64xf32, #tpu.memory_space<vmem>>)
        "tpu.region"() ({
          %run_scoped3A = tpu.sem_alloc : memref<!tpu.dma_semaphore, #tpu.memory_space<semaphore_mem>>
          %dma_start3A_208 = arith.constant 0 : i32
          %dma_start3A_209 = tpu.memref_slice %arg7[%add3A_181, %dma_start3A_208] : memref<80x128xi32, #tpu.memory_space<vmem>> -> memref<1x128xi32, #tpu.memory_space<vmem>>
          %dma_start3A_210 = tpu.memref_squeeze %dma_start3A_209 : memref<1x128xi32, #tpu.memory_space<vmem>> -> memref<128xi32, #tpu.memory_space<vmem>>
          %dma_start3A_211 = arith.constant 0 : i32
          %dma_start3A_212 = arith.constant 0 : i32
          %dma_start3A_213 = tpu.memref_slice %arg24[%dma_start3A_211, %dma_start3A_212] : memref<10240x64xf32, #tpu.memory_space<vmem_shared>> -> memref<10240x64xf32, #tpu.memory_space<vmem_shared>>
          tpu.enqueue_indirect_dma source(%arg14 : memref<128x64xf32, #tpu.memory_space<vmem>>) target(%dma_start3A_213 : memref<10240x64xf32, #tpu.memory_space<vmem_shared>>) offsets(%dma_start3A_210 : memref<128xi32, #tpu.memory_space<vmem>>) semaphore(%run_scoped3A : memref<!tpu.dma_semaphore, #tpu.memory_space<semaphore_mem>>) {add = true}
          %dma_wait3A_214 = arith.constant 0 : i32
          %dma_wait3A_215 = tpu.memref_slice %arg7[%add3A_181, %dma_wait3A_214] : memref<80x128xi32, #tpu.memory_space<vmem>> -> memref<1x128xi32, #tpu.memory_space<vmem>>
          %dma_wait3A_216 = tpu.memref_squeeze %dma_wait3A_215 : memref<1x128xi32, #tpu.memory_space<vmem>> -> memref<128xi32, #tpu.memory_space<vmem>>
          %dma_wait3A_217 = arith.constant 0 : i32
          %dma_wait3A_218 = arith.constant 0 : i32
          %dma_wait3A_219 = tpu.memref_slice %arg24[%dma_wait3A_217, %dma_wait3A_218] : memref<10240x64xf32, #tpu.memory_space<vmem_shared>> -> memref<10240x64xf32, #tpu.memory_space<vmem_shared>>
          tpu.wait_indirect_dma semaphore(%run_scoped3A : memref<!tpu.dma_semaphore, #tpu.memory_space<semaphore_mem>>) src(%arg14 : memref<128x64xf32, #tpu.memory_space<vmem>>) dst(%dma_wait3A_219 : memref<10240x64xf32, #tpu.memory_space<vmem_shared>>)
          tpu.yield
        }) : () -> ()
        %lt3A_188 = arith.constant 9 : i32
        %lt3A_189 = arith.cmpi slt, %scan3A_89, %lt3A_188 : i32
        %convert_element_type3A_190 = arith.extui %lt3A_189 : i1 to i32
        %cond3A_191 = arith.constant 0 : i32
        %cond3A_192 = arith.cmpi ne, %convert_element_type3A_190, %cond3A_191 : i32
        scf.if %cond3A_192 {
          %add3A_208 = arith.constant 8 : i32
          %add3A_209 = arith.addi %add3A_181, %add3A_208 : i32
          %dma_start3A_210 = arith.constant 0 : i32
          %dma_start3A_211 = tpu.memref_slice %arg6[%add3A_209, %dma_start3A_210] : memref<80x128xi32, #tpu.memory_space<vmem>> -> memref<1x128xi32, #tpu.memory_space<vmem>>
          %dma_start3A_212 = tpu.memref_squeeze %dma_start3A_211 : memref<1x128xi32, #tpu.memory_space<vmem>> -> memref<128xi32, #tpu.memory_space<vmem>>
          %dma_start3A_213 = arith.constant 0 : i32
          %dma_start3A_214 = arith.constant 0 : i32
          %dma_start3A_215 = tpu.memref_slice %arg2[%dma_start3A_213, %dma_start3A_214] : memref<10000x64xf32, #tpu.memory_space<hbm>> -> memref<10000x64xf32, #tpu.memory_space<hbm>>
          tpu.enqueue_indirect_dma source(%dma_start3A_215 : memref<10000x64xf32, #tpu.memory_space<hbm>>) target(%arg14 : memref<128x64xf32, #tpu.memory_space<vmem>>) offsets(%dma_start3A_212 : memref<128xi32, #tpu.memory_space<vmem>>) semaphore(%arg22 : memref<!tpu.dma_semaphore, #tpu.memory_space<semaphore_mem>>)
        } else {
        }
        %mul3A_193 = arith.constant 8 : i32
        %mul3A_194 = arith.muli %scan3A_89, %mul3A_193 : i32
        %add3A_195 = arith.constant 7 : i32
        %add3A_196 = arith.addi %mul3A_194, %add3A_195 : i32
        %dma_wait3A_197 = arith.constant 0 : i32
        %dma_wait3A_198 = tpu.memref_slice %arg6[%add3A_196, %dma_wait3A_197] : memref<80x128xi32, #tpu.memory_space<vmem>> -> memref<1x128xi32, #tpu.memory_space<vmem>>
        %dma_wait3A_199 = tpu.memref_squeeze %dma_wait3A_198 : memref<1x128xi32, #tpu.memory_space<vmem>> -> memref<128xi32, #tpu.memory_space<vmem>>
        %dma_wait3A_200 = arith.constant 0 : i32
        %dma_wait3A_201 = arith.constant 0 : i32
        %dma_wait3A_202 = tpu.memref_slice %arg2[%dma_wait3A_200, %dma_wait3A_201] : memref<10000x64xf32, #tpu.memory_space<hbm>> -> memref<10000x64xf32, #tpu.memory_space<hbm>>
        tpu.wait_indirect_dma semaphore(%arg23 : memref<!tpu.dma_semaphore, #tpu.memory_space<semaphore_mem>>) src(%dma_wait3A_202 : memref<10000x64xf32, #tpu.memory_space<hbm>>) dst(%arg15 : memref<128x64xf32, #tpu.memory_space<vmem>>)
        "tpu.region"() ({
          %run_scoped3A = tpu.sem_alloc : memref<!tpu.dma_semaphore, #tpu.memory_space<semaphore_mem>>
          %dma_start3A_208 = arith.constant 0 : i32
          %dma_start3A_209 = tpu.memref_slice %arg7[%add3A_196, %dma_start3A_208] : memref<80x128xi32, #tpu.memory_space<vmem>> -> memref<1x128xi32, #tpu.memory_space<vmem>>
          %dma_start3A_210 = tpu.memref_squeeze %dma_start3A_209 : memref<1x128xi32, #tpu.memory_space<vmem>> -> memref<128xi32, #tpu.memory_space<vmem>>
          %dma_start3A_211 = arith.constant 0 : i32
          %dma_start3A_212 = arith.constant 0 : i32
          %dma_start3A_213 = tpu.memref_slice %arg24[%dma_start3A_211, %dma_start3A_212] : memref<10240x64xf32, #tpu.memory_space<vmem_shared>> -> memref<10240x64xf32, #tpu.memory_space<vmem_shared>>
          tpu.enqueue_indirect_dma source(%arg15 : memref<128x64xf32, #tpu.memory_space<vmem>>) target(%dma_start3A_213 : memref<10240x64xf32, #tpu.memory_space<vmem_shared>>) offsets(%dma_start3A_210 : memref<128xi32, #tpu.memory_space<vmem>>) semaphore(%run_scoped3A : memref<!tpu.dma_semaphore, #tpu.memory_space<semaphore_mem>>) {add = true}
          %dma_wait3A_214 = arith.constant 0 : i32
          %dma_wait3A_215 = tpu.memref_slice %arg7[%add3A_196, %dma_wait3A_214] : memref<80x128xi32, #tpu.memory_space<vmem>> -> memref<1x128xi32, #tpu.memory_space<vmem>>
          %dma_wait3A_216 = tpu.memref_squeeze %dma_wait3A_215 : memref<1x128xi32, #tpu.memory_space<vmem>> -> memref<128xi32, #tpu.memory_space<vmem>>
          %dma_wait3A_217 = arith.constant 0 : i32
          %dma_wait3A_218 = arith.constant 0 : i32
          %dma_wait3A_219 = tpu.memref_slice %arg24[%dma_wait3A_217, %dma_wait3A_218] : memref<10240x64xf32, #tpu.memory_space<vmem_shared>> -> memref<10240x64xf32, #tpu.memory_space<vmem_shared>>
          tpu.wait_indirect_dma semaphore(%run_scoped3A : memref<!tpu.dma_semaphore, #tpu.memory_space<semaphore_mem>>) src(%arg15 : memref<128x64xf32, #tpu.memory_space<vmem>>) dst(%dma_wait3A_219 : memref<10240x64xf32, #tpu.memory_space<vmem_shared>>)
          tpu.yield
        }) : () -> ()
        %lt3A_203 = arith.constant 9 : i32
        %lt3A_204 = arith.cmpi slt, %scan3A_89, %lt3A_203 : i32
        %convert_element_type3A_205 = arith.extui %lt3A_204 : i1 to i32
        %cond3A_206 = arith.constant 0 : i32
        %cond3A_207 = arith.cmpi ne, %convert_element_type3A_205, %cond3A_206 : i32
        scf.if %cond3A_207 {
          %add3A_208 = arith.constant 8 : i32
          %add3A_209 = arith.addi %add3A_196, %add3A_208 : i32
          %dma_start3A_210 = arith.constant 0 : i32
          %dma_start3A_211 = tpu.memref_slice %arg6[%add3A_209, %dma_start3A_210] : memref<80x128xi32, #tpu.memory_space<vmem>> -> memref<1x128xi32, #tpu.memory_space<vmem>>
          %dma_start3A_212 = tpu.memref_squeeze %dma_start3A_211 : memref<1x128xi32, #tpu.memory_space<vmem>> -> memref<128xi32, #tpu.memory_space<vmem>>
          %dma_start3A_213 = arith.constant 0 : i32
          %dma_start3A_214 = arith.constant 0 : i32
          %dma_start3A_215 = tpu.memref_slice %arg2[%dma_start3A_213, %dma_start3A_214] : memref<10000x64xf32, #tpu.memory_space<hbm>> -> memref<10000x64xf32, #tpu.memory_space<hbm>>
          tpu.enqueue_indirect_dma source(%dma_start3A_215 : memref<10000x64xf32, #tpu.memory_space<hbm>>) target(%arg15 : memref<128x64xf32, #tpu.memory_space<vmem>>) offsets(%dma_start3A_212 : memref<128xi32, #tpu.memory_space<vmem>>) semaphore(%arg23 : memref<!tpu.dma_semaphore, #tpu.memory_space<semaphore_mem>>)
        } else {
        }
      }
      %scan3A_88 = arith.constant 10 : i32
    } else {
    }
    %barrier3A_18 = arith.constant 0 : index
    tpu.barrier barrier_id(%barrier3A_18)
    %mul3A = arith.constant 640 : i32
    %mul3A_19 = arith.muli %arg1, %mul3A : i32
    %mul3A_20 = arith.constant 10240 : i32
    %mul3A_21 = arith.muli %arg0, %mul3A_20 : i32
    %mul3A_22 = arith.constant 640 : i32
    %mul3A_23 = arith.muli %arg1, %mul3A_22 : i32
    %add3A = arith.addi %mul3A_21, %mul3A_23 : i32
    "tpu.region"() ({
      %run_scoped3A = tpu.sem_alloc : memref<!tpu.dma_semaphore, #tpu.memory_space<semaphore_mem>>
      %dma_start3A = arith.constant 0 : i32
      %dma_start3A_24 = tpu.memref_slice %arg5[%add3A, %dma_start3A] : memref<20480x64xf32, #tpu.memory_space<hbm>> -> memref<640x64xf32, #tpu.memory_space<hbm>>
      %dma_start3A_25 = arith.constant 0 : i32
      %dma_start3A_26 = tpu.memref_slice %arg24[%mul3A_19, %dma_start3A_25] : memref<10240x64xf32, #tpu.memory_space<vmem_shared>> -> memref<640x64xf32, #tpu.memory_space<vmem_shared>>
      tpu.enqueue_dma source(%dma_start3A_26 : memref<640x64xf32, #tpu.memory_space<vmem_shared>>) target(%dma_start3A_24 : memref<640x64xf32, #tpu.memory_space<hbm>>) target_semaphore(%run_scoped3A : memref<!tpu.dma_semaphore, #tpu.memory_space<semaphore_mem>>)
      %dma_wait3A = arith.constant 0 : i32
      %dma_wait3A_27 = tpu.memref_slice %arg5[%add3A, %dma_wait3A] : memref<20480x64xf32, #tpu.memory_space<hbm>> -> memref<640x64xf32, #tpu.memory_space<hbm>>
      %dma_wait3A_28 = arith.constant 0 : i32
      %dma_wait3A_29 = tpu.memref_slice %arg24[%mul3A_19, %dma_wait3A_28] : memref<10240x64xf32, #tpu.memory_space<vmem_shared>> -> memref<640x64xf32, #tpu.memory_space<vmem_shared>>
      tpu.wait_dma2 semaphore(%run_scoped3A : memref<!tpu.dma_semaphore, #tpu.memory_space<semaphore_mem>>) src(%dma_wait3A_29 : memref<640x64xf32, #tpu.memory_space<vmem_shared>>) dst(%dma_wait3A_27 : memref<640x64xf32, #tpu.memory_space<hbm>>)
      tpu.yield
    }) : () -> ()
    return
  }
}

#map = affine_map<(d0, d1) -> (0, 0)>
module attributes {stable_mosaic.version = 14 : i64} {
  func.func @k(%arg0: i32, %arg1: i32, %arg2: memref<10000x64xf32, #tpu.memory_space<hbm>>, %arg3: memref<2560x128xi32, #tpu.memory_space<hbm>>, %arg4: memref<2560x128xi32, #tpu.memory_space<hbm>>, %arg5: memref<20480x64xf32, #tpu.memory_space<hbm>>, %arg6: memref<80x128xi32, #tpu.memory_space<vmem>>, %arg7: memref<80x128xi32, #tpu.memory_space<vmem>>, %arg8: memref<128x64xf32, #tpu.memory_space<vmem>>, %arg9: memref<128x64xf32, #tpu.memory_space<vmem>>, %arg10: memref<128x64xf32, #tpu.memory_space<vmem>>, %arg11: memref<128x64xf32, #tpu.memory_space<vmem>>, %arg12: memref<128x64xf32, #tpu.memory_space<vmem>>, %arg13: memref<128x64xf32, #tpu.memory_space<vmem>>, %arg14: memref<128x64xf32, #tpu.memory_space<vmem>>, %arg15: memref<128x64xf32, #tpu.memory_space<vmem>>, %arg16: memref<!tpu.dma_semaphore, #tpu.memory_space<semaphore_mem>>, %arg17: memref<!tpu.dma_semaphore, #tpu.memory_space<semaphore_mem>>, %arg18: memref<!tpu.dma_semaphore, #tpu.memory_space<semaphore_mem>>, %arg19: memref<!tpu.dma_semaphore, #tpu.memory_space<semaphore_mem>>, %arg20: memref<!tpu.dma_semaphore, #tpu.memory_space<semaphore_mem>>, %arg21: memref<!tpu.dma_semaphore, #tpu.memory_space<semaphore_mem>>, %arg22: memref<!tpu.dma_semaphore, #tpu.memory_space<semaphore_mem>>, %arg23: memref<!tpu.dma_semaphore, #tpu.memory_space<semaphore_mem>>, %arg24: memref<10240x64xf32, #tpu.memory_space<vmem_shared>>) attributes {dimension_semantics = [#tpu.dimension_semantics<core_parallel>, #tpu.dimension_semantics<subcore_parallel>], iteration_bounds = array<i64: 2, 16>, scalar_prefetch = 0 : i64, scratch_operands = 19 : i64, tpu.core_type = #tpu.core_type<sc_vector_subcore>, window_params = [{transform_indices = #map}, {transform_indices = #map}, {transform_indices = #map}, {transform_indices = #map}]} {
    %scan3A = arith.constant 0 : i32
    %scan3A_0 = arith.constant 0 : i32
    %scan3A_1 = arith.constant 512 : i32
    %scan3A_2 = arith.addi %scan3A_0, %scan3A_1 : i32
    %scan3A_3 = arith.constant 1 : i32
    scf.for %scan3A_24 = %scan3A_0 to %scan3A_2 step %scan3A_3  : i32 {
      %broadcast_in_dim3A = arith.constant 0.000000e+00 : f32
      %broadcast_in_dim3A_25 = vector.broadcast %broadcast_in_dim3A : f32 to vector<16xf32>
      %jit3A = arith.constant 4 : i32
      %div3A = arith.divsi %scan3A_24, %jit3A : i32
      %sign3A = arith.constant 0 : i32
      %sign3A_26 = arith.cmpi sgt, %scan3A_24, %sign3A : i32
      %sign3A_27 = arith.extui %sign3A_26 : i1 to i32
      %sign3A_28 = arith.constant 0 : i32
      %sign3A_29 = arith.cmpi slt, %scan3A_24, %sign3A_28 : i32
      %sign3A_30 = arith.extui %sign3A_29 : i1 to i32
      %sign3A_31 = arith.subi %sign3A_27, %sign3A_30 : i32
      %sign3A_32 = arith.constant 0 : i32
      %sign3A_33 = arith.cmpi sgt, %jit3A, %sign3A_32 : i32
      %sign3A_34 = arith.extui %sign3A_33 : i1 to i32
      %sign3A_35 = arith.constant 0 : i32
      %sign3A_36 = arith.cmpi slt, %jit3A, %sign3A_35 : i32
      %sign3A_37 = arith.extui %sign3A_36 : i1 to i32
      %sign3A_38 = arith.subi %sign3A_34, %sign3A_37 : i32
      %ne3A = arith.cmpi ne, %sign3A_31, %sign3A_38 : i32
      %rem3A = arith.remsi %scan3A_24, %jit3A : i32
      %ne3A_39 = arith.constant 0 : i32
      %ne3A_40 = arith.cmpi ne, %rem3A, %ne3A_39 : i32
      %and3A = arith.andi %ne3A, %ne3A_40 : i1
      %sub3A = arith.constant 1 : i32
      %sub3A_41 = arith.subi %div3A, %sub3A : i32
      %select_n3A = arith.select %and3A, %sub3A_41, %div3A : i32
      %jit3A_42 = arith.constant 4 : i32
      %eq3A_43 = arith.constant 0 : i32
      %eq3A_44 = arith.cmpi eq, %jit3A_42, %eq3A_43 : i32
      %jit3A_45 = arith.constant 1 : i32
      %select_n3A_46 = arith.select %eq3A_44, %jit3A_45, %jit3A_42 : i32
      %rem3A_47 = arith.remsi %scan3A_24, %select_n3A_46 : i32
      %ne3A_48 = arith.constant 0 : i32
      %ne3A_49 = arith.cmpi ne, %rem3A_47, %ne3A_48 : i32
      %lt3A = arith.constant 0 : i32
      %lt3A_50 = arith.cmpi slt, %rem3A_47, %lt3A : i32
      %lt3A_51 = arith.constant 0 : i32
      %lt3A_52 = arith.cmpi slt, %select_n3A_46, %lt3A_51 : i32
      %ne3A_53 = arith.xori %lt3A_50, %lt3A_52 : i1
      %and3A_54 = arith.andi %ne3A_53, %ne3A_49 : i1
      %add3A_55 = arith.addi %rem3A_47, %select_n3A_46 : i32
      %select_n3A_56 = arith.select %and3A_54, %add3A_55, %rem3A_47 : i32
      %mul3A_57 = arith.constant 16 : i32
      %mul3A_58 = arith.muli %select_n3A_56, %mul3A_57 : i32
      %swap3A = arith.index_cast %select_n3A : i32 to index
      %swap3A_59 = arith.index_cast %mul3A_58 : i32 to index
      %swap3A_60 = tpu.vector_load %arg8[%swap3A, %swap3A_59] {strides = array<i32>} : memref<128x64xf32, #tpu.memory_space<vmem>>, vector<1x16xf32>,
      %swap3A_61 = vector.shape_cast %swap3A_60 : vector<1x16xf32> to vector<16xf32>
      %swap3A_62 = vector.shape_cast %broadcast_in_dim3A_25 : vector<16xf32> to vector<1x16xf32>
      tpu.vector_store %arg8[%swap3A, %swap3A_59], %swap3A_62 {strides = array<i32>} : memref<128x64xf32, #tpu.memory_space<vmem>>, vector<1x16xf32>,
    }
    %scan3A_4 = arith.constant 512 : i32
    %scan3A_5 = arith.constant 0 : i32
    %scan3A_6 = arith.constant 0 : i32
    %scan3A_7 = arith.constant 5 : i32
    %scan3A_8 = arith.addi %scan3A_6, %scan3A_7 : i32
    %scan3A_9 = arith.constant 1 : i32
    scf.for %scan3A_24 = %scan3A_6 to %scan3A_8 step %scan3A_9  : i32 {
      %mul3A_25 = arith.constant 640 : i32
      %mul3A_26 = arith.muli %arg1, %mul3A_25 : i32
      %mul3A_27 = arith.constant 128 : i32
      %mul3A_28 = arith.muli %scan3A_24, %mul3A_27 : i32
      %add3A_29 = arith.addi %mul3A_26, %mul3A_28 : i32
      "tpu.region"() ({
        %run_scoped3A = tpu.sem_alloc : memref<!tpu.dma_semaphore, #tpu.memory_space<semaphore_mem>>
        %dma_start3A = arith.constant 0 : i32
        %dma_start3A_30 = tpu.memref_slice %arg24[%add3A_29, %dma_start3A] : memref<10240x64xf32, #tpu.memory_space<vmem_shared>> -> memref<128x64xf32, #tpu.memory_space<vmem_shared>>
        %dma_start3A_31 = arith.constant 0 : i32
        %dma_start3A_32 = tpu.memref_slice %arg24[%add3A_29, %dma_start3A_31] : memref<10240x64xf32, #tpu.memory_space<vmem_shared>> -> memref<128x64xf32, #tpu.memory_space<vmem_shared>>
        tpu.enqueue_dma source(%arg8 : memref<128x64xf32, #tpu.memory_space<vmem>>) target(%dma_start3A_32 : memref<128x64xf32, #tpu.memory_space<vmem_shared>>) target_semaphore(%run_scoped3A : memref<!tpu.dma_semaphore, #tpu.memory_space<semaphore_mem>>)
        %dma_wait3A = arith.constant 0 : i32
        %dma_wait3A_33 = tpu.memref_slice %arg24[%add3A_29, %dma_wait3A] : memref<10240x64xf32, #tpu.memory_space<vmem_shared>> -> memref<128x64xf32, #tpu.memory_space<vmem_shared>>
        %dma_wait3A_34 = arith.constant 0 : i32
        %dma_wait3A_35 = tpu.memref_slice %arg24[%add3A_29, %dma_wait3A_34] : memref<10240x64xf32, #tpu.memory_space<vmem_shared>> -> memref<128x64xf32, #tpu.memory_space<vmem_shared>>
        tpu.wait_dma2 semaphore(%run_scoped3A : memref<!tpu.dma_semaphore, #tpu.memory_space<semaphore_mem>>) src(%arg8 : memref<128x64xf32, #tpu.memory_space<vmem>>) dst(%dma_wait3A_35 : memref<128x64xf32, #tpu.memory_space<vmem_shared>>)
        tpu.yield
      }) : () -> ()
    }
    %scan3A_10 = arith.constant 5 : i32
    %barrier3A = arith.constant 0 : index
    tpu.barrier barrier_id(%barrier3A)
    %eq3A = arith.constant 0 : i32
    %eq3A_11 = arith.cmpi eq, %arg0, %eq3A : i32
    %convert_element_type3A = arith.extui %eq3A_11 : i1 to i32
    %cond3A = arith.constant 0 : i32
    %cond3A_12 = arith.cmpi ne, %convert_element_type3A, %cond3A : i32
    scf.if %cond3A_12 {
      %mul3A_24 = arith.constant 80 : i32
      %mul3A_25 = arith.muli %arg1, %mul3A_24 : i32
      "tpu.region"() ({
        %run_scoped3A = tpu.sem_alloc : memref<!tpu.dma_semaphore, #tpu.memory_space<semaphore_mem>>
        %dma_start3A_87 = arith.constant 0 : i32
        %dma_start3A_88 = arith.constant 0 : i32
        %dma_start3A_89 = tpu.memref_slice %arg6[%dma_start3A_87, %dma_start3A_88] : memref<80x128xi32, #tpu.memory_space<vmem>> -> memref<80x128xi32, #tpu.memory_space<vmem>>
        %dma_start3A_90 = arith.constant 0 : i32
        %dma_start3A_91 = tpu.memref_slice %arg3[%mul3A_25, %dma_start3A_90] : memref<2560x128xi32, #tpu.memory_space<hbm>> -> memref<80x128xi32, #tpu.memory_space<hbm>>
        %dma_start3A_92 = arith.constant 0 : i32
        %dma_start3A_93 = arith.constant 0 : i32
        %dma_start3A_94 = tpu.memref_slice %arg6[%dma_start3A_92, %dma_start3A_93] : memref<80x128xi32, #tpu.memory_space<vmem>> -> memref<80x128xi32, #tpu.memory_space<vmem>>
        %dma_start3A_95 = arith.constant 0 : i32
        %dma_start3A_96 = tpu.memref_slice %arg3[%mul3A_25, %dma_start3A_95] : memref<2560x128xi32, #tpu.memory_space<hbm>> -> memref<80x128xi32, #tpu.memory_space<hbm>>
        tpu.enqueue_dma source(%dma_start3A_96 : memref<80x128xi32, #tpu.memory_space<hbm>>) target(%dma_start3A_94 : memref<80x128xi32, #tpu.memory_space<vmem>>) target_semaphore(%run_scoped3A : memref<!tpu.dma_semaphore, #tpu.memory_space<semaphore_mem>>)
        %dma_wait3A = arith.constant 0 : i32
        %dma_wait3A_97 = arith.constant 0 : i32
        %dma_wait3A_98 = tpu.memref_slice %arg6[%dma_wait3A, %dma_wait3A_97] : memref<80x128xi32, #tpu.memory_space<vmem>> -> memref<80x128xi32, #tpu.memory_space<vmem>>
        %dma_wait3A_99 = arith.constant 0 : i32
        %dma_wait3A_100 = tpu.memref_slice %arg3[%mul3A_25, %dma_wait3A_99] : memref<2560x128xi32, #tpu.memory_space<hbm>> -> memref<80x128xi32, #tpu.memory_space<hbm>>
        %dma_wait3A_101 = arith.constant 0 : i32
        %dma_wait3A_102 = arith.constant 0 : i32
        %dma_wait3A_103 = tpu.memref_slice %arg6[%dma_wait3A_101, %dma_wait3A_102] : memref<80x128xi32, #tpu.memory_space<vmem>> -> memref<80x128xi32, #tpu.memory_space<vmem>>
        %dma_wait3A_104 = arith.constant 0 : i32
        %dma_wait3A_105 = tpu.memref_slice %arg3[%mul3A_25, %dma_wait3A_104] : memref<2560x128xi32, #tpu.memory_space<hbm>> -> memref<80x128xi32, #tpu.memory_space<hbm>>
        tpu.wait_dma2 semaphore(%run_scoped3A : memref<!tpu.dma_semaphore, #tpu.memory_space<semaphore_mem>>) src(%dma_wait3A_105 : memref<80x128xi32, #tpu.memory_space<hbm>>) dst(%dma_wait3A_103 : memref<80x128xi32, #tpu.memory_space<vmem>>)
        tpu.yield
      }) : () -> ()
      "tpu.region"() ({
        %run_scoped3A = tpu.sem_alloc : memref<!tpu.dma_semaphore, #tpu.memory_space<semaphore_mem>>
        %dma_start3A_87 = arith.constant 0 : i32
        %dma_start3A_88 = arith.constant 0 : i32
        %dma_start3A_89 = tpu.memref_slice %arg7[%dma_start3A_87, %dma_start3A_88] : memref<80x128xi32, #tpu.memory_space<vmem>> -> memref<80x128xi32, #tpu.memory_space<vmem>>
        %dma_start3A_90 = arith.constant 0 : i32
        %dma_start3A_91 = tpu.memref_slice %arg4[%mul3A_25, %dma_start3A_90] : memref<2560x128xi32, #tpu.memory_space<hbm>> -> memref<80x128xi32, #tpu.memory_space<hbm>>
        %dma_start3A_92 = arith.constant 0 : i32
        %dma_start3A_93 = arith.constant 0 : i32
        %dma_start3A_94 = tpu.memref_slice %arg7[%dma_start3A_92, %dma_start3A_93] : memref<80x128xi32, #tpu.memory_space<vmem>> -> memref<80x128xi32, #tpu.memory_space<vmem>>
        %dma_start3A_95 = arith.constant 0 : i32
        %dma_start3A_96 = tpu.memref_slice %arg4[%mul3A_25, %dma_start3A_95] : memref<2560x128xi32, #tpu.memory_space<hbm>> -> memref<80x128xi32, #tpu.memory_space<hbm>>
        tpu.enqueue_dma source(%dma_start3A_96 : memref<80x128xi32, #tpu.memory_space<hbm>>) target(%dma_start3A_94 : memref<80x128xi32, #tpu.memory_space<vmem>>) target_semaphore(%run_scoped3A : memref<!tpu.dma_semaphore, #tpu.memory_space<semaphore_mem>>)
        %dma_wait3A = arith.constant 0 : i32
        %dma_wait3A_97 = arith.constant 0 : i32
        %dma_wait3A_98 = tpu.memref_slice %arg7[%dma_wait3A, %dma_wait3A_97] : memref<80x128xi32, #tpu.memory_space<vmem>> -> memref<80x128xi32, #tpu.memory_space<vmem>>
        %dma_wait3A_99 = arith.constant 0 : i32
        %dma_wait3A_100 = tpu.memref_slice %arg4[%mul3A_25, %dma_wait3A_99] : memref<2560x128xi32, #tpu.memory_space<hbm>> -> memref<80x128xi32, #tpu.memory_space<hbm>>
        %dma_wait3A_101 = arith.constant 0 : i32
        %dma_wait3A_102 = arith.constant 0 : i32
        %dma_wait3A_103 = tpu.memref_slice %arg7[%dma_wait3A_101, %dma_wait3A_102] : memref<80x128xi32, #tpu.memory_space<vmem>> -> memref<80x128xi32, #tpu.memory_space<vmem>>
        %dma_wait3A_104 = arith.constant 0 : i32
        %dma_wait3A_105 = tpu.memref_slice %arg4[%mul3A_25, %dma_wait3A_104] : memref<2560x128xi32, #tpu.memory_space<hbm>> -> memref<80x128xi32, #tpu.memory_space<hbm>>
        tpu.wait_dma2 semaphore(%run_scoped3A : memref<!tpu.dma_semaphore, #tpu.memory_space<semaphore_mem>>) src(%dma_wait3A_105 : memref<80x128xi32, #tpu.memory_space<hbm>>) dst(%dma_wait3A_103 : memref<80x128xi32, #tpu.memory_space<vmem>>)
        tpu.yield
      }) : () -> ()
      %dma_start3A = arith.constant 0 : i32
      %dma_start3A_26 = arith.constant 0 : i32
      %dma_start3A_27 = tpu.memref_slice %arg6[%dma_start3A, %dma_start3A_26] : memref<80x128xi32, #tpu.memory_space<vmem>> -> memref<1x128xi32, #tpu.memory_space<vmem>>
      %dma_start3A_28 = tpu.memref_squeeze %dma_start3A_27 : memref<1x128xi32, #tpu.memory_space<vmem>> -> memref<128xi32, #tpu.memory_space<vmem>>
      %dma_start3A_29 = arith.constant 0 : i32
      %dma_start3A_30 = arith.constant 0 : i32
      %dma_start3A_31 = tpu.memref_slice %arg2[%dma_start3A_29, %dma_start3A_30] : memref<10000x64xf32, #tpu.memory_space<hbm>> -> memref<10000x64xf32, #tpu.memory_space<hbm>>
      tpu.enqueue_indirect_dma source(%dma_start3A_31 : memref<10000x64xf32, #tpu.memory_space<hbm>>) target(%arg8 : memref<128x64xf32, #tpu.memory_space<vmem>>) offsets(%dma_start3A_28 : memref<128xi32, #tpu.memory_space<vmem>>) semaphore(%arg16 : memref<!tpu.dma_semaphore, #tpu.memory_space<semaphore_mem>>)
      %dma_start3A_32 = arith.constant 1 : i32
      %dma_start3A_33 = arith.constant 0 : i32
      %dma_start3A_34 = tpu.memref_slice %arg6[%dma_start3A_32, %dma_start3A_33] : memref<80x128xi32, #tpu.memory_space<vmem>> -> memref<1x128xi32, #tpu.memory_space<vmem>>
      %dma_start3A_35 = tpu.memref_squeeze %dma_start3A_34 : memref<1x128xi32, #tpu.memory_space<vmem>> -> memref<128xi32, #tpu.memory_space<vmem>>
      %dma_start3A_36 = arith.constant 0 : i32
      %dma_start3A_37 = arith.constant 0 : i32
      %dma_start3A_38 = tpu.memref_slice %arg2[%dma_start3A_36, %dma_start3A_37] : memref<10000x64xf32, #tpu.memory_space<hbm>> -> memref<10000x64xf32, #tpu.memory_space<hbm>>
      tpu.enqueue_indirect_dma source(%dma_start3A_38 : memref<10000x64xf32, #tpu.memory_space<hbm>>) target(%arg9 : memref<128x64xf32, #tpu.memory_space<vmem>>) offsets(%dma_start3A_35 : memref<128xi32, #tpu.memory_space<vmem>>) semaphore(%arg17 : memref<!tpu.dma_semaphore, #tpu.memory_space<semaphore_mem>>)
      %dma_start3A_39 = arith.constant 2 : i32
      %dma_start3A_40 = arith.constant 0 : i32
      %dma_start3A_41 = tpu.memref_slice %arg6[%dma_start3A_39, %dma_start3A_40] : memref<80x128xi32, #tpu.memory_space<vmem>> -> memref<1x128xi32, #tpu.memory_space<vmem>>
      %dma_start3A_42 = tpu.memref_squeeze %dma_start3A_41 : memref<1x128xi32, #tpu.memory_space<vmem>> -> memref<128xi32, #tpu.memory_space<vmem>>
      %dma_start3A_43 = arith.constant 0 : i32
      %dma_start3A_44 = arith.constant 0 : i32
      %dma_start3A_45 = tpu.memref_slice %arg2[%dma_start3A_43, %dma_start3A_44] : memref<10000x64xf32, #tpu.memory_space<hbm>> -> memref<10000x64xf32, #tpu.memory_space<hbm>>
      tpu.enqueue_indirect_dma source(%dma_start3A_45 : memref<10000x64xf32, #tpu.memory_space<hbm>>) target(%arg10 : memref<128x64xf32, #tpu.memory_space<vmem>>) offsets(%dma_start3A_42 : memref<128xi32, #tpu.memory_space<vmem>>) semaphore(%arg18 : memref<!tpu.dma_semaphore, #tpu.memory_space<semaphore_mem>>)
      %dma_start3A_46 = arith.constant 3 : i32
      %dma_start3A_47 = arith.constant 0 : i32
      %dma_start3A_48 = tpu.memref_slice %arg6[%dma_start3A_46, %dma_start3A_47] : memref<80x128xi32, #tpu.memory_space<vmem>> -> memref<1x128xi32, #tpu.memory_space<vmem>>
      %dma_start3A_49 = tpu.memref_squeeze %dma_start3A_48 : memref<1x128xi32, #tpu.memory_space<vmem>> -> memref<128xi32, #tpu.memory_space<vmem>>
      %dma_start3A_50 = arith.constant 0 : i32
      %dma_start3A_51 = arith.constant 0 : i32
      %dma_start3A_52 = tpu.memref_slice %arg2[%dma_start3A_50, %dma_start3A_51] : memref<10000x64xf32, #tpu.memory_space<hbm>> -> memref<10000x64xf32, #tpu.memory_space<hbm>>
      tpu.enqueue_indirect_dma source(%dma_start3A_52 : memref<10000x64xf32, #tpu.memory_space<hbm>>) target(%arg11 : memref<128x64xf32, #tpu.memory_space<vmem>>) offsets(%dma_start3A_49 : memref<128xi32, #tpu.memory_space<vmem>>) semaphore(%arg19 : memref<!tpu.dma_semaphore, #tpu.memory_space<semaphore_mem>>)
      %dma_start3A_53 = arith.constant 4 : i32
      %dma_start3A_54 = arith.constant 0 : i32
      %dma_start3A_55 = tpu.memref_slice %arg6[%dma_start3A_53, %dma_start3A_54] : memref<80x128xi32, #tpu.memory_space<vmem>> -> memref<1x128xi32, #tpu.memory_space<vmem>>
      %dma_start3A_56 = tpu.memref_squeeze %dma_start3A_55 : memref<1x128xi32, #tpu.memory_space<vmem>> -> memref<128xi32, #tpu.memory_space<vmem>>
      %dma_start3A_57 = arith.constant 0 : i32
      %dma_start3A_58 = arith.constant 0 : i32
      %dma_start3A_59 = tpu.memref_slice %arg2[%dma_start3A_57, %dma_start3A_58] : memref<10000x64xf32, #tpu.memory_space<hbm>> -> memref<10000x64xf32, #tpu.memory_space<hbm>>
      tpu.enqueue_indirect_dma source(%dma_start3A_59 : memref<10000x64xf32, #tpu.memory_space<hbm>>) target(%arg12 : memref<128x64xf32, #tpu.memory_space<vmem>>) offsets(%dma_start3A_56 : memref<128xi32, #tpu.memory_space<vmem>>) semaphore(%arg20 : memref<!tpu.dma_semaphore, #tpu.memory_space<semaphore_mem>>)
      %dma_start3A_60 = arith.constant 5 : i32
      %dma_start3A_61 = arith.constant 0 : i32
      %dma_start3A_62 = tpu.memref_slice %arg6[%dma_start3A_60, %dma_start3A_61] : memref<80x128xi32, #tpu.memory_space<vmem>> -> memref<1x128xi32, #tpu.memory_space<vmem>>
      %dma_start3A_63 = tpu.memref_squeeze %dma_start3A_62 : memref<1x128xi32, #tpu.memory_space<vmem>> -> memref<128xi32, #tpu.memory_space<vmem>>
      %dma_start3A_64 = arith.constant 0 : i32
      %dma_start3A_65 = arith.constant 0 : i32
      %dma_start3A_66 = tpu.memref_slice %arg2[%dma_start3A_64, %dma_start3A_65] : memref<10000x64xf32, #tpu.memory_space<hbm>> -> memref<10000x64xf32, #tpu.memory_space<hbm>>
      tpu.enqueue_indirect_dma source(%dma_start3A_66 : memref<10000x64xf32, #tpu.memory_space<hbm>>) target(%arg13 : memref<128x64xf32, #tpu.memory_space<vmem>>) offsets(%dma_start3A_63 : memref<128xi32, #tpu.memory_space<vmem>>) semaphore(%arg21 : memref<!tpu.dma_semaphore, #tpu.memory_space<semaphore_mem>>)
      %dma_start3A_67 = arith.constant 6 : i32
      %dma_start3A_68 = arith.constant 0 : i32
      %dma_start3A_69 = tpu.memref_slice %arg6[%dma_start3A_67, %dma_start3A_68] : memref<80x128xi32, #tpu.memory_space<vmem>> -> memref<1x128xi32, #tpu.memory_space<vmem>>
      %dma_start3A_70 = tpu.memref_squeeze %dma_start3A_69 : memref<1x128xi32, #tpu.memory_space<vmem>> -> memref<128xi32, #tpu.memory_space<vmem>>
      %dma_start3A_71 = arith.constant 0 : i32
      %dma_start3A_72 = arith.constant 0 : i32
      %dma_start3A_73 = tpu.memref_slice %arg2[%dma_start3A_71, %dma_start3A_72] : memref<10000x64xf32, #tpu.memory_space<hbm>> -> memref<10000x64xf32, #tpu.memory_space<hbm>>
      tpu.enqueue_indirect_dma source(%dma_start3A_73 : memref<10000x64xf32, #tpu.memory_space<hbm>>) target(%arg14 : memref<128x64xf32, #tpu.memory_space<vmem>>) offsets(%dma_start3A_70 : memref<128xi32, #tpu.memory_space<vmem>>) semaphore(%arg22 : memref<!tpu.dma_semaphore, #tpu.memory_space<semaphore_mem>>)
      %dma_start3A_74 = arith.constant 7 : i32
      %dma_start3A_75 = arith.constant 0 : i32
      %dma_start3A_76 = tpu.memref_slice %arg6[%dma_start3A_74, %dma_start3A_75] : memref<80x128xi32, #tpu.memory_space<vmem>> -> memref<1x128xi32, #tpu.memory_space<vmem>>
      %dma_start3A_77 = tpu.memref_squeeze %dma_start3A_76 : memref<1x128xi32, #tpu.memory_space<vmem>> -> memref<128xi32, #tpu.memory_space<vmem>>
      %dma_start3A_78 = arith.constant 0 : i32
      %dma_start3A_79 = arith.constant 0 : i32
      %dma_start3A_80 = tpu.memref_slice %arg2[%dma_start3A_78, %dma_start3A_79] : memref<10000x64xf32, #tpu.memory_space<hbm>> -> memref<10000x64xf32, #tpu.memory_space<hbm>>
      tpu.enqueue_indirect_dma source(%dma_start3A_80 : memref<10000x64xf32, #tpu.memory_space<hbm>>) target(%arg15 : memref<128x64xf32, #tpu.memory_space<vmem>>) offsets(%dma_start3A_77 : memref<128xi32, #tpu.memory_space<vmem>>) semaphore(%arg23 : memref<!tpu.dma_semaphore, #tpu.memory_space<semaphore_mem>>)
      %scan3A_81 = arith.constant 0 : i32
      %scan3A_82 = arith.constant 0 : i32
      %scan3A_83 = arith.constant 10 : i32
      %scan3A_84 = arith.addi %scan3A_82, %scan3A_83 : i32
      %scan3A_85 = arith.constant 1 : i32
      scf.for %scan3A_87 = %scan3A_82 to %scan3A_84 step %scan3A_85  : i32 {
        %mul3A_88 = arith.constant 8 : i32
        %mul3A_89 = arith.muli %scan3A_87, %mul3A_88 : i32
        %add3A_90 = arith.constant 0 : i32
        %add3A_91 = arith.addi %mul3A_89, %add3A_90 : i32
        %dma_wait3A = arith.constant 0 : i32
        %dma_wait3A_92 = tpu.memref_slice %arg6[%add3A_91, %dma_wait3A] : memref<80x128xi32, #tpu.memory_space<vmem>> -> memref<1x128xi32, #tpu.memory_space<vmem>>
        %dma_wait3A_93 = tpu.memref_squeeze %dma_wait3A_92 : memref<1x128xi32, #tpu.memory_space<vmem>> -> memref<128xi32, #tpu.memory_space<vmem>>
        %dma_wait3A_94 = arith.constant 0 : i32
        %dma_wait3A_95 = arith.constant 0 : i32
        %dma_wait3A_96 = tpu.memref_slice %arg2[%dma_wait3A_94, %dma_wait3A_95] : memref<10000x64xf32, #tpu.memory_space<hbm>> -> memref<10000x64xf32, #tpu.memory_space<hbm>>
        tpu.wait_indirect_dma semaphore(%arg16 : memref<!tpu.dma_semaphore, #tpu.memory_space<semaphore_mem>>) src(%dma_wait3A_96 : memref<10000x64xf32, #tpu.memory_space<hbm>>) dst(%arg8 : memref<128x64xf32, #tpu.memory_space<vmem>>)
        "tpu.region"() ({
          %run_scoped3A = tpu.sem_alloc : memref<!tpu.dma_semaphore, #tpu.memory_space<semaphore_mem>>
          %dma_start3A_206 = arith.constant 0 : i32
          %dma_start3A_207 = tpu.memref_slice %arg7[%add3A_91, %dma_start3A_206] : memref<80x128xi32, #tpu.memory_space<vmem>> -> memref<1x128xi32, #tpu.memory_space<vmem>>
          %dma_start3A_208 = tpu.memref_squeeze %dma_start3A_207 : memref<1x128xi32, #tpu.memory_space<vmem>> -> memref<128xi32, #tpu.memory_space<vmem>>
          %dma_start3A_209 = arith.constant 0 : i32
          %dma_start3A_210 = arith.constant 0 : i32
          %dma_start3A_211 = tpu.memref_slice %arg24[%dma_start3A_209, %dma_start3A_210] : memref<10240x64xf32, #tpu.memory_space<vmem_shared>> -> memref<10240x64xf32, #tpu.memory_space<vmem_shared>>
          tpu.enqueue_indirect_dma source(%arg8 : memref<128x64xf32, #tpu.memory_space<vmem>>) target(%dma_start3A_211 : memref<10240x64xf32, #tpu.memory_space<vmem_shared>>) offsets(%dma_start3A_208 : memref<128xi32, #tpu.memory_space<vmem>>) semaphore(%run_scoped3A : memref<!tpu.dma_semaphore, #tpu.memory_space<semaphore_mem>>) {add = true}
          %dma_wait3A_212 = arith.constant 0 : i32
          %dma_wait3A_213 = tpu.memref_slice %arg7[%add3A_91, %dma_wait3A_212] : memref<80x128xi32, #tpu.memory_space<vmem>> -> memref<1x128xi32, #tpu.memory_space<vmem>>
          %dma_wait3A_214 = tpu.memref_squeeze %dma_wait3A_213 : memref<1x128xi32, #tpu.memory_space<vmem>> -> memref<128xi32, #tpu.memory_space<vmem>>
          %dma_wait3A_215 = arith.constant 0 : i32
          %dma_wait3A_216 = arith.constant 0 : i32
          %dma_wait3A_217 = tpu.memref_slice %arg24[%dma_wait3A_215, %dma_wait3A_216] : memref<10240x64xf32, #tpu.memory_space<vmem_shared>> -> memref<10240x64xf32, #tpu.memory_space<vmem_shared>>
          tpu.wait_indirect_dma semaphore(%run_scoped3A : memref<!tpu.dma_semaphore, #tpu.memory_space<semaphore_mem>>) src(%arg8 : memref<128x64xf32, #tpu.memory_space<vmem>>) dst(%dma_wait3A_217 : memref<10240x64xf32, #tpu.memory_space<vmem_shared>>)
          tpu.yield
        }) : () -> ()
        %lt3A = arith.constant 9 : i32
        %lt3A_97 = arith.cmpi slt, %scan3A_87, %lt3A : i32
        %convert_element_type3A_98 = arith.extui %lt3A_97 : i1 to i32
        %cond3A_99 = arith.constant 0 : i32
        %cond3A_100 = arith.cmpi ne, %convert_element_type3A_98, %cond3A_99 : i32
        scf.if %cond3A_100 {
          %add3A_206 = arith.constant 8 : i32
          %add3A_207 = arith.addi %add3A_91, %add3A_206 : i32
          %dma_start3A_208 = arith.constant 0 : i32
          %dma_start3A_209 = tpu.memref_slice %arg6[%add3A_207, %dma_start3A_208] : memref<80x128xi32, #tpu.memory_space<vmem>> -> memref<1x128xi32, #tpu.memory_space<vmem>>
          %dma_start3A_210 = tpu.memref_squeeze %dma_start3A_209 : memref<1x128xi32, #tpu.memory_space<vmem>> -> memref<128xi32, #tpu.memory_space<vmem>>
          %dma_start3A_211 = arith.constant 0 : i32
          %dma_start3A_212 = arith.constant 0 : i32
          %dma_start3A_213 = tpu.memref_slice %arg2[%dma_start3A_211, %dma_start3A_212] : memref<10000x64xf32, #tpu.memory_space<hbm>> -> memref<10000x64xf32, #tpu.memory_space<hbm>>
          tpu.enqueue_indirect_dma source(%dma_start3A_213 : memref<10000x64xf32, #tpu.memory_space<hbm>>) target(%arg8 : memref<128x64xf32, #tpu.memory_space<vmem>>) offsets(%dma_start3A_210 : memref<128xi32, #tpu.memory_space<vmem>>) semaphore(%arg16 : memref<!tpu.dma_semaphore, #tpu.memory_space<semaphore_mem>>)
        } else {
        }
        %mul3A_101 = arith.constant 8 : i32
        %mul3A_102 = arith.muli %scan3A_87, %mul3A_101 : i32
        %add3A_103 = arith.constant 1 : i32
        %add3A_104 = arith.addi %mul3A_102, %add3A_103 : i32
        %dma_wait3A_105 = arith.constant 0 : i32
        %dma_wait3A_106 = tpu.memref_slice %arg6[%add3A_104, %dma_wait3A_105] : memref<80x128xi32, #tpu.memory_space<vmem>> -> memref<1x128xi32, #tpu.memory_space<vmem>>
        %dma_wait3A_107 = tpu.memref_squeeze %dma_wait3A_106 : memref<1x128xi32, #tpu.memory_space<vmem>> -> memref<128xi32, #tpu.memory_space<vmem>>
        %dma_wait3A_108 = arith.constant 0 : i32
        %dma_wait3A_109 = arith.constant 0 : i32
        %dma_wait3A_110 = tpu.memref_slice %arg2[%dma_wait3A_108, %dma_wait3A_109] : memref<10000x64xf32, #tpu.memory_space<hbm>> -> memref<10000x64xf32, #tpu.memory_space<hbm>>
        tpu.wait_indirect_dma semaphore(%arg17 : memref<!tpu.dma_semaphore, #tpu.memory_space<semaphore_mem>>) src(%dma_wait3A_110 : memref<10000x64xf32, #tpu.memory_space<hbm>>) dst(%arg9 : memref<128x64xf32, #tpu.memory_space<vmem>>)
        "tpu.region"() ({
          %run_scoped3A = tpu.sem_alloc : memref<!tpu.dma_semaphore, #tpu.memory_space<semaphore_mem>>
          %dma_start3A_206 = arith.constant 0 : i32
          %dma_start3A_207 = tpu.memref_slice %arg7[%add3A_104, %dma_start3A_206] : memref<80x128xi32, #tpu.memory_space<vmem>> -> memref<1x128xi32, #tpu.memory_space<vmem>>
          %dma_start3A_208 = tpu.memref_squeeze %dma_start3A_207 : memref<1x128xi32, #tpu.memory_space<vmem>> -> memref<128xi32, #tpu.memory_space<vmem>>
          %dma_start3A_209 = arith.constant 0 : i32
          %dma_start3A_210 = arith.constant 0 : i32
          %dma_start3A_211 = tpu.memref_slice %arg24[%dma_start3A_209, %dma_start3A_210] : memref<10240x64xf32, #tpu.memory_space<vmem_shared>> -> memref<10240x64xf32, #tpu.memory_space<vmem_shared>>
          tpu.enqueue_indirect_dma source(%arg9 : memref<128x64xf32, #tpu.memory_space<vmem>>) target(%dma_start3A_211 : memref<10240x64xf32, #tpu.memory_space<vmem_shared>>) offsets(%dma_start3A_208 : memref<128xi32, #tpu.memory_space<vmem>>) semaphore(%run_scoped3A : memref<!tpu.dma_semaphore, #tpu.memory_space<semaphore_mem>>) {add = true}
          %dma_wait3A_212 = arith.constant 0 : i32
          %dma_wait3A_213 = tpu.memref_slice %arg7[%add3A_104, %dma_wait3A_212] : memref<80x128xi32, #tpu.memory_space<vmem>> -> memref<1x128xi32, #tpu.memory_space<vmem>>
          %dma_wait3A_214 = tpu.memref_squeeze %dma_wait3A_213 : memref<1x128xi32, #tpu.memory_space<vmem>> -> memref<128xi32, #tpu.memory_space<vmem>>
          %dma_wait3A_215 = arith.constant 0 : i32
          %dma_wait3A_216 = arith.constant 0 : i32
          %dma_wait3A_217 = tpu.memref_slice %arg24[%dma_wait3A_215, %dma_wait3A_216] : memref<10240x64xf32, #tpu.memory_space<vmem_shared>> -> memref<10240x64xf32, #tpu.memory_space<vmem_shared>>
          tpu.wait_indirect_dma semaphore(%run_scoped3A : memref<!tpu.dma_semaphore, #tpu.memory_space<semaphore_mem>>) src(%arg9 : memref<128x64xf32, #tpu.memory_space<vmem>>) dst(%dma_wait3A_217 : memref<10240x64xf32, #tpu.memory_space<vmem_shared>>)
          tpu.yield
        }) : () -> ()
        %lt3A_111 = arith.constant 9 : i32
        %lt3A_112 = arith.cmpi slt, %scan3A_87, %lt3A_111 : i32
        %convert_element_type3A_113 = arith.extui %lt3A_112 : i1 to i32
        %cond3A_114 = arith.constant 0 : i32
        %cond3A_115 = arith.cmpi ne, %convert_element_type3A_113, %cond3A_114 : i32
        scf.if %cond3A_115 {
          %add3A_206 = arith.constant 8 : i32
          %add3A_207 = arith.addi %add3A_104, %add3A_206 : i32
          %dma_start3A_208 = arith.constant 0 : i32
          %dma_start3A_209 = tpu.memref_slice %arg6[%add3A_207, %dma_start3A_208] : memref<80x128xi32, #tpu.memory_space<vmem>> -> memref<1x128xi32, #tpu.memory_space<vmem>>
          %dma_start3A_210 = tpu.memref_squeeze %dma_start3A_209 : memref<1x128xi32, #tpu.memory_space<vmem>> -> memref<128xi32, #tpu.memory_space<vmem>>
          %dma_start3A_211 = arith.constant 0 : i32
          %dma_start3A_212 = arith.constant 0 : i32
          %dma_start3A_213 = tpu.memref_slice %arg2[%dma_start3A_211, %dma_start3A_212] : memref<10000x64xf32, #tpu.memory_space<hbm>> -> memref<10000x64xf32, #tpu.memory_space<hbm>>
          tpu.enqueue_indirect_dma source(%dma_start3A_213 : memref<10000x64xf32, #tpu.memory_space<hbm>>) target(%arg9 : memref<128x64xf32, #tpu.memory_space<vmem>>) offsets(%dma_start3A_210 : memref<128xi32, #tpu.memory_space<vmem>>) semaphore(%arg17 : memref<!tpu.dma_semaphore, #tpu.memory_space<semaphore_mem>>)
        } else {
        }
        %mul3A_116 = arith.constant 8 : i32
        %mul3A_117 = arith.muli %scan3A_87, %mul3A_116 : i32
        %add3A_118 = arith.constant 2 : i32
        %add3A_119 = arith.addi %mul3A_117, %add3A_118 : i32
        %dma_wait3A_120 = arith.constant 0 : i32
        %dma_wait3A_121 = tpu.memref_slice %arg6[%add3A_119, %dma_wait3A_120] : memref<80x128xi32, #tpu.memory_space<vmem>> -> memref<1x128xi32, #tpu.memory_space<vmem>>
        %dma_wait3A_122 = tpu.memref_squeeze %dma_wait3A_121 : memref<1x128xi32, #tpu.memory_space<vmem>> -> memref<128xi32, #tpu.memory_space<vmem>>
        %dma_wait3A_123 = arith.constant 0 : i32
        %dma_wait3A_124 = arith.constant 0 : i32
        %dma_wait3A_125 = tpu.memref_slice %arg2[%dma_wait3A_123, %dma_wait3A_124] : memref<10000x64xf32, #tpu.memory_space<hbm>> -> memref<10000x64xf32, #tpu.memory_space<hbm>>
        tpu.wait_indirect_dma semaphore(%arg18 : memref<!tpu.dma_semaphore, #tpu.memory_space<semaphore_mem>>) src(%dma_wait3A_125 : memref<10000x64xf32, #tpu.memory_space<hbm>>) dst(%arg10 : memref<128x64xf32, #tpu.memory_space<vmem>>)
        "tpu.region"() ({
          %run_scoped3A = tpu.sem_alloc : memref<!tpu.dma_semaphore, #tpu.memory_space<semaphore_mem>>
          %dma_start3A_206 = arith.constant 0 : i32
          %dma_start3A_207 = tpu.memref_slice %arg7[%add3A_119, %dma_start3A_206] : memref<80x128xi32, #tpu.memory_space<vmem>> -> memref<1x128xi32, #tpu.memory_space<vmem>>
          %dma_start3A_208 = tpu.memref_squeeze %dma_start3A_207 : memref<1x128xi32, #tpu.memory_space<vmem>> -> memref<128xi32, #tpu.memory_space<vmem>>
          %dma_start3A_209 = arith.constant 0 : i32
          %dma_start3A_210 = arith.constant 0 : i32
          %dma_start3A_211 = tpu.memref_slice %arg24[%dma_start3A_209, %dma_start3A_210] : memref<10240x64xf32, #tpu.memory_space<vmem_shared>> -> memref<10240x64xf32, #tpu.memory_space<vmem_shared>>
          tpu.enqueue_indirect_dma source(%arg10 : memref<128x64xf32, #tpu.memory_space<vmem>>) target(%dma_start3A_211 : memref<10240x64xf32, #tpu.memory_space<vmem_shared>>) offsets(%dma_start3A_208 : memref<128xi32, #tpu.memory_space<vmem>>) semaphore(%run_scoped3A : memref<!tpu.dma_semaphore, #tpu.memory_space<semaphore_mem>>) {add = true}
          %dma_wait3A_212 = arith.constant 0 : i32
          %dma_wait3A_213 = tpu.memref_slice %arg7[%add3A_119, %dma_wait3A_212] : memref<80x128xi32, #tpu.memory_space<vmem>> -> memref<1x128xi32, #tpu.memory_space<vmem>>
          %dma_wait3A_214 = tpu.memref_squeeze %dma_wait3A_213 : memref<1x128xi32, #tpu.memory_space<vmem>> -> memref<128xi32, #tpu.memory_space<vmem>>
          %dma_wait3A_215 = arith.constant 0 : i32
          %dma_wait3A_216 = arith.constant 0 : i32
          %dma_wait3A_217 = tpu.memref_slice %arg24[%dma_wait3A_215, %dma_wait3A_216] : memref<10240x64xf32, #tpu.memory_space<vmem_shared>> -> memref<10240x64xf32, #tpu.memory_space<vmem_shared>>
          tpu.wait_indirect_dma semaphore(%run_scoped3A : memref<!tpu.dma_semaphore, #tpu.memory_space<semaphore_mem>>) src(%arg10 : memref<128x64xf32, #tpu.memory_space<vmem>>) dst(%dma_wait3A_217 : memref<10240x64xf32, #tpu.memory_space<vmem_shared>>)
          tpu.yield
        }) : () -> ()
        %lt3A_126 = arith.constant 9 : i32
        %lt3A_127 = arith.cmpi slt, %scan3A_87, %lt3A_126 : i32
        %convert_element_type3A_128 = arith.extui %lt3A_127 : i1 to i32
        %cond3A_129 = arith.constant 0 : i32
        %cond3A_130 = arith.cmpi ne, %convert_element_type3A_128, %cond3A_129 : i32
        scf.if %cond3A_130 {
          %add3A_206 = arith.constant 8 : i32
          %add3A_207 = arith.addi %add3A_119, %add3A_206 : i32
          %dma_start3A_208 = arith.constant 0 : i32
          %dma_start3A_209 = tpu.memref_slice %arg6[%add3A_207, %dma_start3A_208] : memref<80x128xi32, #tpu.memory_space<vmem>> -> memref<1x128xi32, #tpu.memory_space<vmem>>
          %dma_start3A_210 = tpu.memref_squeeze %dma_start3A_209 : memref<1x128xi32, #tpu.memory_space<vmem>> -> memref<128xi32, #tpu.memory_space<vmem>>
          %dma_start3A_211 = arith.constant 0 : i32
          %dma_start3A_212 = arith.constant 0 : i32
          %dma_start3A_213 = tpu.memref_slice %arg2[%dma_start3A_211, %dma_start3A_212] : memref<10000x64xf32, #tpu.memory_space<hbm>> -> memref<10000x64xf32, #tpu.memory_space<hbm>>
          tpu.enqueue_indirect_dma source(%dma_start3A_213 : memref<10000x64xf32, #tpu.memory_space<hbm>>) target(%arg10 : memref<128x64xf32, #tpu.memory_space<vmem>>) offsets(%dma_start3A_210 : memref<128xi32, #tpu.memory_space<vmem>>) semaphore(%arg18 : memref<!tpu.dma_semaphore, #tpu.memory_space<semaphore_mem>>)
        } else {
        }
        %mul3A_131 = arith.constant 8 : i32
        %mul3A_132 = arith.muli %scan3A_87, %mul3A_131 : i32
        %add3A_133 = arith.constant 3 : i32
        %add3A_134 = arith.addi %mul3A_132, %add3A_133 : i32
        %dma_wait3A_135 = arith.constant 0 : i32
        %dma_wait3A_136 = tpu.memref_slice %arg6[%add3A_134, %dma_wait3A_135] : memref<80x128xi32, #tpu.memory_space<vmem>> -> memref<1x128xi32, #tpu.memory_space<vmem>>
        %dma_wait3A_137 = tpu.memref_squeeze %dma_wait3A_136 : memref<1x128xi32, #tpu.memory_space<vmem>> -> memref<128xi32, #tpu.memory_space<vmem>>
        %dma_wait3A_138 = arith.constant 0 : i32
        %dma_wait3A_139 = arith.constant 0 : i32
        %dma_wait3A_140 = tpu.memref_slice %arg2[%dma_wait3A_138, %dma_wait3A_139] : memref<10000x64xf32, #tpu.memory_space<hbm>> -> memref<10000x64xf32, #tpu.memory_space<hbm>>
        tpu.wait_indirect_dma semaphore(%arg19 : memref<!tpu.dma_semaphore, #tpu.memory_space<semaphore_mem>>) src(%dma_wait3A_140 : memref<10000x64xf32, #tpu.memory_space<hbm>>) dst(%arg11 : memref<128x64xf32, #tpu.memory_space<vmem>>)
        "tpu.region"() ({
          %run_scoped3A = tpu.sem_alloc : memref<!tpu.dma_semaphore, #tpu.memory_space<semaphore_mem>>
          %dma_start3A_206 = arith.constant 0 : i32
          %dma_start3A_207 = tpu.memref_slice %arg7[%add3A_134, %dma_start3A_206] : memref<80x128xi32, #tpu.memory_space<vmem>> -> memref<1x128xi32, #tpu.memory_space<vmem>>
          %dma_start3A_208 = tpu.memref_squeeze %dma_start3A_207 : memref<1x128xi32, #tpu.memory_space<vmem>> -> memref<128xi32, #tpu.memory_space<vmem>>
          %dma_start3A_209 = arith.constant 0 : i32
          %dma_start3A_210 = arith.constant 0 : i32
          %dma_start3A_211 = tpu.memref_slice %arg24[%dma_start3A_209, %dma_start3A_210] : memref<10240x64xf32, #tpu.memory_space<vmem_shared>> -> memref<10240x64xf32, #tpu.memory_space<vmem_shared>>
          tpu.enqueue_indirect_dma source(%arg11 : memref<128x64xf32, #tpu.memory_space<vmem>>) target(%dma_start3A_211 : memref<10240x64xf32, #tpu.memory_space<vmem_shared>>) offsets(%dma_start3A_208 : memref<128xi32, #tpu.memory_space<vmem>>) semaphore(%run_scoped3A : memref<!tpu.dma_semaphore, #tpu.memory_space<semaphore_mem>>) {add = true}
          %dma_wait3A_212 = arith.constant 0 : i32
          %dma_wait3A_213 = tpu.memref_slice %arg7[%add3A_134, %dma_wait3A_212] : memref<80x128xi32, #tpu.memory_space<vmem>> -> memref<1x128xi32, #tpu.memory_space<vmem>>
          %dma_wait3A_214 = tpu.memref_squeeze %dma_wait3A_213 : memref<1x128xi32, #tpu.memory_space<vmem>> -> memref<128xi32, #tpu.memory_space<vmem>>
          %dma_wait3A_215 = arith.constant 0 : i32
          %dma_wait3A_216 = arith.constant 0 : i32
          %dma_wait3A_217 = tpu.memref_slice %arg24[%dma_wait3A_215, %dma_wait3A_216] : memref<10240x64xf32, #tpu.memory_space<vmem_shared>> -> memref<10240x64xf32, #tpu.memory_space<vmem_shared>>
          tpu.wait_indirect_dma semaphore(%run_scoped3A : memref<!tpu.dma_semaphore, #tpu.memory_space<semaphore_mem>>) src(%arg11 : memref<128x64xf32, #tpu.memory_space<vmem>>) dst(%dma_wait3A_217 : memref<10240x64xf32, #tpu.memory_space<vmem_shared>>)
          tpu.yield
        }) : () -> ()
        %lt3A_141 = arith.constant 9 : i32
        %lt3A_142 = arith.cmpi slt, %scan3A_87, %lt3A_141 : i32
        %convert_element_type3A_143 = arith.extui %lt3A_142 : i1 to i32
        %cond3A_144 = arith.constant 0 : i32
        %cond3A_145 = arith.cmpi ne, %convert_element_type3A_143, %cond3A_144 : i32
        scf.if %cond3A_145 {
          %add3A_206 = arith.constant 8 : i32
          %add3A_207 = arith.addi %add3A_134, %add3A_206 : i32
          %dma_start3A_208 = arith.constant 0 : i32
          %dma_start3A_209 = tpu.memref_slice %arg6[%add3A_207, %dma_start3A_208] : memref<80x128xi32, #tpu.memory_space<vmem>> -> memref<1x128xi32, #tpu.memory_space<vmem>>
          %dma_start3A_210 = tpu.memref_squeeze %dma_start3A_209 : memref<1x128xi32, #tpu.memory_space<vmem>> -> memref<128xi32, #tpu.memory_space<vmem>>
          %dma_start3A_211 = arith.constant 0 : i32
          %dma_start3A_212 = arith.constant 0 : i32
          %dma_start3A_213 = tpu.memref_slice %arg2[%dma_start3A_211, %dma_start3A_212] : memref<10000x64xf32, #tpu.memory_space<hbm>> -> memref<10000x64xf32, #tpu.memory_space<hbm>>
          tpu.enqueue_indirect_dma source(%dma_start3A_213 : memref<10000x64xf32, #tpu.memory_space<hbm>>) target(%arg11 : memref<128x64xf32, #tpu.memory_space<vmem>>) offsets(%dma_start3A_210 : memref<128xi32, #tpu.memory_space<vmem>>) semaphore(%arg19 : memref<!tpu.dma_semaphore, #tpu.memory_space<semaphore_mem>>)
        } else {
        }
        %mul3A_146 = arith.constant 8 : i32
        %mul3A_147 = arith.muli %scan3A_87, %mul3A_146 : i32
        %add3A_148 = arith.constant 4 : i32
        %add3A_149 = arith.addi %mul3A_147, %add3A_148 : i32
        %dma_wait3A_150 = arith.constant 0 : i32
        %dma_wait3A_151 = tpu.memref_slice %arg6[%add3A_149, %dma_wait3A_150] : memref<80x128xi32, #tpu.memory_space<vmem>> -> memref<1x128xi32, #tpu.memory_space<vmem>>
        %dma_wait3A_152 = tpu.memref_squeeze %dma_wait3A_151 : memref<1x128xi32, #tpu.memory_space<vmem>> -> memref<128xi32, #tpu.memory_space<vmem>>
        %dma_wait3A_153 = arith.constant 0 : i32
        %dma_wait3A_154 = arith.constant 0 : i32
        %dma_wait3A_155 = tpu.memref_slice %arg2[%dma_wait3A_153, %dma_wait3A_154] : memref<10000x64xf32, #tpu.memory_space<hbm>> -> memref<10000x64xf32, #tpu.memory_space<hbm>>
        tpu.wait_indirect_dma semaphore(%arg20 : memref<!tpu.dma_semaphore, #tpu.memory_space<semaphore_mem>>) src(%dma_wait3A_155 : memref<10000x64xf32, #tpu.memory_space<hbm>>) dst(%arg12 : memref<128x64xf32, #tpu.memory_space<vmem>>)
        "tpu.region"() ({
          %run_scoped3A = tpu.sem_alloc : memref<!tpu.dma_semaphore, #tpu.memory_space<semaphore_mem>>
          %dma_start3A_206 = arith.constant 0 : i32
          %dma_start3A_207 = tpu.memref_slice %arg7[%add3A_149, %dma_start3A_206] : memref<80x128xi32, #tpu.memory_space<vmem>> -> memref<1x128xi32, #tpu.memory_space<vmem>>
          %dma_start3A_208 = tpu.memref_squeeze %dma_start3A_207 : memref<1x128xi32, #tpu.memory_space<vmem>> -> memref<128xi32, #tpu.memory_space<vmem>>
          %dma_start3A_209 = arith.constant 0 : i32
          %dma_start3A_210 = arith.constant 0 : i32
          %dma_start3A_211 = tpu.memref_slice %arg24[%dma_start3A_209, %dma_start3A_210] : memref<10240x64xf32, #tpu.memory_space<vmem_shared>> -> memref<10240x64xf32, #tpu.memory_space<vmem_shared>>
          tpu.enqueue_indirect_dma source(%arg12 : memref<128x64xf32, #tpu.memory_space<vmem>>) target(%dma_start3A_211 : memref<10240x64xf32, #tpu.memory_space<vmem_shared>>) offsets(%dma_start3A_208 : memref<128xi32, #tpu.memory_space<vmem>>) semaphore(%run_scoped3A : memref<!tpu.dma_semaphore, #tpu.memory_space<semaphore_mem>>) {add = true}
          %dma_wait3A_212 = arith.constant 0 : i32
          %dma_wait3A_213 = tpu.memref_slice %arg7[%add3A_149, %dma_wait3A_212] : memref<80x128xi32, #tpu.memory_space<vmem>> -> memref<1x128xi32, #tpu.memory_space<vmem>>
          %dma_wait3A_214 = tpu.memref_squeeze %dma_wait3A_213 : memref<1x128xi32, #tpu.memory_space<vmem>> -> memref<128xi32, #tpu.memory_space<vmem>>
          %dma_wait3A_215 = arith.constant 0 : i32
          %dma_wait3A_216 = arith.constant 0 : i32
          %dma_wait3A_217 = tpu.memref_slice %arg24[%dma_wait3A_215, %dma_wait3A_216] : memref<10240x64xf32, #tpu.memory_space<vmem_shared>> -> memref<10240x64xf32, #tpu.memory_space<vmem_shared>>
          tpu.wait_indirect_dma semaphore(%run_scoped3A : memref<!tpu.dma_semaphore, #tpu.memory_space<semaphore_mem>>) src(%arg12 : memref<128x64xf32, #tpu.memory_space<vmem>>) dst(%dma_wait3A_217 : memref<10240x64xf32, #tpu.memory_space<vmem_shared>>)
          tpu.yield
        }) : () -> ()
        %lt3A_156 = arith.constant 9 : i32
        %lt3A_157 = arith.cmpi slt, %scan3A_87, %lt3A_156 : i32
        %convert_element_type3A_158 = arith.extui %lt3A_157 : i1 to i32
        %cond3A_159 = arith.constant 0 : i32
        %cond3A_160 = arith.cmpi ne, %convert_element_type3A_158, %cond3A_159 : i32
        scf.if %cond3A_160 {
          %add3A_206 = arith.constant 8 : i32
          %add3A_207 = arith.addi %add3A_149, %add3A_206 : i32
          %dma_start3A_208 = arith.constant 0 : i32
          %dma_start3A_209 = tpu.memref_slice %arg6[%add3A_207, %dma_start3A_208] : memref<80x128xi32, #tpu.memory_space<vmem>> -> memref<1x128xi32, #tpu.memory_space<vmem>>
          %dma_start3A_210 = tpu.memref_squeeze %dma_start3A_209 : memref<1x128xi32, #tpu.memory_space<vmem>> -> memref<128xi32, #tpu.memory_space<vmem>>
          %dma_start3A_211 = arith.constant 0 : i32
          %dma_start3A_212 = arith.constant 0 : i32
          %dma_start3A_213 = tpu.memref_slice %arg2[%dma_start3A_211, %dma_start3A_212] : memref<10000x64xf32, #tpu.memory_space<hbm>> -> memref<10000x64xf32, #tpu.memory_space<hbm>>
          tpu.enqueue_indirect_dma source(%dma_start3A_213 : memref<10000x64xf32, #tpu.memory_space<hbm>>) target(%arg12 : memref<128x64xf32, #tpu.memory_space<vmem>>) offsets(%dma_start3A_210 : memref<128xi32, #tpu.memory_space<vmem>>) semaphore(%arg20 : memref<!tpu.dma_semaphore, #tpu.memory_space<semaphore_mem>>)
        } else {
        }
        %mul3A_161 = arith.constant 8 : i32
        %mul3A_162 = arith.muli %scan3A_87, %mul3A_161 : i32
        %add3A_163 = arith.constant 5 : i32
        %add3A_164 = arith.addi %mul3A_162, %add3A_163 : i32
        %dma_wait3A_165 = arith.constant 0 : i32
        %dma_wait3A_166 = tpu.memref_slice %arg6[%add3A_164, %dma_wait3A_165] : memref<80x128xi32, #tpu.memory_space<vmem>> -> memref<1x128xi32, #tpu.memory_space<vmem>>
        %dma_wait3A_167 = tpu.memref_squeeze %dma_wait3A_166 : memref<1x128xi32, #tpu.memory_space<vmem>> -> memref<128xi32, #tpu.memory_space<vmem>>
        %dma_wait3A_168 = arith.constant 0 : i32
        %dma_wait3A_169 = arith.constant 0 : i32
        %dma_wait3A_170 = tpu.memref_slice %arg2[%dma_wait3A_168, %dma_wait3A_169] : memref<10000x64xf32, #tpu.memory_space<hbm>> -> memref<10000x64xf32, #tpu.memory_space<hbm>>
        tpu.wait_indirect_dma semaphore(%arg21 : memref<!tpu.dma_semaphore, #tpu.memory_space<semaphore_mem>>) src(%dma_wait3A_170 : memref<10000x64xf32, #tpu.memory_space<hbm>>) dst(%arg13 : memref<128x64xf32, #tpu.memory_space<vmem>>)
        "tpu.region"() ({
          %run_scoped3A = tpu.sem_alloc : memref<!tpu.dma_semaphore, #tpu.memory_space<semaphore_mem>>
          %dma_start3A_206 = arith.constant 0 : i32
          %dma_start3A_207 = tpu.memref_slice %arg7[%add3A_164, %dma_start3A_206] : memref<80x128xi32, #tpu.memory_space<vmem>> -> memref<1x128xi32, #tpu.memory_space<vmem>>
          %dma_start3A_208 = tpu.memref_squeeze %dma_start3A_207 : memref<1x128xi32, #tpu.memory_space<vmem>> -> memref<128xi32, #tpu.memory_space<vmem>>
          %dma_start3A_209 = arith.constant 0 : i32
          %dma_start3A_210 = arith.constant 0 : i32
          %dma_start3A_211 = tpu.memref_slice %arg24[%dma_start3A_209, %dma_start3A_210] : memref<10240x64xf32, #tpu.memory_space<vmem_shared>> -> memref<10240x64xf32, #tpu.memory_space<vmem_shared>>
          tpu.enqueue_indirect_dma source(%arg13 : memref<128x64xf32, #tpu.memory_space<vmem>>) target(%dma_start3A_211 : memref<10240x64xf32, #tpu.memory_space<vmem_shared>>) offsets(%dma_start3A_208 : memref<128xi32, #tpu.memory_space<vmem>>) semaphore(%run_scoped3A : memref<!tpu.dma_semaphore, #tpu.memory_space<semaphore_mem>>) {add = true}
          %dma_wait3A_212 = arith.constant 0 : i32
          %dma_wait3A_213 = tpu.memref_slice %arg7[%add3A_164, %dma_wait3A_212] : memref<80x128xi32, #tpu.memory_space<vmem>> -> memref<1x128xi32, #tpu.memory_space<vmem>>
          %dma_wait3A_214 = tpu.memref_squeeze %dma_wait3A_213 : memref<1x128xi32, #tpu.memory_space<vmem>> -> memref<128xi32, #tpu.memory_space<vmem>>
          %dma_wait3A_215 = arith.constant 0 : i32
          %dma_wait3A_216 = arith.constant 0 : i32
          %dma_wait3A_217 = tpu.memref_slice %arg24[%dma_wait3A_215, %dma_wait3A_216] : memref<10240x64xf32, #tpu.memory_space<vmem_shared>> -> memref<10240x64xf32, #tpu.memory_space<vmem_shared>>
          tpu.wait_indirect_dma semaphore(%run_scoped3A : memref<!tpu.dma_semaphore, #tpu.memory_space<semaphore_mem>>) src(%arg13 : memref<128x64xf32, #tpu.memory_space<vmem>>) dst(%dma_wait3A_217 : memref<10240x64xf32, #tpu.memory_space<vmem_shared>>)
          tpu.yield
        }) : () -> ()
        %lt3A_171 = arith.constant 9 : i32
        %lt3A_172 = arith.cmpi slt, %scan3A_87, %lt3A_171 : i32
        %convert_element_type3A_173 = arith.extui %lt3A_172 : i1 to i32
        %cond3A_174 = arith.constant 0 : i32
        %cond3A_175 = arith.cmpi ne, %convert_element_type3A_173, %cond3A_174 : i32
        scf.if %cond3A_175 {
          %add3A_206 = arith.constant 8 : i32
          %add3A_207 = arith.addi %add3A_164, %add3A_206 : i32
          %dma_start3A_208 = arith.constant 0 : i32
          %dma_start3A_209 = tpu.memref_slice %arg6[%add3A_207, %dma_start3A_208] : memref<80x128xi32, #tpu.memory_space<vmem>> -> memref<1x128xi32, #tpu.memory_space<vmem>>
          %dma_start3A_210 = tpu.memref_squeeze %dma_start3A_209 : memref<1x128xi32, #tpu.memory_space<vmem>> -> memref<128xi32, #tpu.memory_space<vmem>>
          %dma_start3A_211 = arith.constant 0 : i32
          %dma_start3A_212 = arith.constant 0 : i32
          %dma_start3A_213 = tpu.memref_slice %arg2[%dma_start3A_211, %dma_start3A_212] : memref<10000x64xf32, #tpu.memory_space<hbm>> -> memref<10000x64xf32, #tpu.memory_space<hbm>>
          tpu.enqueue_indirect_dma source(%dma_start3A_213 : memref<10000x64xf32, #tpu.memory_space<hbm>>) target(%arg13 : memref<128x64xf32, #tpu.memory_space<vmem>>) offsets(%dma_start3A_210 : memref<128xi32, #tpu.memory_space<vmem>>) semaphore(%arg21 : memref<!tpu.dma_semaphore, #tpu.memory_space<semaphore_mem>>)
        } else {
        }
        %mul3A_176 = arith.constant 8 : i32
        %mul3A_177 = arith.muli %scan3A_87, %mul3A_176 : i32
        %add3A_178 = arith.constant 6 : i32
        %add3A_179 = arith.addi %mul3A_177, %add3A_178 : i32
        %dma_wait3A_180 = arith.constant 0 : i32
        %dma_wait3A_181 = tpu.memref_slice %arg6[%add3A_179, %dma_wait3A_180] : memref<80x128xi32, #tpu.memory_space<vmem>> -> memref<1x128xi32, #tpu.memory_space<vmem>>
        %dma_wait3A_182 = tpu.memref_squeeze %dma_wait3A_181 : memref<1x128xi32, #tpu.memory_space<vmem>> -> memref<128xi32, #tpu.memory_space<vmem>>
        %dma_wait3A_183 = arith.constant 0 : i32
        %dma_wait3A_184 = arith.constant 0 : i32
        %dma_wait3A_185 = tpu.memref_slice %arg2[%dma_wait3A_183, %dma_wait3A_184] : memref<10000x64xf32, #tpu.memory_space<hbm>> -> memref<10000x64xf32, #tpu.memory_space<hbm>>
        tpu.wait_indirect_dma semaphore(%arg22 : memref<!tpu.dma_semaphore, #tpu.memory_space<semaphore_mem>>) src(%dma_wait3A_185 : memref<10000x64xf32, #tpu.memory_space<hbm>>) dst(%arg14 : memref<128x64xf32, #tpu.memory_space<vmem>>)
        "tpu.region"() ({
          %run_scoped3A = tpu.sem_alloc : memref<!tpu.dma_semaphore, #tpu.memory_space<semaphore_mem>>
          %dma_start3A_206 = arith.constant 0 : i32
          %dma_start3A_207 = tpu.memref_slice %arg7[%add3A_179, %dma_start3A_206] : memref<80x128xi32, #tpu.memory_space<vmem>> -> memref<1x128xi32, #tpu.memory_space<vmem>>
          %dma_start3A_208 = tpu.memref_squeeze %dma_start3A_207 : memref<1x128xi32, #tpu.memory_space<vmem>> -> memref<128xi32, #tpu.memory_space<vmem>>
          %dma_start3A_209 = arith.constant 0 : i32
          %dma_start3A_210 = arith.constant 0 : i32
          %dma_start3A_211 = tpu.memref_slice %arg24[%dma_start3A_209, %dma_start3A_210] : memref<10240x64xf32, #tpu.memory_space<vmem_shared>> -> memref<10240x64xf32, #tpu.memory_space<vmem_shared>>
          tpu.enqueue_indirect_dma source(%arg14 : memref<128x64xf32, #tpu.memory_space<vmem>>) target(%dma_start3A_211 : memref<10240x64xf32, #tpu.memory_space<vmem_shared>>) offsets(%dma_start3A_208 : memref<128xi32, #tpu.memory_space<vmem>>) semaphore(%run_scoped3A : memref<!tpu.dma_semaphore, #tpu.memory_space<semaphore_mem>>) {add = true}
          %dma_wait3A_212 = arith.constant 0 : i32
          %dma_wait3A_213 = tpu.memref_slice %arg7[%add3A_179, %dma_wait3A_212] : memref<80x128xi32, #tpu.memory_space<vmem>> -> memref<1x128xi32, #tpu.memory_space<vmem>>
          %dma_wait3A_214 = tpu.memref_squeeze %dma_wait3A_213 : memref<1x128xi32, #tpu.memory_space<vmem>> -> memref<128xi32, #tpu.memory_space<vmem>>
          %dma_wait3A_215 = arith.constant 0 : i32
          %dma_wait3A_216 = arith.constant 0 : i32
          %dma_wait3A_217 = tpu.memref_slice %arg24[%dma_wait3A_215, %dma_wait3A_216] : memref<10240x64xf32, #tpu.memory_space<vmem_shared>> -> memref<10240x64xf32, #tpu.memory_space<vmem_shared>>
          tpu.wait_indirect_dma semaphore(%run_scoped3A : memref<!tpu.dma_semaphore, #tpu.memory_space<semaphore_mem>>) src(%arg14 : memref<128x64xf32, #tpu.memory_space<vmem>>) dst(%dma_wait3A_217 : memref<10240x64xf32, #tpu.memory_space<vmem_shared>>)
          tpu.yield
        }) : () -> ()
        %lt3A_186 = arith.constant 9 : i32
        %lt3A_187 = arith.cmpi slt, %scan3A_87, %lt3A_186 : i32
        %convert_element_type3A_188 = arith.extui %lt3A_187 : i1 to i32
        %cond3A_189 = arith.constant 0 : i32
        %cond3A_190 = arith.cmpi ne, %convert_element_type3A_188, %cond3A_189 : i32
        scf.if %cond3A_190 {
          %add3A_206 = arith.constant 8 : i32
          %add3A_207 = arith.addi %add3A_179, %add3A_206 : i32
          %dma_start3A_208 = arith.constant 0 : i32
          %dma_start3A_209 = tpu.memref_slice %arg6[%add3A_207, %dma_start3A_208] : memref<80x128xi32, #tpu.memory_space<vmem>> -> memref<1x128xi32, #tpu.memory_space<vmem>>
          %dma_start3A_210 = tpu.memref_squeeze %dma_start3A_209 : memref<1x128xi32, #tpu.memory_space<vmem>> -> memref<128xi32, #tpu.memory_space<vmem>>
          %dma_start3A_211 = arith.constant 0 : i32
          %dma_start3A_212 = arith.constant 0 : i32
          %dma_start3A_213 = tpu.memref_slice %arg2[%dma_start3A_211, %dma_start3A_212] : memref<10000x64xf32, #tpu.memory_space<hbm>> -> memref<10000x64xf32, #tpu.memory_space<hbm>>
          tpu.enqueue_indirect_dma source(%dma_start3A_213 : memref<10000x64xf32, #tpu.memory_space<hbm>>) target(%arg14 : memref<128x64xf32, #tpu.memory_space<vmem>>) offsets(%dma_start3A_210 : memref<128xi32, #tpu.memory_space<vmem>>) semaphore(%arg22 : memref<!tpu.dma_semaphore, #tpu.memory_space<semaphore_mem>>)
        } else {
        }
        %mul3A_191 = arith.constant 8 : i32
        %mul3A_192 = arith.muli %scan3A_87, %mul3A_191 : i32
        %add3A_193 = arith.constant 7 : i32
        %add3A_194 = arith.addi %mul3A_192, %add3A_193 : i32
        %dma_wait3A_195 = arith.constant 0 : i32
        %dma_wait3A_196 = tpu.memref_slice %arg6[%add3A_194, %dma_wait3A_195] : memref<80x128xi32, #tpu.memory_space<vmem>> -> memref<1x128xi32, #tpu.memory_space<vmem>>
        %dma_wait3A_197 = tpu.memref_squeeze %dma_wait3A_196 : memref<1x128xi32, #tpu.memory_space<vmem>> -> memref<128xi32, #tpu.memory_space<vmem>>
        %dma_wait3A_198 = arith.constant 0 : i32
        %dma_wait3A_199 = arith.constant 0 : i32
        %dma_wait3A_200 = tpu.memref_slice %arg2[%dma_wait3A_198, %dma_wait3A_199] : memref<10000x64xf32, #tpu.memory_space<hbm>> -> memref<10000x64xf32, #tpu.memory_space<hbm>>
        tpu.wait_indirect_dma semaphore(%arg23 : memref<!tpu.dma_semaphore, #tpu.memory_space<semaphore_mem>>) src(%dma_wait3A_200 : memref<10000x64xf32, #tpu.memory_space<hbm>>) dst(%arg15 : memref<128x64xf32, #tpu.memory_space<vmem>>)
        "tpu.region"() ({
          %run_scoped3A = tpu.sem_alloc : memref<!tpu.dma_semaphore, #tpu.memory_space<semaphore_mem>>
          %dma_start3A_206 = arith.constant 0 : i32
          %dma_start3A_207 = tpu.memref_slice %arg7[%add3A_194, %dma_start3A_206] : memref<80x128xi32, #tpu.memory_space<vmem>> -> memref<1x128xi32, #tpu.memory_space<vmem>>
          %dma_start3A_208 = tpu.memref_squeeze %dma_start3A_207 : memref<1x128xi32, #tpu.memory_space<vmem>> -> memref<128xi32, #tpu.memory_space<vmem>>
          %dma_start3A_209 = arith.constant 0 : i32
          %dma_start3A_210 = arith.constant 0 : i32
          %dma_start3A_211 = tpu.memref_slice %arg24[%dma_start3A_209, %dma_start3A_210] : memref<10240x64xf32, #tpu.memory_space<vmem_shared>> -> memref<10240x64xf32, #tpu.memory_space<vmem_shared>>
          tpu.enqueue_indirect_dma source(%arg15 : memref<128x64xf32, #tpu.memory_space<vmem>>) target(%dma_start3A_211 : memref<10240x64xf32, #tpu.memory_space<vmem_shared>>) offsets(%dma_start3A_208 : memref<128xi32, #tpu.memory_space<vmem>>) semaphore(%run_scoped3A : memref<!tpu.dma_semaphore, #tpu.memory_space<semaphore_mem>>) {add = true}
          %dma_wait3A_212 = arith.constant 0 : i32
          %dma_wait3A_213 = tpu.memref_slice %arg7[%add3A_194, %dma_wait3A_212] : memref<80x128xi32, #tpu.memory_space<vmem>> -> memref<1x128xi32, #tpu.memory_space<vmem>>
          %dma_wait3A_214 = tpu.memref_squeeze %dma_wait3A_213 : memref<1x128xi32, #tpu.memory_space<vmem>> -> memref<128xi32, #tpu.memory_space<vmem>>
          %dma_wait3A_215 = arith.constant 0 : i32
          %dma_wait3A_216 = arith.constant 0 : i32
          %dma_wait3A_217 = tpu.memref_slice %arg24[%dma_wait3A_215, %dma_wait3A_216] : memref<10240x64xf32, #tpu.memory_space<vmem_shared>> -> memref<10240x64xf32, #tpu.memory_space<vmem_shared>>
          tpu.wait_indirect_dma semaphore(%run_scoped3A : memref<!tpu.dma_semaphore, #tpu.memory_space<semaphore_mem>>) src(%arg15 : memref<128x64xf32, #tpu.memory_space<vmem>>) dst(%dma_wait3A_217 : memref<10240x64xf32, #tpu.memory_space<vmem_shared>>)
          tpu.yield
        }) : () -> ()
        %lt3A_201 = arith.constant 9 : i32
        %lt3A_202 = arith.cmpi slt, %scan3A_87, %lt3A_201 : i32
        %convert_element_type3A_203 = arith.extui %lt3A_202 : i1 to i32
        %cond3A_204 = arith.constant 0 : i32
        %cond3A_205 = arith.cmpi ne, %convert_element_type3A_203, %cond3A_204 : i32
        scf.if %cond3A_205 {
          %add3A_206 = arith.constant 8 : i32
          %add3A_207 = arith.addi %add3A_194, %add3A_206 : i32
          %dma_start3A_208 = arith.constant 0 : i32
          %dma_start3A_209 = tpu.memref_slice %arg6[%add3A_207, %dma_start3A_208] : memref<80x128xi32, #tpu.memory_space<vmem>> -> memref<1x128xi32, #tpu.memory_space<vmem>>
          %dma_start3A_210 = tpu.memref_squeeze %dma_start3A_209 : memref<1x128xi32, #tpu.memory_space<vmem>> -> memref<128xi32, #tpu.memory_space<vmem>>
          %dma_start3A_211 = arith.constant 0 : i32
          %dma_start3A_212 = arith.constant 0 : i32
          %dma_start3A_213 = tpu.memref_slice %arg2[%dma_start3A_211, %dma_start3A_212] : memref<10000x64xf32, #tpu.memory_space<hbm>> -> memref<10000x64xf32, #tpu.memory_space<hbm>>
          tpu.enqueue_indirect_dma source(%dma_start3A_213 : memref<10000x64xf32, #tpu.memory_space<hbm>>) target(%arg15 : memref<128x64xf32, #tpu.memory_space<vmem>>) offsets(%dma_start3A_210 : memref<128xi32, #tpu.memory_space<vmem>>) semaphore(%arg23 : memref<!tpu.dma_semaphore, #tpu.memory_space<semaphore_mem>>)
        } else {
        }
      }
      %scan3A_86 = arith.constant 10 : i32
    } else {
    }
    %eq3A_13 = arith.constant 1 : i32
    %eq3A_14 = arith.cmpi eq, %arg0, %eq3A_13 : i32
    %convert_element_type3A_15 = arith.extui %eq3A_14 : i1 to i32
    %cond3A_16 = arith.constant 0 : i32
    %cond3A_17 = arith.cmpi ne, %convert_element_type3A_15, %cond3A_16 : i32
    scf.if %cond3A_17 {
      %mul3A_24 = arith.constant 80 : i32
      %mul3A_25 = arith.muli %arg1, %mul3A_24 : i32
      %add3A_26 = arith.constant 1280 : i32
      %add3A_27 = arith.addi %add3A_26, %mul3A_25 : i32
      "tpu.region"() ({
        %run_scoped3A = tpu.sem_alloc : memref<!tpu.dma_semaphore, #tpu.memory_space<semaphore_mem>>
        %dma_start3A_89 = arith.constant 0 : i32
        %dma_start3A_90 = arith.constant 0 : i32
        %dma_start3A_91 = tpu.memref_slice %arg6[%dma_start3A_89, %dma_start3A_90] : memref<80x128xi32, #tpu.memory_space<vmem>> -> memref<80x128xi32, #tpu.memory_space<vmem>>
        %dma_start3A_92 = arith.constant 0 : i32
        %dma_start3A_93 = tpu.memref_slice %arg3[%add3A_27, %dma_start3A_92] : memref<2560x128xi32, #tpu.memory_space<hbm>> -> memref<80x128xi32, #tpu.memory_space<hbm>>
        %dma_start3A_94 = arith.constant 0 : i32
        %dma_start3A_95 = arith.constant 0 : i32
        %dma_start3A_96 = tpu.memref_slice %arg6[%dma_start3A_94, %dma_start3A_95] : memref<80x128xi32, #tpu.memory_space<vmem>> -> memref<80x128xi32, #tpu.memory_space<vmem>>
        %dma_start3A_97 = arith.constant 0 : i32
        %dma_start3A_98 = tpu.memref_slice %arg3[%add3A_27, %dma_start3A_97] : memref<2560x128xi32, #tpu.memory_space<hbm>> -> memref<80x128xi32, #tpu.memory_space<hbm>>
        tpu.enqueue_dma source(%dma_start3A_98 : memref<80x128xi32, #tpu.memory_space<hbm>>) target(%dma_start3A_96 : memref<80x128xi32, #tpu.memory_space<vmem>>) target_semaphore(%run_scoped3A : memref<!tpu.dma_semaphore, #tpu.memory_space<semaphore_mem>>)
        %dma_wait3A = arith.constant 0 : i32
        %dma_wait3A_99 = arith.constant 0 : i32
        %dma_wait3A_100 = tpu.memref_slice %arg6[%dma_wait3A, %dma_wait3A_99] : memref<80x128xi32, #tpu.memory_space<vmem>> -> memref<80x128xi32, #tpu.memory_space<vmem>>
        %dma_wait3A_101 = arith.constant 0 : i32
        %dma_wait3A_102 = tpu.memref_slice %arg3[%add3A_27, %dma_wait3A_101] : memref<2560x128xi32, #tpu.memory_space<hbm>> -> memref<80x128xi32, #tpu.memory_space<hbm>>
        %dma_wait3A_103 = arith.constant 0 : i32
        %dma_wait3A_104 = arith.constant 0 : i32
        %dma_wait3A_105 = tpu.memref_slice %arg6[%dma_wait3A_103, %dma_wait3A_104] : memref<80x128xi32, #tpu.memory_space<vmem>> -> memref<80x128xi32, #tpu.memory_space<vmem>>
        %dma_wait3A_106 = arith.constant 0 : i32
        %dma_wait3A_107 = tpu.memref_slice %arg3[%add3A_27, %dma_wait3A_106] : memref<2560x128xi32, #tpu.memory_space<hbm>> -> memref<80x128xi32, #tpu.memory_space<hbm>>
        tpu.wait_dma2 semaphore(%run_scoped3A : memref<!tpu.dma_semaphore, #tpu.memory_space<semaphore_mem>>) src(%dma_wait3A_107 : memref<80x128xi32, #tpu.memory_space<hbm>>) dst(%dma_wait3A_105 : memref<80x128xi32, #tpu.memory_space<vmem>>)
        tpu.yield
      }) : () -> ()
      "tpu.region"() ({
        %run_scoped3A = tpu.sem_alloc : memref<!tpu.dma_semaphore, #tpu.memory_space<semaphore_mem>>
        %dma_start3A_89 = arith.constant 0 : i32
        %dma_start3A_90 = arith.constant 0 : i32
        %dma_start3A_91 = tpu.memref_slice %arg7[%dma_start3A_89, %dma_start3A_90] : memref<80x128xi32, #tpu.memory_space<vmem>> -> memref<80x128xi32, #tpu.memory_space<vmem>>
        %dma_start3A_92 = arith.constant 0 : i32
        %dma_start3A_93 = tpu.memref_slice %arg4[%add3A_27, %dma_start3A_92] : memref<2560x128xi32, #tpu.memory_space<hbm>> -> memref<80x128xi32, #tpu.memory_space<hbm>>
        %dma_start3A_94 = arith.constant 0 : i32
        %dma_start3A_95 = arith.constant 0 : i32
        %dma_start3A_96 = tpu.memref_slice %arg7[%dma_start3A_94, %dma_start3A_95] : memref<80x128xi32, #tpu.memory_space<vmem>> -> memref<80x128xi32, #tpu.memory_space<vmem>>
        %dma_start3A_97 = arith.constant 0 : i32
        %dma_start3A_98 = tpu.memref_slice %arg4[%add3A_27, %dma_start3A_97] : memref<2560x128xi32, #tpu.memory_space<hbm>> -> memref<80x128xi32, #tpu.memory_space<hbm>>
        tpu.enqueue_dma source(%dma_start3A_98 : memref<80x128xi32, #tpu.memory_space<hbm>>) target(%dma_start3A_96 : memref<80x128xi32, #tpu.memory_space<vmem>>) target_semaphore(%run_scoped3A : memref<!tpu.dma_semaphore, #tpu.memory_space<semaphore_mem>>)
        %dma_wait3A = arith.constant 0 : i32
        %dma_wait3A_99 = arith.constant 0 : i32
        %dma_wait3A_100 = tpu.memref_slice %arg7[%dma_wait3A, %dma_wait3A_99] : memref<80x128xi32, #tpu.memory_space<vmem>> -> memref<80x128xi32, #tpu.memory_space<vmem>>
        %dma_wait3A_101 = arith.constant 0 : i32
        %dma_wait3A_102 = tpu.memref_slice %arg4[%add3A_27, %dma_wait3A_101] : memref<2560x128xi32, #tpu.memory_space<hbm>> -> memref<80x128xi32, #tpu.memory_space<hbm>>
        %dma_wait3A_103 = arith.constant 0 : i32
        %dma_wait3A_104 = arith.constant 0 : i32
        %dma_wait3A_105 = tpu.memref_slice %arg7[%dma_wait3A_103, %dma_wait3A_104] : memref<80x128xi32, #tpu.memory_space<vmem>> -> memref<80x128xi32, #tpu.memory_space<vmem>>
        %dma_wait3A_106 = arith.constant 0 : i32
        %dma_wait3A_107 = tpu.memref_slice %arg4[%add3A_27, %dma_wait3A_106] : memref<2560x128xi32, #tpu.memory_space<hbm>> -> memref<80x128xi32, #tpu.memory_space<hbm>>
        tpu.wait_dma2 semaphore(%run_scoped3A : memref<!tpu.dma_semaphore, #tpu.memory_space<semaphore_mem>>) src(%dma_wait3A_107 : memref<80x128xi32, #tpu.memory_space<hbm>>) dst(%dma_wait3A_105 : memref<80x128xi32, #tpu.memory_space<vmem>>)
        tpu.yield
      }) : () -> ()
      %dma_start3A = arith.constant 0 : i32
      %dma_start3A_28 = arith.constant 0 : i32
      %dma_start3A_29 = tpu.memref_slice %arg6[%dma_start3A, %dma_start3A_28] : memref<80x128xi32, #tpu.memory_space<vmem>> -> memref<1x128xi32, #tpu.memory_space<vmem>>
      %dma_start3A_30 = tpu.memref_squeeze %dma_start3A_29 : memref<1x128xi32, #tpu.memory_space<vmem>> -> memref<128xi32, #tpu.memory_space<vmem>>
      %dma_start3A_31 = arith.constant 0 : i32
      %dma_start3A_32 = arith.constant 0 : i32
      %dma_start3A_33 = tpu.memref_slice %arg2[%dma_start3A_31, %dma_start3A_32] : memref<10000x64xf32, #tpu.memory_space<hbm>> -> memref<10000x64xf32, #tpu.memory_space<hbm>>
      tpu.enqueue_indirect_dma source(%dma_start3A_33 : memref<10000x64xf32, #tpu.memory_space<hbm>>) target(%arg8 : memref<128x64xf32, #tpu.memory_space<vmem>>) offsets(%dma_start3A_30 : memref<128xi32, #tpu.memory_space<vmem>>) semaphore(%arg16 : memref<!tpu.dma_semaphore, #tpu.memory_space<semaphore_mem>>)
      %dma_start3A_34 = arith.constant 1 : i32
      %dma_start3A_35 = arith.constant 0 : i32
      %dma_start3A_36 = tpu.memref_slice %arg6[%dma_start3A_34, %dma_start3A_35] : memref<80x128xi32, #tpu.memory_space<vmem>> -> memref<1x128xi32, #tpu.memory_space<vmem>>
      %dma_start3A_37 = tpu.memref_squeeze %dma_start3A_36 : memref<1x128xi32, #tpu.memory_space<vmem>> -> memref<128xi32, #tpu.memory_space<vmem>>
      %dma_start3A_38 = arith.constant 0 : i32
      %dma_start3A_39 = arith.constant 0 : i32
      %dma_start3A_40 = tpu.memref_slice %arg2[%dma_start3A_38, %dma_start3A_39] : memref<10000x64xf32, #tpu.memory_space<hbm>> -> memref<10000x64xf32, #tpu.memory_space<hbm>>
      tpu.enqueue_indirect_dma source(%dma_start3A_40 : memref<10000x64xf32, #tpu.memory_space<hbm>>) target(%arg9 : memref<128x64xf32, #tpu.memory_space<vmem>>) offsets(%dma_start3A_37 : memref<128xi32, #tpu.memory_space<vmem>>) semaphore(%arg17 : memref<!tpu.dma_semaphore, #tpu.memory_space<semaphore_mem>>)
      %dma_start3A_41 = arith.constant 2 : i32
      %dma_start3A_42 = arith.constant 0 : i32
      %dma_start3A_43 = tpu.memref_slice %arg6[%dma_start3A_41, %dma_start3A_42] : memref<80x128xi32, #tpu.memory_space<vmem>> -> memref<1x128xi32, #tpu.memory_space<vmem>>
      %dma_start3A_44 = tpu.memref_squeeze %dma_start3A_43 : memref<1x128xi32, #tpu.memory_space<vmem>> -> memref<128xi32, #tpu.memory_space<vmem>>
      %dma_start3A_45 = arith.constant 0 : i32
      %dma_start3A_46 = arith.constant 0 : i32
      %dma_start3A_47 = tpu.memref_slice %arg2[%dma_start3A_45, %dma_start3A_46] : memref<10000x64xf32, #tpu.memory_space<hbm>> -> memref<10000x64xf32, #tpu.memory_space<hbm>>
      tpu.enqueue_indirect_dma source(%dma_start3A_47 : memref<10000x64xf32, #tpu.memory_space<hbm>>) target(%arg10 : memref<128x64xf32, #tpu.memory_space<vmem>>) offsets(%dma_start3A_44 : memref<128xi32, #tpu.memory_space<vmem>>) semaphore(%arg18 : memref<!tpu.dma_semaphore, #tpu.memory_space<semaphore_mem>>)
      %dma_start3A_48 = arith.constant 3 : i32
      %dma_start3A_49 = arith.constant 0 : i32
      %dma_start3A_50 = tpu.memref_slice %arg6[%dma_start3A_48, %dma_start3A_49] : memref<80x128xi32, #tpu.memory_space<vmem>> -> memref<1x128xi32, #tpu.memory_space<vmem>>
      %dma_start3A_51 = tpu.memref_squeeze %dma_start3A_50 : memref<1x128xi32, #tpu.memory_space<vmem>> -> memref<128xi32, #tpu.memory_space<vmem>>
      %dma_start3A_52 = arith.constant 0 : i32
      %dma_start3A_53 = arith.constant 0 : i32
      %dma_start3A_54 = tpu.memref_slice %arg2[%dma_start3A_52, %dma_start3A_53] : memref<10000x64xf32, #tpu.memory_space<hbm>> -> memref<10000x64xf32, #tpu.memory_space<hbm>>
      tpu.enqueue_indirect_dma source(%dma_start3A_54 : memref<10000x64xf32, #tpu.memory_space<hbm>>) target(%arg11 : memref<128x64xf32, #tpu.memory_space<vmem>>) offsets(%dma_start3A_51 : memref<128xi32, #tpu.memory_space<vmem>>) semaphore(%arg19 : memref<!tpu.dma_semaphore, #tpu.memory_space<semaphore_mem>>)
      %dma_start3A_55 = arith.constant 4 : i32
      %dma_start3A_56 = arith.constant 0 : i32
      %dma_start3A_57 = tpu.memref_slice %arg6[%dma_start3A_55, %dma_start3A_56] : memref<80x128xi32, #tpu.memory_space<vmem>> -> memref<1x128xi32, #tpu.memory_space<vmem>>
      %dma_start3A_58 = tpu.memref_squeeze %dma_start3A_57 : memref<1x128xi32, #tpu.memory_space<vmem>> -> memref<128xi32, #tpu.memory_space<vmem>>
      %dma_start3A_59 = arith.constant 0 : i32
      %dma_start3A_60 = arith.constant 0 : i32
      %dma_start3A_61 = tpu.memref_slice %arg2[%dma_start3A_59, %dma_start3A_60] : memref<10000x64xf32, #tpu.memory_space<hbm>> -> memref<10000x64xf32, #tpu.memory_space<hbm>>
      tpu.enqueue_indirect_dma source(%dma_start3A_61 : memref<10000x64xf32, #tpu.memory_space<hbm>>) target(%arg12 : memref<128x64xf32, #tpu.memory_space<vmem>>) offsets(%dma_start3A_58 : memref<128xi32, #tpu.memory_space<vmem>>) semaphore(%arg20 : memref<!tpu.dma_semaphore, #tpu.memory_space<semaphore_mem>>)
      %dma_start3A_62 = arith.constant 5 : i32
      %dma_start3A_63 = arith.constant 0 : i32
      %dma_start3A_64 = tpu.memref_slice %arg6[%dma_start3A_62, %dma_start3A_63] : memref<80x128xi32, #tpu.memory_space<vmem>> -> memref<1x128xi32, #tpu.memory_space<vmem>>
      %dma_start3A_65 = tpu.memref_squeeze %dma_start3A_64 : memref<1x128xi32, #tpu.memory_space<vmem>> -> memref<128xi32, #tpu.memory_space<vmem>>
      %dma_start3A_66 = arith.constant 0 : i32
      %dma_start3A_67 = arith.constant 0 : i32
      %dma_start3A_68 = tpu.memref_slice %arg2[%dma_start3A_66, %dma_start3A_67] : memref<10000x64xf32, #tpu.memory_space<hbm>> -> memref<10000x64xf32, #tpu.memory_space<hbm>>
      tpu.enqueue_indirect_dma source(%dma_start3A_68 : memref<10000x64xf32, #tpu.memory_space<hbm>>) target(%arg13 : memref<128x64xf32, #tpu.memory_space<vmem>>) offsets(%dma_start3A_65 : memref<128xi32, #tpu.memory_space<vmem>>) semaphore(%arg21 : memref<!tpu.dma_semaphore, #tpu.memory_space<semaphore_mem>>)
      %dma_start3A_69 = arith.constant 6 : i32
      %dma_start3A_70 = arith.constant 0 : i32
      %dma_start3A_71 = tpu.memref_slice %arg6[%dma_start3A_69, %dma_start3A_70] : memref<80x128xi32, #tpu.memory_space<vmem>> -> memref<1x128xi32, #tpu.memory_space<vmem>>
      %dma_start3A_72 = tpu.memref_squeeze %dma_start3A_71 : memref<1x128xi32, #tpu.memory_space<vmem>> -> memref<128xi32, #tpu.memory_space<vmem>>
      %dma_start3A_73 = arith.constant 0 : i32
      %dma_start3A_74 = arith.constant 0 : i32
      %dma_start3A_75 = tpu.memref_slice %arg2[%dma_start3A_73, %dma_start3A_74] : memref<10000x64xf32, #tpu.memory_space<hbm>> -> memref<10000x64xf32, #tpu.memory_space<hbm>>
      tpu.enqueue_indirect_dma source(%dma_start3A_75 : memref<10000x64xf32, #tpu.memory_space<hbm>>) target(%arg14 : memref<128x64xf32, #tpu.memory_space<vmem>>) offsets(%dma_start3A_72 : memref<128xi32, #tpu.memory_space<vmem>>) semaphore(%arg22 : memref<!tpu.dma_semaphore, #tpu.memory_space<semaphore_mem>>)
      %dma_start3A_76 = arith.constant 7 : i32
      %dma_start3A_77 = arith.constant 0 : i32
      %dma_start3A_78 = tpu.memref_slice %arg6[%dma_start3A_76, %dma_start3A_77] : memref<80x128xi32, #tpu.memory_space<vmem>> -> memref<1x128xi32, #tpu.memory_space<vmem>>
      %dma_start3A_79 = tpu.memref_squeeze %dma_start3A_78 : memref<1x128xi32, #tpu.memory_space<vmem>> -> memref<128xi32, #tpu.memory_space<vmem>>
      %dma_start3A_80 = arith.constant 0 : i32
      %dma_start3A_81 = arith.constant 0 : i32
      %dma_start3A_82 = tpu.memref_slice %arg2[%dma_start3A_80, %dma_start3A_81] : memref<10000x64xf32, #tpu.memory_space<hbm>> -> memref<10000x64xf32, #tpu.memory_space<hbm>>
      tpu.enqueue_indirect_dma source(%dma_start3A_82 : memref<10000x64xf32, #tpu.memory_space<hbm>>) target(%arg15 : memref<128x64xf32, #tpu.memory_space<vmem>>) offsets(%dma_start3A_79 : memref<128xi32, #tpu.memory_space<vmem>>) semaphore(%arg23 : memref<!tpu.dma_semaphore, #tpu.memory_space<semaphore_mem>>)
      %scan3A_83 = arith.constant 0 : i32
      %scan3A_84 = arith.constant 0 : i32
      %scan3A_85 = arith.constant 10 : i32
      %scan3A_86 = arith.addi %scan3A_84, %scan3A_85 : i32
      %scan3A_87 = arith.constant 1 : i32
      scf.for %scan3A_89 = %scan3A_84 to %scan3A_86 step %scan3A_87  : i32 {
        %mul3A_90 = arith.constant 8 : i32
        %mul3A_91 = arith.muli %scan3A_89, %mul3A_90 : i32
        %add3A_92 = arith.constant 0 : i32
        %add3A_93 = arith.addi %mul3A_91, %add3A_92 : i32
        %dma_wait3A = arith.constant 0 : i32
        %dma_wait3A_94 = tpu.memref_slice %arg6[%add3A_93, %dma_wait3A] : memref<80x128xi32, #tpu.memory_space<vmem>> -> memref<1x128xi32, #tpu.memory_space<vmem>>
        %dma_wait3A_95 = tpu.memref_squeeze %dma_wait3A_94 : memref<1x128xi32, #tpu.memory_space<vmem>> -> memref<128xi32, #tpu.memory_space<vmem>>
        %dma_wait3A_96 = arith.constant 0 : i32
        %dma_wait3A_97 = arith.constant 0 : i32
        %dma_wait3A_98 = tpu.memref_slice %arg2[%dma_wait3A_96, %dma_wait3A_97] : memref<10000x64xf32, #tpu.memory_space<hbm>> -> memref<10000x64xf32, #tpu.memory_space<hbm>>
        tpu.wait_indirect_dma semaphore(%arg16 : memref<!tpu.dma_semaphore, #tpu.memory_space<semaphore_mem>>) src(%dma_wait3A_98 : memref<10000x64xf32, #tpu.memory_space<hbm>>) dst(%arg8 : memref<128x64xf32, #tpu.memory_space<vmem>>)
        "tpu.region"() ({
          %run_scoped3A = tpu.sem_alloc : memref<!tpu.dma_semaphore, #tpu.memory_space<semaphore_mem>>
          %dma_start3A_208 = arith.constant 0 : i32
          %dma_start3A_209 = tpu.memref_slice %arg7[%add3A_93, %dma_start3A_208] : memref<80x128xi32, #tpu.memory_space<vmem>> -> memref<1x128xi32, #tpu.memory_space<vmem>>
          %dma_start3A_210 = tpu.memref_squeeze %dma_start3A_209 : memref<1x128xi32, #tpu.memory_space<vmem>> -> memref<128xi32, #tpu.memory_space<vmem>>
          %dma_start3A_211 = arith.constant 0 : i32
          %dma_start3A_212 = arith.constant 0 : i32
          %dma_start3A_213 = tpu.memref_slice %arg24[%dma_start3A_211, %dma_start3A_212] : memref<10240x64xf32, #tpu.memory_space<vmem_shared>> -> memref<10240x64xf32, #tpu.memory_space<vmem_shared>>
          tpu.enqueue_indirect_dma source(%arg8 : memref<128x64xf32, #tpu.memory_space<vmem>>) target(%dma_start3A_213 : memref<10240x64xf32, #tpu.memory_space<vmem_shared>>) offsets(%dma_start3A_210 : memref<128xi32, #tpu.memory_space<vmem>>) semaphore(%run_scoped3A : memref<!tpu.dma_semaphore, #tpu.memory_space<semaphore_mem>>) {add = true}
          %dma_wait3A_214 = arith.constant 0 : i32
          %dma_wait3A_215 = tpu.memref_slice %arg7[%add3A_93, %dma_wait3A_214] : memref<80x128xi32, #tpu.memory_space<vmem>> -> memref<1x128xi32, #tpu.memory_space<vmem>>
          %dma_wait3A_216 = tpu.memref_squeeze %dma_wait3A_215 : memref<1x128xi32, #tpu.memory_space<vmem>> -> memref<128xi32, #tpu.memory_space<vmem>>
          %dma_wait3A_217 = arith.constant 0 : i32
          %dma_wait3A_218 = arith.constant 0 : i32
          %dma_wait3A_219 = tpu.memref_slice %arg24[%dma_wait3A_217, %dma_wait3A_218] : memref<10240x64xf32, #tpu.memory_space<vmem_shared>> -> memref<10240x64xf32, #tpu.memory_space<vmem_shared>>
          tpu.wait_indirect_dma semaphore(%run_scoped3A : memref<!tpu.dma_semaphore, #tpu.memory_space<semaphore_mem>>) src(%arg8 : memref<128x64xf32, #tpu.memory_space<vmem>>) dst(%dma_wait3A_219 : memref<10240x64xf32, #tpu.memory_space<vmem_shared>>)
          tpu.yield
        }) : () -> ()
        %lt3A = arith.constant 9 : i32
        %lt3A_99 = arith.cmpi slt, %scan3A_89, %lt3A : i32
        %convert_element_type3A_100 = arith.extui %lt3A_99 : i1 to i32
        %cond3A_101 = arith.constant 0 : i32
        %cond3A_102 = arith.cmpi ne, %convert_element_type3A_100, %cond3A_101 : i32
        scf.if %cond3A_102 {
          %add3A_208 = arith.constant 8 : i32
          %add3A_209 = arith.addi %add3A_93, %add3A_208 : i32
          %dma_start3A_210 = arith.constant 0 : i32
          %dma_start3A_211 = tpu.memref_slice %arg6[%add3A_209, %dma_start3A_210] : memref<80x128xi32, #tpu.memory_space<vmem>> -> memref<1x128xi32, #tpu.memory_space<vmem>>
          %dma_start3A_212 = tpu.memref_squeeze %dma_start3A_211 : memref<1x128xi32, #tpu.memory_space<vmem>> -> memref<128xi32, #tpu.memory_space<vmem>>
          %dma_start3A_213 = arith.constant 0 : i32
          %dma_start3A_214 = arith.constant 0 : i32
          %dma_start3A_215 = tpu.memref_slice %arg2[%dma_start3A_213, %dma_start3A_214] : memref<10000x64xf32, #tpu.memory_space<hbm>> -> memref<10000x64xf32, #tpu.memory_space<hbm>>
          tpu.enqueue_indirect_dma source(%dma_start3A_215 : memref<10000x64xf32, #tpu.memory_space<hbm>>) target(%arg8 : memref<128x64xf32, #tpu.memory_space<vmem>>) offsets(%dma_start3A_212 : memref<128xi32, #tpu.memory_space<vmem>>) semaphore(%arg16 : memref<!tpu.dma_semaphore, #tpu.memory_space<semaphore_mem>>)
        } else {
        }
        %mul3A_103 = arith.constant 8 : i32
        %mul3A_104 = arith.muli %scan3A_89, %mul3A_103 : i32
        %add3A_105 = arith.constant 1 : i32
        %add3A_106 = arith.addi %mul3A_104, %add3A_105 : i32
        %dma_wait3A_107 = arith.constant 0 : i32
        %dma_wait3A_108 = tpu.memref_slice %arg6[%add3A_106, %dma_wait3A_107] : memref<80x128xi32, #tpu.memory_space<vmem>> -> memref<1x128xi32, #tpu.memory_space<vmem>>
        %dma_wait3A_109 = tpu.memref_squeeze %dma_wait3A_108 : memref<1x128xi32, #tpu.memory_space<vmem>> -> memref<128xi32, #tpu.memory_space<vmem>>
        %dma_wait3A_110 = arith.constant 0 : i32
        %dma_wait3A_111 = arith.constant 0 : i32
        %dma_wait3A_112 = tpu.memref_slice %arg2[%dma_wait3A_110, %dma_wait3A_111] : memref<10000x64xf32, #tpu.memory_space<hbm>> -> memref<10000x64xf32, #tpu.memory_space<hbm>>
        tpu.wait_indirect_dma semaphore(%arg17 : memref<!tpu.dma_semaphore, #tpu.memory_space<semaphore_mem>>) src(%dma_wait3A_112 : memref<10000x64xf32, #tpu.memory_space<hbm>>) dst(%arg9 : memref<128x64xf32, #tpu.memory_space<vmem>>)
        "tpu.region"() ({
          %run_scoped3A = tpu.sem_alloc : memref<!tpu.dma_semaphore, #tpu.memory_space<semaphore_mem>>
          %dma_start3A_208 = arith.constant 0 : i32
          %dma_start3A_209 = tpu.memref_slice %arg7[%add3A_106, %dma_start3A_208] : memref<80x128xi32, #tpu.memory_space<vmem>> -> memref<1x128xi32, #tpu.memory_space<vmem>>
          %dma_start3A_210 = tpu.memref_squeeze %dma_start3A_209 : memref<1x128xi32, #tpu.memory_space<vmem>> -> memref<128xi32, #tpu.memory_space<vmem>>
          %dma_start3A_211 = arith.constant 0 : i32
          %dma_start3A_212 = arith.constant 0 : i32
          %dma_start3A_213 = tpu.memref_slice %arg24[%dma_start3A_211, %dma_start3A_212] : memref<10240x64xf32, #tpu.memory_space<vmem_shared>> -> memref<10240x64xf32, #tpu.memory_space<vmem_shared>>
          tpu.enqueue_indirect_dma source(%arg9 : memref<128x64xf32, #tpu.memory_space<vmem>>) target(%dma_start3A_213 : memref<10240x64xf32, #tpu.memory_space<vmem_shared>>) offsets(%dma_start3A_210 : memref<128xi32, #tpu.memory_space<vmem>>) semaphore(%run_scoped3A : memref<!tpu.dma_semaphore, #tpu.memory_space<semaphore_mem>>) {add = true}
          %dma_wait3A_214 = arith.constant 0 : i32
          %dma_wait3A_215 = tpu.memref_slice %arg7[%add3A_106, %dma_wait3A_214] : memref<80x128xi32, #tpu.memory_space<vmem>> -> memref<1x128xi32, #tpu.memory_space<vmem>>
          %dma_wait3A_216 = tpu.memref_squeeze %dma_wait3A_215 : memref<1x128xi32, #tpu.memory_space<vmem>> -> memref<128xi32, #tpu.memory_space<vmem>>
          %dma_wait3A_217 = arith.constant 0 : i32
          %dma_wait3A_218 = arith.constant 0 : i32
          %dma_wait3A_219 = tpu.memref_slice %arg24[%dma_wait3A_217, %dma_wait3A_218] : memref<10240x64xf32, #tpu.memory_space<vmem_shared>> -> memref<10240x64xf32, #tpu.memory_space<vmem_shared>>
          tpu.wait_indirect_dma semaphore(%run_scoped3A : memref<!tpu.dma_semaphore, #tpu.memory_space<semaphore_mem>>) src(%arg9 : memref<128x64xf32, #tpu.memory_space<vmem>>) dst(%dma_wait3A_219 : memref<10240x64xf32, #tpu.memory_space<vmem_shared>>)
          tpu.yield
        }) : () -> ()
        %lt3A_113 = arith.constant 9 : i32
        %lt3A_114 = arith.cmpi slt, %scan3A_89, %lt3A_113 : i32
        %convert_element_type3A_115 = arith.extui %lt3A_114 : i1 to i32
        %cond3A_116 = arith.constant 0 : i32
        %cond3A_117 = arith.cmpi ne, %convert_element_type3A_115, %cond3A_116 : i32
        scf.if %cond3A_117 {
          %add3A_208 = arith.constant 8 : i32
          %add3A_209 = arith.addi %add3A_106, %add3A_208 : i32
          %dma_start3A_210 = arith.constant 0 : i32
          %dma_start3A_211 = tpu.memref_slice %arg6[%add3A_209, %dma_start3A_210] : memref<80x128xi32, #tpu.memory_space<vmem>> -> memref<1x128xi32, #tpu.memory_space<vmem>>
          %dma_start3A_212 = tpu.memref_squeeze %dma_start3A_211 : memref<1x128xi32, #tpu.memory_space<vmem>> -> memref<128xi32, #tpu.memory_space<vmem>>
          %dma_start3A_213 = arith.constant 0 : i32
          %dma_start3A_214 = arith.constant 0 : i32
          %dma_start3A_215 = tpu.memref_slice %arg2[%dma_start3A_213, %dma_start3A_214] : memref<10000x64xf32, #tpu.memory_space<hbm>> -> memref<10000x64xf32, #tpu.memory_space<hbm>>
          tpu.enqueue_indirect_dma source(%dma_start3A_215 : memref<10000x64xf32, #tpu.memory_space<hbm>>) target(%arg9 : memref<128x64xf32, #tpu.memory_space<vmem>>) offsets(%dma_start3A_212 : memref<128xi32, #tpu.memory_space<vmem>>) semaphore(%arg17 : memref<!tpu.dma_semaphore, #tpu.memory_space<semaphore_mem>>)
        } else {
        }
        %mul3A_118 = arith.constant 8 : i32
        %mul3A_119 = arith.muli %scan3A_89, %mul3A_118 : i32
        %add3A_120 = arith.constant 2 : i32
        %add3A_121 = arith.addi %mul3A_119, %add3A_120 : i32
        %dma_wait3A_122 = arith.constant 0 : i32
        %dma_wait3A_123 = tpu.memref_slice %arg6[%add3A_121, %dma_wait3A_122] : memref<80x128xi32, #tpu.memory_space<vmem>> -> memref<1x128xi32, #tpu.memory_space<vmem>>
        %dma_wait3A_124 = tpu.memref_squeeze %dma_wait3A_123 : memref<1x128xi32, #tpu.memory_space<vmem>> -> memref<128xi32, #tpu.memory_space<vmem>>
        %dma_wait3A_125 = arith.constant 0 : i32
        %dma_wait3A_126 = arith.constant 0 : i32
        %dma_wait3A_127 = tpu.memref_slice %arg2[%dma_wait3A_125, %dma_wait3A_126] : memref<10000x64xf32, #tpu.memory_space<hbm>> -> memref<10000x64xf32, #tpu.memory_space<hbm>>
        tpu.wait_indirect_dma semaphore(%arg18 : memref<!tpu.dma_semaphore, #tpu.memory_space<semaphore_mem>>) src(%dma_wait3A_127 : memref<10000x64xf32, #tpu.memory_space<hbm>>) dst(%arg10 : memref<128x64xf32, #tpu.memory_space<vmem>>)
        "tpu.region"() ({
          %run_scoped3A = tpu.sem_alloc : memref<!tpu.dma_semaphore, #tpu.memory_space<semaphore_mem>>
          %dma_start3A_208 = arith.constant 0 : i32
          %dma_start3A_209 = tpu.memref_slice %arg7[%add3A_121, %dma_start3A_208] : memref<80x128xi32, #tpu.memory_space<vmem>> -> memref<1x128xi32, #tpu.memory_space<vmem>>
          %dma_start3A_210 = tpu.memref_squeeze %dma_start3A_209 : memref<1x128xi32, #tpu.memory_space<vmem>> -> memref<128xi32, #tpu.memory_space<vmem>>
          %dma_start3A_211 = arith.constant 0 : i32
          %dma_start3A_212 = arith.constant 0 : i32
          %dma_start3A_213 = tpu.memref_slice %arg24[%dma_start3A_211, %dma_start3A_212] : memref<10240x64xf32, #tpu.memory_space<vmem_shared>> -> memref<10240x64xf32, #tpu.memory_space<vmem_shared>>
          tpu.enqueue_indirect_dma source(%arg10 : memref<128x64xf32, #tpu.memory_space<vmem>>) target(%dma_start3A_213 : memref<10240x64xf32, #tpu.memory_space<vmem_shared>>) offsets(%dma_start3A_210 : memref<128xi32, #tpu.memory_space<vmem>>) semaphore(%run_scoped3A : memref<!tpu.dma_semaphore, #tpu.memory_space<semaphore_mem>>) {add = true}
          %dma_wait3A_214 = arith.constant 0 : i32
          %dma_wait3A_215 = tpu.memref_slice %arg7[%add3A_121, %dma_wait3A_214] : memref<80x128xi32, #tpu.memory_space<vmem>> -> memref<1x128xi32, #tpu.memory_space<vmem>>
          %dma_wait3A_216 = tpu.memref_squeeze %dma_wait3A_215 : memref<1x128xi32, #tpu.memory_space<vmem>> -> memref<128xi32, #tpu.memory_space<vmem>>
          %dma_wait3A_217 = arith.constant 0 : i32
          %dma_wait3A_218 = arith.constant 0 : i32
          %dma_wait3A_219 = tpu.memref_slice %arg24[%dma_wait3A_217, %dma_wait3A_218] : memref<10240x64xf32, #tpu.memory_space<vmem_shared>> -> memref<10240x64xf32, #tpu.memory_space<vmem_shared>>
          tpu.wait_indirect_dma semaphore(%run_scoped3A : memref<!tpu.dma_semaphore, #tpu.memory_space<semaphore_mem>>) src(%arg10 : memref<128x64xf32, #tpu.memory_space<vmem>>) dst(%dma_wait3A_219 : memref<10240x64xf32, #tpu.memory_space<vmem_shared>>)
          tpu.yield
        }) : () -> ()
        %lt3A_128 = arith.constant 9 : i32
        %lt3A_129 = arith.cmpi slt, %scan3A_89, %lt3A_128 : i32
        %convert_element_type3A_130 = arith.extui %lt3A_129 : i1 to i32
        %cond3A_131 = arith.constant 0 : i32
        %cond3A_132 = arith.cmpi ne, %convert_element_type3A_130, %cond3A_131 : i32
        scf.if %cond3A_132 {
          %add3A_208 = arith.constant 8 : i32
          %add3A_209 = arith.addi %add3A_121, %add3A_208 : i32
          %dma_start3A_210 = arith.constant 0 : i32
          %dma_start3A_211 = tpu.memref_slice %arg6[%add3A_209, %dma_start3A_210] : memref<80x128xi32, #tpu.memory_space<vmem>> -> memref<1x128xi32, #tpu.memory_space<vmem>>
          %dma_start3A_212 = tpu.memref_squeeze %dma_start3A_211 : memref<1x128xi32, #tpu.memory_space<vmem>> -> memref<128xi32, #tpu.memory_space<vmem>>
          %dma_start3A_213 = arith.constant 0 : i32
          %dma_start3A_214 = arith.constant 0 : i32
          %dma_start3A_215 = tpu.memref_slice %arg2[%dma_start3A_213, %dma_start3A_214] : memref<10000x64xf32, #tpu.memory_space<hbm>> -> memref<10000x64xf32, #tpu.memory_space<hbm>>
          tpu.enqueue_indirect_dma source(%dma_start3A_215 : memref<10000x64xf32, #tpu.memory_space<hbm>>) target(%arg10 : memref<128x64xf32, #tpu.memory_space<vmem>>) offsets(%dma_start3A_212 : memref<128xi32, #tpu.memory_space<vmem>>) semaphore(%arg18 : memref<!tpu.dma_semaphore, #tpu.memory_space<semaphore_mem>>)
        } else {
        }
        %mul3A_133 = arith.constant 8 : i32
        %mul3A_134 = arith.muli %scan3A_89, %mul3A_133 : i32
        %add3A_135 = arith.constant 3 : i32
        %add3A_136 = arith.addi %mul3A_134, %add3A_135 : i32
        %dma_wait3A_137 = arith.constant 0 : i32
        %dma_wait3A_138 = tpu.memref_slice %arg6[%add3A_136, %dma_wait3A_137] : memref<80x128xi32, #tpu.memory_space<vmem>> -> memref<1x128xi32, #tpu.memory_space<vmem>>
        %dma_wait3A_139 = tpu.memref_squeeze %dma_wait3A_138 : memref<1x128xi32, #tpu.memory_space<vmem>> -> memref<128xi32, #tpu.memory_space<vmem>>
        %dma_wait3A_140 = arith.constant 0 : i32
        %dma_wait3A_141 = arith.constant 0 : i32
        %dma_wait3A_142 = tpu.memref_slice %arg2[%dma_wait3A_140, %dma_wait3A_141] : memref<10000x64xf32, #tpu.memory_space<hbm>> -> memref<10000x64xf32, #tpu.memory_space<hbm>>
        tpu.wait_indirect_dma semaphore(%arg19 : memref<!tpu.dma_semaphore, #tpu.memory_space<semaphore_mem>>) src(%dma_wait3A_142 : memref<10000x64xf32, #tpu.memory_space<hbm>>) dst(%arg11 : memref<128x64xf32, #tpu.memory_space<vmem>>)
        "tpu.region"() ({
          %run_scoped3A = tpu.sem_alloc : memref<!tpu.dma_semaphore, #tpu.memory_space<semaphore_mem>>
          %dma_start3A_208 = arith.constant 0 : i32
          %dma_start3A_209 = tpu.memref_slice %arg7[%add3A_136, %dma_start3A_208] : memref<80x128xi32, #tpu.memory_space<vmem>> -> memref<1x128xi32, #tpu.memory_space<vmem>>
          %dma_start3A_210 = tpu.memref_squeeze %dma_start3A_209 : memref<1x128xi32, #tpu.memory_space<vmem>> -> memref<128xi32, #tpu.memory_space<vmem>>
          %dma_start3A_211 = arith.constant 0 : i32
          %dma_start3A_212 = arith.constant 0 : i32
          %dma_start3A_213 = tpu.memref_slice %arg24[%dma_start3A_211, %dma_start3A_212] : memref<10240x64xf32, #tpu.memory_space<vmem_shared>> -> memref<10240x64xf32, #tpu.memory_space<vmem_shared>>
          tpu.enqueue_indirect_dma source(%arg11 : memref<128x64xf32, #tpu.memory_space<vmem>>) target(%dma_start3A_213 : memref<10240x64xf32, #tpu.memory_space<vmem_shared>>) offsets(%dma_start3A_210 : memref<128xi32, #tpu.memory_space<vmem>>) semaphore(%run_scoped3A : memref<!tpu.dma_semaphore, #tpu.memory_space<semaphore_mem>>) {add = true}
          %dma_wait3A_214 = arith.constant 0 : i32
          %dma_wait3A_215 = tpu.memref_slice %arg7[%add3A_136, %dma_wait3A_214] : memref<80x128xi32, #tpu.memory_space<vmem>> -> memref<1x128xi32, #tpu.memory_space<vmem>>
          %dma_wait3A_216 = tpu.memref_squeeze %dma_wait3A_215 : memref<1x128xi32, #tpu.memory_space<vmem>> -> memref<128xi32, #tpu.memory_space<vmem>>
          %dma_wait3A_217 = arith.constant 0 : i32
          %dma_wait3A_218 = arith.constant 0 : i32
          %dma_wait3A_219 = tpu.memref_slice %arg24[%dma_wait3A_217, %dma_wait3A_218] : memref<10240x64xf32, #tpu.memory_space<vmem_shared>> -> memref<10240x64xf32, #tpu.memory_space<vmem_shared>>
          tpu.wait_indirect_dma semaphore(%run_scoped3A : memref<!tpu.dma_semaphore, #tpu.memory_space<semaphore_mem>>) src(%arg11 : memref<128x64xf32, #tpu.memory_space<vmem>>) dst(%dma_wait3A_219 : memref<10240x64xf32, #tpu.memory_space<vmem_shared>>)
          tpu.yield
        }) : () -> ()
        %lt3A_143 = arith.constant 9 : i32
        %lt3A_144 = arith.cmpi slt, %scan3A_89, %lt3A_143 : i32
        %convert_element_type3A_145 = arith.extui %lt3A_144 : i1 to i32
        %cond3A_146 = arith.constant 0 : i32
        %cond3A_147 = arith.cmpi ne, %convert_element_type3A_145, %cond3A_146 : i32
        scf.if %cond3A_147 {
          %add3A_208 = arith.constant 8 : i32
          %add3A_209 = arith.addi %add3A_136, %add3A_208 : i32
          %dma_start3A_210 = arith.constant 0 : i32
          %dma_start3A_211 = tpu.memref_slice %arg6[%add3A_209, %dma_start3A_210] : memref<80x128xi32, #tpu.memory_space<vmem>> -> memref<1x128xi32, #tpu.memory_space<vmem>>
          %dma_start3A_212 = tpu.memref_squeeze %dma_start3A_211 : memref<1x128xi32, #tpu.memory_space<vmem>> -> memref<128xi32, #tpu.memory_space<vmem>>
          %dma_start3A_213 = arith.constant 0 : i32
          %dma_start3A_214 = arith.constant 0 : i32
          %dma_start3A_215 = tpu.memref_slice %arg2[%dma_start3A_213, %dma_start3A_214] : memref<10000x64xf32, #tpu.memory_space<hbm>> -> memref<10000x64xf32, #tpu.memory_space<hbm>>
          tpu.enqueue_indirect_dma source(%dma_start3A_215 : memref<10000x64xf32, #tpu.memory_space<hbm>>) target(%arg11 : memref<128x64xf32, #tpu.memory_space<vmem>>) offsets(%dma_start3A_212 : memref<128xi32, #tpu.memory_space<vmem>>) semaphore(%arg19 : memref<!tpu.dma_semaphore, #tpu.memory_space<semaphore_mem>>)
        } else {
        }
        %mul3A_148 = arith.constant 8 : i32
        %mul3A_149 = arith.muli %scan3A_89, %mul3A_148 : i32
        %add3A_150 = arith.constant 4 : i32
        %add3A_151 = arith.addi %mul3A_149, %add3A_150 : i32
        %dma_wait3A_152 = arith.constant 0 : i32
        %dma_wait3A_153 = tpu.memref_slice %arg6[%add3A_151, %dma_wait3A_152] : memref<80x128xi32, #tpu.memory_space<vmem>> -> memref<1x128xi32, #tpu.memory_space<vmem>>
        %dma_wait3A_154 = tpu.memref_squeeze %dma_wait3A_153 : memref<1x128xi32, #tpu.memory_space<vmem>> -> memref<128xi32, #tpu.memory_space<vmem>>
        %dma_wait3A_155 = arith.constant 0 : i32
        %dma_wait3A_156 = arith.constant 0 : i32
        %dma_wait3A_157 = tpu.memref_slice %arg2[%dma_wait3A_155, %dma_wait3A_156] : memref<10000x64xf32, #tpu.memory_space<hbm>> -> memref<10000x64xf32, #tpu.memory_space<hbm>>
        tpu.wait_indirect_dma semaphore(%arg20 : memref<!tpu.dma_semaphore, #tpu.memory_space<semaphore_mem>>) src(%dma_wait3A_157 : memref<10000x64xf32, #tpu.memory_space<hbm>>) dst(%arg12 : memref<128x64xf32, #tpu.memory_space<vmem>>)
        "tpu.region"() ({
          %run_scoped3A = tpu.sem_alloc : memref<!tpu.dma_semaphore, #tpu.memory_space<semaphore_mem>>
          %dma_start3A_208 = arith.constant 0 : i32
          %dma_start3A_209 = tpu.memref_slice %arg7[%add3A_151, %dma_start3A_208] : memref<80x128xi32, #tpu.memory_space<vmem>> -> memref<1x128xi32, #tpu.memory_space<vmem>>
          %dma_start3A_210 = tpu.memref_squeeze %dma_start3A_209 : memref<1x128xi32, #tpu.memory_space<vmem>> -> memref<128xi32, #tpu.memory_space<vmem>>
          %dma_start3A_211 = arith.constant 0 : i32
          %dma_start3A_212 = arith.constant 0 : i32
          %dma_start3A_213 = tpu.memref_slice %arg24[%dma_start3A_211, %dma_start3A_212] : memref<10240x64xf32, #tpu.memory_space<vmem_shared>> -> memref<10240x64xf32, #tpu.memory_space<vmem_shared>>
          tpu.enqueue_indirect_dma source(%arg12 : memref<128x64xf32, #tpu.memory_space<vmem>>) target(%dma_start3A_213 : memref<10240x64xf32, #tpu.memory_space<vmem_shared>>) offsets(%dma_start3A_210 : memref<128xi32, #tpu.memory_space<vmem>>) semaphore(%run_scoped3A : memref<!tpu.dma_semaphore, #tpu.memory_space<semaphore_mem>>) {add = true}
          %dma_wait3A_214 = arith.constant 0 : i32
          %dma_wait3A_215 = tpu.memref_slice %arg7[%add3A_151, %dma_wait3A_214] : memref<80x128xi32, #tpu.memory_space<vmem>> -> memref<1x128xi32, #tpu.memory_space<vmem>>
          %dma_wait3A_216 = tpu.memref_squeeze %dma_wait3A_215 : memref<1x128xi32, #tpu.memory_space<vmem>> -> memref<128xi32, #tpu.memory_space<vmem>>
          %dma_wait3A_217 = arith.constant 0 : i32
          %dma_wait3A_218 = arith.constant 0 : i32
          %dma_wait3A_219 = tpu.memref_slice %arg24[%dma_wait3A_217, %dma_wait3A_218] : memref<10240x64xf32, #tpu.memory_space<vmem_shared>> -> memref<10240x64xf32, #tpu.memory_space<vmem_shared>>
          tpu.wait_indirect_dma semaphore(%run_scoped3A : memref<!tpu.dma_semaphore, #tpu.memory_space<semaphore_mem>>) src(%arg12 : memref<128x64xf32, #tpu.memory_space<vmem>>) dst(%dma_wait3A_219 : memref<10240x64xf32, #tpu.memory_space<vmem_shared>>)
          tpu.yield
        }) : () -> ()
        %lt3A_158 = arith.constant 9 : i32
        %lt3A_159 = arith.cmpi slt, %scan3A_89, %lt3A_158 : i32
        %convert_element_type3A_160 = arith.extui %lt3A_159 : i1 to i32
        %cond3A_161 = arith.constant 0 : i32
        %cond3A_162 = arith.cmpi ne, %convert_element_type3A_160, %cond3A_161 : i32
        scf.if %cond3A_162 {
          %add3A_208 = arith.constant 8 : i32
          %add3A_209 = arith.addi %add3A_151, %add3A_208 : i32
          %dma_start3A_210 = arith.constant 0 : i32
          %dma_start3A_211 = tpu.memref_slice %arg6[%add3A_209, %dma_start3A_210] : memref<80x128xi32, #tpu.memory_space<vmem>> -> memref<1x128xi32, #tpu.memory_space<vmem>>
          %dma_start3A_212 = tpu.memref_squeeze %dma_start3A_211 : memref<1x128xi32, #tpu.memory_space<vmem>> -> memref<128xi32, #tpu.memory_space<vmem>>
          %dma_start3A_213 = arith.constant 0 : i32
          %dma_start3A_214 = arith.constant 0 : i32
          %dma_start3A_215 = tpu.memref_slice %arg2[%dma_start3A_213, %dma_start3A_214] : memref<10000x64xf32, #tpu.memory_space<hbm>> -> memref<10000x64xf32, #tpu.memory_space<hbm>>
          tpu.enqueue_indirect_dma source(%dma_start3A_215 : memref<10000x64xf32, #tpu.memory_space<hbm>>) target(%arg12 : memref<128x64xf32, #tpu.memory_space<vmem>>) offsets(%dma_start3A_212 : memref<128xi32, #tpu.memory_space<vmem>>) semaphore(%arg20 : memref<!tpu.dma_semaphore, #tpu.memory_space<semaphore_mem>>)
        } else {
        }
        %mul3A_163 = arith.constant 8 : i32
        %mul3A_164 = arith.muli %scan3A_89, %mul3A_163 : i32
        %add3A_165 = arith.constant 5 : i32
        %add3A_166 = arith.addi %mul3A_164, %add3A_165 : i32
        %dma_wait3A_167 = arith.constant 0 : i32
        %dma_wait3A_168 = tpu.memref_slice %arg6[%add3A_166, %dma_wait3A_167] : memref<80x128xi32, #tpu.memory_space<vmem>> -> memref<1x128xi32, #tpu.memory_space<vmem>>
        %dma_wait3A_169 = tpu.memref_squeeze %dma_wait3A_168 : memref<1x128xi32, #tpu.memory_space<vmem>> -> memref<128xi32, #tpu.memory_space<vmem>>
        %dma_wait3A_170 = arith.constant 0 : i32
        %dma_wait3A_171 = arith.constant 0 : i32
        %dma_wait3A_172 = tpu.memref_slice %arg2[%dma_wait3A_170, %dma_wait3A_171] : memref<10000x64xf32, #tpu.memory_space<hbm>> -> memref<10000x64xf32, #tpu.memory_space<hbm>>
        tpu.wait_indirect_dma semaphore(%arg21 : memref<!tpu.dma_semaphore, #tpu.memory_space<semaphore_mem>>) src(%dma_wait3A_172 : memref<10000x64xf32, #tpu.memory_space<hbm>>) dst(%arg13 : memref<128x64xf32, #tpu.memory_space<vmem>>)
        "tpu.region"() ({
          %run_scoped3A = tpu.sem_alloc : memref<!tpu.dma_semaphore, #tpu.memory_space<semaphore_mem>>
          %dma_start3A_208 = arith.constant 0 : i32
          %dma_start3A_209 = tpu.memref_slice %arg7[%add3A_166, %dma_start3A_208] : memref<80x128xi32, #tpu.memory_space<vmem>> -> memref<1x128xi32, #tpu.memory_space<vmem>>
          %dma_start3A_210 = tpu.memref_squeeze %dma_start3A_209 : memref<1x128xi32, #tpu.memory_space<vmem>> -> memref<128xi32, #tpu.memory_space<vmem>>
          %dma_start3A_211 = arith.constant 0 : i32
          %dma_start3A_212 = arith.constant 0 : i32
          %dma_start3A_213 = tpu.memref_slice %arg24[%dma_start3A_211, %dma_start3A_212] : memref<10240x64xf32, #tpu.memory_space<vmem_shared>> -> memref<10240x64xf32, #tpu.memory_space<vmem_shared>>
          tpu.enqueue_indirect_dma source(%arg13 : memref<128x64xf32, #tpu.memory_space<vmem>>) target(%dma_start3A_213 : memref<10240x64xf32, #tpu.memory_space<vmem_shared>>) offsets(%dma_start3A_210 : memref<128xi32, #tpu.memory_space<vmem>>) semaphore(%run_scoped3A : memref<!tpu.dma_semaphore, #tpu.memory_space<semaphore_mem>>) {add = true}
          %dma_wait3A_214 = arith.constant 0 : i32
          %dma_wait3A_215 = tpu.memref_slice %arg7[%add3A_166, %dma_wait3A_214] : memref<80x128xi32, #tpu.memory_space<vmem>> -> memref<1x128xi32, #tpu.memory_space<vmem>>
          %dma_wait3A_216 = tpu.memref_squeeze %dma_wait3A_215 : memref<1x128xi32, #tpu.memory_space<vmem>> -> memref<128xi32, #tpu.memory_space<vmem>>
          %dma_wait3A_217 = arith.constant 0 : i32
          %dma_wait3A_218 = arith.constant 0 : i32
          %dma_wait3A_219 = tpu.memref_slice %arg24[%dma_wait3A_217, %dma_wait3A_218] : memref<10240x64xf32, #tpu.memory_space<vmem_shared>> -> memref<10240x64xf32, #tpu.memory_space<vmem_shared>>
          tpu.wait_indirect_dma semaphore(%run_scoped3A : memref<!tpu.dma_semaphore, #tpu.memory_space<semaphore_mem>>) src(%arg13 : memref<128x64xf32, #tpu.memory_space<vmem>>) dst(%dma_wait3A_219 : memref<10240x64xf32, #tpu.memory_space<vmem_shared>>)
          tpu.yield
        }) : () -> ()
        %lt3A_173 = arith.constant 9 : i32
        %lt3A_174 = arith.cmpi slt, %scan3A_89, %lt3A_173 : i32
        %convert_element_type3A_175 = arith.extui %lt3A_174 : i1 to i32
        %cond3A_176 = arith.constant 0 : i32
        %cond3A_177 = arith.cmpi ne, %convert_element_type3A_175, %cond3A_176 : i32
        scf.if %cond3A_177 {
          %add3A_208 = arith.constant 8 : i32
          %add3A_209 = arith.addi %add3A_166, %add3A_208 : i32
          %dma_start3A_210 = arith.constant 0 : i32
          %dma_start3A_211 = tpu.memref_slice %arg6[%add3A_209, %dma_start3A_210] : memref<80x128xi32, #tpu.memory_space<vmem>> -> memref<1x128xi32, #tpu.memory_space<vmem>>
          %dma_start3A_212 = tpu.memref_squeeze %dma_start3A_211 : memref<1x128xi32, #tpu.memory_space<vmem>> -> memref<128xi32, #tpu.memory_space<vmem>>
          %dma_start3A_213 = arith.constant 0 : i32
          %dma_start3A_214 = arith.constant 0 : i32
          %dma_start3A_215 = tpu.memref_slice %arg2[%dma_start3A_213, %dma_start3A_214] : memref<10000x64xf32, #tpu.memory_space<hbm>> -> memref<10000x64xf32, #tpu.memory_space<hbm>>
          tpu.enqueue_indirect_dma source(%dma_start3A_215 : memref<10000x64xf32, #tpu.memory_space<hbm>>) target(%arg13 : memref<128x64xf32, #tpu.memory_space<vmem>>) offsets(%dma_start3A_212 : memref<128xi32, #tpu.memory_space<vmem>>) semaphore(%arg21 : memref<!tpu.dma_semaphore, #tpu.memory_space<semaphore_mem>>)
        } else {
        }
        %mul3A_178 = arith.constant 8 : i32
        %mul3A_179 = arith.muli %scan3A_89, %mul3A_178 : i32
        %add3A_180 = arith.constant 6 : i32
        %add3A_181 = arith.addi %mul3A_179, %add3A_180 : i32
        %dma_wait3A_182 = arith.constant 0 : i32
        %dma_wait3A_183 = tpu.memref_slice %arg6[%add3A_181, %dma_wait3A_182] : memref<80x128xi32, #tpu.memory_space<vmem>> -> memref<1x128xi32, #tpu.memory_space<vmem>>
        %dma_wait3A_184 = tpu.memref_squeeze %dma_wait3A_183 : memref<1x128xi32, #tpu.memory_space<vmem>> -> memref<128xi32, #tpu.memory_space<vmem>>
        %dma_wait3A_185 = arith.constant 0 : i32
        %dma_wait3A_186 = arith.constant 0 : i32
        %dma_wait3A_187 = tpu.memref_slice %arg2[%dma_wait3A_185, %dma_wait3A_186] : memref<10000x64xf32, #tpu.memory_space<hbm>> -> memref<10000x64xf32, #tpu.memory_space<hbm>>
        tpu.wait_indirect_dma semaphore(%arg22 : memref<!tpu.dma_semaphore, #tpu.memory_space<semaphore_mem>>) src(%dma_wait3A_187 : memref<10000x64xf32, #tpu.memory_space<hbm>>) dst(%arg14 : memref<128x64xf32, #tpu.memory_space<vmem>>)
        "tpu.region"() ({
          %run_scoped3A = tpu.sem_alloc : memref<!tpu.dma_semaphore, #tpu.memory_space<semaphore_mem>>
          %dma_start3A_208 = arith.constant 0 : i32
          %dma_start3A_209 = tpu.memref_slice %arg7[%add3A_181, %dma_start3A_208] : memref<80x128xi32, #tpu.memory_space<vmem>> -> memref<1x128xi32, #tpu.memory_space<vmem>>
          %dma_start3A_210 = tpu.memref_squeeze %dma_start3A_209 : memref<1x128xi32, #tpu.memory_space<vmem>> -> memref<128xi32, #tpu.memory_space<vmem>>
          %dma_start3A_211 = arith.constant 0 : i32
          %dma_start3A_212 = arith.constant 0 : i32
          %dma_start3A_213 = tpu.memref_slice %arg24[%dma_start3A_211, %dma_start3A_212] : memref<10240x64xf32, #tpu.memory_space<vmem_shared>> -> memref<10240x64xf32, #tpu.memory_space<vmem_shared>>
          tpu.enqueue_indirect_dma source(%arg14 : memref<128x64xf32, #tpu.memory_space<vmem>>) target(%dma_start3A_213 : memref<10240x64xf32, #tpu.memory_space<vmem_shared>>) offsets(%dma_start3A_210 : memref<128xi32, #tpu.memory_space<vmem>>) semaphore(%run_scoped3A : memref<!tpu.dma_semaphore, #tpu.memory_space<semaphore_mem>>) {add = true}
          %dma_wait3A_214 = arith.constant 0 : i32
          %dma_wait3A_215 = tpu.memref_slice %arg7[%add3A_181, %dma_wait3A_214] : memref<80x128xi32, #tpu.memory_space<vmem>> -> memref<1x128xi32, #tpu.memory_space<vmem>>
          %dma_wait3A_216 = tpu.memref_squeeze %dma_wait3A_215 : memref<1x128xi32, #tpu.memory_space<vmem>> -> memref<128xi32, #tpu.memory_space<vmem>>
          %dma_wait3A_217 = arith.constant 0 : i32
          %dma_wait3A_218 = arith.constant 0 : i32
          %dma_wait3A_219 = tpu.memref_slice %arg24[%dma_wait3A_217, %dma_wait3A_218] : memref<10240x64xf32, #tpu.memory_space<vmem_shared>> -> memref<10240x64xf32, #tpu.memory_space<vmem_shared>>
          tpu.wait_indirect_dma semaphore(%run_scoped3A : memref<!tpu.dma_semaphore, #tpu.memory_space<semaphore_mem>>) src(%arg14 : memref<128x64xf32, #tpu.memory_space<vmem>>) dst(%dma_wait3A_219 : memref<10240x64xf32, #tpu.memory_space<vmem_shared>>)
          tpu.yield
        }) : () -> ()
        %lt3A_188 = arith.constant 9 : i32
        %lt3A_189 = arith.cmpi slt, %scan3A_89, %lt3A_188 : i32
        %convert_element_type3A_190 = arith.extui %lt3A_189 : i1 to i32
        %cond3A_191 = arith.constant 0 : i32
        %cond3A_192 = arith.cmpi ne, %convert_element_type3A_190, %cond3A_191 : i32
        scf.if %cond3A_192 {
          %add3A_208 = arith.constant 8 : i32
          %add3A_209 = arith.addi %add3A_181, %add3A_208 : i32
          %dma_start3A_210 = arith.constant 0 : i32
          %dma_start3A_211 = tpu.memref_slice %arg6[%add3A_209, %dma_start3A_210] : memref<80x128xi32, #tpu.memory_space<vmem>> -> memref<1x128xi32, #tpu.memory_space<vmem>>
          %dma_start3A_212 = tpu.memref_squeeze %dma_start3A_211 : memref<1x128xi32, #tpu.memory_space<vmem>> -> memref<128xi32, #tpu.memory_space<vmem>>
          %dma_start3A_213 = arith.constant 0 : i32
          %dma_start3A_214 = arith.constant 0 : i32
          %dma_start3A_215 = tpu.memref_slice %arg2[%dma_start3A_213, %dma_start3A_214] : memref<10000x64xf32, #tpu.memory_space<hbm>> -> memref<10000x64xf32, #tpu.memory_space<hbm>>
          tpu.enqueue_indirect_dma source(%dma_start3A_215 : memref<10000x64xf32, #tpu.memory_space<hbm>>) target(%arg14 : memref<128x64xf32, #tpu.memory_space<vmem>>) offsets(%dma_start3A_212 : memref<128xi32, #tpu.memory_space<vmem>>) semaphore(%arg22 : memref<!tpu.dma_semaphore, #tpu.memory_space<semaphore_mem>>)
        } else {
        }
        %mul3A_193 = arith.constant 8 : i32
        %mul3A_194 = arith.muli %scan3A_89, %mul3A_193 : i32
        %add3A_195 = arith.constant 7 : i32
        %add3A_196 = arith.addi %mul3A_194, %add3A_195 : i32
        %dma_wait3A_197 = arith.constant 0 : i32
        %dma_wait3A_198 = tpu.memref_slice %arg6[%add3A_196, %dma_wait3A_197] : memref<80x128xi32, #tpu.memory_space<vmem>> -> memref<1x128xi32, #tpu.memory_space<vmem>>
        %dma_wait3A_199 = tpu.memref_squeeze %dma_wait3A_198 : memref<1x128xi32, #tpu.memory_space<vmem>> -> memref<128xi32, #tpu.memory_space<vmem>>
        %dma_wait3A_200 = arith.constant 0 : i32
        %dma_wait3A_201 = arith.constant 0 : i32
        %dma_wait3A_202 = tpu.memref_slice %arg2[%dma_wait3A_200, %dma_wait3A_201] : memref<10000x64xf32, #tpu.memory_space<hbm>> -> memref<10000x64xf32, #tpu.memory_space<hbm>>
        tpu.wait_indirect_dma semaphore(%arg23 : memref<!tpu.dma_semaphore, #tpu.memory_space<semaphore_mem>>) src(%dma_wait3A_202 : memref<10000x64xf32, #tpu.memory_space<hbm>>) dst(%arg15 : memref<128x64xf32, #tpu.memory_space<vmem>>)
        "tpu.region"() ({
          %run_scoped3A = tpu.sem_alloc : memref<!tpu.dma_semaphore, #tpu.memory_space<semaphore_mem>>
          %dma_start3A_208 = arith.constant 0 : i32
          %dma_start3A_209 = tpu.memref_slice %arg7[%add3A_196, %dma_start3A_208] : memref<80x128xi32, #tpu.memory_space<vmem>> -> memref<1x128xi32, #tpu.memory_space<vmem>>
          %dma_start3A_210 = tpu.memref_squeeze %dma_start3A_209 : memref<1x128xi32, #tpu.memory_space<vmem>> -> memref<128xi32, #tpu.memory_space<vmem>>
          %dma_start3A_211 = arith.constant 0 : i32
          %dma_start3A_212 = arith.constant 0 : i32
          %dma_start3A_213 = tpu.memref_slice %arg24[%dma_start3A_211, %dma_start3A_212] : memref<10240x64xf32, #tpu.memory_space<vmem_shared>> -> memref<10240x64xf32, #tpu.memory_space<vmem_shared>>
          tpu.enqueue_indirect_dma source(%arg15 : memref<128x64xf32, #tpu.memory_space<vmem>>) target(%dma_start3A_213 : memref<10240x64xf32, #tpu.memory_space<vmem_shared>>) offsets(%dma_start3A_210 : memref<128xi32, #tpu.memory_space<vmem>>) semaphore(%run_scoped3A : memref<!tpu.dma_semaphore, #tpu.memory_space<semaphore_mem>>) {add = true}
          %dma_wait3A_214 = arith.constant 0 : i32
          %dma_wait3A_215 = tpu.memref_slice %arg7[%add3A_196, %dma_wait3A_214] : memref<80x128xi32, #tpu.memory_space<vmem>> -> memref<1x128xi32, #tpu.memory_space<vmem>>
          %dma_wait3A_216 = tpu.memref_squeeze %dma_wait3A_215 : memref<1x128xi32, #tpu.memory_space<vmem>> -> memref<128xi32, #tpu.memory_space<vmem>>
          %dma_wait3A_217 = arith.constant 0 : i32
          %dma_wait3A_218 = arith.constant 0 : i32
          %dma_wait3A_219 = tpu.memref_slice %arg24[%dma_wait3A_217, %dma_wait3A_218] : memref<10240x64xf32, #tpu.memory_space<vmem_shared>> -> memref<10240x64xf32, #tpu.memory_space<vmem_shared>>
          tpu.wait_indirect_dma semaphore(%run_scoped3A : memref<!tpu.dma_semaphore, #tpu.memory_space<semaphore_mem>>) src(%arg15 : memref<128x64xf32, #tpu.memory_space<vmem>>) dst(%dma_wait3A_219 : memref<10240x64xf32, #tpu.memory_space<vmem_shared>>)
          tpu.yield
        }) : () -> ()
        %lt3A_203 = arith.constant 9 : i32
        %lt3A_204 = arith.cmpi slt, %scan3A_89, %lt3A_203 : i32
        %convert_element_type3A_205 = arith.extui %lt3A_204 : i1 to i32
        %cond3A_206 = arith.constant 0 : i32
        %cond3A_207 = arith.cmpi ne, %convert_element_type3A_205, %cond3A_206 : i32
        scf.if %cond3A_207 {
          %add3A_208 = arith.constant 8 : i32
          %add3A_209 = arith.addi %add3A_196, %add3A_208 : i32
          %dma_start3A_210 = arith.constant 0 : i32
          %dma_start3A_211 = tpu.memref_slice %arg6[%add3A_209, %dma_start3A_210] : memref<80x128xi32, #tpu.memory_space<vmem>> -> memref<1x128xi32, #tpu.memory_space<vmem>>
          %dma_start3A_212 = tpu.memref_squeeze %dma_start3A_211 : memref<1x128xi32, #tpu.memory_space<vmem>> -> memref<128xi32, #tpu.memory_space<vmem>>
          %dma_start3A_213 = arith.constant 0 : i32
          %dma_start3A_214 = arith.constant 0 : i32
          %dma_start3A_215 = tpu.memref_slice %arg2[%dma_start3A_213, %dma_start3A_214] : memref<10000x64xf32, #tpu.memory_space<hbm>> -> memref<10000x64xf32, #tpu.memory_space<hbm>>
          tpu.enqueue_indirect_dma source(%dma_start3A_215 : memref<10000x64xf32, #tpu.memory_space<hbm>>) target(%arg15 : memref<128x64xf32, #tpu.memory_space<vmem>>) offsets(%dma_start3A_212 : memref<128xi32, #tpu.memory_space<vmem>>) semaphore(%arg23 : memref<!tpu.dma_semaphore, #tpu.memory_space<semaphore_mem>>)
        } else {
        }
      }
      %scan3A_88 = arith.constant 10 : i32
    } else {
    }
    %barrier3A_18 = arith.constant 0 : index
    tpu.barrier barrier_id(%barrier3A_18)
    %mul3A = arith.constant 640 : i32
    %mul3A_19 = arith.muli %arg1, %mul3A : i32
    %mul3A_20 = arith.constant 10240 : i32
    %mul3A_21 = arith.muli %arg0, %mul3A_20 : i32
    %mul3A_22 = arith.constant 640 : i32
    %mul3A_23 = arith.muli %arg1, %mul3A_22 : i32
    %add3A = arith.addi %mul3A_21, %mul3A_23 : i32
    "tpu.region"() ({
      %run_scoped3A = tpu.sem_alloc : memref<!tpu.dma_semaphore, #tpu.memory_space<semaphore_mem>>
      %dma_start3A = arith.constant 0 : i32
      %dma_start3A_24 = tpu.memref_slice %arg5[%add3A, %dma_start3A] : memref<20480x64xf32, #tpu.memory_space<hbm>> -> memref<640x64xf32, #tpu.memory_space<hbm>>
      %dma_start3A_25 = arith.constant 0 : i32
      %dma_start3A_26 = tpu.memref_slice %arg24[%mul3A_19, %dma_start3A_25] : memref<10240x64xf32, #tpu.memory_space<vmem_shared>> -> memref<640x64xf32, #tpu.memory_space<vmem_shared>>
      tpu.enqueue_dma source(%dma_start3A_26 : memref<640x64xf32, #tpu.memory_space<vmem_shared>>) target(%dma_start3A_24 : memref<640x64xf32, #tpu.memory_space<hbm>>) target_semaphore(%run_scoped3A : memref<!tpu.dma_semaphore, #tpu.memory_space<semaphore_mem>>)
      %dma_wait3A = arith.constant 0 : i32
      %dma_wait3A_27 = tpu.memref_slice %arg5[%add3A, %dma_wait3A] : memref<20480x64xf32, #tpu.memory_space<hbm>> -> memref<640x64xf32, #tpu.memory_space<hbm>>
      %dma_wait3A_28 = arith.constant 0 : i32
      %dma_wait3A_29 = tpu.memref_slice %arg24[%mul3A_19, %dma_wait3A_28] : memref<10240x64xf32, #tpu.memory_space<vmem_shared>> -> memref<640x64xf32, #tpu.memory_space<vmem_shared>>
      tpu.wait_dma2 semaphore(%run_scoped3A : memref<!tpu.dma_semaphore, #tpu.memory_space<semaphore_mem>>) src(%dma_wait3A_29 : memref<640x64xf32, #tpu.memory_space<vmem_shared>>) dst(%dma_wait3A_27 : memref<640x64xf32, #tpu.memory_space<hbm>>)
      tpu.yield
    }) : () -> ()
    return
  }
}

module attributes {stable_mosaic.version = 14 : i64} {
  func.func @body(%arg0: i32, %arg1: memref<1000x16xf32, #tpu.memory_space<vmem>>, %arg2: memref<1000x16xf32, #tpu.memory_space<vmem>>, %arg3: memref<1000x128xf32, #tpu.memory_space<vmem>>, %arg4: memref<128x64xf32, #tpu.memory_space<vmem>>, %arg5: memref<1000x16xf32, #tpu.memory_space<vmem>>, %arg6: memref<1000x64xf32, #tpu.memory_space<vmem>>) attributes {dimension_semantics = [#tpu.dimension_semantics<arbitrary>], iteration_bounds = array<i64: 10>, scalar_prefetch = 0 : i64, scratch_operands = 0 : i64, tpu.core_type = #tpu.core_type<tc>, window_params = [{transform_indices = @transform_0, window_bounds = array<i64: 1000, 16>}, {transform_indices = @transform_1, window_bounds = array<i64: 1000, 16>}, {transform_indices = @transform_2, window_bounds = array<i64: 1000, 128>}, {pipeline_mode = #tpu.pipeline_mode<synchronous>, transform_indices = @transform_3, window_bounds = array<i64: 128, 64>}, {transform_indices = @transform_4, window_bounds = array<i64: 1000, 16>}, {transform_indices = @transform_5, window_bounds = array<i64: 1000, 64>}]} {
    %get3A = arith.constant 0 : index
    %get3A_0 = arith.constant 0 : index
    %get3A_1 = vector.load %arg1[%get3A, %get3A_0] : memref<1000x16xf32, #tpu.memory_space<vmem>>, vector<1000x16xf32>
    %get3A_2 = arith.constant 0 : index
    %get3A_3 = arith.constant 0 : index
    %get3A_4 = vector.load %arg2[%get3A_2, %get3A_3] : memref<1000x16xf32, #tpu.memory_space<vmem>>, vector<1000x16xf32>
    %add3A = arith.addf %get3A_1, %get3A_4 : vector<1000x16xf32>
    %add3A_5 = arith.constant 1.000000e+00 : f32
    %add3A_6 = vector.broadcast %add3A_5 : f32 to vector<1000x16xf32>
    %add3A_7 = arith.addf %add3A, %add3A_6 : vector<1000x16xf32>
    %rsqrt3A = math.rsqrt %add3A_7 : vector<1000x16xf32>
    %swap3A = arith.constant 0 : index
    %swap3A_8 = arith.constant 0 : index
    %swap3A_9 = vector.load %arg5[%swap3A, %swap3A_8] : memref<1000x16xf32, #tpu.memory_space<vmem>>, vector<1000x16xf32>
    tpu.vector_store %arg5[%swap3A, %swap3A_8], %rsqrt3A {strides = array<i32>} : memref<1000x16xf32, #tpu.memory_space<vmem>>, vector<1000x16xf32>,
    %get3A_10 = arith.constant 0 : index
    %get3A_11 = arith.constant 0 : index
    %get3A_12 = vector.load %arg3[%get3A_10, %get3A_11] : memref<1000x128xf32, #tpu.memory_space<vmem>>, vector<1000x128xf32>
    %get3A_13 = arith.constant 0 : index
    %get3A_14 = arith.constant 0 : index
    %get3A_15 = vector.load %arg4[%get3A_13, %get3A_14] : memref<128x64xf32, #tpu.memory_space<vmem>>, vector<128x64xf32>
    %dot_general3A = arith.constant dense<0.000000e+00> : vector<1000x64xf32>
    %dot_general3A_16 = tpu.matmul %get3A_12, %get3A_15, %dot_general3A {dimension_numbers = #tpu.dot_dimension_numbers<[1], [0], [0], [1], [0, 0, 1, 1], [], []>, transpose_lhs_hint = false} : vector<1000x128xf32>, vector<128x64xf32>, vector<1000x64xf32> -> vector<1000x64xf32>
    %slice3A = vector.extract_strided_slice %rsqrt3A {offsets = [0, 0], sizes = [1000, 1], strides = [1, 1]} : vector<1000x16xf32> to vector<1000x1xf32>
    %mul3A = vector.broadcast %slice3A : vector<1000x1xf32> to vector<1000x64xf32>
    %mul3A_17 = arith.mulf %dot_general3A_16, %mul3A : vector<1000x64xf32>
    %swap3A_18 = arith.constant 0 : index
    %swap3A_19 = arith.constant 0 : index
    %swap3A_20 = vector.load %arg6[%swap3A_18, %swap3A_19] : memref<1000x64xf32, #tpu.memory_space<vmem>>, vector<1000x64xf32>
    tpu.vector_store %arg6[%swap3A_18, %swap3A_19], %mul3A_17 {strides = array<i32>} : memref<1000x64xf32, #tpu.memory_space<vmem>>, vector<1000x64xf32>,
    return
  }
  func.func @transform_0(%arg0: i32) -> (i32, i32) {
    %c0_i32 = arith.constant 0 : i32
    %c0_i32_0 = arith.constant 0 : i32
    return %arg0, %c0_i32 : i32, i32
  }
  func.func @transform_1(%arg0: i32) -> (i32, i32) {
    %c0_i32 = arith.constant 0 : i32
    %c0_i32_0 = arith.constant 0 : i32
    return %arg0, %c0_i32 : i32, i32
  }
  func.func @transform_2(%arg0: i32) -> (i32, i32) {
    %c0_i32 = arith.constant 0 : i32
    %c0_i32_0 = arith.constant 0 : i32
    return %arg0, %c0_i32 : i32, i32
  }
  func.func @transform_3(%arg0: i32) -> (i32, i32) {
    %c0_i32 = arith.constant 0 : i32
    %c0_i32_0 = arith.constant 0 : i32
    %c0_i32_1 = arith.constant 0 : i32
    return %c0_i32, %c0_i32_0 : i32, i32
  }
  func.func @transform_4(%arg0: i32) -> (i32, i32) {
    %c0_i32 = arith.constant 0 : i32
    %c0_i32_0 = arith.constant 0 : i32
    return %arg0, %c0_i32 : i32, i32
  }
  func.func @transform_5(%arg0: i32) -> (i32, i32) {
    %c0_i32 = arith.constant 0 : i32
    %c0_i32_0 = arith.constant 0 : i32
    return %arg0, %c0_i32 : i32, i32
  }
}

module attributes {stable_mosaic.version = 14 : i64} {
  func.func @body(%arg0: i32, %arg1: memref<1000x64xf32, #tpu.memory_space<vmem>>, %arg2: memref<1000x64xf32, #tpu.memory_space<vmem>>, %arg3: memref<1000x64xf32, #tpu.memory_space<vmem>>, %arg4: memref<1000x16xf32, #tpu.memory_space<vmem>>, %arg5: memref<1x64xf32, #tpu.memory_space<vmem>>, %arg6: memref<64x64xf32, #tpu.memory_space<vmem>>, %arg7: memref<1000x64xf32, #tpu.memory_space<vmem>>) attributes {dimension_semantics = [#tpu.dimension_semantics<arbitrary>], iteration_bounds = array<i64: 10>, scalar_prefetch = 0 : i64, scratch_operands = 0 : i64, tpu.core_type = #tpu.core_type<tc>, window_params = [{transform_indices = @transform_0, window_bounds = array<i64: 1000, 64>}, {transform_indices = @transform_1, window_bounds = array<i64: 1000, 64>}, {transform_indices = @transform_2, window_bounds = array<i64: 1000, 64>}, {transform_indices = @transform_3, window_bounds = array<i64: 1000, 16>}, {pipeline_mode = #tpu.pipeline_mode<synchronous>, transform_indices = @transform_4, window_bounds = array<i64: 1, 64>}, {pipeline_mode = #tpu.pipeline_mode<synchronous>, transform_indices = @transform_5, window_bounds = array<i64: 64, 64>}, {transform_indices = @transform_6, window_bounds = array<i64: 1000, 64>}]} {
    %get3A = arith.constant 0 : index
    %get3A_0 = arith.constant 0 : index
    %get3A_1 = vector.load %arg4[%get3A, %get3A_0] : memref<1000x16xf32, #tpu.memory_space<vmem>>, vector<1000x16xf32>
    %slice3A = vector.extract_strided_slice %get3A_1 {offsets = [0, 0], sizes = [1000, 1], strides = [1, 1]} : vector<1000x16xf32> to vector<1000x1xf32>
    %get3A_2 = arith.constant 0 : index
    %get3A_3 = arith.constant 0 : index
    %get3A_4 = vector.load %arg1[%get3A_2, %get3A_3] : memref<1000x64xf32, #tpu.memory_space<vmem>>, vector<1000x64xf32>
    %get3A_5 = arith.constant 0 : index
    %get3A_6 = arith.constant 0 : index
    %get3A_7 = vector.load %arg2[%get3A_5, %get3A_6] : memref<1000x64xf32, #tpu.memory_space<vmem>>, vector<1000x64xf32>
    %add3A = arith.addf %get3A_4, %get3A_7 : vector<1000x64xf32>
    %get3A_8 = arith.constant 0 : index
    %get3A_9 = arith.constant 0 : index
    %get3A_10 = vector.load %arg3[%get3A_8, %get3A_9] : memref<1000x64xf32, #tpu.memory_space<vmem>>, vector<1000x64xf32>
    %add3A_11 = arith.addf %add3A, %get3A_10 : vector<1000x64xf32>
    %mul3A = vector.broadcast %slice3A : vector<1000x1xf32> to vector<1000x64xf32>
    %mul3A_12 = arith.mulf %add3A_11, %mul3A : vector<1000x64xf32>
    %get3A_13 = arith.constant 0 : index
    %get3A_14 = arith.constant 0 : index
    %get3A_15 = vector.load %arg5[%get3A_13, %get3A_14] : memref<1x64xf32, #tpu.memory_space<vmem>>, vector<1x64xf32>
    %add3A_16 = vector.broadcast %get3A_15 : vector<1x64xf32> to vector<1000x64xf32>
    %add3A_17 = arith.addf %mul3A_12, %add3A_16 : vector<1000x64xf32>
    %max3A = arith.constant 0.000000e+00 : f32
    %max3A_18 = vector.broadcast %max3A : f32 to vector<1000x64xf32>
    %max3A_19 = arith.maximumf %add3A_17, %max3A_18 : vector<1000x64xf32>
    %get3A_20 = arith.constant 0 : index
    %get3A_21 = arith.constant 0 : index
    %get3A_22 = vector.load %arg6[%get3A_20, %get3A_21] : memref<64x64xf32, #tpu.memory_space<vmem>>, vector<64x64xf32>
    %dot_general3A = arith.constant dense<0.000000e+00> : vector<1000x64xf32>
    %dot_general3A_23 = tpu.matmul %max3A_19, %get3A_22, %dot_general3A {dimension_numbers = #tpu.dot_dimension_numbers<[1], [0], [0], [1], [0, 0, 1, 1], [], []>, transpose_lhs_hint = false} : vector<1000x64xf32>, vector<64x64xf32>, vector<1000x64xf32> -> vector<1000x64xf32>
    %mul3A_24 = vector.broadcast %slice3A : vector<1000x1xf32> to vector<1000x64xf32>
    %mul3A_25 = arith.mulf %dot_general3A_23, %mul3A_24 : vector<1000x64xf32>
    %swap3A = arith.constant 0 : index
    %swap3A_26 = arith.constant 0 : index
    %swap3A_27 = vector.load %arg7[%swap3A, %swap3A_26] : memref<1000x64xf32, #tpu.memory_space<vmem>>, vector<1000x64xf32>
    tpu.vector_store %arg7[%swap3A, %swap3A_26], %mul3A_25 {strides = array<i32>} : memref<1000x64xf32, #tpu.memory_space<vmem>>, vector<1000x64xf32>,
    return
  }
  func.func @transform_0(%arg0: i32) -> (i32, i32) {
    %c0_i32 = arith.constant 0 : i32
    %c0_i32_0 = arith.constant 0 : i32
    return %arg0, %c0_i32 : i32, i32
  }
  func.func @transform_1(%arg0: i32) -> (i32, i32) {
    %c0_i32 = arith.constant 0 : i32
    %c0_i32_0 = arith.constant 0 : i32
    return %arg0, %c0_i32 : i32, i32
  }
  func.func @transform_2(%arg0: i32) -> (i32, i32) {
    %c0_i32 = arith.constant 0 : i32
    %c0_i32_0 = arith.constant 0 : i32
    return %arg0, %c0_i32 : i32, i32
  }
  func.func @transform_3(%arg0: i32) -> (i32, i32) {
    %c0_i32 = arith.constant 0 : i32
    %c0_i32_0 = arith.constant 0 : i32
    return %arg0, %c0_i32 : i32, i32
  }
  func.func @transform_4(%arg0: i32) -> (i32, i32) {
    %c0_i32 = arith.constant 0 : i32
    %c0_i32_0 = arith.constant 0 : i32
    %c0_i32_1 = arith.constant 0 : i32
    return %c0_i32, %c0_i32_0 : i32, i32
  }
  func.func @transform_5(%arg0: i32) -> (i32, i32) {
    %c0_i32 = arith.constant 0 : i32
    %c0_i32_0 = arith.constant 0 : i32
    %c0_i32_1 = arith.constant 0 : i32
    return %c0_i32, %c0_i32_0 : i32, i32
  }
  func.func @transform_6(%arg0: i32) -> (i32, i32) {
    %c0_i32 = arith.constant 0 : i32
    %c0_i32_0 = arith.constant 0 : i32
    return %arg0, %c0_i32 : i32, i32
  }
}

module attributes {stable_mosaic.version = 14 : i64} {
  func.func @body(%arg0: i32, %arg1: memref<1000x64xf32, #tpu.memory_space<vmem>>, %arg2: memref<1000x64xf32, #tpu.memory_space<vmem>>, %arg3: memref<1000x64xf32, #tpu.memory_space<vmem>>, %arg4: memref<1000x16xf32, #tpu.memory_space<vmem>>, %arg5: memref<1x64xf32, #tpu.memory_space<vmem>>, %arg6: memref<1x1x1000xi32, #tpu.memory_space<vmem>>, %arg7: memref<64x128xf32, #tpu.memory_space<vmem>>) attributes {dimension_semantics = [#tpu.dimension_semantics<arbitrary>], iteration_bounds = array<i64: 10>, scalar_prefetch = 0 : i64, scratch_operands = 0 : i64, tpu.core_type = #tpu.core_type<tc>, window_params = [{transform_indices = @transform_0, window_bounds = array<i64: 1000, 64>}, {transform_indices = @transform_1, window_bounds = array<i64: 1000, 64>}, {transform_indices = @transform_2, window_bounds = array<i64: 1000, 64>}, {transform_indices = @transform_3, window_bounds = array<i64: 1000, 16>}, {pipeline_mode = #tpu.pipeline_mode<synchronous>, transform_indices = @transform_4, window_bounds = array<i64: 1, 64>}, {transform_indices = @transform_5, window_bounds = array<i64: 1, 1, 1000>}, {pipeline_mode = #tpu.pipeline_mode<synchronous>, transform_indices = @transform_6, window_bounds = array<i64: 64, 128>}]} {
    %get3A = arith.constant 0 : index
    %get3A_0 = arith.constant 0 : index
    %get3A_1 = vector.load %arg4[%get3A, %get3A_0] : memref<1000x16xf32, #tpu.memory_space<vmem>>, vector<1000x16xf32>
    %slice3A = vector.extract_strided_slice %get3A_1 {offsets = [0, 0], sizes = [1000, 1], strides = [1, 1]} : vector<1000x16xf32> to vector<1000x1xf32>
    %get3A_2 = arith.constant 0 : index
    %get3A_3 = arith.constant 0 : index
    %get3A_4 = vector.load %arg1[%get3A_2, %get3A_3] : memref<1000x64xf32, #tpu.memory_space<vmem>>, vector<1000x64xf32>
    %get3A_5 = arith.constant 0 : index
    %get3A_6 = arith.constant 0 : index
    %get3A_7 = vector.load %arg2[%get3A_5, %get3A_6] : memref<1000x64xf32, #tpu.memory_space<vmem>>, vector<1000x64xf32>
    %add3A = arith.addf %get3A_4, %get3A_7 : vector<1000x64xf32>
    %get3A_8 = arith.constant 0 : index
    %get3A_9 = arith.constant 0 : index
    %get3A_10 = vector.load %arg3[%get3A_8, %get3A_9] : memref<1000x64xf32, #tpu.memory_space<vmem>>, vector<1000x64xf32>
    %add3A_11 = arith.addf %add3A, %get3A_10 : vector<1000x64xf32>
    %mul3A = vector.broadcast %slice3A : vector<1000x1xf32> to vector<1000x64xf32>
    %mul3A_12 = arith.mulf %add3A_11, %mul3A : vector<1000x64xf32>
    %get3A_13 = arith.constant 0 : index
    %get3A_14 = arith.constant 0 : index
    %get3A_15 = vector.load %arg5[%get3A_13, %get3A_14] : memref<1x64xf32, #tpu.memory_space<vmem>>, vector<1x64xf32>
    %add3A_16 = vector.broadcast %get3A_15 : vector<1x64xf32> to vector<1000x64xf32>
    %add3A_17 = arith.addf %mul3A_12, %add3A_16 : vector<1000x64xf32>
    %max3A = arith.constant 0.000000e+00 : f32
    %max3A_18 = vector.broadcast %max3A : f32 to vector<1000x64xf32>
    %max3A_19 = arith.maximumf %add3A_17, %max3A_18 : vector<1000x64xf32>
    %get3A_20 = arith.constant 0 : index
    %get3A_21 = arith.constant 0 : index
    %get3A_22 = arith.constant 0 : index
    %get3A_23 = vector.load %arg6[%get3A_20, %get3A_21, %get3A_22] : memref<1x1x1000xi32, #tpu.memory_space<vmem>>, vector<1x1x1000xi32>
    %get3A_24 = vector.shape_cast %get3A_23 : vector<1x1x1000xi32> to vector<1x1000xi32>
    %iota3A = tpu.iota {dimensions = array<i32: 0>} : vector<64x1000xi32>
    %eq3A = vector.broadcast %get3A_24 : vector<1x1000xi32> to vector<64x1000xi32>
    %eq3A_25 = arith.cmpi eq, %iota3A, %eq3A : vector<64x1000xi32>
    %convert_element_type3A = arith.extui %eq3A_25 : vector<64x1000xi1> to vector<64x1000xi32>
    %convert_element_type3A_26 = arith.sitofp %convert_element_type3A : vector<64x1000xi32> to vector<64x1000xf32>
    %broadcast_in_dim3A = arith.constant 1.000000e+00 : f32
    %broadcast_in_dim3A_27 = vector.broadcast %broadcast_in_dim3A : f32 to vector<1000x64xf32>
    %concatenate3A = tpu.concatenate %max3A_19, %broadcast_in_dim3A_27 in 1 : vector<1000x64xf32>, vector<1000x64xf32> -> vector<1000x128xf32>
    %dot_general3A = arith.constant dense<0.000000e+00> : vector<64x128xf32>
    %dot_general3A_28 = tpu.matmul %convert_element_type3A_26, %concatenate3A, %dot_general3A {dimension_numbers = #tpu.dot_dimension_numbers<[1], [0], [0], [1], [0, 0, 1, 1], [], []>, transpose_lhs_hint = false} : vector<64x1000xf32>, vector<1000x128xf32>, vector<64x128xf32> -> vector<64x128xf32>
    %eq3A_29 = arith.constant 0 : i32
    %eq3A_30 = arith.cmpi eq, %arg0, %eq3A_29 : i32
    %convert_element_type3A_31 = arith.extui %eq3A_30 : i1 to i32
    %cond3A = arith.constant 0 : i32
    %cond3A_32 = arith.cmpi ne, %convert_element_type3A_31, %cond3A : i32
    scf.if %cond3A_32 {
      %swap3A = arith.constant 0 : index
      %swap3A_42 = arith.constant 0 : index
      %swap3A_43 = vector.load %arg7[%swap3A, %swap3A_42] : memref<64x128xf32, #tpu.memory_space<vmem>>, vector<64x128xf32>
      tpu.vector_store %arg7[%swap3A, %swap3A_42], %dot_general3A_28 {strides = array<i32>} : memref<64x128xf32, #tpu.memory_space<vmem>>, vector<64x128xf32>,
    } else {
    }
    %gt3A = arith.constant 0 : i32
    %gt3A_33 = arith.cmpi sgt, %arg0, %gt3A : i32
    %convert_element_type3A_34 = arith.extui %gt3A_33 : i1 to i32
    %cond3A_35 = arith.constant 0 : i32
    %cond3A_36 = arith.cmpi ne, %convert_element_type3A_34, %cond3A_35 : i32
    scf.if %cond3A_36 {
      %get3A_42 = arith.constant 0 : index
      %get3A_43 = arith.constant 0 : index
      %get3A_44 = vector.load %arg7[%get3A_42, %get3A_43] : memref<64x128xf32, #tpu.memory_space<vmem>>, vector<64x128xf32>
      %add3A_45 = arith.addf %get3A_44, %dot_general3A_28 : vector<64x128xf32>
      %swap3A = arith.constant 0 : index
      %swap3A_46 = arith.constant 0 : index
      %swap3A_47 = vector.load %arg7[%swap3A, %swap3A_46] : memref<64x128xf32, #tpu.memory_space<vmem>>, vector<64x128xf32>
      tpu.vector_store %arg7[%swap3A, %swap3A_46], %add3A_45 {strides = array<i32>} : memref<64x128xf32, #tpu.memory_space<vmem>>, vector<64x128xf32>,
    } else {
    }
    %eq3A_37 = arith.constant 9 : i32
    %eq3A_38 = arith.cmpi eq, %arg0, %eq3A_37 : i32
    %convert_element_type3A_39 = arith.extui %eq3A_38 : i1 to i32
    %cond3A_40 = arith.constant 0 : i32
    %cond3A_41 = arith.cmpi ne, %convert_element_type3A_39, %cond3A_40 : i32
    scf.if %cond3A_41 {
      %get3A_42 = arith.constant 0 : index
      %get3A_43 = arith.constant 0 : index
      %get3A_44 = vector.load %arg7[%get3A_42, %get3A_43] : memref<64x128xf32, #tpu.memory_space<vmem>>, vector<64x128xf32>
      %slice3A_45 = vector.extract_strided_slice %get3A_44 {offsets = [0, 0], sizes = [64, 64], strides = [1, 1]} : vector<64x128xf32> to vector<64x64xf32>
      %slice3A_46 = vector.extract_strided_slice %get3A_44 {offsets = [0, 64], sizes = [64, 1], strides = [1, 1]} : vector<64x128xf32> to vector<64x1xf32>
      %max3A_47 = arith.constant 1.000000e+00 : f32
      %max3A_48 = vector.broadcast %max3A_47 : f32 to vector<64x1xf32>
      %max3A_49 = arith.maximumf %slice3A_46, %max3A_48 : vector<64x1xf32>
      %div3A = vector.broadcast %max3A_49 : vector<64x1xf32> to vector<64x64xf32>
      %div3A_50 = arith.divf %slice3A_45, %div3A : vector<64x64xf32>
      %slice3A_51 = vector.extract_strided_slice %get3A_44 {offsets = [0, 64], sizes = [64, 64], strides = [1, 1]} : vector<64x128xf32> to vector<64x64xf32>
      %concatenate3A_52 = tpu.concatenate %div3A_50, %slice3A_51 in 1 : vector<64x64xf32>, vector<64x64xf32> -> vector<64x128xf32>
      %swap3A = arith.constant 0 : index
      %swap3A_53 = arith.constant 0 : index
      %swap3A_54 = vector.load %arg7[%swap3A, %swap3A_53] : memref<64x128xf32, #tpu.memory_space<vmem>>, vector<64x128xf32>
      tpu.vector_store %arg7[%swap3A, %swap3A_53], %concatenate3A_52 {strides = array<i32>} : memref<64x128xf32, #tpu.memory_space<vmem>>, vector<64x128xf32>,
    } else {
    }
    return
  }
  func.func @transform_0(%arg0: i32) -> (i32, i32) {
    %c0_i32 = arith.constant 0 : i32
    %c0_i32_0 = arith.constant 0 : i32
    return %arg0, %c0_i32 : i32, i32
  }
  func.func @transform_1(%arg0: i32) -> (i32, i32) {
    %c0_i32 = arith.constant 0 : i32
    %c0_i32_0 = arith.constant 0 : i32
    return %arg0, %c0_i32 : i32, i32
  }
  func.func @transform_2(%arg0: i32) -> (i32, i32) {
    %c0_i32 = arith.constant 0 : i32
    %c0_i32_0 = arith.constant 0 : i32
    return %arg0, %c0_i32 : i32, i32
  }
  func.func @transform_3(%arg0: i32) -> (i32, i32) {
    %c0_i32 = arith.constant 0 : i32
    %c0_i32_0 = arith.constant 0 : i32
    return %arg0, %c0_i32 : i32, i32
  }
  func.func @transform_4(%arg0: i32) -> (i32, i32) {
    %c0_i32 = arith.constant 0 : i32
    %c0_i32_0 = arith.constant 0 : i32
    %c0_i32_1 = arith.constant 0 : i32
    return %c0_i32, %c0_i32_0 : i32, i32
  }
  func.func @transform_5(%arg0: i32) -> (i32, i32, i32) {
    %c0_i32 = arith.constant 0 : i32
    %c0_i32_0 = arith.constant 0 : i32
    %c0_i32_1 = arith.constant 0 : i32
    return %arg0, %c0_i32, %c0_i32_0 : i32, i32, i32
  }
  func.func @transform_6(%arg0: i32) -> (i32, i32) {
    %c0_i32 = arith.constant 0 : i32
    %c0_i32_0 = arith.constant 0 : i32
    %c0_i32_1 = arith.constant 0 : i32
    return %c0_i32, %c0_i32_0 : i32, i32
  }
}

</mosaic_0001>

<sc_bundles>
// kernel: kernel.11.cloned.1.call-start
scs
__scs_entry_jumppad:
0x0: {  	(pc) =	sbr.rel $0x88, $3  }
0x1: {  	(tag) =	ssettag $0x0;
	lr =	simm.s32 $0x1  }
0x2: {  	[smem:$0x3F9A] =	sst lr;
	_ =	strace $0xD0000000  }
0x3: {  	_ = 	snop  }
0x4: {  	_ = 	snop  }
0x5: {  	_ = 	snop  }
0x6: {  	_ = 	snop  }
0x7: {  	_ = 	snop  }
__scs_overlays_trampoline_lowered:
0x8: {  	[smem:$0x3FA9] =	sst s0  }
0x9: {  	[smem:$0x3FAA] =	sst s1  }
0xa: {  	[smem:$0x3FAB] =	sst s2  }
0xb: {  	[smem:$0x3FAC] =	sst s3  }
0xc: {  	[smem:$0x3FAD] =	sst s4  }
0xd: {  	[smem:$0x3FAE] =	sst s5  }
0xe: {  	[smem:$0x3FAF] =	sst s6  }
0xf: {  	[smem:$0x3FB0] =	sst s7  }
0x10: {  	[smem:$0x3FB1] =	sst s8  }
0x11: {  	[smem:$0x3FB2] =	sst s9;
	s0 =	simm.s32 @!p0 $0x0  }
0x12: {  	s1 =	sld [smem:$0x3F98];
	s0 =	simm.s32 @p0 $0x1  }
0x13: {  	[smem:$0x3FB3] =	sst s0;
	s0 =	simm.s32 @!p1 $0x0  }
0x14: {  	s2 =	sld [smem:$0x3F97];
	s0 =	simm.s32 @p1 $0x1  }
0x15: {  	[smem:$0x3FB4] =	sst s0;
	s0 =	simm.s32 @!p2 $0x0  }
0x16: {  	s3 =	sld [smem:$0x3FDB];
	s0 =	simm.s32 @p2 $0x1  }
0x17: {  	s4 =	simm.s32 $0x1BF5;
	[smem:$0x3FB6] =	sst s0  }
0x18: {  	s0 =	sld [smem:$0x3F99];
	_ =	swait.ge [sflag:s4], $0x0  }
0x19: {  	s7 =	sld [smem:$0x3F9A]  }
0x1a: {  	s8 =	sadd.s32 $0xFFFFE003, lr  }
0x1b: {  	s9 =	sadd.s32 $0xFFFFFEF7, lr;
	s5 =	simm.s32 $0xFFFFFFFF;
	p2 =	slt.u32 s8, $0xFFFFF086  }
0x1c: {  	p1 =	slt.u32 s9, $0xF7A;
	s5 =	simm.s32 @!p2 $0x0  }
0x1d: {  	s5 =	simm.s32 @p1 $0x1;
	p0 =	seq.s32 s7, s2  }
0x1e: {  	s7 =	smul.u32 @!p0 $0xF7A, s2;
	p2 =	seq.s32 @!p0 s5, $0x0  }
0x1f: {  	s9 =	smul.u32 $0xF7A, s1;
	s8 =	simm.s32 @!p0 $0x1BF5;
	p2 =	por !p2, p0  }
0x20: {  	[sflag:s8] =	ssyncset.s32 @!p0 $0xFFFFF086;
	s6 =	sadd.s32 @!p0 s3, s7;
	s7 =	simm.s32 @!p0 $0x108  }
0x21: {  	s3 =	sadd.s32 s3, s9;
	s6 =	sadd.s32 @!p0 $0x88, s6;
	s7 =	simm.s32 @p2 $0x1082  }
0x22: {  	[simem:s7], [sflag:s8] =	dma.local @!p0 [hbm:s6], $0xF7A  }
0x23: {  	s9 =	sor.u32 $0xD0000000, s2;
	s6 =	simm.s32 $0x108;
	_ =	swait.ge @!p0 [sflag:s8], $0x0  }
0x24: {  	s3 =	sadd.s32 $0x88, s3;
	s6 =	simm.s32 @!p1 $0x1082;
	[sflag:s4] =	ssyncset.s32 $0xFFFFF086  }
0x25: {  	[simem:s6], [sflag:s4] =	dma.local [hbm:s3], $0xF7A  }
0x26: {  	[smem:$0x3F9A] =	sst s1;
	(tag) =	ssettag s2;
	_ =	strace s9  }
0x27: {  	s1 =	sld [smem:$0x3FAA]  }
0x28: {  	s2 =	sld [smem:$0x3FAB]  }
0x29: {  	s4 =	sld [smem:$0x3FAD]  }
0x2a: {  	p0 =	seq.s32 s5, $0x0;
	s5 =	sld [smem:$0x3FAE]  }
0x2b: {  	s6 =	sld [smem:$0x3FAF]  }
0x2c: {  	s7 =	sld [smem:$0x3FB0]  }
0x2d: {  	s3 =	simm.s32 $0x108;
	s8 =	sld [smem:$0x3FB1]  }
0x2e: {  	s3 =	simm.s32 @!p0 $0x1082;
	s9 =	sld [smem:$0x3FB2]  }
0x2f: {  	lr =	sadd.s32 s0, s3;
	s0 =	sld [smem:$0x3FA9]  }
0x30: {  	s3 =	sld [smem:$0x3FAC]  }
0x31: {  	[smem:$0x3FB5] =	sst s10  }
0x32: {  	s10 =	sld [smem:$0x3FB3];
	_ =	sdelay $0x3  }
0x33: {  	p0 =	seq.s32 s10, $0x1;
	s10 =	sld [smem:$0x3FB5];
	_ =	sdelay $0x3  }
0x34: {  	[smem:$0x3FB5] =	sst s10  }
0x35: {  	s10 =	sld [smem:$0x3FB4];
	_ =	sdelay $0x3  }
0x36: {  	p1 =	seq.s32 s10, $0x1;
	s10 =	sld [smem:$0x3FB5];
	_ =	sdelay $0x3  }
0x37: {  	[smem:$0x3FB5] =	sst s10  }
0x38: {  	s10 =	sld [smem:$0x3FB6]  }
0x39: {  	_ = 	snop;
	(pc) =	sbr.ind lr, $3  }
0x3a: {  	_ = 	snop  }
0x3b: {  	_ = 	snop  }
0x3c: {  	p2 =	seq.s32 s10, $0x1;
	s10 =	sld [smem:$0x3FB5]  }
0x3d: {  	_ =	shalt  }
0x3e: {  	_ =	shalt  }
0x3f: {  	_ =	shalt  }
0x40: {  	_ =	shalt  }
0x41: {  	_ =	shalt  }
0x42: {  	_ =	shalt  }
0x43: {  	_ =	shalt  }
0x44: {  	_ =	shalt  }
0x45: {  	_ =	shalt  }
0x46: {  	_ =	shalt  }
0x47: {  	_ =	shalt  }
0x48: {  	_ =	shalt  }
0x49: {  	_ =	shalt  }
0x4a: {  	_ =	shalt  }
0x4b: {  	_ =	shalt  }
0x4c: {  	_ =	shalt  }
0x4d: {  	_ =	shalt  }
0x4e: {  	_ =	shalt  }
0x4f: {  	_ =	shalt  }
0x50: {  	_ =	shalt  }
0x51: {  	_ =	shalt  }
0x52: {  	_ =	shalt  }
0x53: {  	_ =	shalt  }
0x54: {  	_ =	shalt  }
0x55: {  	_ =	shalt  }
0x56: {  	_ =	shalt  }
0x57: {  	_ =	shalt  }
0x58: {  	_ =	shalt  }
0x59: {  	_ =	shalt  }
0x5a: {  	_ =	shalt  }
0x5b: {  	_ =	shalt  }
0x5c: {  	_ =	shalt  }
0x5d: {  	_ =	shalt  }
0x5e: {  	_ =	shalt  }
0x5f: {  	_ =	shalt  }
0x60: {  	_ =	shalt  }
0x61: {  	_ =	shalt  }
0x62: {  	_ =	shalt  }
0x63: {  	_ =	shalt  }
0x64: {  	_ =	shalt  }
0x65: {  	_ =	shalt  }
0x66: {  	_ =	shalt  }
0x67: {  	_ =	shalt  }
0x68: {  	_ =	shalt  }
0x69: {  	_ =	shalt  }
0x6a: {  	_ =	shalt  }
0x6b: {  	_ =	shalt  }
0x6c: {  	_ =	shalt  }
0x6d: {  	_ =	shalt  }
0x6e: {  	_ =	shalt  }
0x6f: {  	_ =	shalt  }
0x70: {  	_ =	shalt  }
0x71: {  	_ =	shalt  }
0x72: {  	_ =	shalt  }
0x73: {  	_ =	shalt  }
0x74: {  	_ =	shalt  }
0x75: {  	_ =	shalt  }
0x76: {  	_ =	shalt  }
0x77: {  	_ =	shalt  }
0x78: {  	_ =	shalt  }
0x79: {  	_ =	shalt  }
0x7a: {  	_ =	shalt  }
0x7b: {  	_ =	shalt  }
0x7c: {  	_ =	shalt  }
0x7d: {  	_ =	shalt  }
0x7e: {  	_ =	shalt  }
0x7f: {  	_ =	shalt  }
0x80: {  	_ =	shalt  }
0x81: {  	_ =	shalt  }
0x82: {  	_ =	shalt  }
0x83: {  	_ =	shalt  }
0x84: {  	_ =	shalt  }
0x85: {  	_ =	shalt  }
0x86: {  	_ =	shalt  }
0x87: {  	_ =	shalt  }
.Lfunc_end0:
.L_simem_size_0:
called_computation.1_lowered:
.L_overlay_start_0:
0x88: {  	s2 =	sld [smem:$0x3FD9]  }
0x89: {  	s3 =	sld [smem:$0x3FFE];
	_ =	sdelay $0x1  }
0x8a: {  	s1 =	srdreg.scid  }
0x8b: {  	s0 =	sand.u32 $0x1, s1  }
0x8c: {  	s16 =	sshll.u32 s0, $0xA;
	s2 =	sadd.s32 s3, s2  }
0x8d: {  	s2 =	sadd.s32 s2, s16  }
0x8e: {  	[smem:$0x3FC1] =	sst s2  }
0x8f: {  	_ = 	snop  }
0x90: {  	(tm) =	ssettm $0x1  }
0x91: {  	s17 =	sld [smem:$0x3FFB];
	_ =	sdelay $0x3  }
0x92: {  	_ =	strace s17  }
0x93: {  	s2 =	sld [smem:$0x3FFC];
	_ =	sdelay $0x3  }
0x94: {  	_ =	strace s2  }
0x95: {  	s2 =	sld [smem:$0x3FFD];
	_ =	sdelay $0x3  }
0x96: {  	_ =	strace s2  }
0x97: {  	_ =	strace $0x8FFFFFFF  }
0x98: {  	s18 =	sld [smem:$0x3FDB];
	_ =	sdelay $0x1  }
0x99: {  	s19 =	simm.s32 $_scs_section_size  }
0x9a: {  	s4 =	simm.s32 $_size__tile_overlayer_lowered;
	s5 =	simm.s32 $_tile_overlayer_lowered  }
0x9b: {  	s22 =	simm.s32 $0x1BFF;
	s21 =	sshll.u32 s5, $0x1;
	s2 =	sadd.s32 s19, s18  }
0x9c: {  	s6 =	simm.s32 $0x0;
	s20 =	sshll.u32 s4, $0x1;
	s4 =	sadd.s32 s21, s2  }
0x9d: {  	[timem:s6], [sflag:s22] =	dma.local [hbm:s4], s20  }
0x9e: {  	_ =	swait.ge [sflag:s22], s20  }
0x9f: {  	s3 =	ssub.s32 $0x0, s20;
	[sflag:s22] =	ssyncset.done $0x0  }
0xa0: {  	[sflag:s22] =	ssyncadd.s32 s3;
	_ =	sdelay $0x1  }
0xa1: {  	s23 =	simm.s32 $0x1B8B  }
0xa2: {  	_ =	swait.ge [sflag:s23], $0x1  }
0xa3: {  	[sflag:s23] =	ssyncset.done $0x0  }
0xa4: {  	s25 =	simm.s32 $0x1B8E;
	s24 =	sld [smem:$0x3FFE];
	[sflag:s23] =	ssyncadd.s32 $0xFFFFFFFF  }
0xa5: {  	s26 =	simm.s32 $execute0_lowered;
	[smem:$0x3FD2] =	sst s25  }
0xa6: {  	s4 =	sshll.u32 s26, $0x1;
	_ =	strace $0x80000049;
	[dreg:$0x1] =	wrdreg $0xFFFFFFFF  }
0xa7: {  	s28 =	simm.s32 $_size_execute0_lowered;
	s2 =	sadd.s32 s2, s4;
	[dreg:$0x0] =	wrdreg $0x0  }
0xa8: {  	s4 =	sshll.u32 s28, $0x1;
	[dreg:$0x2] =	wrdreg s2  }
0xa9: {  	[dreg:$0x3] =	wrdreg s4  }
0xaa: {  	[dreg:$0x4] =	wrdreg $0xC0  }
0xab: {  	_ =	task [dreg:s6], $0x5FFFF  }
0xac: {  	[dreg:$0x1] =	wrdreg $0xFFFFFFFF  }
0xad: {  	[dreg:$0x0] =	wrdreg $0x60  }
0xae: {  	[dreg:$0x2] =	wrdreg s24  }
0xaf: {  	[dreg:$0x3] =	wrdreg $0x150000  }
0xb0: {  	[dreg:$0x4] =	wrdreg $0x9  }
0xb1: {  	_ =	task.clear_ibuf [dreg:s6], $0x5FFFF;
	_ =	strace $0x90000049  }
0xb2: {  	s29 =	simm.s32 $0x9;
	_ =	strace $0x8000004B  }
0xb3: {  	_ =	swait.ge [sflag:s29], $0x1  }
0xb4: {  	[sflag:s29] =	ssyncadd.s32 $0xFFFFFFFF  }
0xb5: {  	_ =	strace $0x9000004B  }
0xb6: {  	_ =	sfence  }
0xb7: {  	s30 =	sld [smem:$0x0];
	_ =	sdelay $0x2  }
0xb8: {  	s31 =	sshll.u32 s1, $0xD;
	s1 =	sshrl.u32 s1, $0x2  }
0xb9: {  	s3 =	sand.u32 $0x4000, s31;
	s1 =	sadd.s32 s1, s30  }
0xba: {  	s0 =	sor.u32 s3, s0;
	s1 =	sshll.u32 s1, $0x11  }
0xbb: {  	s0 =	sor.u32 s1, s0  }
0xbc: {  	s0 =	sadd.s32 $0x8F2B, s0  }
0xbd: {  	[sflag:s0] =	ssyncadd.remote.s32 $0x1  }
0xbe: {  	_ =	sfence.sel $0xFFFF  }
0xbf: {  	[dreg:$0x0] =	wrdreg $0xFFFFFFFF;
	(pc) =	sbr.abs _section_cstart, $3  }
0xc0: {  	[dreg:$0x1] =	wrdreg $0xFFFFFFFF  }
0xc1: {  	_ =	task.clear_ibuf [dreg:s6], $0x2FFFF;
	_ =	strace $0x9FFFFFFF  }
0xc2: {  	(tm) =	ssettm $0x7FFFFFFF  }
0xc3: {  	_ =	shalt  }
tec
execute0_lowered:
.L_overlay_start_1:
0x0: {  	(tag) =	ssettag $0x1  }
0x1: {  	s0 =	rddreg [dreg:$0x0]  }
0x2: {  	s1 =	rddreg [dreg:$0x1];
	s3 =	simm.s32 $0x0;
	s2 =	srdreg.scid  }
0x3: {  	s22 =	stileid.u32;
	s16 =	simm.s32 $0x5000;
	s17 =	simm.s32 $0x9  }
0x4: {  	s19 =	simm.s32 $0x80;
	s31 =	simm.s32 $0x11000;
	s18 =	simm.s32 $0x13000  }
0x5: {  	s20 =	simm.s32 $0x5;
	s21 =	simm.s32 $0x8;
	s6 =	smul.u32 $0x1400, s22  }
0x6: {  	[smem:$0x7FF] =	sst s3;
	s2 =	sand.u32 $0x1, s2;
	s9 =	smul.u32 $0x28000, s22  }
0x7: {  	s4 =	sadd.s32 $0x47200, s0;
	s7 =	sadd.s32 $0x16000, s0;
	s10 =	smul.u32 $0x2800, s22  }
0x8: {  	s11 =	sadd.s32 $0x2000, s0;
	s25 =	smul.u32 $0x500, s22;
	s22 =	simm.s32 $0x9000  }
0x9: {  	s5 =	smul.u32 $0x14000, s2;
	_ =	strace $0x8000004A;
	s8 =	ssub.s32 $0x2, s2  }
0xa: {  	p0 =	seq.s32 s2, $0x1;
	s23 =	sshrl.u32 s8, $0x1;
	s24 =	sshrl.u32 s9, $0x2  }
0xb: {  	s26 =	sshrl.u32 s10, $0x3;
	s3 =	sadd.s32 s7, s25;
	s29 =	sadd.s32 s11, s25  }
0xc: {  	s9 =	simm.s32 $0x0;
	s5 =	sadd.s32 s6, s5;
	[dreg:$0x3] =	wrdreg s3  }
0xd: {  	s6 =	ssub.s32 s8, s23;
	s28 =	sadd.s32 $0x5000, s26;
	[dreg:$0x4] =	wrdreg s29  }
0xe: {  	s26 =	simm.s32 $0xD000;
	s8 =	simm.s32 $0x7;
	s0 =	sadd.s32 s5, s0  }
.Ltmp0:
0xf: {  	s5 =	sadd.s32 s24, s1;
	s30 =	sadd.s32 s7, s28;
	(pc) =	sbr.rel .LBB2_1-.Ltmp0, $4  }
0x10: {  	s2 =	sadd.s32 s11, s28;
	s11 =	smax.u32 s6, $0x1;
	[dreg:$0x5] =	wrdreg s30  }
0x11: {  	s6 =	simm.s32 $0x1;
	s7 =	simm.s32 $0x3;
	[dreg:$0x6] =	wrdreg s2  }
0x12: {  	s0 =	sadd.s32 $0x5AC00, s0;
	s12 =	sadd.s32 $0x2000, s5;
	s13 =	sadd.s32 $0x4000, s5  }
0x13: {  	v0 =	vimm.f32 $0.0e+00;
	s14 =	sadd.s32 $0x6000, s5;
	s15 =	sadd.s32 $0x8000, s5;
	[dreg:$0x7] =	wrdreg s0  }
.LBB2_10:
0x14: {  	_ =	swait.ge [sflag:s21], $0x2000  }
0x15: {  	s0 =	sshra.s32 s23, $0x2;
	[sflag:s21] =	ssyncset.done $0x0  }
0x16: {  	s0 =	sadd.s32 $0x2B80, s0;
	[sflag:s21] =	ssyncadd.s32 $0xFFFFE000  }
0x17: {  	[spmem:s1] =	stream.indirect.scatter.add.f32 [tilespmem:s18], [sflag:$0x9], $0x40, s0, s19, $0xb8;
	[tilespmem:$0x1F000] =	vst v63  }
0x18: {  	_ =	swait.ge [sflag:s17], $0x2000  }
0x19: {  	s30 =	stileid.u32;
	[sflag:s17] =	ssyncset.done $0x0  }
0x1a: {  	s2 =	sshrl.u32 s5, $0x3;
	s9 =	sadd.s32 $0x1, s9;
	[sflag:s17] =	ssyncadd.s32 $0xFFFFE000  }
0x1b: {  	p1 =	sne.s32 s9, s11;
	s0 =	sshll.u32 s30, $0x6;
	[bflag:$0x0] =	sbarrier.arrive $0xFFFF  }
.Ltmp1:
0x1c: {  	s0 =	sor.u32 $0x1C09, s0;
	s3 =	rddreg [dreg:$0x7];
	(pc) =	sbr.rel @!p1 .LBB2_11-.Ltmp1, $4  }
0x1d: {  	[hbm:s3], [sflag:s0] =	dma.local [spmem:s2], $0x1400  }
0x1e: {  	_ =	swait.ge [sflag:s17], $0x1400  }
0x1f: {  	[sflag:s17] =	ssyncset.done $0x0  }
0x20: {  	[sflag:s17] =	ssyncadd.s32 $0xFFFFEC00  }
.LBB2_1:
0x21: {  	s2 =	simm.s32 $0x0  }
0x22: {  	s0 =	sand.u32 $0x7F00, s2  }
0x23: {  	s2 =	sand.u32 $0x30, s2;
	s23 =	sshrl.u32 s0, $0x2  }
0x24: {  	s0 =	simm.s32 $0x40;
	s23 =	sor.u32 s2, s23;
	s2 =	simm.s32 $0x0  }
.LBB2_2:
0x25: {  	p1 =	sne.s32 s0, $0x7FC0  }
0x26: {  	[tilespmem:s23+$0x5000] =	vst v0;
	s2 =	sadd.s32 $0x10, s2;
	s23 =	smov.u32 s0;
	s0 =	sadd.s32 $0x40, s0  }
.Ltmp2:
0x27: {  	(pc) =	sbr.rel @p1 .LBB2_2-.Ltmp2, $4  }
0x28: {  	_ = 	snop  }
0x29: {  	s23 =	sand.u32 $0x7F00, s23  }
0x2a: {  	s24 =	sand.u32 $0x30, s2;
	s23 =	sshrl.u32 s23, $0x2  }
0x2b: {  	s23 =	sor.u32 s24, s23  }
0x2c: {  	[tilespmem:s23+$0x5000] =	vst v0  }
0x2d: {  	[spmem:s5] =	stream.linear.scatter [tilespmem:s16], [sflag:$0x9], $0x2000, $0x38;
	[tilespmem:$0x1F000] =	vst v63  }
0x2e: {  	_ =	swait.ge [sflag:s17], $0x2000  }
0x2f: {  	[sflag:s17] =	ssyncset.done $0x0  }
0x30: {  	[sflag:s17] =	ssyncadd.s32 $0xFFFFE000  }
0x31: {  	[spmem:s12] =	stream.linear.scatter [tilespmem:s16], [sflag:$0x9], $0x2000, $0x38;
	[tilespmem:$0x1F000] =	vst v63  }
0x32: {  	_ =	swait.ge [sflag:s17], $0x2000  }
0x33: {  	[sflag:s17] =	ssyncset.done $0x0  }
0x34: {  	[sflag:s17] =	ssyncadd.s32 $0xFFFFE000  }
0x35: {  	[spmem:s13] =	stream.linear.scatter [tilespmem:s16], [sflag:$0x9], $0x2000, $0x38;
	[tilespmem:$0x1F000] =	vst v63  }
0x36: {  	_ =	swait.ge [sflag:s17], $0x2000  }
0x37: {  	[sflag:s17] =	ssyncset.done $0x0  }
0x38: {  	[sflag:s17] =	ssyncadd.s32 $0xFFFFE000  }
0x39: {  	[spmem:s14] =	stream.linear.scatter [tilespmem:s16], [sflag:$0x9], $0x2000, $0x38;
	[tilespmem:$0x1F000] =	vst v63  }
0x3a: {  	_ =	swait.ge [sflag:s17], $0x2000  }
0x3b: {  	[sflag:s17] =	ssyncset.done $0x0  }
0x3c: {  	[sflag:s17] =	ssyncadd.s32 $0xFFFFE000  }
0x3d: {  	[spmem:s15] =	stream.linear.scatter [tilespmem:s16], [sflag:$0x9], $0x2000, $0x38;
	[tilespmem:$0x1F000] =	vst v63  }
.Ltmp3:
0x3e: {  	_ =	swait.ge [sflag:s17], $0x2000;
	(pc) =	sbr.rel @!p0 .LBB2_4-.Ltmp3, $4  }
0x3f: {  	[sflag:s17] =	ssyncset.done $0x0  }
0x40: {  	[sflag:s17] =	ssyncadd.s32 $0xFFFFE000  }
0x41: {  	[bflag:$0x0] =	sbarrier.arrive $0xFFFF  }
0x42: {  	s23 =	simm.s32 $0x0  }
0x43: {  	s0 =	rddreg [dreg:$0x5]  }
0x44: {  	[tilespmem:s23], [sflag:$0x9] =	stream.linear.gather [hbm4b:s0+s23], $0x2800, $0x38;
	[tilespmem:$0x1F000] =	vst v63  }
0x45: {  	_ =	swait.ge [sflag:s17], $0x2800  }
0x46: {  	[sflag:s17] =	ssyncset.done $0x0  }
0x47: {  	s2 =	simm.s32 $0x2800;
	s29 =	rddreg [dreg:$0x6];
	[sflag:s17] =	ssyncadd.s32 $0xFFFFD800  }
0x48: {  	[tilespmem:s2], [sflag:$0x9] =	stream.linear.gather [hbm4b:s29+s23], $0x2800, $0x38;
	[tilespmem:$0x1F000] =	vst v63  }
0x49: {  	_ =	swait.ge [sflag:s17], $0x2800  }
0x4a: {  	[sflag:s17] =	ssyncset.done $0x0  }
0x4b: {  	[sflag:s17] =	ssyncadd.s32 $0xFFFFD800  }
0x4c: {  	[tilespmem:s16], [sflag:$0x1] =	stream.indirect.gather [hbm4b:s4+s19], $0x40, s23, s19, $0xb8;
	[tilespmem:$0x1F000] =	vst v63  }
0x4d: {  	s30 =	simm.s32 $0x7000  }
0x4e: {  	[tilespmem:s30], [sflag:$0x2] =	stream.indirect.gather [hbm4b:s4+s19], $0x40, s19, s19, $0xb8;
	[tilespmem:$0x1F000] =	vst v63  }
0x4f: {  	s2 =	simm.s32 $0x100  }
0x50: {  	[tilespmem:s22], [sflag:$0x3] =	stream.indirect.gather [hbm4b:s4+s19], $0x40, s2, s19, $0xb8;
	[tilespmem:$0x1F000] =	vst v63  }
0x51: {  	s3 =	simm.s32 $0x180;
	s10 =	simm.s32 $0xB000  }
0x52: {  	[tilespmem:s10], [sflag:$0x4] =	stream.indirect.gather [hbm4b:s4+s19], $0x40, s3, s19, $0xb8;
	[tilespmem:$0x1F000] =	vst v63  }
0x53: {  	s24 =	simm.s32 $0x200  }
0x54: {  	[tilespmem:s26], [sflag:$0x5] =	stream.indirect.gather [hbm4b:s4+s19], $0x40, s24, s19, $0xb8;
	[tilespmem:$0x1F000] =	vst v63  }
0x55: {  	s25 =	simm.s32 $0x280;
	s28 =	simm.s32 $0xF000  }
0x56: {  	[tilespmem:s28], [sflag:$0x6] =	stream.indirect.gather [hbm4b:s4+s19], $0x40, s25, s19, $0xb8;
	[tilespmem:$0x1F000] =	vst v63  }
0x57: {  	s29 =	simm.s32 $0x300  }
0x58: {  	[tilespmem:s31], [sflag:$0x7] =	stream.indirect.gather [hbm4b:s4+s19], $0x40, s29, s19, $0xb8;
	[tilespmem:$0x1F000] =	vst v63  }
0x59: {  	s30 =	simm.s32 $0x380  }
0x5a: {  	[tilespmem:s18], [sflag:$0x8] =	stream.indirect.gather [hbm4b:s4+s19], $0x40, s30, s19, $0xb8;
	[tilespmem:$0x1F000] =	vst v63  }
.LBB2_8:
0x5b: {  	_ =	swait.ge [sflag:s6], $0x2000  }
0x5c: {  	s24 =	sshra.s32 s23, $0x2;
	[sflag:s6] =	ssyncset.done $0x0  }
0x5d: {  	s0 =	sadd.s32 $0x2800, s24;
	[sflag:s6] =	ssyncadd.s32 $0xFFFFE000  }
0x5e: {  	[spmem:s1] =	stream.indirect.scatter.add.f32 [tilespmem:s16], [sflag:$0x9], $0x40, s0, s19, $0xb8;
	[tilespmem:$0x1F000] =	vst v63  }
0x5f: {  	_ =	swait.ge [sflag:s17], $0x2000  }
0x60: {  	p1 =	seq.s32 s23, $0x9000;
	[sflag:s17] =	ssyncset.done $0x0  }
0x61: {  	s0 =	simm.s32 @p1 $0x2;
	[sflag:s17] =	ssyncadd.s32 $0xFFFFE000  }
0x62: {  	_ =	swait.ge @p1 [sflag:s0], $0x2000  }
0x63: {  	[sflag:s0] =	ssyncset.done @p1 $0x0  }
0x64: {  	s29 =	simm.s32 @p1 $0x80;
	[sflag:s0] =	ssyncadd.s32 @p1 $0xFFFFE000;
	s0 =	sshra.s32 @p1 s23, $0x2  }
0x65: {  	s3 =	simm.s32 @p1 $0x7000;
	s30 =	simm.s32 @p1 $0x9;
	s2 =	sadd.s32 @p1 $0x2880, s0  }
0x66: {  	[spmem:s1] =	stream.indirect.scatter.add.f32 @p1 [tilespmem:s3], [sflag:$0x9], $0x40, s2, s29, $0xb8;
	[tilespmem:$0x1F000] =	vst v63  }
0x67: {  	_ =	swait.ge @p1 [sflag:s30], $0x2000  }
0x68: {  	s25 =	sshra.s32 @!p1 s23, $0x2;
	s28 =	simm.s32 @!p1 $0x80;
	[sflag:s30] =	ssyncset.done @p1 $0x0  }
0x69: {  	s2 =	sadd.s32 @!p1 $0x400, s25;
	s3 =	simm.s32 @!p1 $0x5000;
	[sflag:s30] =	ssyncadd.s32 @p1 $0xFFFFE000  }
0x6a: {  	[tilespmem:s3], [sflag:$0x1] =	stream.indirect.gather @!p1 [hbm4b:s4+s28], $0x40, s2, s28, $0xb8;
	[tilespmem:$0x1F000] =	vst v63  }
0x6b: {  	s2 =	simm.s32 @!p1 $0x2  }
0x6c: {  	_ =	swait.ge @!p1 [sflag:s2], $0x2000  }
0x6d: {  	[sflag:s2] =	ssyncset.done @!p1 $0x0  }
0x6e: {  	s3 =	simm.s32 @!p1 $0x7000;
	[sflag:s2] =	ssyncadd.s32 @!p1 $0xFFFFE000;
	s2 =	sadd.s32 @!p1 $0x2880, s25  }
0x6f: {  	[spmem:s1] =	stream.indirect.scatter.add.f32 @!p1 [tilespmem:s3], [sflag:$0x9], $0x40, s2, s28, $0xb8;
	[tilespmem:$0x1F000] =	vst v63  }
0x70: {  	s2 =	simm.s32 @!p1 $0x9  }
0x71: {  	_ =	swait.ge @!p1 [sflag:s2], $0x2000  }
0x72: {  	[sflag:s2] =	ssyncset.done @!p1 $0x0  }
0x73: {  	s10 =	sadd.s32 @!p1 $0x480, s25;
	[sflag:s2] =	ssyncadd.s32 @!p1 $0xFFFFE000  }
0x74: {  	[tilespmem:s3], [sflag:$0x2] =	stream.indirect.gather @!p1 [hbm4b:s4+s28], $0x40, s10, s28, $0xb8;
	[tilespmem:$0x1F000] =	vst v63  }
0x75: {  	_ =	swait.ge [sflag:s7], $0x2000  }
0x76: {  	[sflag:s7] =	ssyncset.done $0x0  }
0x77: {  	s10 =	sadd.s32 $0x2900, s24;
	[sflag:s7] =	ssyncadd.s32 $0xFFFFE000  }
0x78: {  	[spmem:s1] =	stream.indirect.scatter.add.f32 [tilespmem:s22], [sflag:$0x9], $0x40, s10, s19, $0xb8;
	[tilespmem:$0x1F000] =	vst v63  }
0x79: {  	_ =	swait.ge [sflag:s17], $0x2000  }
0x7a: {  	[sflag:s17] =	ssyncset.done $0x0  }
0x7b: {  	s3 =	simm.s32 @p1 $0x4;
	[sflag:s17] =	ssyncadd.s32 $0xFFFFE000  }
0x7c: {  	_ =	swait.ge @p1 [sflag:s3], $0x2000  }
0x7d: {  	[sflag:s3] =	ssyncset.done @p1 $0x0  }
0x7e: {  	s10 =	simm.s32 @p1 $0xB000;
	[sflag:s3] =	ssyncadd.s32 @p1 $0xFFFFE000;
	s3 =	sadd.s32 @p1 $0x2980, s0  }
0x7f: {  	[spmem:s1] =	stream.indirect.scatter.add.f32 @p1 [tilespmem:s10], [sflag:$0x9], $0x40, s3, s29, $0xb8;
	[tilespmem:$0x1F000] =	vst v63  }
0x80: {  	_ =	swait.ge @p1 [sflag:s30], $0x2000  }
0x81: {  	[sflag:s30] =	ssyncset.done @p1 $0x0  }
0x82: {  	s3 =	sadd.s32 @!p1 $0x500, s25;
	s10 =	simm.s32 @!p1 $0x9000;
	[sflag:s30] =	ssyncadd.s32 @p1 $0xFFFFE000  }
0x83: {  	[tilespmem:s10], [sflag:$0x3] =	stream.indirect.gather @!p1 [hbm4b:s4+s28], $0x40, s3, s28, $0xb8;
	[tilespmem:$0x1F000] =	vst v63  }
0x84: {  	s3 =	simm.s32 @!p1 $0x4  }
0x85: {  	_ =	swait.ge @!p1 [sflag:s3], $0x2000  }
0x86: {  	[sflag:s3] =	ssyncset.done @!p1 $0x0  }
0x87: {  	s10 =	simm.s32 @!p1 $0xB000;
	[sflag:s3] =	ssyncadd.s32 @!p1 $0xFFFFE000;
	s3 =	sadd.s32 @!p1 $0x2980, s25  }
0x88: {  	[spmem:s1] =	stream.indirect.scatter.add.f32 @!p1 [tilespmem:s10], [sflag:$0x9], $0x40, s3, s28, $0xb8;
	[tilespmem:$0x1F000] =	vst v63  }
0x89: {  	_ =	swait.ge @!p1 [sflag:s2], $0x2000  }
0x8a: {  	[sflag:s2] =	ssyncset.done @!p1 $0x0  }
0x8b: {  	s3 =	sadd.s32 @!p1 $0x580, s25;
	[sflag:s2] =	ssyncadd.s32 @!p1 $0xFFFFE000  }
0x8c: {  	[tilespmem:s10], [sflag:$0x4] =	stream.indirect.gather @!p1 [hbm4b:s4+s28], $0x40, s3, s28, $0xb8;
	[tilespmem:$0x1F000] =	vst v63  }
0x8d: {  	_ =	swait.ge [sflag:s20], $0x2000  }
0x8e: {  	[sflag:s20] =	ssyncset.done $0x0  }
0x8f: {  	s10 =	sadd.s32 $0x2A00, s24;
	[sflag:s20] =	ssyncadd.s32 $0xFFFFE000  }
0x90: {  	[spmem:s1] =	stream.indirect.scatter.add.f32 [tilespmem:s26], [sflag:$0x9], $0x40, s10, s19, $0xb8;
	[tilespmem:$0x1F000] =	vst v63  }
0x91: {  	_ =	swait.ge [sflag:s17], $0x2000  }
0x92: {  	[sflag:s17] =	ssyncset.done $0x0  }
0x93: {  	s3 =	simm.s32 @p1 $0x6;
	[sflag:s17] =	ssyncadd.s32 $0xFFFFE000  }
0x94: {  	_ =	swait.ge @p1 [sflag:s3], $0x2000  }
0x95: {  	[sflag:s3] =	ssyncset.done @p1 $0x0  }
0x96: {  	s0 =	sadd.s32 @p1 $0x2A80, s0;
	[sflag:s3] =	ssyncadd.s32 @p1 $0xFFFFE000;
	s3 =	simm.s32 @p1 $0xF000  }
0x97: {  	[spmem:s1] =	stream.indirect.scatter.add.f32 @p1 [tilespmem:s3], [sflag:$0x9], $0x40, s0, s29, $0xb8;
	[tilespmem:$0x1F000] =	vst v63  }
0x98: {  	_ =	swait.ge @p1 [sflag:s30], $0x2000  }
0x99: {  	[sflag:s30] =	ssyncset.done @p1 $0x0  }
0x9a: {  	s0 =	sadd.s32 @!p1 $0x600, s25;
	s3 =	simm.s32 @!p1 $0xD000;
	[sflag:s30] =	ssyncadd.s32 @p1 $0xFFFFE000  }
0x9b: {  	[tilespmem:s3], [sflag:$0x5] =	stream.indirect.gather @!p1 [hbm4b:s4+s28], $0x40, s0, s28, $0xb8;
	[tilespmem:$0x1F000] =	vst v63  }
0x9c: {  	s0 =	simm.s32 @!p1 $0x6  }
0x9d: {  	_ =	swait.ge @!p1 [sflag:s0], $0x2000  }
0x9e: {  	[sflag:s0] =	ssyncset.done @!p1 $0x0  }
0x9f: {  	s3 =	simm.s32 @!p1 $0xF000;
	[sflag:s0] =	ssyncadd.s32 @!p1 $0xFFFFE000;
	s0 =	sadd.s32 @!p1 $0x2A80, s25  }
0xa0: {  	[spmem:s1] =	stream.indirect.scatter.add.f32 @!p1 [tilespmem:s3], [sflag:$0x9], $0x40, s0, s28, $0xb8;
	[tilespmem:$0x1F000] =	vst v63  }
0xa1: {  	_ =	swait.ge @!p1 [sflag:s2], $0x2000  }
0xa2: {  	[sflag:s2] =	ssyncset.done @!p1 $0x0  }
0xa3: {  	s0 =	sadd.s32 @!p1 $0x680, s25;
	[sflag:s2] =	ssyncadd.s32 @!p1 $0xFFFFE000  }
0xa4: {  	[tilespmem:s3], [sflag:$0x6] =	stream.indirect.gather @!p1 [hbm4b:s4+s28], $0x40, s0, s28, $0xb8;
	[tilespmem:$0x1F000] =	vst v63  }
0xa5: {  	_ =	swait.ge [sflag:s8], $0x2000  }
0xa6: {  	[sflag:s8] =	ssyncset.done $0x0  }
.Ltmp4:
0xa7: {  	s30 =	sadd.s32 $0x2B00, s24;
	[sflag:s8] =	ssyncadd.s32 $0xFFFFE000;
	(pc) =	sbr.rel @p1 .LBB2_10-.Ltmp4, $4  }
0xa8: {  	[spmem:s1] =	stream.indirect.scatter.add.f32 [tilespmem:s31], [sflag:$0x9], $0x40, s30, s19, $0xb8;
	[tilespmem:$0x1F000] =	vst v63  }
0xa9: {  	_ =	swait.ge [sflag:s17], $0x2000  }
0xaa: {  	[sflag:s17] =	ssyncset.done $0x0  }
0xab: {  	[sflag:s17] =	ssyncadd.s32 $0xFFFFE000  }
0xac: {  	s0 =	sadd.s32 $0x700, s24  }
0xad: {  	[tilespmem:s31], [sflag:$0x7] =	stream.indirect.gather [hbm4b:s4+s19], $0x40, s0, s19, $0xb8;
	[tilespmem:$0x1F000] =	vst v63  }
0xae: {  	_ =	swait.ge [sflag:s21], $0x2000  }
0xaf: {  	[sflag:s21] =	ssyncset.done $0x0  }
0xb0: {  	s29 =	sadd.s32 $0x2B80, s24;
	[sflag:s21] =	ssyncadd.s32 $0xFFFFE000  }
0xb1: {  	[spmem:s1] =	stream.indirect.scatter.add.f32 [tilespmem:s18], [sflag:$0x9], $0x40, s29, s19, $0xb8;
	[tilespmem:$0x1F000] =	vst v63  }
.Ltmp5:
0xb2: {  	_ = 	snop;
	(pc) =	sbr.rel .LBB2_8-.Ltmp5, $4  }
0xb3: {  	_ =	swait.ge [sflag:s17], $0x2000  }
0xb4: {  	[sflag:s17] =	ssyncset.done $0x0  }
0xb5: {  	s30 =	sadd.s32 $0x780, s24;
	s23 =	sadd.s32 $0x1000, s23;
	[sflag:s17] =	ssyncadd.s32 $0xFFFFE000  }
0xb6: {  	[tilespmem:s18], [sflag:$0x8] =	stream.indirect.gather [hbm4b:s4+s19], $0x40, s30, s19, $0xb8;
	[tilespmem:$0x1F000] =	vst v63  }
.LBB2_4:
0xb7: {  	s0 =	rddreg [dreg:$0x3]  }
0xb8: {  	[tilespmem:s23], [sflag:$0x9] =	stream.linear.gather [hbm4b:s0+s23], $0x2800, $0x38;
	[tilespmem:$0x1F000] =	vst v63  }
0xb9: {  	_ =	swait.ge [sflag:s17], $0x2800  }
0xba: {  	[sflag:s17] =	ssyncset.done $0x0  }
0xbb: {  	s2 =	simm.s32 $0x2800;
	s29 =	rddreg [dreg:$0x4];
	[sflag:s17] =	ssyncadd.s32 $0xFFFFD800  }
0xbc: {  	[tilespmem:s2], [sflag:$0x9] =	stream.linear.gather [hbm4b:s29+s23], $0x2800, $0x38;
	[tilespmem:$0x1F000] =	vst v63  }
0xbd: {  	_ =	swait.ge [sflag:s17], $0x2800  }
0xbe: {  	[sflag:s17] =	ssyncset.done $0x0  }
0xbf: {  	[sflag:s17] =	ssyncadd.s32 $0xFFFFD800  }
0xc0: {  	[tilespmem:s16], [sflag:$0x1] =	stream.indirect.gather [hbm4b:s4+s19], $0x40, s23, s19, $0xb8;
	[tilespmem:$0x1F000] =	vst v63  }
0xc1: {  	s30 =	simm.s32 $0x7000  }
0xc2: {  	[tilespmem:s30], [sflag:$0x2] =	stream.indirect.gather [hbm4b:s4+s19], $0x40, s19, s19, $0xb8;
	[tilespmem:$0x1F000] =	vst v63  }
0xc3: {  	s2 =	simm.s32 $0x100  }
0xc4: {  	[tilespmem:s22], [sflag:$0x3] =	stream.indirect.gather [hbm4b:s4+s19], $0x40, s2, s19, $0xb8;
	[tilespmem:$0x1F000] =	vst v63  }
0xc5: {  	s3 =	simm.s32 $0x180;
	s10 =	simm.s32 $0xB000  }
0xc6: {  	[tilespmem:s10], [sflag:$0x4] =	stream.indirect.gather [hbm4b:s4+s19], $0x40, s3, s19, $0xb8;
	[tilespmem:$0x1F000] =	vst v63  }
0xc7: {  	s24 =	simm.s32 $0x200  }
0xc8: {  	[tilespmem:s26], [sflag:$0x5] =	stream.indirect.gather [hbm4b:s4+s19], $0x40, s24, s19, $0xb8;
	[tilespmem:$0x1F000] =	vst v63  }
0xc9: {  	s25 =	simm.s32 $0x280;
	s28 =	simm.s32 $0xF000  }
0xca: {  	[tilespmem:s28], [sflag:$0x6] =	stream.indirect.gather [hbm4b:s4+s19], $0x40, s25, s19, $0xb8;
	[tilespmem:$0x1F000] =	vst v63  }
0xcb: {  	s29 =	simm.s32 $0x300  }
0xcc: {  	[tilespmem:s31], [sflag:$0x7] =	stream.indirect.gather [hbm4b:s4+s19], $0x40, s29, s19, $0xb8;
	[tilespmem:$0x1F000] =	vst v63  }
0xcd: {  	s30 =	simm.s32 $0x380  }
0xce: {  	[tilespmem:s18], [sflag:$0x8] =	stream.indirect.gather [hbm4b:s4+s19], $0x40, s30, s19, $0xb8;
	[tilespmem:$0x1F000] =	vst v63  }
.LBB2_5:
0xcf: {  	_ =	swait.ge [sflag:s6], $0x2000  }
0xd0: {  	s24 =	sshra.s32 s23, $0x2;
	[sflag:s6] =	ssyncset.done $0x0  }
0xd1: {  	s0 =	sadd.s32 $0x2800, s24;
	[sflag:s6] =	ssyncadd.s32 $0xFFFFE000  }
0xd2: {  	[spmem:s1] =	stream.indirect.scatter.add.f32 [tilespmem:s16], [sflag:$0x9], $0x40, s0, s19, $0xb8;
	[tilespmem:$0x1F000] =	vst v63  }
0xd3: {  	_ =	swait.ge [sflag:s17], $0x2000  }
0xd4: {  	p1 =	seq.s32 s23, $0x9000;
	[sflag:s17] =	ssyncset.done $0x0  }
0xd5: {  	s0 =	simm.s32 @p1 $0x2;
	[sflag:s17] =	ssyncadd.s32 $0xFFFFE000  }
0xd6: {  	_ =	swait.ge @p1 [sflag:s0], $0x2000  }
0xd7: {  	s29 =	sshra.s32 @p1 s23, $0x2;
	s30 =	simm.s32 @p1 $0x80;
	[sflag:s0] =	ssyncset.done @p1 $0x0  }
0xd8: {  	s2 =	simm.s32 @p1 $0x7000;
	[sflag:s0] =	ssyncadd.s32 @p1 $0xFFFFE000;
	s0 =	sadd.s32 @p1 $0x2880, s29  }
0xd9: {  	[spmem:s1] =	stream.indirect.scatter.add.f32 @p1 [tilespmem:s2], [sflag:$0x9], $0x40, s0, s30, $0xb8;
	[tilespmem:$0x1F000] =	vst v63  }
0xda: {  	s0 =	simm.s32 @p1 $0x9  }
0xdb: {  	_ =	swait.ge @p1 [sflag:s0], $0x2000  }
0xdc: {  	s25 =	sshra.s32 @!p1 s23, $0x2;
	s28 =	simm.s32 @!p1 $0x80;
	[sflag:s0] =	ssyncset.done @p1 $0x0  }
0xdd: {  	s3 =	simm.s32 @!p1 $0x5000;
	s2 =	sadd.s32 @!p1 $0x400, s25;
	[sflag:s0] =	ssyncadd.s32 @p1 $0xFFFFE000  }
0xde: {  	[tilespmem:s3], [sflag:$0x1] =	stream.indirect.gather @!p1 [hbm4b:s4+s28], $0x40, s2, s28, $0xb8;
	[tilespmem:$0x1F000] =	vst v63  }
0xdf: {  	s2 =	simm.s32 @!p1 $0x2  }
0xe0: {  	_ =	swait.ge @!p1 [sflag:s2], $0x2000  }
0xe1: {  	[sflag:s2] =	ssyncset.done @!p1 $0x0  }
0xe2: {  	s3 =	simm.s32 @!p1 $0x7000;
	[sflag:s2] =	ssyncadd.s32 @!p1 $0xFFFFE000;
	s2 =	sadd.s32 @!p1 $0x2880, s25  }
0xe3: {  	[spmem:s1] =	stream.indirect.scatter.add.f32 @!p1 [tilespmem:s3], [sflag:$0x9], $0x40, s2, s28, $0xb8;
	[tilespmem:$0x1F000] =	vst v63  }
0xe4: {  	s2 =	simm.s32 @!p1 $0x9  }
0xe5: {  	_ =	swait.ge @!p1 [sflag:s2], $0x2000  }
0xe6: {  	[sflag:s2] =	ssyncset.done @!p1 $0x0  }
0xe7: {  	s10 =	sadd.s32 @!p1 $0x480, s25;
	[sflag:s2] =	ssyncadd.s32 @!p1 $0xFFFFE000  }
0xe8: {  	[tilespmem:s3], [sflag:$0x2] =	stream.indirect.gather @!p1 [hbm4b:s4+s28], $0x40, s10, s28, $0xb8;
	[tilespmem:$0x1F000] =	vst v63  }
0xe9: {  	_ =	swait.ge [sflag:s7], $0x2000  }
0xea: {  	[sflag:s7] =	ssyncset.done $0x0  }
0xeb: {  	s10 =	sadd.s32 $0x2900, s24;
	[sflag:s7] =	ssyncadd.s32 $0xFFFFE000  }
0xec: {  	[spmem:s1] =	stream.indirect.scatter.add.f32 [tilespmem:s22], [sflag:$0x9], $0x40, s10, s19, $0xb8;
	[tilespmem:$0x1F000] =	vst v63  }
0xed: {  	_ =	swait.ge [sflag:s17], $0x2000  }
0xee: {  	[sflag:s17] =	ssyncset.done $0x0  }
0xef: {  	s3 =	simm.s32 @p1 $0x4;
	[sflag:s17] =	ssyncadd.s32 $0xFFFFE000  }
0xf0: {  	_ =	swait.ge @p1 [sflag:s3], $0x2000  }
0xf1: {  	[sflag:s3] =	ssyncset.done @p1 $0x0  }
0xf2: {  	s10 =	simm.s32 @p1 $0xB000;
	[sflag:s3] =	ssyncadd.s32 @p1 $0xFFFFE000;
	s3 =	sadd.s32 @p1 $0x2980, s29  }
0xf3: {  	[spmem:s1] =	stream.indirect.scatter.add.f32 @p1 [tilespmem:s10], [sflag:$0x9], $0x40, s3, s30, $0xb8;
	[tilespmem:$0x1F000] =	vst v63  }
0xf4: {  	_ =	swait.ge @p1 [sflag:s0], $0x2000  }
0xf5: {  	[sflag:s0] =	ssyncset.done @p1 $0x0  }
0xf6: {  	s3 =	sadd.s32 @!p1 $0x500, s25;
	s10 =	simm.s32 @!p1 $0x9000;
	[sflag:s0] =	ssyncadd.s32 @p1 $0xFFFFE000  }
0xf7: {  	[tilespmem:s10], [sflag:$0x3] =	stream.indirect.gather @!p1 [hbm4b:s4+s28], $0x40, s3, s28, $0xb8;
	[tilespmem:$0x1F000] =	vst v63  }
0xf8: {  	s3 =	simm.s32 @!p1 $0x4  }
0xf9: {  	_ =	swait.ge @!p1 [sflag:s3], $0x2000  }
0xfa: {  	[sflag:s3] =	ssyncset.done @!p1 $0x0  }
0xfb: {  	s10 =	simm.s32 @!p1 $0xB000;
	[sflag:s3] =	ssyncadd.s32 @!p1 $0xFFFFE000;
	s3 =	sadd.s32 @!p1 $0x2980, s25  }
0xfc: {  	[spmem:s1] =	stream.indirect.scatter.add.f32 @!p1 [tilespmem:s10], [sflag:$0x9], $0x40, s3, s28, $0xb8;
	[tilespmem:$0x1F000] =	vst v63  }
0xfd: {  	_ =	swait.ge @!p1 [sflag:s2], $0x2000  }
0xfe: {  	[sflag:s2] =	ssyncset.done @!p1 $0x0  }
0xff: {  	s3 =	sadd.s32 @!p1 $0x580, s25;
	[sflag:s2] =	ssyncadd.s32 @!p1 $0xFFFFE000  }
0x100: {  	[tilespmem:s10], [sflag:$0x4] =	stream.indirect.gather @!p1 [hbm4b:s4+s28], $0x40, s3, s28, $0xb8;
	[tilespmem:$0x1F000] =	vst v63  }
0x101: {  	_ =	swait.ge [sflag:s20], $0x2000  }
0x102: {  	[sflag:s20] =	ssyncset.done $0x0  }
0x103: {  	s10 =	sadd.s32 $0x2A00, s24;
	[sflag:s20] =	ssyncadd.s32 $0xFFFFE000  }
0x104: {  	[spmem:s1] =	stream.indirect.scatter.add.f32 [tilespmem:s26], [sflag:$0x9], $0x40, s10, s19, $0xb8;
	[tilespmem:$0x1F000] =	vst v63  }
0x105: {  	_ =	swait.ge [sflag:s17], $0x2000  }
0x106: {  	[sflag:s17] =	ssyncset.done $0x0  }
0x107: {  	s3 =	simm.s32 @p1 $0x6;
	[sflag:s17] =	ssyncadd.s32 $0xFFFFE000  }
0x108: {  	_ =	swait.ge @p1 [sflag:s3], $0x2000  }
0x109: {  	[sflag:s3] =	ssyncset.done @p1 $0x0  }
0x10a: {  	s10 =	simm.s32 @p1 $0xF000;
	[sflag:s3] =	ssyncadd.s32 @p1 $0xFFFFE000;
	s3 =	sadd.s32 @p1 $0x2A80, s29  }
0x10b: {  	[spmem:s1] =	stream.indirect.scatter.add.f32 @p1 [tilespmem:s10], [sflag:$0x9], $0x40, s3, s30, $0xb8;
	[tilespmem:$0x1F000] =	vst v63  }
0x10c: {  	_ =	swait.ge @p1 [sflag:s0], $0x2000  }
0x10d: {  	[sflag:s0] =	ssyncset.done @p1 $0x0  }
0x10e: {  	s3 =	simm.s32 @!p1 $0xD000;
	[sflag:s0] =	ssyncadd.s32 @p1 $0xFFFFE000;
	s0 =	sadd.s32 @!p1 $0x600, s25  }
0x10f: {  	[tilespmem:s3], [sflag:$0x5] =	stream.indirect.gather @!p1 [hbm4b:s4+s28], $0x40, s0, s28, $0xb8;
	[tilespmem:$0x1F000] =	vst v63  }
0x110: {  	s0 =	simm.s32 @!p1 $0x6  }
0x111: {  	_ =	swait.ge @!p1 [sflag:s0], $0x2000  }
0x112: {  	[sflag:s0] =	ssyncset.done @!p1 $0x0  }
0x113: {  	s3 =	simm.s32 @!p1 $0xF000;
	[sflag:s0] =	ssyncadd.s32 @!p1 $0xFFFFE000;
	s0 =	sadd.s32 @!p1 $0x2A80, s25  }
0x114: {  	[spmem:s1] =	stream.indirect.scatter.add.f32 @!p1 [tilespmem:s3], [sflag:$0x9], $0x40, s0, s28, $0xb8;
	[tilespmem:$0x1F000] =	vst v63  }
0x115: {  	_ =	swait.ge @!p1 [sflag:s2], $0x2000  }
0x116: {  	[sflag:s2] =	ssyncset.done @!p1 $0x0  }
0x117: {  	s0 =	sadd.s32 @!p1 $0x680, s25;
	[sflag:s2] =	ssyncadd.s32 @!p1 $0xFFFFE000  }
0x118: {  	[tilespmem:s3], [sflag:$0x6] =	stream.indirect.gather @!p1 [hbm4b:s4+s28], $0x40, s0, s28, $0xb8;
	[tilespmem:$0x1F000] =	vst v63  }
0x119: {  	_ =	swait.ge [sflag:s8], $0x2000  }
0x11a: {  	[sflag:s8] =	ssyncset.done $0x0  }
.Ltmp6:
0x11b: {  	s30 =	sadd.s32 $0x2B00, s24;
	[sflag:s8] =	ssyncadd.s32 $0xFFFFE000;
	(pc) =	sbr.rel @p1 .LBB2_10-.Ltmp6, $4  }
0x11c: {  	[spmem:s1] =	stream.indirect.scatter.add.f32 [tilespmem:s31], [sflag:$0x9], $0x40, s30, s19, $0xb8;
	[tilespmem:$0x1F000] =	vst v63  }
0x11d: {  	_ =	swait.ge [sflag:s17], $0x2000  }
0x11e: {  	[sflag:s17] =	ssyncset.done $0x0  }
0x11f: {  	[sflag:s17] =	ssyncadd.s32 $0xFFFFE000  }
0x120: {  	s0 =	sadd.s32 $0x700, s24  }
0x121: {  	[tilespmem:s31], [sflag:$0x7] =	stream.indirect.gather [hbm4b:s4+s19], $0x40, s0, s19, $0xb8;
	[tilespmem:$0x1F000] =	vst v63  }
0x122: {  	_ =	swait.ge [sflag:s21], $0x2000  }
0x123: {  	[sflag:s21] =	ssyncset.done $0x0  }
0x124: {  	s29 =	sadd.s32 $0x2B80, s24;
	[sflag:s21] =	ssyncadd.s32 $0xFFFFE000  }
0x125: {  	[spmem:s1] =	stream.indirect.scatter.add.f32 [tilespmem:s18], [sflag:$0x9], $0x40, s29, s19, $0xb8;
	[tilespmem:$0x1F000] =	vst v63  }
.Ltmp7:
0x126: {  	_ = 	snop;
	(pc) =	sbr.rel .LBB2_5-.Ltmp7, $4  }
0x127: {  	_ =	swait.ge [sflag:s17], $0x2000  }
0x128: {  	[sflag:s17] =	ssyncset.done $0x0  }
0x129: {  	s30 =	sadd.s32 $0x780, s24;
	s23 =	sadd.s32 $0x1000, s23;
	[sflag:s17] =	ssyncadd.s32 $0xFFFFE000  }
0x12a: {  	[tilespmem:s18], [sflag:$0x8] =	stream.indirect.gather [hbm4b:s4+s19], $0x40, s30, s19, $0xb8;
	[tilespmem:$0x1F000] =	vst v63  }
.LBB2_11:
0x12b: {  	_ =	sfence.sel $0x180000  }
0x12c: {  	[bflag:$0x0] =	sbarrier.arrive $0xFFFF  }
0x12d: {  	_ =	strace $0x9000004A  }
0x12e: {  	s0 =	stileid.u32;
	[bflag:$0x2] =	sbarrier.arrive $0xFFFF  }
0x12f: {  	p0 =	sne.s32 s0, $0x0;
	s0 =	rddreg [dreg:$0x2]  }
0x130: {  	s0 =	sadd.s32 @!p0 $0x100000, s0  }
0x131: {  	[sflag:s0] =	ssyncadd.tile.s32 @!p0 $0x1;
	_ =	shalt  }
.Lfunc_end2:
_tile_overlayer_lowered:
.L_overlay_start_2:
0x132: {  	(tag) =	ssettag $0x2  }
0x133: {  	s0 =	rddreg [dreg:$0x0];
	s2 =	stileid.u32  }
0x134: {  	s1 =	rddreg [dreg:$0x1];
	p0 =	sne.s32 s2, $0x0  }
0x135: {  	s3 =	rddreg [dreg:$0x2];
	[bflag:$0x3] =	sbarrier.arrive $0xFFFF;
	s2 =	simm.s32 @!p0 $0x1C09  }
0x136: {  	[timem:s3], [sflag:s2] =	dma.local @!p0 [hbm:s0], s1  }
0x137: {  	s0 =	simm.s32 @!p0 $0x9  }
0x138: {  	_ =	swait.ge @!p0 [sflag:s0], s1  }
0x139: {  	s1 =	ssub.s32 @!p0 $0x0, s1;
	[sflag:s0] =	ssyncset.done @!p0 $0x0  }
0x13a: {  	[sflag:s0] =	ssyncadd.s32 @!p0 s1  }
0x13b: {  	[bflag:$0x3] =	sbarrier.arrive $0xFFFF  }
0x13c: {  	_ =	shalt  }

// kernel: kernel.14.cloned.1.call-start
scs
__scs_entry_jumppad:
0x0: {  	(pc) =	sbr.rel $0x88, $3  }
0x1: {  	(tag) =	ssettag $0x0;
	lr =	simm.s32 $0x1  }
0x2: {  	[smem:$0x3F9A] =	sst lr;
	_ =	strace $0xD0000000  }
0x3: {  	_ = 	snop  }
0x4: {  	_ = 	snop  }
0x5: {  	_ = 	snop  }
0x6: {  	_ = 	snop  }
0x7: {  	_ = 	snop  }
__scs_overlays_trampoline_lowered:
0x8: {  	[smem:$0x3FA9] =	sst s0  }
0x9: {  	[smem:$0x3FAA] =	sst s1  }
0xa: {  	[smem:$0x3FAB] =	sst s2  }
0xb: {  	[smem:$0x3FAC] =	sst s3  }
0xc: {  	[smem:$0x3FAD] =	sst s4  }
0xd: {  	[smem:$0x3FAE] =	sst s5  }
0xe: {  	[smem:$0x3FAF] =	sst s6  }
0xf: {  	[smem:$0x3FB0] =	sst s7  }
0x10: {  	[smem:$0x3FB1] =	sst s8  }
0x11: {  	[smem:$0x3FB2] =	sst s9;
	s0 =	simm.s32 @!p0 $0x0  }
0x12: {  	s1 =	sld [smem:$0x3F98];
	s0 =	simm.s32 @p0 $0x1  }
0x13: {  	[smem:$0x3FB3] =	sst s0;
	s0 =	simm.s32 @!p1 $0x0  }
0x14: {  	s2 =	sld [smem:$0x3F97];
	s0 =	simm.s32 @p1 $0x1  }
0x15: {  	[smem:$0x3FB4] =	sst s0;
	s0 =	simm.s32 @!p2 $0x0  }
0x16: {  	s3 =	sld [smem:$0x3FDB];
	s0 =	simm.s32 @p2 $0x1  }
0x17: {  	s4 =	simm.s32 $0x1BF5;
	[smem:$0x3FB6] =	sst s0  }
0x18: {  	s0 =	sld [smem:$0x3F99];
	_ =	swait.ge [sflag:s4], $0x0  }
0x19: {  	s7 =	sld [smem:$0x3F9A]  }
0x1a: {  	s8 =	sadd.s32 $0xFFFFE003, lr  }
0x1b: {  	s9 =	sadd.s32 $0xFFFFFEF7, lr;
	s5 =	simm.s32 $0xFFFFFFFF;
	p2 =	slt.u32 s8, $0xFFFFF086  }
0x1c: {  	p1 =	slt.u32 s9, $0xF7A;
	s5 =	simm.s32 @!p2 $0x0  }
0x1d: {  	s5 =	simm.s32 @p1 $0x1;
	p0 =	seq.s32 s7, s2  }
0x1e: {  	s7 =	smul.u32 @!p0 $0xF7A, s2;
	p2 =	seq.s32 @!p0 s5, $0x0  }
0x1f: {  	s9 =	smul.u32 $0xF7A, s1;
	s8 =	simm.s32 @!p0 $0x1BF5;
	p2 =	por !p2, p0  }
0x20: {  	[sflag:s8] =	ssyncset.s32 @!p0 $0xFFFFF086;
	s6 =	sadd.s32 @!p0 s3, s7;
	s7 =	simm.s32 @!p0 $0x108  }
0x21: {  	s3 =	sadd.s32 s3, s9;
	s6 =	sadd.s32 @!p0 $0x88, s6;
	s7 =	simm.s32 @p2 $0x1082  }
0x22: {  	[simem:s7], [sflag:s8] =	dma.local @!p0 [hbm:s6], $0xF7A  }
0x23: {  	s9 =	sor.u32 $0xD0000000, s2;
	s6 =	simm.s32 $0x108;
	_ =	swait.ge @!p0 [sflag:s8], $0x0  }
0x24: {  	s3 =	sadd.s32 $0x88, s3;
	s6 =	simm.s32 @!p1 $0x1082;
	[sflag:s4] =	ssyncset.s32 $0xFFFFF086  }
0x25: {  	[simem:s6], [sflag:s4] =	dma.local [hbm:s3], $0xF7A  }
0x26: {  	[smem:$0x3F9A] =	sst s1;
	(tag) =	ssettag s2;
	_ =	strace s9  }
0x27: {  	s1 =	sld [smem:$0x3FAA]  }
0x28: {  	s2 =	sld [smem:$0x3FAB]  }
0x29: {  	s4 =	sld [smem:$0x3FAD]  }
0x2a: {  	p0 =	seq.s32 s5, $0x0;
	s5 =	sld [smem:$0x3FAE]  }
0x2b: {  	s6 =	sld [smem:$0x3FAF]  }
0x2c: {  	s7 =	sld [smem:$0x3FB0]  }
0x2d: {  	s3 =	simm.s32 $0x108;
	s8 =	sld [smem:$0x3FB1]  }
0x2e: {  	s3 =	simm.s32 @!p0 $0x1082;
	s9 =	sld [smem:$0x3FB2]  }
0x2f: {  	lr =	sadd.s32 s0, s3;
	s0 =	sld [smem:$0x3FA9]  }
0x30: {  	s3 =	sld [smem:$0x3FAC]  }
0x31: {  	[smem:$0x3FB5] =	sst s10  }
0x32: {  	s10 =	sld [smem:$0x3FB3];
	_ =	sdelay $0x3  }
0x33: {  	p0 =	seq.s32 s10, $0x1;
	s10 =	sld [smem:$0x3FB5];
	_ =	sdelay $0x3  }
0x34: {  	[smem:$0x3FB5] =	sst s10  }
0x35: {  	s10 =	sld [smem:$0x3FB4];
	_ =	sdelay $0x3  }
0x36: {  	p1 =	seq.s32 s10, $0x1;
	s10 =	sld [smem:$0x3FB5];
	_ =	sdelay $0x3  }
0x37: {  	[smem:$0x3FB5] =	sst s10  }
0x38: {  	s10 =	sld [smem:$0x3FB6]  }
0x39: {  	_ = 	snop;
	(pc) =	sbr.ind lr, $3  }
0x3a: {  	_ = 	snop  }
0x3b: {  	_ = 	snop  }
0x3c: {  	p2 =	seq.s32 s10, $0x1;
	s10 =	sld [smem:$0x3FB5]  }
0x3d: {  	_ =	shalt  }
0x3e: {  	_ =	shalt  }
0x3f: {  	_ =	shalt  }
0x40: {  	_ =	shalt  }
0x41: {  	_ =	shalt  }
0x42: {  	_ =	shalt  }
0x43: {  	_ =	shalt  }
0x44: {  	_ =	shalt  }
0x45: {  	_ =	shalt  }
0x46: {  	_ =	shalt  }
0x47: {  	_ =	shalt  }
0x48: {  	_ =	shalt  }
0x49: {  	_ =	shalt  }
0x4a: {  	_ =	shalt  }
0x4b: {  	_ =	shalt  }
0x4c: {  	_ =	shalt  }
0x4d: {  	_ =	shalt  }
0x4e: {  	_ =	shalt  }
0x4f: {  	_ =	shalt  }
0x50: {  	_ =	shalt  }
0x51: {  	_ =	shalt  }
0x52: {  	_ =	shalt  }
0x53: {  	_ =	shalt  }
0x54: {  	_ =	shalt  }
0x55: {  	_ =	shalt  }
0x56: {  	_ =	shalt  }
0x57: {  	_ =	shalt  }
0x58: {  	_ =	shalt  }
0x59: {  	_ =	shalt  }
0x5a: {  	_ =	shalt  }
0x5b: {  	_ =	shalt  }
0x5c: {  	_ =	shalt  }
0x5d: {  	_ =	shalt  }
0x5e: {  	_ =	shalt  }
0x5f: {  	_ =	shalt  }
0x60: {  	_ =	shalt  }
0x61: {  	_ =	shalt  }
0x62: {  	_ =	shalt  }
0x63: {  	_ =	shalt  }
0x64: {  	_ =	shalt  }
0x65: {  	_ =	shalt  }
0x66: {  	_ =	shalt  }
0x67: {  	_ =	shalt  }
0x68: {  	_ =	shalt  }
0x69: {  	_ =	shalt  }
0x6a: {  	_ =	shalt  }
0x6b: {  	_ =	shalt  }
0x6c: {  	_ =	shalt  }
0x6d: {  	_ =	shalt  }
0x6e: {  	_ =	shalt  }
0x6f: {  	_ =	shalt  }
0x70: {  	_ =	shalt  }
0x71: {  	_ =	shalt  }
0x72: {  	_ =	shalt  }
0x73: {  	_ =	shalt  }
0x74: {  	_ =	shalt  }
0x75: {  	_ =	shalt  }
0x76: {  	_ =	shalt  }
0x77: {  	_ =	shalt  }
0x78: {  	_ =	shalt  }
0x79: {  	_ =	shalt  }
0x7a: {  	_ =	shalt  }
0x7b: {  	_ =	shalt  }
0x7c: {  	_ =	shalt  }
0x7d: {  	_ =	shalt  }
0x7e: {  	_ =	shalt  }
0x7f: {  	_ =	shalt  }
0x80: {  	_ =	shalt  }
0x81: {  	_ =	shalt  }
0x82: {  	_ =	shalt  }
0x83: {  	_ =	shalt  }
0x84: {  	_ =	shalt  }
0x85: {  	_ =	shalt  }
0x86: {  	_ =	shalt  }
0x87: {  	_ =	shalt  }
.Lfunc_end0:
.L_simem_size_0:
called_computation.2_lowered:
.L_overlay_start_0:
0x88: {  	s2 =	sld [smem:$0x3FD9]  }
0x89: {  	s3 =	sld [smem:$0x3FFE];
	_ =	sdelay $0x1  }
0x8a: {  	s1 =	srdreg.scid  }
0x8b: {  	s0 =	sand.u32 $0x1, s1  }
0x8c: {  	s16 =	sshll.u32 s0, $0xA;
	s2 =	sadd.s32 s3, s2  }
0x8d: {  	s2 =	sadd.s32 s2, s16  }
0x8e: {  	[smem:$0x3FC1] =	sst s2  }
0x8f: {  	_ = 	snop  }
0x90: {  	(tm) =	ssettm $0x1  }
0x91: {  	s17 =	sld [smem:$0x3FFB];
	_ =	sdelay $0x3  }
0x92: {  	_ =	strace s17  }
0x93: {  	s2 =	sld [smem:$0x3FFC];
	_ =	sdelay $0x3  }
0x94: {  	_ =	strace s2  }
0x95: {  	s2 =	sld [smem:$0x3FFD];
	_ =	sdelay $0x3  }
0x96: {  	_ =	strace s2  }
0x97: {  	_ =	strace $0x8FFFFFFF  }
0x98: {  	s18 =	sld [smem:$0x3FDB];
	_ =	sdelay $0x1  }
0x99: {  	s19 =	simm.s32 $_scs_section_size  }
0x9a: {  	s4 =	simm.s32 $_size__tile_overlayer_lowered;
	s5 =	simm.s32 $_tile_overlayer_lowered  }
0x9b: {  	s22 =	simm.s32 $0x1BFF;
	s21 =	sshll.u32 s5, $0x1;
	s2 =	sadd.s32 s19, s18  }
0x9c: {  	s6 =	simm.s32 $0x0;
	s20 =	sshll.u32 s4, $0x1;
	s4 =	sadd.s32 s21, s2  }
0x9d: {  	[timem:s6], [sflag:s22] =	dma.local [hbm:s4], s20  }
0x9e: {  	_ =	swait.ge [sflag:s22], s20  }
0x9f: {  	s3 =	ssub.s32 $0x0, s20;
	[sflag:s22] =	ssyncset.done $0x0  }
0xa0: {  	[sflag:s22] =	ssyncadd.s32 s3;
	_ =	sdelay $0x1  }
0xa1: {  	s23 =	simm.s32 $0x1B8B  }
0xa2: {  	_ =	swait.ge [sflag:s23], $0x1  }
0xa3: {  	[sflag:s23] =	ssyncset.done $0x0  }
0xa4: {  	s25 =	simm.s32 $0x1B8E;
	s24 =	sld [smem:$0x3FFE];
	[sflag:s23] =	ssyncadd.s32 $0xFFFFFFFF  }
0xa5: {  	s26 =	simm.s32 $execute0_lowered;
	[smem:$0x3FD2] =	sst s25  }
0xa6: {  	s4 =	sshll.u32 s26, $0x1;
	_ =	strace $0x8000004C;
	[dreg:$0x1] =	wrdreg $0xFFFFFFFF  }
0xa7: {  	s28 =	simm.s32 $_size_execute0_lowered;
	s2 =	sadd.s32 s2, s4;
	[dreg:$0x0] =	wrdreg $0x0  }
0xa8: {  	s4 =	sshll.u32 s28, $0x1;
	[dreg:$0x2] =	wrdreg s2  }
0xa9: {  	[dreg:$0x3] =	wrdreg s4  }
0xaa: {  	[dreg:$0x4] =	wrdreg $0xC0  }
0xab: {  	_ =	task [dreg:s6], $0x5FFFF  }
0xac: {  	[dreg:$0x1] =	wrdreg $0xFFFFFFFF  }
0xad: {  	[dreg:$0x0] =	wrdreg $0x60  }
0xae: {  	[dreg:$0x2] =	wrdreg s24  }
0xaf: {  	[dreg:$0x3] =	wrdreg $0x150000  }
0xb0: {  	[dreg:$0x4] =	wrdreg $0x9  }
0xb1: {  	_ =	task.clear_ibuf [dreg:s6], $0x5FFFF;
	_ =	strace $0x9000004C  }
0xb2: {  	s29 =	simm.s32 $0x9;
	_ =	strace $0x8000004E  }
0xb3: {  	_ =	swait.ge [sflag:s29], $0x1  }
0xb4: {  	[sflag:s29] =	ssyncadd.s32 $0xFFFFFFFF  }
0xb5: {  	_ =	strace $0x9000004E  }
0xb6: {  	_ =	sfence  }
0xb7: {  	s30 =	sld [smem:$0x0];
	_ =	sdelay $0x2  }
0xb8: {  	s31 =	sshll.u32 s1, $0xD;
	s1 =	sshrl.u32 s1, $0x2  }
0xb9: {  	s3 =	sand.u32 $0x4000, s31;
	s1 =	sadd.s32 s1, s30  }
0xba: {  	s0 =	sor.u32 s3, s0;
	s1 =	sshll.u32 s1, $0x11  }
0xbb: {  	s0 =	sor.u32 s1, s0  }
0xbc: {  	s0 =	sadd.s32 $0x8F2B, s0  }
0xbd: {  	[sflag:s0] =	ssyncadd.remote.s32 $0x1  }
0xbe: {  	_ =	sfence.sel $0xFFFF  }
0xbf: {  	[dreg:$0x0] =	wrdreg $0xFFFFFFFF;
	(pc) =	sbr.abs _section_cstart, $3  }
0xc0: {  	[dreg:$0x1] =	wrdreg $0xFFFFFFFF  }
0xc1: {  	_ =	task.clear_ibuf [dreg:s6], $0x2FFFF;
	_ =	strace $0x9FFFFFFF  }
0xc2: {  	(tm) =	ssettm $0x7FFFFFFF  }
0xc3: {  	_ =	shalt  }
tec
execute0_lowered:
.L_overlay_start_1:
0x0: {  	(tag) =	ssettag $0x1  }
0x1: {  	s0 =	rddreg [dreg:$0x0]  }
0x2: {  	s1 =	rddreg [dreg:$0x1];
	s3 =	simm.s32 $0x0;
	s2 =	srdreg.scid  }
0x3: {  	s22 =	stileid.u32;
	s16 =	simm.s32 $0x5000;
	s17 =	simm.s32 $0x9  }
0x4: {  	s19 =	simm.s32 $0x80;
	s31 =	simm.s32 $0x11000;
	s18 =	simm.s32 $0x13000  }
0x5: {  	s20 =	simm.s32 $0x5;
	s21 =	simm.s32 $0x8;
	s6 =	smul.u32 $0x1400, s22  }
0x6: {  	[smem:$0x7FF] =	sst s3;
	s2 =	sand.u32 $0x1, s2;
	s9 =	smul.u32 $0x28000, s22  }
0x7: {  	s4 =	sadd.s32 $0x47200, s0;
	s7 =	sadd.s32 $0x16000, s0;
	s10 =	smul.u32 $0x2800, s22  }
0x8: {  	s11 =	sadd.s32 $0x2000, s0;
	s25 =	smul.u32 $0x500, s22;
	s22 =	simm.s32 $0x9000  }
0x9: {  	s5 =	smul.u32 $0x14000, s2;
	_ =	strace $0x8000004D;
	s8 =	ssub.s32 $0x2, s2  }
0xa: {  	p0 =	seq.s32 s2, $0x1;
	s23 =	sshrl.u32 s8, $0x1;
	s24 =	sshrl.u32 s9, $0x2  }
0xb: {  	s26 =	sshrl.u32 s10, $0x3;
	s3 =	sadd.s32 s7, s25;
	s29 =	sadd.s32 s11, s25  }
0xc: {  	s9 =	simm.s32 $0x0;
	s5 =	sadd.s32 s6, s5;
	[dreg:$0x3] =	wrdreg s3  }
0xd: {  	s6 =	ssub.s32 s8, s23;
	s28 =	sadd.s32 $0x5000, s26;
	[dreg:$0x4] =	wrdreg s29  }
0xe: {  	s26 =	simm.s32 $0xD000;
	s8 =	simm.s32 $0x7;
	s0 =	sadd.s32 s5, s0  }
.Ltmp0:
0xf: {  	s5 =	sadd.s32 s24, s1;
	s30 =	sadd.s32 s7, s28;
	(pc) =	sbr.rel .LBB2_1-.Ltmp0, $4  }
0x10: {  	s2 =	sadd.s32 s11, s28;
	s11 =	smax.u32 s6, $0x1;
	[dreg:$0x5] =	wrdreg s30  }
0x11: {  	s6 =	simm.s32 $0x1;
	s7 =	simm.s32 $0x3;
	[dreg:$0x6] =	wrdreg s2  }
0x12: {  	s0 =	sadd.s32 $0x5AC00, s0;
	s12 =	sadd.s32 $0x2000, s5;
	s13 =	sadd.s32 $0x4000, s5  }
0x13: {  	v0 =	vimm.f32 $0.0e+00;
	s14 =	sadd.s32 $0x6000, s5;
	s15 =	sadd.s32 $0x8000, s5;
	[dreg:$0x7] =	wrdreg s0  }
.LBB2_10:
0x14: {  	_ =	swait.ge [sflag:s21], $0x2000  }
0x15: {  	s0 =	sshra.s32 s23, $0x2;
	[sflag:s21] =	ssyncset.done $0x0  }
0x16: {  	s0 =	sadd.s32 $0x2B80, s0;
	[sflag:s21] =	ssyncadd.s32 $0xFFFFE000  }
0x17: {  	[spmem:s1] =	stream.indirect.scatter.add.f32 [tilespmem:s18], [sflag:$0x9], $0x40, s0, s19, $0xb8;
	[tilespmem:$0x1F000] =	vst v63  }
0x18: {  	_ =	swait.ge [sflag:s17], $0x2000  }
0x19: {  	s30 =	stileid.u32;
	[sflag:s17] =	ssyncset.done $0x0  }
0x1a: {  	s2 =	sshrl.u32 s5, $0x3;
	s9 =	sadd.s32 $0x1, s9;
	[sflag:s17] =	ssyncadd.s32 $0xFFFFE000  }
0x1b: {  	p1 =	sne.s32 s9, s11;
	s0 =	sshll.u32 s30, $0x6;
	[bflag:$0x0] =	sbarrier.arrive $0xFFFF  }
.Ltmp1:
0x1c: {  	s0 =	sor.u32 $0x1C09, s0;
	s3 =	rddreg [dreg:$0x7];
	(pc) =	sbr.rel @!p1 .LBB2_11-.Ltmp1, $4  }
0x1d: {  	[hbm:s3], [sflag:s0] =	dma.local [spmem:s2], $0x1400  }
0x1e: {  	_ =	swait.ge [sflag:s17], $0x1400  }
0x1f: {  	[sflag:s17] =	ssyncset.done $0x0  }
0x20: {  	[sflag:s17] =	ssyncadd.s32 $0xFFFFEC00  }
.LBB2_1:
0x21: {  	s2 =	simm.s32 $0x0  }
0x22: {  	s0 =	sand.u32 $0x7F00, s2  }
0x23: {  	s2 =	sand.u32 $0x30, s2;
	s23 =	sshrl.u32 s0, $0x2  }
0x24: {  	s0 =	simm.s32 $0x40;
	s23 =	sor.u32 s2, s23;
	s2 =	simm.s32 $0x0  }
.LBB2_2:
0x25: {  	p1 =	sne.s32 s0, $0x7FC0  }
0x26: {  	[tilespmem:s23+$0x5000] =	vst v0;
	s2 =	sadd.s32 $0x10, s2;
	s23 =	smov.u32 s0;
	s0 =	sadd.s32 $0x40, s0  }
.Ltmp2:
0x27: {  	(pc) =	sbr.rel @p1 .LBB2_2-.Ltmp2, $4  }
0x28: {  	_ = 	snop  }
0x29: {  	s23 =	sand.u32 $0x7F00, s23  }
0x2a: {  	s24 =	sand.u32 $0x30, s2;
	s23 =	sshrl.u32 s23, $0x2  }
0x2b: {  	s23 =	sor.u32 s24, s23  }
0x2c: {  	[tilespmem:s23+$0x5000] =	vst v0  }
0x2d: {  	[spmem:s5] =	stream.linear.scatter [tilespmem:s16], [sflag:$0x9], $0x2000, $0x38;
	[tilespmem:$0x1F000] =	vst v63  }
0x2e: {  	_ =	swait.ge [sflag:s17], $0x2000  }
0x2f: {  	[sflag:s17] =	ssyncset.done $0x0  }
0x30: {  	[sflag:s17] =	ssyncadd.s32 $0xFFFFE000  }
0x31: {  	[spmem:s12] =	stream.linear.scatter [tilespmem:s16], [sflag:$0x9], $0x2000, $0x38;
	[tilespmem:$0x1F000] =	vst v63  }
0x32: {  	_ =	swait.ge [sflag:s17], $0x2000  }
0x33: {  	[sflag:s17] =	ssyncset.done $0x0  }
0x34: {  	[sflag:s17] =	ssyncadd.s32 $0xFFFFE000  }
0x35: {  	[spmem:s13] =	stream.linear.scatter [tilespmem:s16], [sflag:$0x9], $0x2000, $0x38;
	[tilespmem:$0x1F000] =	vst v63  }
0x36: {  	_ =	swait.ge [sflag:s17], $0x2000  }
0x37: {  	[sflag:s17] =	ssyncset.done $0x0  }
0x38: {  	[sflag:s17] =	ssyncadd.s32 $0xFFFFE000  }
0x39: {  	[spmem:s14] =	stream.linear.scatter [tilespmem:s16], [sflag:$0x9], $0x2000, $0x38;
	[tilespmem:$0x1F000] =	vst v63  }
0x3a: {  	_ =	swait.ge [sflag:s17], $0x2000  }
0x3b: {  	[sflag:s17] =	ssyncset.done $0x0  }
0x3c: {  	[sflag:s17] =	ssyncadd.s32 $0xFFFFE000  }
0x3d: {  	[spmem:s15] =	stream.linear.scatter [tilespmem:s16], [sflag:$0x9], $0x2000, $0x38;
	[tilespmem:$0x1F000] =	vst v63  }
.Ltmp3:
0x3e: {  	_ =	swait.ge [sflag:s17], $0x2000;
	(pc) =	sbr.rel @!p0 .LBB2_4-.Ltmp3, $4  }
0x3f: {  	[sflag:s17] =	ssyncset.done $0x0  }
0x40: {  	[sflag:s17] =	ssyncadd.s32 $0xFFFFE000  }
0x41: {  	[bflag:$0x0] =	sbarrier.arrive $0xFFFF  }
0x42: {  	s23 =	simm.s32 $0x0  }
0x43: {  	s0 =	rddreg [dreg:$0x5]  }
0x44: {  	[tilespmem:s23], [sflag:$0x9] =	stream.linear.gather [hbm4b:s0+s23], $0x2800, $0x38;
	[tilespmem:$0x1F000] =	vst v63  }
0x45: {  	_ =	swait.ge [sflag:s17], $0x2800  }
0x46: {  	[sflag:s17] =	ssyncset.done $0x0  }
0x47: {  	s2 =	simm.s32 $0x2800;
	s29 =	rddreg [dreg:$0x6];
	[sflag:s17] =	ssyncadd.s32 $0xFFFFD800  }
0x48: {  	[tilespmem:s2], [sflag:$0x9] =	stream.linear.gather [hbm4b:s29+s23], $0x2800, $0x38;
	[tilespmem:$0x1F000] =	vst v63  }
0x49: {  	_ =	swait.ge [sflag:s17], $0x2800  }
0x4a: {  	[sflag:s17] =	ssyncset.done $0x0  }
0x4b: {  	[sflag:s17] =	ssyncadd.s32 $0xFFFFD800  }
0x4c: {  	[tilespmem:s16], [sflag:$0x1] =	stream.indirect.gather [hbm4b:s4+s19], $0x40, s23, s19, $0xb8;
	[tilespmem:$0x1F000] =	vst v63  }
0x4d: {  	s30 =	simm.s32 $0x7000  }
0x4e: {  	[tilespmem:s30], [sflag:$0x2] =	stream.indirect.gather [hbm4b:s4+s19], $0x40, s19, s19, $0xb8;
	[tilespmem:$0x1F000] =	vst v63  }
0x4f: {  	s2 =	simm.s32 $0x100  }
0x50: {  	[tilespmem:s22], [sflag:$0x3] =	stream.indirect.gather [hbm4b:s4+s19], $0x40, s2, s19, $0xb8;
	[tilespmem:$0x1F000] =	vst v63  }
0x51: {  	s3 =	simm.s32 $0x180;
	s10 =	simm.s32 $0xB000  }
0x52: {  	[tilespmem:s10], [sflag:$0x4] =	stream.indirect.gather [hbm4b:s4+s19], $0x40, s3, s19, $0xb8;
	[tilespmem:$0x1F000] =	vst v63  }
0x53: {  	s24 =	simm.s32 $0x200  }
0x54: {  	[tilespmem:s26], [sflag:$0x5] =	stream.indirect.gather [hbm4b:s4+s19], $0x40, s24, s19, $0xb8;
	[tilespmem:$0x1F000] =	vst v63  }
0x55: {  	s25 =	simm.s32 $0x280;
	s28 =	simm.s32 $0xF000  }
0x56: {  	[tilespmem:s28], [sflag:$0x6] =	stream.indirect.gather [hbm4b:s4+s19], $0x40, s25, s19, $0xb8;
	[tilespmem:$0x1F000] =	vst v63  }
0x57: {  	s29 =	simm.s32 $0x300  }
0x58: {  	[tilespmem:s31], [sflag:$0x7] =	stream.indirect.gather [hbm4b:s4+s19], $0x40, s29, s19, $0xb8;
	[tilespmem:$0x1F000] =	vst v63  }
0x59: {  	s30 =	simm.s32 $0x380  }
0x5a: {  	[tilespmem:s18], [sflag:$0x8] =	stream.indirect.gather [hbm4b:s4+s19], $0x40, s30, s19, $0xb8;
	[tilespmem:$0x1F000] =	vst v63  }
.LBB2_8:
0x5b: {  	_ =	swait.ge [sflag:s6], $0x2000  }
0x5c: {  	s24 =	sshra.s32 s23, $0x2;
	[sflag:s6] =	ssyncset.done $0x0  }
0x5d: {  	s0 =	sadd.s32 $0x2800, s24;
	[sflag:s6] =	ssyncadd.s32 $0xFFFFE000  }
0x5e: {  	[spmem:s1] =	stream.indirect.scatter.add.f32 [tilespmem:s16], [sflag:$0x9], $0x40, s0, s19, $0xb8;
	[tilespmem:$0x1F000] =	vst v63  }
0x5f: {  	_ =	swait.ge [sflag:s17], $0x2000  }
0x60: {  	p1 =	seq.s32 s23, $0x9000;
	[sflag:s17] =	ssyncset.done $0x0  }
0x61: {  	s0 =	simm.s32 @p1 $0x2;
	[sflag:s17] =	ssyncadd.s32 $0xFFFFE000  }
0x62: {  	_ =	swait.ge @p1 [sflag:s0], $0x2000  }
0x63: {  	[sflag:s0] =	ssyncset.done @p1 $0x0  }
0x64: {  	s29 =	simm.s32 @p1 $0x80;
	[sflag:s0] =	ssyncadd.s32 @p1 $0xFFFFE000;
	s0 =	sshra.s32 @p1 s23, $0x2  }
0x65: {  	s3 =	simm.s32 @p1 $0x7000;
	s30 =	simm.s32 @p1 $0x9;
	s2 =	sadd.s32 @p1 $0x2880, s0  }
0x66: {  	[spmem:s1] =	stream.indirect.scatter.add.f32 @p1 [tilespmem:s3], [sflag:$0x9], $0x40, s2, s29, $0xb8;
	[tilespmem:$0x1F000] =	vst v63  }
0x67: {  	_ =	swait.ge @p1 [sflag:s30], $0x2000  }
0x68: {  	s25 =	sshra.s32 @!p1 s23, $0x2;
	s28 =	simm.s32 @!p1 $0x80;
	[sflag:s30] =	ssyncset.done @p1 $0x0  }
0x69: {  	s2 =	sadd.s32 @!p1 $0x400, s25;
	s3 =	simm.s32 @!p1 $0x5000;
	[sflag:s30] =	ssyncadd.s32 @p1 $0xFFFFE000  }
0x6a: {  	[tilespmem:s3], [sflag:$0x1] =	stream.indirect.gather @!p1 [hbm4b:s4+s28], $0x40, s2, s28, $0xb8;
	[tilespmem:$0x1F000] =	vst v63  }
0x6b: {  	s2 =	simm.s32 @!p1 $0x2  }
0x6c: {  	_ =	swait.ge @!p1 [sflag:s2], $0x2000  }
0x6d: {  	[sflag:s2] =	ssyncset.done @!p1 $0x0  }
0x6e: {  	s3 =	simm.s32 @!p1 $0x7000;
	[sflag:s2] =	ssyncadd.s32 @!p1 $0xFFFFE000;
	s2 =	sadd.s32 @!p1 $0x2880, s25  }
0x6f: {  	[spmem:s1] =	stream.indirect.scatter.add.f32 @!p1 [tilespmem:s3], [sflag:$0x9], $0x40, s2, s28, $0xb8;
	[tilespmem:$0x1F000] =	vst v63  }
0x70: {  	s2 =	simm.s32 @!p1 $0x9  }
0x71: {  	_ =	swait.ge @!p1 [sflag:s2], $0x2000  }
0x72: {  	[sflag:s2] =	ssyncset.done @!p1 $0x0  }
0x73: {  	s10 =	sadd.s32 @!p1 $0x480, s25;
	[sflag:s2] =	ssyncadd.s32 @!p1 $0xFFFFE000  }
0x74: {  	[tilespmem:s3], [sflag:$0x2] =	stream.indirect.gather @!p1 [hbm4b:s4+s28], $0x40, s10, s28, $0xb8;
	[tilespmem:$0x1F000] =	vst v63  }
0x75: {  	_ =	swait.ge [sflag:s7], $0x2000  }
0x76: {  	[sflag:s7] =	ssyncset.done $0x0  }
0x77: {  	s10 =	sadd.s32 $0x2900, s24;
	[sflag:s7] =	ssyncadd.s32 $0xFFFFE000  }
0x78: {  	[spmem:s1] =	stream.indirect.scatter.add.f32 [tilespmem:s22], [sflag:$0x9], $0x40, s10, s19, $0xb8;
	[tilespmem:$0x1F000] =	vst v63  }
0x79: {  	_ =	swait.ge [sflag:s17], $0x2000  }
0x7a: {  	[sflag:s17] =	ssyncset.done $0x0  }
0x7b: {  	s3 =	simm.s32 @p1 $0x4;
	[sflag:s17] =	ssyncadd.s32 $0xFFFFE000  }
0x7c: {  	_ =	swait.ge @p1 [sflag:s3], $0x2000  }
0x7d: {  	[sflag:s3] =	ssyncset.done @p1 $0x0  }
0x7e: {  	s10 =	simm.s32 @p1 $0xB000;
	[sflag:s3] =	ssyncadd.s32 @p1 $0xFFFFE000;
	s3 =	sadd.s32 @p1 $0x2980, s0  }
0x7f: {  	[spmem:s1] =	stream.indirect.scatter.add.f32 @p1 [tilespmem:s10], [sflag:$0x9], $0x40, s3, s29, $0xb8;
	[tilespmem:$0x1F000] =	vst v63  }
0x80: {  	_ =	swait.ge @p1 [sflag:s30], $0x2000  }
0x81: {  	[sflag:s30] =	ssyncset.done @p1 $0x0  }
0x82: {  	s3 =	sadd.s32 @!p1 $0x500, s25;
	s10 =	simm.s32 @!p1 $0x9000;
	[sflag:s30] =	ssyncadd.s32 @p1 $0xFFFFE000  }
0x83: {  	[tilespmem:s10], [sflag:$0x3] =	stream.indirect.gather @!p1 [hbm4b:s4+s28], $0x40, s3, s28, $0xb8;
	[tilespmem:$0x1F000] =	vst v63  }
0x84: {  	s3 =	simm.s32 @!p1 $0x4  }
0x85: {  	_ =	swait.ge @!p1 [sflag:s3], $0x2000  }
0x86: {  	[sflag:s3] =	ssyncset.done @!p1 $0x0  }
0x87: {  	s10 =	simm.s32 @!p1 $0xB000;
	[sflag:s3] =	ssyncadd.s32 @!p1 $0xFFFFE000;
	s3 =	sadd.s32 @!p1 $0x2980, s25  }
0x88: {  	[spmem:s1] =	stream.indirect.scatter.add.f32 @!p1 [tilespmem:s10], [sflag:$0x9], $0x40, s3, s28, $0xb8;
	[tilespmem:$0x1F000] =	vst v63  }
0x89: {  	_ =	swait.ge @!p1 [sflag:s2], $0x2000  }
0x8a: {  	[sflag:s2] =	ssyncset.done @!p1 $0x0  }
0x8b: {  	s3 =	sadd.s32 @!p1 $0x580, s25;
	[sflag:s2] =	ssyncadd.s32 @!p1 $0xFFFFE000  }
0x8c: {  	[tilespmem:s10], [sflag:$0x4] =	stream.indirect.gather @!p1 [hbm4b:s4+s28], $0x40, s3, s28, $0xb8;
	[tilespmem:$0x1F000] =	vst v63  }
0x8d: {  	_ =	swait.ge [sflag:s20], $0x2000  }
0x8e: {  	[sflag:s20] =	ssyncset.done $0x0  }
0x8f: {  	s10 =	sadd.s32 $0x2A00, s24;
	[sflag:s20] =	ssyncadd.s32 $0xFFFFE000  }
0x90: {  	[spmem:s1] =	stream.indirect.scatter.add.f32 [tilespmem:s26], [sflag:$0x9], $0x40, s10, s19, $0xb8;
	[tilespmem:$0x1F000] =	vst v63  }
0x91: {  	_ =	swait.ge [sflag:s17], $0x2000  }
0x92: {  	[sflag:s17] =	ssyncset.done $0x0  }
0x93: {  	s3 =	simm.s32 @p1 $0x6;
	[sflag:s17] =	ssyncadd.s32 $0xFFFFE000  }
0x94: {  	_ =	swait.ge @p1 [sflag:s3], $0x2000  }
0x95: {  	[sflag:s3] =	ssyncset.done @p1 $0x0  }
0x96: {  	s0 =	sadd.s32 @p1 $0x2A80, s0;
	[sflag:s3] =	ssyncadd.s32 @p1 $0xFFFFE000;
	s3 =	simm.s32 @p1 $0xF000  }
0x97: {  	[spmem:s1] =	stream.indirect.scatter.add.f32 @p1 [tilespmem:s3], [sflag:$0x9], $0x40, s0, s29, $0xb8;
	[tilespmem:$0x1F000] =	vst v63  }
0x98: {  	_ =	swait.ge @p1 [sflag:s30], $0x2000  }
0x99: {  	[sflag:s30] =	ssyncset.done @p1 $0x0  }
0x9a: {  	s0 =	sadd.s32 @!p1 $0x600, s25;
	s3 =	simm.s32 @!p1 $0xD000;
	[sflag:s30] =	ssyncadd.s32 @p1 $0xFFFFE000  }
0x9b: {  	[tilespmem:s3], [sflag:$0x5] =	stream.indirect.gather @!p1 [hbm4b:s4+s28], $0x40, s0, s28, $0xb8;
	[tilespmem:$0x1F000] =	vst v63  }
0x9c: {  	s0 =	simm.s32 @!p1 $0x6  }
0x9d: {  	_ =	swait.ge @!p1 [sflag:s0], $0x2000  }
0x9e: {  	[sflag:s0] =	ssyncset.done @!p1 $0x0  }
0x9f: {  	s3 =	simm.s32 @!p1 $0xF000;
	[sflag:s0] =	ssyncadd.s32 @!p1 $0xFFFFE000;
	s0 =	sadd.s32 @!p1 $0x2A80, s25  }
0xa0: {  	[spmem:s1] =	stream.indirect.scatter.add.f32 @!p1 [tilespmem:s3], [sflag:$0x9], $0x40, s0, s28, $0xb8;
	[tilespmem:$0x1F000] =	vst v63  }
0xa1: {  	_ =	swait.ge @!p1 [sflag:s2], $0x2000  }
0xa2: {  	[sflag:s2] =	ssyncset.done @!p1 $0x0  }
0xa3: {  	s0 =	sadd.s32 @!p1 $0x680, s25;
	[sflag:s2] =	ssyncadd.s32 @!p1 $0xFFFFE000  }
0xa4: {  	[tilespmem:s3], [sflag:$0x6] =	stream.indirect.gather @!p1 [hbm4b:s4+s28], $0x40, s0, s28, $0xb8;
	[tilespmem:$0x1F000] =	vst v63  }
0xa5: {  	_ =	swait.ge [sflag:s8], $0x2000  }
0xa6: {  	[sflag:s8] =	ssyncset.done $0x0  }
.Ltmp4:
0xa7: {  	s30 =	sadd.s32 $0x2B00, s24;
	[sflag:s8] =	ssyncadd.s32 $0xFFFFE000;
	(pc) =	sbr.rel @p1 .LBB2_10-.Ltmp4, $4  }
0xa8: {  	[spmem:s1] =	stream.indirect.scatter.add.f32 [tilespmem:s31], [sflag:$0x9], $0x40, s30, s19, $0xb8;
	[tilespmem:$0x1F000] =	vst v63  }
0xa9: {  	_ =	swait.ge [sflag:s17], $0x2000  }
0xaa: {  	[sflag:s17] =	ssyncset.done $0x0  }
0xab: {  	[sflag:s17] =	ssyncadd.s32 $0xFFFFE000  }
0xac: {  	s0 =	sadd.s32 $0x700, s24  }
0xad: {  	[tilespmem:s31], [sflag:$0x7] =	stream.indirect.gather [hbm4b:s4+s19], $0x40, s0, s19, $0xb8;
	[tilespmem:$0x1F000] =	vst v63  }
0xae: {  	_ =	swait.ge [sflag:s21], $0x2000  }
0xaf: {  	[sflag:s21] =	ssyncset.done $0x0  }
0xb0: {  	s29 =	sadd.s32 $0x2B80, s24;
	[sflag:s21] =	ssyncadd.s32 $0xFFFFE000  }
0xb1: {  	[spmem:s1] =	stream.indirect.scatter.add.f32 [tilespmem:s18], [sflag:$0x9], $0x40, s29, s19, $0xb8;
	[tilespmem:$0x1F000] =	vst v63  }
.Ltmp5:
0xb2: {  	_ = 	snop;
	(pc) =	sbr.rel .LBB2_8-.Ltmp5, $4  }
0xb3: {  	_ =	swait.ge [sflag:s17], $0x2000  }
0xb4: {  	[sflag:s17] =	ssyncset.done $0x0  }
0xb5: {  	s30 =	sadd.s32 $0x780, s24;
	s23 =	sadd.s32 $0x1000, s23;
	[sflag:s17] =	ssyncadd.s32 $0xFFFFE000  }
0xb6: {  	[tilespmem:s18], [sflag:$0x8] =	stream.indirect.gather [hbm4b:s4+s19], $0x40, s30, s19, $0xb8;
	[tilespmem:$0x1F000] =	vst v63  }
.LBB2_4:
0xb7: {  	s0 =	rddreg [dreg:$0x3]  }
0xb8: {  	[tilespmem:s23], [sflag:$0x9] =	stream.linear.gather [hbm4b:s0+s23], $0x2800, $0x38;
	[tilespmem:$0x1F000] =	vst v63  }
0xb9: {  	_ =	swait.ge [sflag:s17], $0x2800  }
0xba: {  	[sflag:s17] =	ssyncset.done $0x0  }
0xbb: {  	s2 =	simm.s32 $0x2800;
	s29 =	rddreg [dreg:$0x4];
	[sflag:s17] =	ssyncadd.s32 $0xFFFFD800  }
0xbc: {  	[tilespmem:s2], [sflag:$0x9] =	stream.linear.gather [hbm4b:s29+s23], $0x2800, $0x38;
	[tilespmem:$0x1F000] =	vst v63  }
0xbd: {  	_ =	swait.ge [sflag:s17], $0x2800  }
0xbe: {  	[sflag:s17] =	ssyncset.done $0x0  }
0xbf: {  	[sflag:s17] =	ssyncadd.s32 $0xFFFFD800  }
0xc0: {  	[tilespmem:s16], [sflag:$0x1] =	stream.indirect.gather [hbm4b:s4+s19], $0x40, s23, s19, $0xb8;
	[tilespmem:$0x1F000] =	vst v63  }
0xc1: {  	s30 =	simm.s32 $0x7000  }
0xc2: {  	[tilespmem:s30], [sflag:$0x2] =	stream.indirect.gather [hbm4b:s4+s19], $0x40, s19, s19, $0xb8;
	[tilespmem:$0x1F000] =	vst v63  }
0xc3: {  	s2 =	simm.s32 $0x100  }
0xc4: {  	[tilespmem:s22], [sflag:$0x3] =	stream.indirect.gather [hbm4b:s4+s19], $0x40, s2, s19, $0xb8;
	[tilespmem:$0x1F000] =	vst v63  }
0xc5: {  	s3 =	simm.s32 $0x180;
	s10 =	simm.s32 $0xB000  }
0xc6: {  	[tilespmem:s10], [sflag:$0x4] =	stream.indirect.gather [hbm4b:s4+s19], $0x40, s3, s19, $0xb8;
	[tilespmem:$0x1F000] =	vst v63  }
0xc7: {  	s24 =	simm.s32 $0x200  }
0xc8: {  	[tilespmem:s26], [sflag:$0x5] =	stream.indirect.gather [hbm4b:s4+s19], $0x40, s24, s19, $0xb8;
	[tilespmem:$0x1F000] =	vst v63  }
0xc9: {  	s25 =	simm.s32 $0x280;
	s28 =	simm.s32 $0xF000  }
0xca: {  	[tilespmem:s28], [sflag:$0x6] =	stream.indirect.gather [hbm4b:s4+s19], $0x40, s25, s19, $0xb8;
	[tilespmem:$0x1F000] =	vst v63  }
0xcb: {  	s29 =	simm.s32 $0x300  }
0xcc: {  	[tilespmem:s31], [sflag:$0x7] =	stream.indirect.gather [hbm4b:s4+s19], $0x40, s29, s19, $0xb8;
	[tilespmem:$0x1F000] =	vst v63  }
0xcd: {  	s30 =	simm.s32 $0x380  }
0xce: {  	[tilespmem:s18], [sflag:$0x8] =	stream.indirect.gather [hbm4b:s4+s19], $0x40, s30, s19, $0xb8;
	[tilespmem:$0x1F000] =	vst v63  }
.LBB2_5:
0xcf: {  	_ =	swait.ge [sflag:s6], $0x2000  }
0xd0: {  	s24 =	sshra.s32 s23, $0x2;
	[sflag:s6] =	ssyncset.done $0x0  }
0xd1: {  	s0 =	sadd.s32 $0x2800, s24;
	[sflag:s6] =	ssyncadd.s32 $0xFFFFE000  }
0xd2: {  	[spmem:s1] =	stream.indirect.scatter.add.f32 [tilespmem:s16], [sflag:$0x9], $0x40, s0, s19, $0xb8;
	[tilespmem:$0x1F000] =	vst v63  }
0xd3: {  	_ =	swait.ge [sflag:s17], $0x2000  }
0xd4: {  	p1 =	seq.s32 s23, $0x9000;
	[sflag:s17] =	ssyncset.done $0x0  }
0xd5: {  	s0 =	simm.s32 @p1 $0x2;
	[sflag:s17] =	ssyncadd.s32 $0xFFFFE000  }
0xd6: {  	_ =	swait.ge @p1 [sflag:s0], $0x2000  }
0xd7: {  	s29 =	sshra.s32 @p1 s23, $0x2;
	s30 =	simm.s32 @p1 $0x80;
	[sflag:s0] =	ssyncset.done @p1 $0x0  }
0xd8: {  	s2 =	simm.s32 @p1 $0x7000;
	[sflag:s0] =	ssyncadd.s32 @p1 $0xFFFFE000;
	s0 =	sadd.s32 @p1 $0x2880, s29  }
0xd9: {  	[spmem:s1] =	stream.indirect.scatter.add.f32 @p1 [tilespmem:s2], [sflag:$0x9], $0x40, s0, s30, $0xb8;
	[tilespmem:$0x1F000] =	vst v63  }
0xda: {  	s0 =	simm.s32 @p1 $0x9  }
0xdb: {  	_ =	swait.ge @p1 [sflag:s0], $0x2000  }
0xdc: {  	s25 =	sshra.s32 @!p1 s23, $0x2;
	s28 =	simm.s32 @!p1 $0x80;
	[sflag:s0] =	ssyncset.done @p1 $0x0  }
0xdd: {  	s3 =	simm.s32 @!p1 $0x5000;
	s2 =	sadd.s32 @!p1 $0x400, s25;
	[sflag:s0] =	ssyncadd.s32 @p1 $0xFFFFE000  }
0xde: {  	[tilespmem:s3], [sflag:$0x1] =	stream.indirect.gather @!p1 [hbm4b:s4+s28], $0x40, s2, s28, $0xb8;
	[tilespmem:$0x1F000] =	vst v63  }
0xdf: {  	s2 =	simm.s32 @!p1 $0x2  }
0xe0: {  	_ =	swait.ge @!p1 [sflag:s2], $0x2000  }
0xe1: {  	[sflag:s2] =	ssyncset.done @!p1 $0x0  }
0xe2: {  	s3 =	simm.s32 @!p1 $0x7000;
	[sflag:s2] =	ssyncadd.s32 @!p1 $0xFFFFE000;
	s2 =	sadd.s32 @!p1 $0x2880, s25  }
0xe3: {  	[spmem:s1] =	stream.indirect.scatter.add.f32 @!p1 [tilespmem:s3], [sflag:$0x9], $0x40, s2, s28, $0xb8;
	[tilespmem:$0x1F000] =	vst v63  }
0xe4: {  	s2 =	simm.s32 @!p1 $0x9  }
0xe5: {  	_ =	swait.ge @!p1 [sflag:s2], $0x2000  }
0xe6: {  	[sflag:s2] =	ssyncset.done @!p1 $0x0  }
0xe7: {  	s10 =	sadd.s32 @!p1 $0x480, s25;
	[sflag:s2] =	ssyncadd.s32 @!p1 $0xFFFFE000  }
0xe8: {  	[tilespmem:s3], [sflag:$0x2] =	stream.indirect.gather @!p1 [hbm4b:s4+s28], $0x40, s10, s28, $0xb8;
	[tilespmem:$0x1F000] =	vst v63  }
0xe9: {  	_ =	swait.ge [sflag:s7], $0x2000  }
0xea: {  	[sflag:s7] =	ssyncset.done $0x0  }
0xeb: {  	s10 =	sadd.s32 $0x2900, s24;
	[sflag:s7] =	ssyncadd.s32 $0xFFFFE000  }
0xec: {  	[spmem:s1] =	stream.indirect.scatter.add.f32 [tilespmem:s22], [sflag:$0x9], $0x40, s10, s19, $0xb8;
	[tilespmem:$0x1F000] =	vst v63  }
0xed: {  	_ =	swait.ge [sflag:s17], $0x2000  }
0xee: {  	[sflag:s17] =	ssyncset.done $0x0  }
0xef: {  	s3 =	simm.s32 @p1 $0x4;
	[sflag:s17] =	ssyncadd.s32 $0xFFFFE000  }
0xf0: {  	_ =	swait.ge @p1 [sflag:s3], $0x2000  }
0xf1: {  	[sflag:s3] =	ssyncset.done @p1 $0x0  }
0xf2: {  	s10 =	simm.s32 @p1 $0xB000;
	[sflag:s3] =	ssyncadd.s32 @p1 $0xFFFFE000;
	s3 =	sadd.s32 @p1 $0x2980, s29  }
0xf3: {  	[spmem:s1] =	stream.indirect.scatter.add.f32 @p1 [tilespmem:s10], [sflag:$0x9], $0x40, s3, s30, $0xb8;
	[tilespmem:$0x1F000] =	vst v63  }
0xf4: {  	_ =	swait.ge @p1 [sflag:s0], $0x2000  }
0xf5: {  	[sflag:s0] =	ssyncset.done @p1 $0x0  }
0xf6: {  	s3 =	sadd.s32 @!p1 $0x500, s25;
	s10 =	simm.s32 @!p1 $0x9000;
	[sflag:s0] =	ssyncadd.s32 @p1 $0xFFFFE000  }
0xf7: {  	[tilespmem:s10], [sflag:$0x3] =	stream.indirect.gather @!p1 [hbm4b:s4+s28], $0x40, s3, s28, $0xb8;
	[tilespmem:$0x1F000] =	vst v63  }
0xf8: {  	s3 =	simm.s32 @!p1 $0x4  }
0xf9: {  	_ =	swait.ge @!p1 [sflag:s3], $0x2000  }
0xfa: {  	[sflag:s3] =	ssyncset.done @!p1 $0x0  }
0xfb: {  	s10 =	simm.s32 @!p1 $0xB000;
	[sflag:s3] =	ssyncadd.s32 @!p1 $0xFFFFE000;
	s3 =	sadd.s32 @!p1 $0x2980, s25  }
0xfc: {  	[spmem:s1] =	stream.indirect.scatter.add.f32 @!p1 [tilespmem:s10], [sflag:$0x9], $0x40, s3, s28, $0xb8;
	[tilespmem:$0x1F000] =	vst v63  }
0xfd: {  	_ =	swait.ge @!p1 [sflag:s2], $0x2000  }
0xfe: {  	[sflag:s2] =	ssyncset.done @!p1 $0x0  }
0xff: {  	s3 =	sadd.s32 @!p1 $0x580, s25;
	[sflag:s2] =	ssyncadd.s32 @!p1 $0xFFFFE000  }
0x100: {  	[tilespmem:s10], [sflag:$0x4] =	stream.indirect.gather @!p1 [hbm4b:s4+s28], $0x40, s3, s28, $0xb8;
	[tilespmem:$0x1F000] =	vst v63  }
0x101: {  	_ =	swait.ge [sflag:s20], $0x2000  }
0x102: {  	[sflag:s20] =	ssyncset.done $0x0  }
0x103: {  	s10 =	sadd.s32 $0x2A00, s24;
	[sflag:s20] =	ssyncadd.s32 $0xFFFFE000  }
0x104: {  	[spmem:s1] =	stream.indirect.scatter.add.f32 [tilespmem:s26], [sflag:$0x9], $0x40, s10, s19, $0xb8;
	[tilespmem:$0x1F000] =	vst v63  }
0x105: {  	_ =	swait.ge [sflag:s17], $0x2000  }
0x106: {  	[sflag:s17] =	ssyncset.done $0x0  }
0x107: {  	s3 =	simm.s32 @p1 $0x6;
	[sflag:s17] =	ssyncadd.s32 $0xFFFFE000  }
0x108: {  	_ =	swait.ge @p1 [sflag:s3], $0x2000  }
0x109: {  	[sflag:s3] =	ssyncset.done @p1 $0x0  }
0x10a: {  	s10 =	simm.s32 @p1 $0xF000;
	[sflag:s3] =	ssyncadd.s32 @p1 $0xFFFFE000;
	s3 =	sadd.s32 @p1 $0x2A80, s29  }
0x10b: {  	[spmem:s1] =	stream.indirect.scatter.add.f32 @p1 [tilespmem:s10], [sflag:$0x9], $0x40, s3, s30, $0xb8;
	[tilespmem:$0x1F000] =	vst v63  }
0x10c: {  	_ =	swait.ge @p1 [sflag:s0], $0x2000  }
0x10d: {  	[sflag:s0] =	ssyncset.done @p1 $0x0  }
0x10e: {  	s3 =	simm.s32 @!p1 $0xD000;
	[sflag:s0] =	ssyncadd.s32 @p1 $0xFFFFE000;
	s0 =	sadd.s32 @!p1 $0x600, s25  }
0x10f: {  	[tilespmem:s3], [sflag:$0x5] =	stream.indirect.gather @!p1 [hbm4b:s4+s28], $0x40, s0, s28, $0xb8;
	[tilespmem:$0x1F000] =	vst v63  }
0x110: {  	s0 =	simm.s32 @!p1 $0x6  }
0x111: {  	_ =	swait.ge @!p1 [sflag:s0], $0x2000  }
0x112: {  	[sflag:s0] =	ssyncset.done @!p1 $0x0  }
0x113: {  	s3 =	simm.s32 @!p1 $0xF000;
	[sflag:s0] =	ssyncadd.s32 @!p1 $0xFFFFE000;
	s0 =	sadd.s32 @!p1 $0x2A80, s25  }
0x114: {  	[spmem:s1] =	stream.indirect.scatter.add.f32 @!p1 [tilespmem:s3], [sflag:$0x9], $0x40, s0, s28, $0xb8;
	[tilespmem:$0x1F000] =	vst v63  }
0x115: {  	_ =	swait.ge @!p1 [sflag:s2], $0x2000  }
0x116: {  	[sflag:s2] =	ssyncset.done @!p1 $0x0  }
0x117: {  	s0 =	sadd.s32 @!p1 $0x680, s25;
	[sflag:s2] =	ssyncadd.s32 @!p1 $0xFFFFE000  }
0x118: {  	[tilespmem:s3], [sflag:$0x6] =	stream.indirect.gather @!p1 [hbm4b:s4+s28], $0x40, s0, s28, $0xb8;
	[tilespmem:$0x1F000] =	vst v63  }
0x119: {  	_ =	swait.ge [sflag:s8], $0x2000  }
0x11a: {  	[sflag:s8] =	ssyncset.done $0x0  }
.Ltmp6:
0x11b: {  	s30 =	sadd.s32 $0x2B00, s24;
	[sflag:s8] =	ssyncadd.s32 $0xFFFFE000;
	(pc) =	sbr.rel @p1 .LBB2_10-.Ltmp6, $4  }
0x11c: {  	[spmem:s1] =	stream.indirect.scatter.add.f32 [tilespmem:s31], [sflag:$0x9], $0x40, s30, s19, $0xb8;
	[tilespmem:$0x1F000] =	vst v63  }
0x11d: {  	_ =	swait.ge [sflag:s17], $0x2000  }
0x11e: {  	[sflag:s17] =	ssyncset.done $0x0  }
0x11f: {  	[sflag:s17] =	ssyncadd.s32 $0xFFFFE000  }
0x120: {  	s0 =	sadd.s32 $0x700, s24  }
0x121: {  	[tilespmem:s31], [sflag:$0x7] =	stream.indirect.gather [hbm4b:s4+s19], $0x40, s0, s19, $0xb8;
	[tilespmem:$0x1F000] =	vst v63  }
0x122: {  	_ =	swait.ge [sflag:s21], $0x2000  }
0x123: {  	[sflag:s21] =	ssyncset.done $0x0  }
0x124: {  	s29 =	sadd.s32 $0x2B80, s24;
	[sflag:s21] =	ssyncadd.s32 $0xFFFFE000  }
0x125: {  	[spmem:s1] =	stream.indirect.scatter.add.f32 [tilespmem:s18], [sflag:$0x9], $0x40, s29, s19, $0xb8;
	[tilespmem:$0x1F000] =	vst v63  }
.Ltmp7:
0x126: {  	_ = 	snop;
	(pc) =	sbr.rel .LBB2_5-.Ltmp7, $4  }
0x127: {  	_ =	swait.ge [sflag:s17], $0x2000  }
0x128: {  	[sflag:s17] =	ssyncset.done $0x0  }
0x129: {  	s30 =	sadd.s32 $0x780, s24;
	s23 =	sadd.s32 $0x1000, s23;
	[sflag:s17] =	ssyncadd.s32 $0xFFFFE000  }
0x12a: {  	[tilespmem:s18], [sflag:$0x8] =	stream.indirect.gather [hbm4b:s4+s19], $0x40, s30, s19, $0xb8;
	[tilespmem:$0x1F000] =	vst v63  }
.LBB2_11:
0x12b: {  	_ =	sfence.sel $0x180000  }
0x12c: {  	[bflag:$0x0] =	sbarrier.arrive $0xFFFF  }
0x12d: {  	_ =	strace $0x9000004D  }
0x12e: {  	s0 =	stileid.u32;
	[bflag:$0x2] =	sbarrier.arrive $0xFFFF  }
0x12f: {  	p0 =	sne.s32 s0, $0x0;
	s0 =	rddreg [dreg:$0x2]  }
0x130: {  	s0 =	sadd.s32 @!p0 $0x100000, s0  }
0x131: {  	[sflag:s0] =	ssyncadd.tile.s32 @!p0 $0x1;
	_ =	shalt  }
.Lfunc_end2:
_tile_overlayer_lowered:
.L_overlay_start_2:
0x132: {  	(tag) =	ssettag $0x2  }
0x133: {  	s0 =	rddreg [dreg:$0x0];
	s2 =	stileid.u32  }
0x134: {  	s1 =	rddreg [dreg:$0x1];
	p0 =	sne.s32 s2, $0x0  }
0x135: {  	s3 =	rddreg [dreg:$0x2];
	[bflag:$0x3] =	sbarrier.arrive $0xFFFF;
	s2 =	simm.s32 @!p0 $0x1C09  }
0x136: {  	[timem:s3], [sflag:s2] =	dma.local @!p0 [hbm:s0], s1  }
0x137: {  	s0 =	simm.s32 @!p0 $0x9  }
0x138: {  	_ =	swait.ge @!p0 [sflag:s0], s1  }
0x139: {  	s1 =	ssub.s32 @!p0 $0x0, s1;
	[sflag:s0] =	ssyncset.done @!p0 $0x0  }
0x13a: {  	[sflag:s0] =	ssyncadd.s32 @!p0 s1  }
0x13b: {  	[bflag:$0x3] =	sbarrier.arrive $0xFFFF  }
0x13c: {  	_ =	shalt  }

// kernel: kernel.8.cloned.1.call-start
scs
__scs_entry_jumppad:
0x0: {  	(pc) =	sbr.rel $0x88, $3  }
0x1: {  	(tag) =	ssettag $0x0;
	lr =	simm.s32 $0x1  }
0x2: {  	[smem:$0x3F9A] =	sst lr;
	_ =	strace $0xD0000000  }
0x3: {  	_ = 	snop  }
0x4: {  	_ = 	snop  }
0x5: {  	_ = 	snop  }
0x6: {  	_ = 	snop  }
0x7: {  	_ = 	snop  }
__scs_overlays_trampoline_lowered:
0x8: {  	[smem:$0x3FA9] =	sst s0  }
0x9: {  	[smem:$0x3FAA] =	sst s1  }
0xa: {  	[smem:$0x3FAB] =	sst s2  }
0xb: {  	[smem:$0x3FAC] =	sst s3  }
0xc: {  	[smem:$0x3FAD] =	sst s4  }
0xd: {  	[smem:$0x3FAE] =	sst s5  }
0xe: {  	[smem:$0x3FAF] =	sst s6  }
0xf: {  	[smem:$0x3FB0] =	sst s7  }
0x10: {  	[smem:$0x3FB1] =	sst s8  }
0x11: {  	[smem:$0x3FB2] =	sst s9;
	s0 =	simm.s32 @!p0 $0x0  }
0x12: {  	s1 =	sld [smem:$0x3F98];
	s0 =	simm.s32 @p0 $0x1  }
0x13: {  	[smem:$0x3FB3] =	sst s0;
	s0 =	simm.s32 @!p1 $0x0  }
0x14: {  	s2 =	sld [smem:$0x3F97];
	s0 =	simm.s32 @p1 $0x1  }
0x15: {  	[smem:$0x3FB4] =	sst s0;
	s0 =	simm.s32 @!p2 $0x0  }
0x16: {  	s3 =	sld [smem:$0x3FDB];
	s0 =	simm.s32 @p2 $0x1  }
0x17: {  	s4 =	simm.s32 $0x1BF5;
	[smem:$0x3FB6] =	sst s0  }
0x18: {  	s0 =	sld [smem:$0x3F99];
	_ =	swait.ge [sflag:s4], $0x0  }
0x19: {  	s7 =	sld [smem:$0x3F9A]  }
0x1a: {  	s8 =	sadd.s32 $0xFFFFE003, lr  }
0x1b: {  	s9 =	sadd.s32 $0xFFFFFEF7, lr;
	s5 =	simm.s32 $0xFFFFFFFF;
	p2 =	slt.u32 s8, $0xFFFFF086  }
0x1c: {  	p1 =	slt.u32 s9, $0xF7A;
	s5 =	simm.s32 @!p2 $0x0  }
0x1d: {  	s5 =	simm.s32 @p1 $0x1;
	p0 =	seq.s32 s7, s2  }
0x1e: {  	s7 =	smul.u32 @!p0 $0xF7A, s2;
	p2 =	seq.s32 @!p0 s5, $0x0  }
0x1f: {  	s9 =	smul.u32 $0xF7A, s1;
	s8 =	simm.s32 @!p0 $0x1BF5;
	p2 =	por !p2, p0  }
0x20: {  	[sflag:s8] =	ssyncset.s32 @!p0 $0xFFFFF086;
	s6 =	sadd.s32 @!p0 s3, s7;
	s7 =	simm.s32 @!p0 $0x108  }
0x21: {  	s3 =	sadd.s32 s3, s9;
	s6 =	sadd.s32 @!p0 $0x88, s6;
	s7 =	simm.s32 @p2 $0x1082  }
0x22: {  	[simem:s7], [sflag:s8] =	dma.local @!p0 [hbm:s6], $0xF7A  }
0x23: {  	s9 =	sor.u32 $0xD0000000, s2;
	s6 =	simm.s32 $0x108;
	_ =	swait.ge @!p0 [sflag:s8], $0x0  }
0x24: {  	s3 =	sadd.s32 $0x88, s3;
	s6 =	simm.s32 @!p1 $0x1082;
	[sflag:s4] =	ssyncset.s32 $0xFFFFF086  }
0x25: {  	[simem:s6], [sflag:s4] =	dma.local [hbm:s3], $0xF7A  }
0x26: {  	[smem:$0x3F9A] =	sst s1;
	(tag) =	ssettag s2;
	_ =	strace s9  }
0x27: {  	s1 =	sld [smem:$0x3FAA]  }
0x28: {  	s2 =	sld [smem:$0x3FAB]  }
0x29: {  	s4 =	sld [smem:$0x3FAD]  }
0x2a: {  	p0 =	seq.s32 s5, $0x0;
	s5 =	sld [smem:$0x3FAE]  }
0x2b: {  	s6 =	sld [smem:$0x3FAF]  }
0x2c: {  	s7 =	sld [smem:$0x3FB0]  }
0x2d: {  	s3 =	simm.s32 $0x108;
	s8 =	sld [smem:$0x3FB1]  }
0x2e: {  	s3 =	simm.s32 @!p0 $0x1082;
	s9 =	sld [smem:$0x3FB2]  }
0x2f: {  	lr =	sadd.s32 s0, s3;
	s0 =	sld [smem:$0x3FA9]  }
0x30: {  	s3 =	sld [smem:$0x3FAC]  }
0x31: {  	[smem:$0x3FB5] =	sst s10  }
0x32: {  	s10 =	sld [smem:$0x3FB3];
	_ =	sdelay $0x3  }
0x33: {  	p0 =	seq.s32 s10, $0x1;
	s10 =	sld [smem:$0x3FB5];
	_ =	sdelay $0x3  }
0x34: {  	[smem:$0x3FB5] =	sst s10  }
0x35: {  	s10 =	sld [smem:$0x3FB4];
	_ =	sdelay $0x3  }
0x36: {  	p1 =	seq.s32 s10, $0x1;
	s10 =	sld [smem:$0x3FB5];
	_ =	sdelay $0x3  }
0x37: {  	[smem:$0x3FB5] =	sst s10  }
0x38: {  	s10 =	sld [smem:$0x3FB6]  }
0x39: {  	_ = 	snop;
	(pc) =	sbr.ind lr, $3  }
0x3a: {  	_ = 	snop  }
0x3b: {  	_ = 	snop  }
0x3c: {  	p2 =	seq.s32 s10, $0x1;
	s10 =	sld [smem:$0x3FB5]  }
0x3d: {  	_ =	shalt  }
0x3e: {  	_ =	shalt  }
0x3f: {  	_ =	shalt  }
0x40: {  	_ =	shalt  }
0x41: {  	_ =	shalt  }
0x42: {  	_ =	shalt  }
0x43: {  	_ =	shalt  }
0x44: {  	_ =	shalt  }
0x45: {  	_ =	shalt  }
0x46: {  	_ =	shalt  }
0x47: {  	_ =	shalt  }
0x48: {  	_ =	shalt  }
0x49: {  	_ =	shalt  }
0x4a: {  	_ =	shalt  }
0x4b: {  	_ =	shalt  }
0x4c: {  	_ =	shalt  }
0x4d: {  	_ =	shalt  }
0x4e: {  	_ =	shalt  }
0x4f: {  	_ =	shalt  }
0x50: {  	_ =	shalt  }
0x51: {  	_ =	shalt  }
0x52: {  	_ =	shalt  }
0x53: {  	_ =	shalt  }
0x54: {  	_ =	shalt  }
0x55: {  	_ =	shalt  }
0x56: {  	_ =	shalt  }
0x57: {  	_ =	shalt  }
0x58: {  	_ =	shalt  }
0x59: {  	_ =	shalt  }
0x5a: {  	_ =	shalt  }
0x5b: {  	_ =	shalt  }
0x5c: {  	_ =	shalt  }
0x5d: {  	_ =	shalt  }
0x5e: {  	_ =	shalt  }
0x5f: {  	_ =	shalt  }
0x60: {  	_ =	shalt  }
0x61: {  	_ =	shalt  }
0x62: {  	_ =	shalt  }
0x63: {  	_ =	shalt  }
0x64: {  	_ =	shalt  }
0x65: {  	_ =	shalt  }
0x66: {  	_ =	shalt  }
0x67: {  	_ =	shalt  }
0x68: {  	_ =	shalt  }
0x69: {  	_ =	shalt  }
0x6a: {  	_ =	shalt  }
0x6b: {  	_ =	shalt  }
0x6c: {  	_ =	shalt  }
0x6d: {  	_ =	shalt  }
0x6e: {  	_ =	shalt  }
0x6f: {  	_ =	shalt  }
0x70: {  	_ =	shalt  }
0x71: {  	_ =	shalt  }
0x72: {  	_ =	shalt  }
0x73: {  	_ =	shalt  }
0x74: {  	_ =	shalt  }
0x75: {  	_ =	shalt  }
0x76: {  	_ =	shalt  }
0x77: {  	_ =	shalt  }
0x78: {  	_ =	shalt  }
0x79: {  	_ =	shalt  }
0x7a: {  	_ =	shalt  }
0x7b: {  	_ =	shalt  }
0x7c: {  	_ =	shalt  }
0x7d: {  	_ =	shalt  }
0x7e: {  	_ =	shalt  }
0x7f: {  	_ =	shalt  }
0x80: {  	_ =	shalt  }
0x81: {  	_ =	shalt  }
0x82: {  	_ =	shalt  }
0x83: {  	_ =	shalt  }
0x84: {  	_ =	shalt  }
0x85: {  	_ =	shalt  }
0x86: {  	_ =	shalt  }
0x87: {  	_ =	shalt  }
.Lfunc_end0:
.L_simem_size_0:
called_computation_lowered:
.L_overlay_start_0:
0x88: {  	s2 =	sld [smem:$0x3FD9]  }
0x89: {  	s3 =	sld [smem:$0x3FFE];
	_ =	sdelay $0x1  }
0x8a: {  	s1 =	srdreg.scid  }
0x8b: {  	s0 =	sand.u32 $0x1, s1  }
0x8c: {  	s16 =	sshll.u32 s0, $0xA;
	s2 =	sadd.s32 s3, s2  }
0x8d: {  	s2 =	sadd.s32 s2, s16  }
0x8e: {  	[smem:$0x3FC1] =	sst s2  }
0x8f: {  	_ = 	snop  }
0x90: {  	(tm) =	ssettm $0x1  }
0x91: {  	s17 =	sld [smem:$0x3FFB];
	_ =	sdelay $0x3  }
0x92: {  	_ =	strace s17  }
0x93: {  	s2 =	sld [smem:$0x3FFC];
	_ =	sdelay $0x3  }
0x94: {  	_ =	strace s2  }
0x95: {  	s2 =	sld [smem:$0x3FFD];
	_ =	sdelay $0x3  }
0x96: {  	_ =	strace s2  }
0x97: {  	_ =	strace $0x8FFFFFFF  }
0x98: {  	s18 =	sld [smem:$0x3FDB];
	_ =	sdelay $0x1  }
0x99: {  	s19 =	simm.s32 $_scs_section_size  }
0x9a: {  	s4 =	simm.s32 $_size__tile_overlayer_lowered;
	s5 =	simm.s32 $_tile_overlayer_lowered  }
0x9b: {  	s22 =	simm.s32 $0x1BFF;
	s21 =	sshll.u32 s5, $0x1;
	s2 =	sadd.s32 s19, s18  }
0x9c: {  	s6 =	simm.s32 $0x0;
	s20 =	sshll.u32 s4, $0x1;
	s4 =	sadd.s32 s21, s2  }
0x9d: {  	[timem:s6], [sflag:s22] =	dma.local [hbm:s4], s20  }
0x9e: {  	_ =	swait.ge [sflag:s22], s20  }
0x9f: {  	s3 =	ssub.s32 $0x0, s20;
	[sflag:s22] =	ssyncset.done $0x0  }
0xa0: {  	[sflag:s22] =	ssyncadd.s32 s3;
	_ =	sdelay $0x1  }
0xa1: {  	s23 =	simm.s32 $0x1B8B  }
0xa2: {  	_ =	swait.ge [sflag:s23], $0x1  }
0xa3: {  	[sflag:s23] =	ssyncset.done $0x0  }
0xa4: {  	s25 =	simm.s32 $0x1B8E;
	s24 =	sld [smem:$0x3FFE];
	[sflag:s23] =	ssyncadd.s32 $0xFFFFFFFF  }
0xa5: {  	s26 =	simm.s32 $execute0_lowered;
	[smem:$0x3FD2] =	sst s25  }
0xa6: {  	s4 =	sshll.u32 s26, $0x1;
	_ =	strace $0x80000046;
	[dreg:$0x1] =	wrdreg $0xFFFFFFFF  }
0xa7: {  	s28 =	simm.s32 $_size_execute0_lowered;
	s2 =	sadd.s32 s2, s4;
	[dreg:$0x0] =	wrdreg $0x0  }
0xa8: {  	s4 =	sshll.u32 s28, $0x1;
	[dreg:$0x2] =	wrdreg s2  }
0xa9: {  	[dreg:$0x3] =	wrdreg s4  }
0xaa: {  	[dreg:$0x4] =	wrdreg $0xC0  }
0xab: {  	_ =	task [dreg:s6], $0x5FFFF  }
0xac: {  	[dreg:$0x1] =	wrdreg $0xFFFFFFFF  }
0xad: {  	[dreg:$0x0] =	wrdreg $0x60  }
0xae: {  	[dreg:$0x2] =	wrdreg s24  }
0xaf: {  	[dreg:$0x3] =	wrdreg $0x30000  }
0xb0: {  	[dreg:$0x4] =	wrdreg $0x9  }
0xb1: {  	_ =	task.clear_ibuf [dreg:s6], $0x5FFFF;
	_ =	strace $0x90000046  }
0xb2: {  	s29 =	simm.s32 $0x9;
	_ =	strace $0x80000048  }
0xb3: {  	_ =	swait.ge [sflag:s29], $0x1  }
0xb4: {  	[sflag:s29] =	ssyncadd.s32 $0xFFFFFFFF  }
0xb5: {  	_ =	strace $0x90000048  }
0xb6: {  	_ =	sfence  }
0xb7: {  	s30 =	sld [smem:$0x0];
	_ =	sdelay $0x2  }
0xb8: {  	s31 =	sshll.u32 s1, $0xD;
	s1 =	sshrl.u32 s1, $0x2  }
0xb9: {  	s3 =	sand.u32 $0x4000, s31;
	s1 =	sadd.s32 s1, s30  }
0xba: {  	s0 =	sor.u32 s3, s0;
	s1 =	sshll.u32 s1, $0x11  }
0xbb: {  	s0 =	sor.u32 s1, s0  }
0xbc: {  	s0 =	sadd.s32 $0x8F2B, s0  }
0xbd: {  	[sflag:s0] =	ssyncadd.remote.s32 $0x1  }
0xbe: {  	_ =	sfence.sel $0xFFFF  }
0xbf: {  	[dreg:$0x0] =	wrdreg $0xFFFFFFFF;
	(pc) =	sbr.abs _section_cstart, $3  }
0xc0: {  	[dreg:$0x1] =	wrdreg $0xFFFFFFFF  }
0xc1: {  	_ =	task.clear_ibuf [dreg:s6], $0x2FFFF;
	_ =	strace $0x9FFFFFFF  }
0xc2: {  	(tm) =	ssettm $0x7FFFFFFF  }
0xc3: {  	_ =	shalt  }
tec
execute0_lowered:
.L_overlay_start_1:
0x0: {  	(tag) =	ssettag $0x1  }
0x1: {  	s5 =	rddreg [dreg:$0x0]  }
0x2: {  	s0 =	srdreg.scid;
	s2 =	rddreg [dreg:$0x1];
	s3 =	simm.s32 $0x0  }
0x3: {  	s12 =	simm.s32 $0x1;
	s13 =	simm.s32 $0x2800;
	s4 =	sand.u32 $0x1, s0  }
0x4: {  	s14 =	simm.s32 $0x80;
	s0 =	stileid.u32;
	s7 =	smul.u32 $0x5000, s4  }
0x5: {  	s17 =	simm.s32 $0x0;
	[smem:$0x7FF] =	sst s3;
	s8 =	smul.u32 $0x500, s0  }
0x6: {  	s1 =	sshll.u32 s4, $0x4;
	s4 =	ssub.s32 $0x2, s4;
	s9 =	smul.u32 $0xA000, s0  }
0x7: {  	s15 =	sshll.u32 s0, $0x6;
	s1 =	sor.u32 s0, s1;
	s30 =	sshrl.u32 s4, $0x1  }
0x8: {  	s15 =	sor.u32 $0x1C01, s15;
	s6 =	smul.u32 $0x500, s1;
	s1 =	rddreg [dreg:$0x2]  }
0x9: {  	_ =	strace $0x80000047;
	s7 =	sadd.s32 s8, s7;
	s8 =	ssub.s32 s4, s30  }
0xa: {  	s31 =	sshrl.u32 s9, $0x2;
	s7 =	sadd.s32 s7, s5;
	s6 =	sadd.s32 s6, s5  }
0xb: {  	s5 =	sadd.s32 s31, s2;
	s4 =	sadd.s32 $0x2000, s6;
	s6 =	sadd.s32 $0xC000, s7  }
0xc: {  	s7 =	smax.u32 s8, $0x1;
	s8 =	sadd.s32 $0x800, s5;
	s9 =	sadd.s32 $0x1000, s5  }
0xd: {  	v0 =	vimm.f32 $0.0e+00;
	v1 =	vimm.f32 $1.000000000e+00;
	s10 =	sadd.s32 $0x1800, s5;
	s11 =	sadd.s32 $0x2000, s5;
	s16 =	sshrl.u32 s5, $0x3  }
.LBB2_1:
0xe: {  	[tilespmem:s3], [sflag:$0x1] =	stream.linear.gather [hbm4b:s4+s3], $0x2800, $0x38;
	[tilespmem:$0x5800] =	vst v63  }
0xf: {  	_ =	swait.ge [sflag:s12], $0x2800  }
0x10: {  	[sflag:s12] =	ssyncset.done $0x0  }
0x11: {  	s18 =	simm.s32 $0x40;
	s19 =	simm.s32 $0x0;
	[sflag:s12] =	ssyncadd.s32 $0xFFFFD800  }
.LBB2_2:
0x12: {  	p0 =	sne.s32 s18, $0x1FC0;
	[tilespmem:s19+$0x2800] =	vst v0;
	s19 =	smov.u32 s18;
	s18 =	sadd.s32 $0x40, s18  }
.Ltmp0:
0x13: {  	(pc) =	sbr.rel @p0 .LBB2_2-.Ltmp0, $2  }
0x14: {  	_ =	sdelay $0x2  }
0x15: {  	s19 =	sshra.s32 s19, $0x2  }
0x16: {  	[tilespmem:s19+$0x2800] =	vst v0  }
0x17: {  	[spmem:s5] =	stream.linear.scatter [tilespmem:s13], [sflag:$0x1], $0x800, $0x38;
	[tilespmem:$0x5800] =	vst v63  }
0x18: {  	_ =	swait.ge [sflag:s12], $0x800  }
0x19: {  	[sflag:s12] =	ssyncset.done $0x0  }
0x1a: {  	[sflag:s12] =	ssyncadd.s32 $0xFFFFF800  }
0x1b: {  	[spmem:s8] =	stream.linear.scatter [tilespmem:s13], [sflag:$0x1], $0x800, $0x38;
	[tilespmem:$0x5800] =	vst v63  }
0x1c: {  	_ =	swait.ge [sflag:s12], $0x800  }
0x1d: {  	[sflag:s12] =	ssyncset.done $0x0  }
0x1e: {  	[sflag:s12] =	ssyncadd.s32 $0xFFFFF800  }
0x1f: {  	[spmem:s9] =	stream.linear.scatter [tilespmem:s13], [sflag:$0x1], $0x800, $0x38;
	[tilespmem:$0x5800] =	vst v63  }
0x20: {  	_ =	swait.ge [sflag:s12], $0x800  }
0x21: {  	[sflag:s12] =	ssyncset.done $0x0  }
0x22: {  	[sflag:s12] =	ssyncadd.s32 $0xFFFFF800  }
0x23: {  	[spmem:s10] =	stream.linear.scatter [tilespmem:s13], [sflag:$0x1], $0x800, $0x38;
	[tilespmem:$0x5800] =	vst v63  }
0x24: {  	_ =	swait.ge [sflag:s12], $0x800  }
0x25: {  	[sflag:s12] =	ssyncset.done $0x0  }
0x26: {  	[sflag:s12] =	ssyncadd.s32 $0xFFFFF800  }
0x27: {  	[spmem:s11] =	stream.linear.scatter [tilespmem:s13], [sflag:$0x1], $0x800, $0x38;
	[tilespmem:$0x5800] =	vst v63  }
0x28: {  	_ =	swait.ge [sflag:s12], $0x800  }
0x29: {  	[sflag:s12] =	ssyncset.done $0x0  }
0x2a: {  	s18 =	simm.s32 $0x40;
	s19 =	simm.s32 $0x0;
	[sflag:s12] =	ssyncadd.s32 $0xFFFFF800  }
.LBB2_4:
0x2b: {  	p0 =	sne.s32 s18, $0x1FC0;
	[tilespmem:s19+$0x2800] =	vst v1;
	s19 =	smov.u32 s18;
	s18 =	sadd.s32 $0x40, s18  }
.Ltmp1:
0x2c: {  	(pc) =	sbr.rel @p0 .LBB2_4-.Ltmp1, $2  }
0x2d: {  	_ =	sdelay $0x2  }
0x2e: {  	s19 =	sshra.s32 s19, $0x2  }
0x2f: {  	[tilespmem:s19+$0x2800] =	vst v1  }
0x30: {  	s18 =	simm.s32 $0x0;
	[bflag:$0x0] =	sbarrier.arrive $0xFFFF  }
0x31: {  	[spmem:s2] =	stream.indirect.scatter.add.f32 [tilespmem:s13], [sflag:$0x1], $0x10, s18, s14, $0xb8;
	[tilespmem:$0x5800] =	vst v63  }
0x32: {  	_ =	swait.ge [sflag:s12], $0x800  }
0x33: {  	s18 =	simm.s32 $0x200;
	[sflag:s12] =	ssyncset.done $0x0  }
.LBB2_6:
0x34: {  	s19 =	sshra.s32 s18, $0x2;
	[sflag:s12] =	ssyncadd.s32 $0xFFFFF800;
	p0 =	sne.s32 s18, $0x9E00  }
0x35: {  	[spmem:s2] =	stream.indirect.scatter.add.f32 [tilespmem:s13], [sflag:$0x1], $0x10, s19, s14, $0xb8;
	[tilespmem:$0x5800] =	vst v63  }
.Ltmp2:
0x36: {  	_ = 	snop;
	(pc) =	sbr.rel @p0 .LBB2_6-.Ltmp2, $4  }
0x37: {  	_ = 	snop  }
0x38: {  	s18 =	sadd.s32 $0x200, s18  }
0x39: {  	_ =	swait.ge [sflag:s12], $0x800  }
0x3a: {  	[sflag:s12] =	ssyncset.done $0x0  }
0x3b: {  	s17 =	sadd.s32 $0x1, s17  }
0x3c: {  	[sflag:s12] =	ssyncadd.s32 $0xFFFFF800;
	p0 =	sne.s32 s17, s7  }
.Ltmp3:
0x3d: {  	[bflag:$0x0] =	sbarrier.arrive $0xFFFF;
	(pc) =	sbr.rel @p0 .LBB2_1-.Ltmp3, $4  }
0x3e: {  	[hbm:s6], [sflag:s15] =	dma.local [spmem:s16], $0x500  }
0x3f: {  	_ =	swait.ge [sflag:s12], $0x500  }
0x40: {  	[sflag:s12] =	ssyncset.done $0x0  }
0x41: {  	[sflag:s12] =	ssyncadd.s32 $0xFFFFFB00  }
0x42: {  	_ =	sfence.sel $0x180000  }
0x43: {  	[bflag:$0x0] =	sbarrier.arrive $0xFFFF  }
0x44: {  	p0 =	sne.s32 s0, $0x0;
	_ =	strace $0x90000047  }
0x45: {  	s0 =	sadd.s32 @!p0 $0x100000, s1;
	[bflag:$0x2] =	sbarrier.arrive $0xFFFF  }
0x46: {  	[sflag:s0] =	ssyncadd.tile.s32 @!p0 $0x1;
	_ =	shalt  }
.Lfunc_end2:
_tile_overlayer_lowered:
.L_overlay_start_2:
0x47: {  	(tag) =	ssettag $0x2  }
0x48: {  	s0 =	rddreg [dreg:$0x0];
	s2 =	stileid.u32  }
0x49: {  	s1 =	rddreg [dreg:$0x1];
	p0 =	sne.s32 s2, $0x0  }
0x4a: {  	s3 =	rddreg [dreg:$0x2];
	[bflag:$0x3] =	sbarrier.arrive $0xFFFF;
	s2 =	simm.s32 @!p0 $0x1C01  }
0x4b: {  	[timem:s3], [sflag:s2] =	dma.local @!p0 [hbm:s0], s1  }
0x4c: {  	s0 =	simm.s32 @!p0 $0x1  }
0x4d: {  	_ =	swait.ge @!p0 [sflag:s0], s1  }
0x4e: {  	s1 =	ssub.s32 @!p0 $0x0, s1;
	[sflag:s0] =	ssyncset.done @!p0 $0x0  }
0x4f: {  	[sflag:s0] =	ssyncadd.s32 @!p0 s1  }
0x50: {  	[bflag:$0x3] =	sbarrier.arrive $0xFFFF  }
0x51: {  	_ =	shalt  }

</sc_bundles>
